<compile_context>
chip_gen: v7x
topology: tpu7x:2x2x1
jax: 0.10.2.dev20260603
libtpu: 0.0.44.dev20260713+nightly
codegen_flags: <defaults>
</compile_context>

<pallas_src>
import functools

import jax
import jax.numpy as jnp
from jax import lax
from jax.experimental import pallas as pl
from jax.experimental.pallas import tpu as pltpu
from jax.experimental.pallas import tpu_sc as plsc

_N = 10000
_E = 320000

_NC = 2
_NS = 16
_NW = _NC * _NS
_EPT = _E // _NW
_C = 40
_NCHUNK = _EPT // _C
_NPAD = 10240
_RPW = _NPAD // _NS


def _edge_proj(edge_attr, W, b):
    K, D = W.shape
    BLK = 4000

    def body(ea_ref, w_ref, b_ref, o_ref):
        o_ref[...] = (
            jnp.dot(ea_ref[...], w_ref[...], preferred_element_type=jnp.float32)
            + b_ref[...]
        )

    return pl.pallas_call(
        body,
        grid=(_E // BLK,),
        in_specs=[
            pl.BlockSpec((BLK, K), lambda i: (i, 0)),
            pl.BlockSpec((K, D), lambda i: (0, 0)),
            pl.BlockSpec((1, D), lambda i: (0, 0)),
        ],
        out_specs=pl.BlockSpec((BLK, D), lambda i: (i, 0)),
        out_shape=jax.ShapeDtypeStruct((_E, D), jnp.float32),
    )(edge_attr, W, b.reshape(1, D))


def _make_msg(D):
    DV = D // 16
    mesh = plsc.VectorSubcoreMesh(core_axis_name="c", subcore_axis_name="s")

    @functools.partial(
        pl.kernel,
        out_type=jax.ShapeDtypeStruct((_NC, _NPAD, D), jnp.float32),
        mesh=mesh,
        scratch_types=[
            pltpu.VMEM((_C,), jnp.int32),
            pltpu.VMEM((_C,), jnp.int32),
            pltpu.VMEM((_C,), jnp.int32),
            pltpu.VMEM((_C,), jnp.int32),
            pltpu.VMEM((_C, D), jnp.float32),
            pltpu.VMEM((_C, D), jnp.float32),
            pltpu.VMEM((_C, 128), jnp.float32),
            pltpu.VMEM((_C, 128), jnp.float32),
            pltpu.VMEM((_C, D), jnp.float32),
            pltpu.VMEM((_C, D), jnp.float32),
            pltpu.VMEM_SHARED((_NPAD, D), jnp.float32),
            pltpu.SemaphoreType.DMA,
            pltpu.SemaphoreType.DMA,
            pltpu.SemaphoreType.DMA,
            pltpu.SemaphoreType.DMA,
            pltpu.SemaphoreType.DMA,
            pltpu.SemaphoreType.DMA,
            pltpu.SemaphoreType.DMA,
            pltpu.SemaphoreType.DMA,
            pltpu.SemaphoreType.DMA,
            pltpu.SemaphoreType.DMA,
        ],
    )
    def msg(x_hbm, e_hbm, src_hbm, dst_hbm, out_hbm,
            sib0, sib1, dib0, dib1, eb0, eb1, gb0, gb1, mb0, mb1, acc,
            sis0, sis1, dis0, dis1, es0, es1, gs0, gs1, ss0, ss1):
        cid = lax.axis_index("c")
        sid = lax.axis_index("s")
        wid = cid * _NS + sid
        sib = (sib0, sib1)
        dib = (dib0, dib1)
        eb = (eb0, eb1)
        gb = (gb0, gb1)
        mb = (mb0, mb1)
        sis = (sis0, sis1)
        dis = (dis0, dis1)
        es = (es0, es1)
        gs = (gs0, gs1)
        ss = (ss0, ss1)

        def base(c):
            return pl.multiple_of(wid * _EPT + c * _C, 8)

        def zrow(r, _):
            for d in range(DV):
                mb0[r, pl.ds(d * 16, 16)] = jnp.zeros((16,), jnp.float32)
            return 0
        lax.fori_loop(0, _C, zrow, 0)
        NZ = _RPW // _C
        for k in range(NZ):
            pltpu.async_copy(mb0, acc.at[pl.ds(sid * _RPW + k * _C, _C)], ss0)
        for k in range(NZ):
            pltpu.make_async_copy(mb0, acc.at[pl.ds(0, _C)], ss0).wait()
        plsc.subcore_barrier()

        def issue_src(c, p):
            pltpu.async_copy(src_hbm.at[pl.ds(base(c), _C)], sib[p], sis[p])

        def issue_dst(c, p):
            pltpu.async_copy(dst_hbm.at[pl.ds(base(c), _C)], dib[p], dis[p])

        def issue_e(c, p):
            pltpu.async_copy(e_hbm.at[pl.ds(base(c), _C)], eb[p], es[p])

        def issue_gather(p):
            pltpu.async_copy(x_hbm.at[sib[p]], gb[p], gs[p])

        def wait(buf, sem):
            pltpu.make_async_copy(e_hbm.at[pl.ds(0, _C)], buf, sem).wait()

        def wait_g(buf, sem):
            pltpu.make_async_copy(x_hbm.at[pl.ds(0, _C)], buf, sem).wait()

        def wait_idx(buf, sem):
            pltpu.make_async_copy(src_hbm.at[pl.ds(0, _C)], buf, sem).wait()

        def wait_scatter(p):
            pltpu.make_async_copy(mb[p], acc.at[pl.ds(0, _C)], ss[p]).wait()

        def compute(p):
            def row(r, _):
                for d in range(DV):
                    sl = pl.ds(d * 16, 16)
                    mb[p][r, sl] = jnp.maximum(gb[p][r, sl] + eb[p][r, sl], 0.0)
                return 0
            lax.fori_loop(0, _C, row, 0)

        def body(c, p, first):
            wait(eb[p], es[p])
            wait_g(gb[p], gs[p])

            @pl.when(c + 2 < _NCHUNK)
            def _():
                issue_src(c + 2, p)
            if not first:
                wait_scatter(p)
            issue_dst(c, p)
            compute(p)
            wait_idx(dib[p], dis[p])
            pltpu.async_copy(mb[p], acc.at[dib[p]], ss[p], add=True)

            @pl.when(c + 2 < _NCHUNK)
            def _():
                issue_e(c + 2, p)

            @pl.when(c + 2 < _NCHUNK)
            def _():
                wait_idx(sib[p], sis[p])
                issue_gather(p)

        for p in range(2):
            issue_src(p, p)
            issue_e(p, p)
        for p in range(2):
            wait_idx(sib[p], sis[p])
            issue_gather(p)
        body(0, 0, first=True)
        body(1, 1, first=True)

        def pair(i, _):
            body(2 * i + 2, 0, first=False)
            body(2 * i + 3, 1, first=False)
            return 0
        lax.fori_loop(0, (_NCHUNK - 2) // 2, pair, 0)

        wait_scatter(0)
        wait_scatter(1)
        plsc.subcore_barrier()

        pltpu.sync_copy(
            acc.at[pl.ds(sid * _RPW, _RPW)],
            out_hbm.at[cid, pl.ds(sid * _RPW, _RPW)],
        )

    return msg


_msg128 = _make_msg(128)


def _post(x, parts, Wa, ba, g, t, Wb, bb, final_relu):
    Din = Wa.shape[0]
    Hh = Wa.shape[1]
    Do = Wb.shape[1]
    Dx = x.shape[1]
    Dp = parts.shape[2]

    def body(x_ref, p_ref, wa_ref, ba_ref, g_ref, t_ref, wb_ref, bb_ref, o_ref):
        h = x_ref[...][:, :Din] + p_ref[0][:, :Din] + p_ref[1][:, :Din]
        h1 = jnp.dot(h, wa_ref[...], preferred_element_type=jnp.float32) + ba_ref[...]
        mu = jnp.mean(h1, axis=0, keepdims=True)
        var = jnp.mean((h1 - mu) * (h1 - mu), axis=0, keepdims=True)
        h1 = (h1 - mu) * lax.rsqrt(var + 1e-5) * g_ref[...] + t_ref[...]
        h1 = jnp.maximum(h1, 0.0)
        out = jnp.dot(h1, wb_ref[...], preferred_element_type=jnp.float32) + bb_ref[...]
        if final_relu:
            out = jnp.maximum(out, 0.0)
        o_ref[...] = out

    return pl.pallas_call(
        body,
        grid=(1,),
        in_specs=[
            pl.BlockSpec((_N, Dx), lambda i: (0, 0)),
            pl.BlockSpec((_NC, _N, Dp), lambda i: (0, 0, 0)),
            pl.BlockSpec((Din, Hh), lambda i: (0, 0)),
            pl.BlockSpec((1, Hh), lambda i: (0, 0)),
            pl.BlockSpec((1, Hh), lambda i: (0, 0)),
            pl.BlockSpec((1, Hh), lambda i: (0, 0)),
            pl.BlockSpec((Hh, Do), lambda i: (0, 0)),
            pl.BlockSpec((1, Do), lambda i: (0, 0)),
        ],
        out_specs=pl.BlockSpec((_N, Do), lambda i: (0, 0)),
        out_shape=jax.ShapeDtypeStruct((_N, Do), jnp.float32),
    )(x, parts, Wa, ba.reshape(1, Hh), g.reshape(1, Hh), t.reshape(1, Hh),
      Wb, bb.reshape(1, Do))


def kernel(x, edge_index, edge_attr, We0, be0, W0a, b0a, g0, t0, W0b, b0b,
           We1, be1, W1a, b1a, g1, t1, W1b, b1b):
    src = edge_index[0]
    dst = edge_index[1]

    W0bp = jnp.pad(W0b, ((0, 0), (0, 64)))
    b0bp = jnp.pad(b0b, (0, 64))
    We1p = jnp.pad(We1, ((0, 0), (0, 64)))
    be1p = jnp.pad(be1, (0, 64))

    e0 = _edge_proj(edge_attr, We0, be0)
    e1 = _edge_proj(edge_attr, We1p, be1p)
    parts0 = _msg128(x, e0, src, dst)
    h = _post(x, parts0, W0a, b0a, g0, t0, W0bp, b0bp, final_relu=True)
    parts1 = _msg128(h, e1, src, dst)
    return _post(h, parts1, W1a, b1a, g1, t1, W1b, b1b, final_relu=False)

# --- scband reference (transcript-rebuilt; emitter-appended) ---
"""Pipeline reference for scband-gine-net-13657996001716 (READ-ONLY COPY).

The authoritative reference and input builder live on the scoring server;
editing this copy changes nothing except your own understanding.
"""

import jax, jax.numpy as jnp
import numpy as np

N = 10000
E = 320000
D_IN = 128
H = 64
D_OUT = 128


def _bn_train(h, gamma, beta):
    mu = jnp.mean(h, axis=0, keepdims=True)
    var = jnp.var(h, axis=0, keepdims=True)
    return (h - mu) * jax.lax.rsqrt(var + 1e-5) * gamma + beta


def _gine_layer(x, src, dst, We, be, Wa, ba, g, t, Wb, bb):
    # GINEConv: message = relu(x_j + lin(edge_attr)); aggr = sum; out = MLP((1+eps)*x + aggr), eps=0
    e_proj = x  # placeholder, replaced below by caller passing projected edges
    raise NotImplementedError


def _gine(x, edge_index, edge_attr, We, beb, Wa, ba, g, t, Wb, bb):
    src = edge_index[0]
    dst = edge_index[1]
    e = edge_attr @ We + beb              # Linear(edge_dim -> node_dim)
    m = jax.nn.relu(x[src] + e)           # message
    aggr = jax.ops.segment_sum(m, dst, num_segments=x.shape[0])  # sum aggregation
    h = x + aggr                          # (1 + eps) * x_i + aggr, eps = 0
    # MLP([a, hidden, c], batch_norm=True): lin0 -> BN -> ReLU -> lin1
    h1 = h @ Wa + ba
    h1 = jax.nn.relu(_bn_train(h1, g, t))
    return h1 @ Wb + bb


def setup_inputs(seed: int = 0):
    key = jax.random.key(seed)
    ks = [jax.random.fold_in(key, i) for i in range(20)]
    s = 0.05
    inp = {}
    inp['x'] = jax.random.normal(ks[0], (N, D_IN), dtype=jnp.float32)
    inp['edge_index'] = jax.random.randint(ks[1], (2, E), 0, N, dtype=jnp.int32)
    inp['edge_attr'] = jax.random.normal(ks[2], (E, H), dtype=jnp.float32)
    # conv0: lin_edge: H->D_IN, MLP [D_IN, H, H]
    inp['We0'] = jax.random.normal(ks[3], (H, D_IN), dtype=jnp.float32) * s
    inp['be0'] = jnp.zeros((D_IN,), dtype=jnp.float32)
    inp['W0a'] = jax.random.normal(ks[4], (D_IN, H), dtype=jnp.float32) * s
    inp['b0a'] = jnp.zeros((H,), dtype=jnp.float32)
    inp['g0'] = jnp.ones((H,), dtype=jnp.float32)
    inp['t0'] = jnp.zeros((H,), dtype=jnp.float32)
    inp['W0b'] = jax.random.normal(ks[5], (H, H), dtype=jnp.float32) * s
    inp['b0b'] = jnp.zeros((H,), dtype=jnp.float32)
    # conv1: lin_edge: H->H, MLP [H, H, D_OUT]
    inp['We1'] = jax.random.normal(ks[6], (H, H), dtype=jnp.float32) * s
    inp['be1'] = jnp.zeros((H,), dtype=jnp.float32)
    inp['W1a'] = jax.random.normal(ks[7], (H, H), dtype=jnp.float32) * s
    inp['b1a'] = jnp.zeros((H,), dtype=jnp.float32)
    inp['g1'] = jnp.ones((H,), dtype=jnp.float32)
    inp['t1'] = jnp.zeros((H,), dtype=jnp.float32)
    inp['W1b'] = jax.random.normal(ks[8], (H, D_OUT), dtype=jnp.float32) * s
    inp['b1b'] = jnp.zeros((D_OUT,), dtype=jnp.float32)
    return inp


def reference(x, edge_index, edge_attr, We0, be0, W0a, b0a, g0, t0, W0b, b0b, We1, be1, W1a, b1a, g1, t1, W1b, b1b):
    h = _gine(x, edge_index, edge_attr, We0, be0, W0a, b0a, g0, t0, W0b, b0b)
    h = jax.nn.relu(h)  # dropout p=0.0
    out = _gine(h, edge_index, edge_attr, We1, be1, W1a, b1a, g1, t1, W1b, b1b)
    return out

if __name__ == "__main__":
    import jax
    _d = setup_inputs()
    print(jax.jit(kernel)(*tuple(_d.values())))

</pallas_src>

<mosaic_0001>
#map = affine_map<(d0, d1) -> (0, 0)>
#map1 = affine_map<(d0, d1) -> (0)>
#map2 = affine_map<(d0, d1) -> (0, 0, 0)>
module attributes {stable_mosaic.version = 14 : i64} {
  func.func @msg(%arg0: i32, %arg1: i32, %arg2: memref<10000x128xf32, #tpu.memory_space<hbm>>, %arg3: memref<320000x128xf32, #tpu.memory_space<hbm>>, %arg4: memref<320000xi32, #tpu.memory_space<hbm>>, %arg5: memref<320000xi32, #tpu.memory_space<hbm>>, %arg6: memref<2x10240x128xf32, #tpu.memory_space<hbm>>, %arg7: memref<40xi32, #tpu.memory_space<vmem>>, %arg8: memref<40xi32, #tpu.memory_space<vmem>>, %arg9: memref<40xi32, #tpu.memory_space<vmem>>, %arg10: memref<40xi32, #tpu.memory_space<vmem>>, %arg11: memref<40x128xf32, #tpu.memory_space<vmem>>, %arg12: memref<40x128xf32, #tpu.memory_space<vmem>>, %arg13: memref<40x128xf32, #tpu.memory_space<vmem>>, %arg14: memref<40x128xf32, #tpu.memory_space<vmem>>, %arg15: memref<40x128xf32, #tpu.memory_space<vmem>>, %arg16: memref<40x128xf32, #tpu.memory_space<vmem>>, %arg17: memref<10240x128xf32, #tpu.memory_space<vmem_shared>>, %arg18: memref<!tpu.dma_semaphore, #tpu.memory_space<semaphore_mem>>, %arg19: memref<!tpu.dma_semaphore, #tpu.memory_space<semaphore_mem>>, %arg20: memref<!tpu.dma_semaphore, #tpu.memory_space<semaphore_mem>>, %arg21: memref<!tpu.dma_semaphore, #tpu.memory_space<semaphore_mem>>, %arg22: memref<!tpu.dma_semaphore, #tpu.memory_space<semaphore_mem>>, %arg23: memref<!tpu.dma_semaphore, #tpu.memory_space<semaphore_mem>>, %arg24: memref<!tpu.dma_semaphore, #tpu.memory_space<semaphore_mem>>, %arg25: memref<!tpu.dma_semaphore, #tpu.memory_space<semaphore_mem>>, %arg26: memref<!tpu.dma_semaphore, #tpu.memory_space<semaphore_mem>>, %arg27: memref<!tpu.dma_semaphore, #tpu.memory_space<semaphore_mem>>) attributes {dimension_semantics = [#tpu.dimension_semantics<core_parallel>, #tpu.dimension_semantics<subcore_parallel>], iteration_bounds = array<i64: 2, 16>, scalar_prefetch = 0 : i64, scratch_operands = 21 : i64, tpu.core_type = #tpu.core_type<sc_vector_subcore>, window_params = [{transform_indices = #map}, {transform_indices = #map}, {transform_indices = #map1}, {transform_indices = #map1}, {transform_indices = #map2}]} {
    %mul3A = arith.constant 16 : i32
    %mul3A_0 = arith.muli %arg0, %mul3A : i32
    %add3A = arith.addi %mul3A_0, %arg1 : i32
    %scan3A = arith.constant 0 : i32
    %scan3A_1 = arith.constant 0 : i32
    %scan3A_2 = arith.constant 40 : i32
    %scan3A_3 = arith.addi %scan3A_1, %scan3A_2 : i32
    %scan3A_4 = arith.constant 1 : i32
    %scan3A_5 = scf.for %scan3A_410 = %scan3A_1 to %scan3A_3 step %scan3A_4 iter_args(%scan3A_411 = %scan3A) -> (i32)  : i32 {
      %broadcast_in_dim3A = arith.constant 0.000000e+00 : f32
      %broadcast_in_dim3A_412 = vector.broadcast %broadcast_in_dim3A : f32 to vector<16xf32>
      %swap3A = arith.index_cast %scan3A_410 : i32 to index
      %swap3A_413 = arith.constant 0 : index
      %swap3A_414 = tpu.vector_load %arg15[%swap3A, %swap3A_413] {strides = array<i32>} : memref<40x128xf32, #tpu.memory_space<vmem>>, vector<1x16xf32>,
      %swap3A_415 = vector.shape_cast %swap3A_414 : vector<1x16xf32> to vector<16xf32>
      %swap3A_416 = vector.shape_cast %broadcast_in_dim3A_412 : vector<16xf32> to vector<1x16xf32>
      tpu.vector_store %arg15[%swap3A, %swap3A_413], %swap3A_416 {strides = array<i32>} : memref<40x128xf32, #tpu.memory_space<vmem>>, vector<1x16xf32>,
      %broadcast_in_dim3A_417 = arith.constant 0.000000e+00 : f32
      %broadcast_in_dim3A_418 = vector.broadcast %broadcast_in_dim3A_417 : f32 to vector<16xf32>
      %swap3A_419 = arith.index_cast %scan3A_410 : i32 to index
      %swap3A_420 = arith.constant 16 : index
      %swap3A_421 = tpu.vector_load %arg15[%swap3A_419, %swap3A_420] {strides = array<i32>} : memref<40x128xf32, #tpu.memory_space<vmem>>, vector<1x16xf32>,
      %swap3A_422 = vector.shape_cast %swap3A_421 : vector<1x16xf32> to vector<16xf32>
      %swap3A_423 = vector.shape_cast %broadcast_in_dim3A_418 : vector<16xf32> to vector<1x16xf32>
      tpu.vector_store %arg15[%swap3A_419, %swap3A_420], %swap3A_423 {strides = array<i32>} : memref<40x128xf32, #tpu.memory_space<vmem>>, vector<1x16xf32>,
      %broadcast_in_dim3A_424 = arith.constant 0.000000e+00 : f32
      %broadcast_in_dim3A_425 = vector.broadcast %broadcast_in_dim3A_424 : f32 to vector<16xf32>
      %swap3A_426 = arith.index_cast %scan3A_410 : i32 to index
      %swap3A_427 = arith.constant 32 : index
      %swap3A_428 = tpu.vector_load %arg15[%swap3A_426, %swap3A_427] {strides = array<i32>} : memref<40x128xf32, #tpu.memory_space<vmem>>, vector<1x16xf32>,
      %swap3A_429 = vector.shape_cast %swap3A_428 : vector<1x16xf32> to vector<16xf32>
      %swap3A_430 = vector.shape_cast %broadcast_in_dim3A_425 : vector<16xf32> to vector<1x16xf32>
      tpu.vector_store %arg15[%swap3A_426, %swap3A_427], %swap3A_430 {strides = array<i32>} : memref<40x128xf32, #tpu.memory_space<vmem>>, vector<1x16xf32>,
      %broadcast_in_dim3A_431 = arith.constant 0.000000e+00 : f32
      %broadcast_in_dim3A_432 = vector.broadcast %broadcast_in_dim3A_431 : f32 to vector<16xf32>
      %swap3A_433 = arith.index_cast %scan3A_410 : i32 to index
      %swap3A_434 = arith.constant 48 : index
      %swap3A_435 = tpu.vector_load %arg15[%swap3A_433, %swap3A_434] {strides = array<i32>} : memref<40x128xf32, #tpu.memory_space<vmem>>, vector<1x16xf32>,
      %swap3A_436 = vector.shape_cast %swap3A_435 : vector<1x16xf32> to vector<16xf32>
      %swap3A_437 = vector.shape_cast %broadcast_in_dim3A_432 : vector<16xf32> to vector<1x16xf32>
      tpu.vector_store %arg15[%swap3A_433, %swap3A_434], %swap3A_437 {strides = array<i32>} : memref<40x128xf32, #tpu.memory_space<vmem>>, vector<1x16xf32>,
      %broadcast_in_dim3A_438 = arith.constant 0.000000e+00 : f32
      %broadcast_in_dim3A_439 = vector.broadcast %broadcast_in_dim3A_438 : f32 to vector<16xf32>
      %swap3A_440 = arith.index_cast %scan3A_410 : i32 to index
      %swap3A_441 = arith.constant 64 : index
      %swap3A_442 = tpu.vector_load %arg15[%swap3A_440, %swap3A_441] {strides = array<i32>} : memref<40x128xf32, #tpu.memory_space<vmem>>, vector<1x16xf32>,
      %swap3A_443 = vector.shape_cast %swap3A_442 : vector<1x16xf32> to vector<16xf32>
      %swap3A_444 = vector.shape_cast %broadcast_in_dim3A_439 : vector<16xf32> to vector<1x16xf32>
      tpu.vector_store %arg15[%swap3A_440, %swap3A_441], %swap3A_444 {strides = array<i32>} : memref<40x128xf32, #tpu.memory_space<vmem>>, vector<1x16xf32>,
      %broadcast_in_dim3A_445 = arith.constant 0.000000e+00 : f32
      %broadcast_in_dim3A_446 = vector.broadcast %broadcast_in_dim3A_445 : f32 to vector<16xf32>
      %swap3A_447 = arith.index_cast %scan3A_410 : i32 to index
      %swap3A_448 = arith.constant 80 : index
      %swap3A_449 = tpu.vector_load %arg15[%swap3A_447, %swap3A_448] {strides = array<i32>} : memref<40x128xf32, #tpu.memory_space<vmem>>, vector<1x16xf32>,
      %swap3A_450 = vector.shape_cast %swap3A_449 : vector<1x16xf32> to vector<16xf32>
      %swap3A_451 = vector.shape_cast %broadcast_in_dim3A_446 : vector<16xf32> to vector<1x16xf32>
      tpu.vector_store %arg15[%swap3A_447, %swap3A_448], %swap3A_451 {strides = array<i32>} : memref<40x128xf32, #tpu.memory_space<vmem>>, vector<1x16xf32>,
      %broadcast_in_dim3A_452 = arith.constant 0.000000e+00 : f32
      %broadcast_in_dim3A_453 = vector.broadcast %broadcast_in_dim3A_452 : f32 to vector<16xf32>
      %swap3A_454 = arith.index_cast %scan3A_410 : i32 to index
      %swap3A_455 = arith.constant 96 : index
      %swap3A_456 = tpu.vector_load %arg15[%swap3A_454, %swap3A_455] {strides = array<i32>} : memref<40x128xf32, #tpu.memory_space<vmem>>, vector<1x16xf32>,
      %swap3A_457 = vector.shape_cast %swap3A_456 : vector<1x16xf32> to vector<16xf32>
      %swap3A_458 = vector.shape_cast %broadcast_in_dim3A_453 : vector<16xf32> to vector<1x16xf32>
      tpu.vector_store %arg15[%swap3A_454, %swap3A_455], %swap3A_458 {strides = array<i32>} : memref<40x128xf32, #tpu.memory_space<vmem>>, vector<1x16xf32>,
      %broadcast_in_dim3A_459 = arith.constant 0.000000e+00 : f32
      %broadcast_in_dim3A_460 = vector.broadcast %broadcast_in_dim3A_459 : f32 to vector<16xf32>
      %swap3A_461 = arith.index_cast %scan3A_410 : i32 to index
      %swap3A_462 = arith.constant 112 : index
      %swap3A_463 = tpu.vector_load %arg15[%swap3A_461, %swap3A_462] {strides = array<i32>} : memref<40x128xf32, #tpu.memory_space<vmem>>, vector<1x16xf32>,
      %swap3A_464 = vector.shape_cast %swap3A_463 : vector<1x16xf32> to vector<16xf32>
      %swap3A_465 = vector.shape_cast %broadcast_in_dim3A_460 : vector<16xf32> to vector<1x16xf32>
      tpu.vector_store %arg15[%swap3A_461, %swap3A_462], %swap3A_465 {strides = array<i32>} : memref<40x128xf32, #tpu.memory_space<vmem>>, vector<1x16xf32>,
      %scan3A_466 = arith.constant 0 : i32
      scf.yield %scan3A_466 : i32
    }
    %scan3A_6 = arith.constant 40 : i32
    %mul3A_7 = arith.constant 640 : i32
    %mul3A_8 = arith.muli %arg1, %mul3A_7 : i32
    %add3A_9 = arith.constant 0 : i32
    %add3A_10 = arith.addi %mul3A_8, %add3A_9 : i32
    %dma_start3A = arith.constant 0 : i32
    %dma_start3A_11 = tpu.memref_slice %arg17[%add3A_10, %dma_start3A] : memref<10240x128xf32, #tpu.memory_space<vmem_shared>> -> memref<40x128xf32, #tpu.memory_space<vmem_shared>>
    %dma_start3A_12 = arith.constant 0 : i32
    %dma_start3A_13 = tpu.memref_slice %arg17[%add3A_10, %dma_start3A_12] : memref<10240x128xf32, #tpu.memory_space<vmem_shared>> -> memref<40x128xf32, #tpu.memory_space<vmem_shared>>
    tpu.enqueue_dma source(%arg15 : memref<40x128xf32, #tpu.memory_space<vmem>>) target(%dma_start3A_13 : memref<40x128xf32, #tpu.memory_space<vmem_shared>>) target_semaphore(%arg26 : memref<!tpu.dma_semaphore, #tpu.memory_space<semaphore_mem>>)
    %mul3A_14 = arith.constant 640 : i32
    %mul3A_15 = arith.muli %arg1, %mul3A_14 : i32
    %add3A_16 = arith.constant 40 : i32
    %add3A_17 = arith.addi %mul3A_15, %add3A_16 : i32
    %dma_start3A_18 = arith.constant 0 : i32
    %dma_start3A_19 = tpu.memref_slice %arg17[%add3A_17, %dma_start3A_18] : memref<10240x128xf32, #tpu.memory_space<vmem_shared>> -> memref<40x128xf32, #tpu.memory_space<vmem_shared>>
    %dma_start3A_20 = arith.constant 0 : i32
    %dma_start3A_21 = tpu.memref_slice %arg17[%add3A_17, %dma_start3A_20] : memref<10240x128xf32, #tpu.memory_space<vmem_shared>> -> memref<40x128xf32, #tpu.memory_space<vmem_shared>>
    tpu.enqueue_dma source(%arg15 : memref<40x128xf32, #tpu.memory_space<vmem>>) target(%dma_start3A_21 : memref<40x128xf32, #tpu.memory_space<vmem_shared>>) target_semaphore(%arg26 : memref<!tpu.dma_semaphore, #tpu.memory_space<semaphore_mem>>)
    %mul3A_22 = arith.constant 640 : i32
    %mul3A_23 = arith.muli %arg1, %mul3A_22 : i32
    %add3A_24 = arith.constant 80 : i32
    %add3A_25 = arith.addi %mul3A_23, %add3A_24 : i32
    %dma_start3A_26 = arith.constant 0 : i32
    %dma_start3A_27 = tpu.memref_slice %arg17[%add3A_25, %dma_start3A_26] : memref<10240x128xf32, #tpu.memory_space<vmem_shared>> -> memref<40x128xf32, #tpu.memory_space<vmem_shared>>
    %dma_start3A_28 = arith.constant 0 : i32
    %dma_start3A_29 = tpu.memref_slice %arg17[%add3A_25, %dma_start3A_28] : memref<10240x128xf32, #tpu.memory_space<vmem_shared>> -> memref<40x128xf32, #tpu.memory_space<vmem_shared>>
    tpu.enqueue_dma source(%arg15 : memref<40x128xf32, #tpu.memory_space<vmem>>) target(%dma_start3A_29 : memref<40x128xf32, #tpu.memory_space<vmem_shared>>) target_semaphore(%arg26 : memref<!tpu.dma_semaphore, #tpu.memory_space<semaphore_mem>>)
    %mul3A_30 = arith.constant 640 : i32
    %mul3A_31 = arith.muli %arg1, %mul3A_30 : i32
    %add3A_32 = arith.constant 120 : i32
    %add3A_33 = arith.addi %mul3A_31, %add3A_32 : i32
    %dma_start3A_34 = arith.constant 0 : i32
    %dma_start3A_35 = tpu.memref_slice %arg17[%add3A_33, %dma_start3A_34] : memref<10240x128xf32, #tpu.memory_space<vmem_shared>> -> memref<40x128xf32, #tpu.memory_space<vmem_shared>>
    %dma_start3A_36 = arith.constant 0 : i32
    %dma_start3A_37 = tpu.memref_slice %arg17[%add3A_33, %dma_start3A_36] : memref<10240x128xf32, #tpu.memory_space<vmem_shared>> -> memref<40x128xf32, #tpu.memory_space<vmem_shared>>
    tpu.enqueue_dma source(%arg15 : memref<40x128xf32, #tpu.memory_space<vmem>>) target(%dma_start3A_37 : memref<40x128xf32, #tpu.memory_space<vmem_shared>>) target_semaphore(%arg26 : memref<!tpu.dma_semaphore, #tpu.memory_space<semaphore_mem>>)
    %mul3A_38 = arith.constant 640 : i32
    %mul3A_39 = arith.muli %arg1, %mul3A_38 : i32
    %add3A_40 = arith.constant 160 : i32
    %add3A_41 = arith.addi %mul3A_39, %add3A_40 : i32
    %dma_start3A_42 = arith.constant 0 : i32
    %dma_start3A_43 = tpu.memref_slice %arg17[%add3A_41, %dma_start3A_42] : memref<10240x128xf32, #tpu.memory_space<vmem_shared>> -> memref<40x128xf32, #tpu.memory_space<vmem_shared>>
    %dma_start3A_44 = arith.constant 0 : i32
    %dma_start3A_45 = tpu.memref_slice %arg17[%add3A_41, %dma_start3A_44] : memref<10240x128xf32, #tpu.memory_space<vmem_shared>> -> memref<40x128xf32, #tpu.memory_space<vmem_shared>>
    tpu.enqueue_dma source(%arg15 : memref<40x128xf32, #tpu.memory_space<vmem>>) target(%dma_start3A_45 : memref<40x128xf32, #tpu.memory_space<vmem_shared>>) target_semaphore(%arg26 : memref<!tpu.dma_semaphore, #tpu.memory_space<semaphore_mem>>)
    %mul3A_46 = arith.constant 640 : i32
    %mul3A_47 = arith.muli %arg1, %mul3A_46 : i32
    %add3A_48 = arith.constant 200 : i32
    %add3A_49 = arith.addi %mul3A_47, %add3A_48 : i32
    %dma_start3A_50 = arith.constant 0 : i32
    %dma_start3A_51 = tpu.memref_slice %arg17[%add3A_49, %dma_start3A_50] : memref<10240x128xf32, #tpu.memory_space<vmem_shared>> -> memref<40x128xf32, #tpu.memory_space<vmem_shared>>
    %dma_start3A_52 = arith.constant 0 : i32
    %dma_start3A_53 = tpu.memref_slice %arg17[%add3A_49, %dma_start3A_52] : memref<10240x128xf32, #tpu.memory_space<vmem_shared>> -> memref<40x128xf32, #tpu.memory_space<vmem_shared>>
    tpu.enqueue_dma source(%arg15 : memref<40x128xf32, #tpu.memory_space<vmem>>) target(%dma_start3A_53 : memref<40x128xf32, #tpu.memory_space<vmem_shared>>) target_semaphore(%arg26 : memref<!tpu.dma_semaphore, #tpu.memory_space<semaphore_mem>>)
    %mul3A_54 = arith.constant 640 : i32
    %mul3A_55 = arith.muli %arg1, %mul3A_54 : i32
    %add3A_56 = arith.constant 240 : i32
    %add3A_57 = arith.addi %mul3A_55, %add3A_56 : i32
    %dma_start3A_58 = arith.constant 0 : i32
    %dma_start3A_59 = tpu.memref_slice %arg17[%add3A_57, %dma_start3A_58] : memref<10240x128xf32, #tpu.memory_space<vmem_shared>> -> memref<40x128xf32, #tpu.memory_space<vmem_shared>>
    %dma_start3A_60 = arith.constant 0 : i32
    %dma_start3A_61 = tpu.memref_slice %arg17[%add3A_57, %dma_start3A_60] : memref<10240x128xf32, #tpu.memory_space<vmem_shared>> -> memref<40x128xf32, #tpu.memory_space<vmem_shared>>
    tpu.enqueue_dma source(%arg15 : memref<40x128xf32, #tpu.memory_space<vmem>>) target(%dma_start3A_61 : memref<40x128xf32, #tpu.memory_space<vmem_shared>>) target_semaphore(%arg26 : memref<!tpu.dma_semaphore, #tpu.memory_space<semaphore_mem>>)
    %mul3A_62 = arith.constant 640 : i32
    %mul3A_63 = arith.muli %arg1, %mul3A_62 : i32
    %add3A_64 = arith.constant 280 : i32
    %add3A_65 = arith.addi %mul3A_63, %add3A_64 : i32
    %dma_start3A_66 = arith.constant 0 : i32
    %dma_start3A_67 = tpu.memref_slice %arg17[%add3A_65, %dma_start3A_66] : memref<10240x128xf32, #tpu.memory_space<vmem_shared>> -> memref<40x128xf32, #tpu.memory_space<vmem_shared>>
    %dma_start3A_68 = arith.constant 0 : i32
    %dma_start3A_69 = tpu.memref_slice %arg17[%add3A_65, %dma_start3A_68] : memref<10240x128xf32, #tpu.memory_space<vmem_shared>> -> memref<40x128xf32, #tpu.memory_space<vmem_shared>>
    tpu.enqueue_dma source(%arg15 : memref<40x128xf32, #tpu.memory_space<vmem>>) target(%dma_start3A_69 : memref<40x128xf32, #tpu.memory_space<vmem_shared>>) target_semaphore(%arg26 : memref<!tpu.dma_semaphore, #tpu.memory_space<semaphore_mem>>)
    %mul3A_70 = arith.constant 640 : i32
    %mul3A_71 = arith.muli %arg1, %mul3A_70 : i32
    %add3A_72 = arith.constant 320 : i32
    %add3A_73 = arith.addi %mul3A_71, %add3A_72 : i32
    %dma_start3A_74 = arith.constant 0 : i32
    %dma_start3A_75 = tpu.memref_slice %arg17[%add3A_73, %dma_start3A_74] : memref<10240x128xf32, #tpu.memory_space<vmem_shared>> -> memref<40x128xf32, #tpu.memory_space<vmem_shared>>
    %dma_start3A_76 = arith.constant 0 : i32
    %dma_start3A_77 = tpu.memref_slice %arg17[%add3A_73, %dma_start3A_76] : memref<10240x128xf32, #tpu.memory_space<vmem_shared>> -> memref<40x128xf32, #tpu.memory_space<vmem_shared>>
    tpu.enqueue_dma source(%arg15 : memref<40x128xf32, #tpu.memory_space<vmem>>) target(%dma_start3A_77 : memref<40x128xf32, #tpu.memory_space<vmem_shared>>) target_semaphore(%arg26 : memref<!tpu.dma_semaphore, #tpu.memory_space<semaphore_mem>>)
    %mul3A_78 = arith.constant 640 : i32
    %mul3A_79 = arith.muli %arg1, %mul3A_78 : i32
    %add3A_80 = arith.constant 360 : i32
    %add3A_81 = arith.addi %mul3A_79, %add3A_80 : i32
    %dma_start3A_82 = arith.constant 0 : i32
    %dma_start3A_83 = tpu.memref_slice %arg17[%add3A_81, %dma_start3A_82] : memref<10240x128xf32, #tpu.memory_space<vmem_shared>> -> memref<40x128xf32, #tpu.memory_space<vmem_shared>>
    %dma_start3A_84 = arith.constant 0 : i32
    %dma_start3A_85 = tpu.memref_slice %arg17[%add3A_81, %dma_start3A_84] : memref<10240x128xf32, #tpu.memory_space<vmem_shared>> -> memref<40x128xf32, #tpu.memory_space<vmem_shared>>
    tpu.enqueue_dma source(%arg15 : memref<40x128xf32, #tpu.memory_space<vmem>>) target(%dma_start3A_85 : memref<40x128xf32, #tpu.memory_space<vmem_shared>>) target_semaphore(%arg26 : memref<!tpu.dma_semaphore, #tpu.memory_space<semaphore_mem>>)
    %mul3A_86 = arith.constant 640 : i32
    %mul3A_87 = arith.muli %arg1, %mul3A_86 : i32
    %add3A_88 = arith.constant 400 : i32
    %add3A_89 = arith.addi %mul3A_87, %add3A_88 : i32
    %dma_start3A_90 = arith.constant 0 : i32
    %dma_start3A_91 = tpu.memref_slice %arg17[%add3A_89, %dma_start3A_90] : memref<10240x128xf32, #tpu.memory_space<vmem_shared>> -> memref<40x128xf32, #tpu.memory_space<vmem_shared>>
    %dma_start3A_92 = arith.constant 0 : i32
    %dma_start3A_93 = tpu.memref_slice %arg17[%add3A_89, %dma_start3A_92] : memref<10240x128xf32, #tpu.memory_space<vmem_shared>> -> memref<40x128xf32, #tpu.memory_space<vmem_shared>>
    tpu.enqueue_dma source(%arg15 : memref<40x128xf32, #tpu.memory_space<vmem>>) target(%dma_start3A_93 : memref<40x128xf32, #tpu.memory_space<vmem_shared>>) target_semaphore(%arg26 : memref<!tpu.dma_semaphore, #tpu.memory_space<semaphore_mem>>)
    %mul3A_94 = arith.constant 640 : i32
    %mul3A_95 = arith.muli %arg1, %mul3A_94 : i32
    %add3A_96 = arith.constant 440 : i32
    %add3A_97 = arith.addi %mul3A_95, %add3A_96 : i32
    %dma_start3A_98 = arith.constant 0 : i32
    %dma_start3A_99 = tpu.memref_slice %arg17[%add3A_97, %dma_start3A_98] : memref<10240x128xf32, #tpu.memory_space<vmem_shared>> -> memref<40x128xf32, #tpu.memory_space<vmem_shared>>
    %dma_start3A_100 = arith.constant 0 : i32
    %dma_start3A_101 = tpu.memref_slice %arg17[%add3A_97, %dma_start3A_100] : memref<10240x128xf32, #tpu.memory_space<vmem_shared>> -> memref<40x128xf32, #tpu.memory_space<vmem_shared>>
    tpu.enqueue_dma source(%arg15 : memref<40x128xf32, #tpu.memory_space<vmem>>) target(%dma_start3A_101 : memref<40x128xf32, #tpu.memory_space<vmem_shared>>) target_semaphore(%arg26 : memref<!tpu.dma_semaphore, #tpu.memory_space<semaphore_mem>>)
    %mul3A_102 = arith.constant 640 : i32
    %mul3A_103 = arith.muli %arg1, %mul3A_102 : i32
    %add3A_104 = arith.constant 480 : i32
    %add3A_105 = arith.addi %mul3A_103, %add3A_104 : i32
    %dma_start3A_106 = arith.constant 0 : i32
    %dma_start3A_107 = tpu.memref_slice %arg17[%add3A_105, %dma_start3A_106] : memref<10240x128xf32, #tpu.memory_space<vmem_shared>> -> memref<40x128xf32, #tpu.memory_space<vmem_shared>>
    %dma_start3A_108 = arith.constant 0 : i32
    %dma_start3A_109 = tpu.memref_slice %arg17[%add3A_105, %dma_start3A_108] : memref<10240x128xf32, #tpu.memory_space<vmem_shared>> -> memref<40x128xf32, #tpu.memory_space<vmem_shared>>
    tpu.enqueue_dma source(%arg15 : memref<40x128xf32, #tpu.memory_space<vmem>>) target(%dma_start3A_109 : memref<40x128xf32, #tpu.memory_space<vmem_shared>>) target_semaphore(%arg26 : memref<!tpu.dma_semaphore, #tpu.memory_space<semaphore_mem>>)
    %mul3A_110 = arith.constant 640 : i32
    %mul3A_111 = arith.muli %arg1, %mul3A_110 : i32
    %add3A_112 = arith.constant 520 : i32
    %add3A_113 = arith.addi %mul3A_111, %add3A_112 : i32
    %dma_start3A_114 = arith.constant 0 : i32
    %dma_start3A_115 = tpu.memref_slice %arg17[%add3A_113, %dma_start3A_114] : memref<10240x128xf32, #tpu.memory_space<vmem_shared>> -> memref<40x128xf32, #tpu.memory_space<vmem_shared>>
    %dma_start3A_116 = arith.constant 0 : i32
    %dma_start3A_117 = tpu.memref_slice %arg17[%add3A_113, %dma_start3A_116] : memref<10240x128xf32, #tpu.memory_space<vmem_shared>> -> memref<40x128xf32, #tpu.memory_space<vmem_shared>>
    tpu.enqueue_dma source(%arg15 : memref<40x128xf32, #tpu.memory_space<vmem>>) target(%dma_start3A_117 : memref<40x128xf32, #tpu.memory_space<vmem_shared>>) target_semaphore(%arg26 : memref<!tpu.dma_semaphore, #tpu.memory_space<semaphore_mem>>)
    %mul3A_118 = arith.constant 640 : i32
    %mul3A_119 = arith.muli %arg1, %mul3A_118 : i32
    %add3A_120 = arith.constant 560 : i32
    %add3A_121 = arith.addi %mul3A_119, %add3A_120 : i32
    %dma_start3A_122 = arith.constant 0 : i32
    %dma_start3A_123 = tpu.memref_slice %arg17[%add3A_121, %dma_start3A_122] : memref<10240x128xf32, #tpu.memory_space<vmem_shared>> -> memref<40x128xf32, #tpu.memory_space<vmem_shared>>
    %dma_start3A_124 = arith.constant 0 : i32
    %dma_start3A_125 = tpu.memref_slice %arg17[%add3A_121, %dma_start3A_124] : memref<10240x128xf32, #tpu.memory_space<vmem_shared>> -> memref<40x128xf32, #tpu.memory_space<vmem_shared>>
    tpu.enqueue_dma source(%arg15 : memref<40x128xf32, #tpu.memory_space<vmem>>) target(%dma_start3A_125 : memref<40x128xf32, #tpu.memory_space<vmem_shared>>) target_semaphore(%arg26 : memref<!tpu.dma_semaphore, #tpu.memory_space<semaphore_mem>>)
    %mul3A_126 = arith.constant 640 : i32
    %mul3A_127 = arith.muli %arg1, %mul3A_126 : i32
    %add3A_128 = arith.constant 600 : i32
    %add3A_129 = arith.addi %mul3A_127, %add3A_128 : i32
    %dma_start3A_130 = arith.constant 0 : i32
    %dma_start3A_131 = tpu.memref_slice %arg17[%add3A_129, %dma_start3A_130] : memref<10240x128xf32, #tpu.memory_space<vmem_shared>> -> memref<40x128xf32, #tpu.memory_space<vmem_shared>>
    %dma_start3A_132 = arith.constant 0 : i32
    %dma_start3A_133 = tpu.memref_slice %arg17[%add3A_129, %dma_start3A_132] : memref<10240x128xf32, #tpu.memory_space<vmem_shared>> -> memref<40x128xf32, #tpu.memory_space<vmem_shared>>
    tpu.enqueue_dma source(%arg15 : memref<40x128xf32, #tpu.memory_space<vmem>>) target(%dma_start3A_133 : memref<40x128xf32, #tpu.memory_space<vmem_shared>>) target_semaphore(%arg26 : memref<!tpu.dma_semaphore, #tpu.memory_space<semaphore_mem>>)
    %dma_wait3A = arith.constant 0 : i32
    %dma_wait3A_134 = arith.constant 0 : i32
    %dma_wait3A_135 = tpu.memref_slice %arg17[%dma_wait3A, %dma_wait3A_134] : memref<10240x128xf32, #tpu.memory_space<vmem_shared>> -> memref<40x128xf32, #tpu.memory_space<vmem_shared>>
    %dma_wait3A_136 = arith.constant 0 : i32
    %dma_wait3A_137 = arith.constant 0 : i32
    %dma_wait3A_138 = tpu.memref_slice %arg17[%dma_wait3A_136, %dma_wait3A_137] : memref<10240x128xf32, #tpu.memory_space<vmem_shared>> -> memref<40x128xf32, #tpu.memory_space<vmem_shared>>
    tpu.wait_dma2 semaphore(%arg26 : memref<!tpu.dma_semaphore, #tpu.memory_space<semaphore_mem>>) src(%arg15 : memref<40x128xf32, #tpu.memory_space<vmem>>) dst(%dma_wait3A_138 : memref<40x128xf32, #tpu.memory_space<vmem_shared>>)
    %dma_wait3A_139 = arith.constant 0 : i32
    %dma_wait3A_140 = arith.constant 0 : i32
    %dma_wait3A_141 = tpu.memref_slice %arg17[%dma_wait3A_139, %dma_wait3A_140] : memref<10240x128xf32, #tpu.memory_space<vmem_shared>> -> memref<40x128xf32, #tpu.memory_space<vmem_shared>>
    %dma_wait3A_142 = arith.constant 0 : i32
    %dma_wait3A_143 = arith.constant 0 : i32
    %dma_wait3A_144 = tpu.memref_slice %arg17[%dma_wait3A_142, %dma_wait3A_143] : memref<10240x128xf32, #tpu.memory_space<vmem_shared>> -> memref<40x128xf32, #tpu.memory_space<vmem_shared>>
    tpu.wait_dma2 semaphore(%arg26 : memref<!tpu.dma_semaphore, #tpu.memory_space<semaphore_mem>>) src(%arg15 : memref<40x128xf32, #tpu.memory_space<vmem>>) dst(%dma_wait3A_144 : memref<40x128xf32, #tpu.memory_space<vmem_shared>>)
    %dma_wait3A_145 = arith.constant 0 : i32
    %dma_wait3A_146 = arith.constant 0 : i32
    %dma_wait3A_147 = tpu.memref_slice %arg17[%dma_wait3A_145, %dma_wait3A_146] : memref<10240x128xf32, #tpu.memory_space<vmem_shared>> -> memref<40x128xf32, #tpu.memory_space<vmem_shared>>
    %dma_wait3A_148 = arith.constant 0 : i32
    %dma_wait3A_149 = arith.constant 0 : i32
    %dma_wait3A_150 = tpu.memref_slice %arg17[%dma_wait3A_148, %dma_wait3A_149] : memref<10240x128xf32, #tpu.memory_space<vmem_shared>> -> memref<40x128xf32, #tpu.memory_space<vmem_shared>>
    tpu.wait_dma2 semaphore(%arg26 : memref<!tpu.dma_semaphore, #tpu.memory_space<semaphore_mem>>) src(%arg15 : memref<40x128xf32, #tpu.memory_space<vmem>>) dst(%dma_wait3A_150 : memref<40x128xf32, #tpu.memory_space<vmem_shared>>)
    %dma_wait3A_151 = arith.constant 0 : i32
    %dma_wait3A_152 = arith.constant 0 : i32
    %dma_wait3A_153 = tpu.memref_slice %arg17[%dma_wait3A_151, %dma_wait3A_152] : memref<10240x128xf32, #tpu.memory_space<vmem_shared>> -> memref<40x128xf32, #tpu.memory_space<vmem_shared>>
    %dma_wait3A_154 = arith.constant 0 : i32
    %dma_wait3A_155 = arith.constant 0 : i32
    %dma_wait3A_156 = tpu.memref_slice %arg17[%dma_wait3A_154, %dma_wait3A_155] : memref<10240x128xf32, #tpu.memory_space<vmem_shared>> -> memref<40x128xf32, #tpu.memory_space<vmem_shared>>
    tpu.wait_dma2 semaphore(%arg26 : memref<!tpu.dma_semaphore, #tpu.memory_space<semaphore_mem>>) src(%arg15 : memref<40x128xf32, #tpu.memory_space<vmem>>) dst(%dma_wait3A_156 : memref<40x128xf32, #tpu.memory_space<vmem_shared>>)
    %dma_wait3A_157 = arith.constant 0 : i32
    %dma_wait3A_158 = arith.constant 0 : i32
    %dma_wait3A_159 = tpu.memref_slice %arg17[%dma_wait3A_157, %dma_wait3A_158] : memref<10240x128xf32, #tpu.memory_space<vmem_shared>> -> memref<40x128xf32, #tpu.memory_space<vmem_shared>>
    %dma_wait3A_160 = arith.constant 0 : i32
    %dma_wait3A_161 = arith.constant 0 : i32
    %dma_wait3A_162 = tpu.memref_slice %arg17[%dma_wait3A_160, %dma_wait3A_161] : memref<10240x128xf32, #tpu.memory_space<vmem_shared>> -> memref<40x128xf32, #tpu.memory_space<vmem_shared>>
    tpu.wait_dma2 semaphore(%arg26 : memref<!tpu.dma_semaphore, #tpu.memory_space<semaphore_mem>>) src(%arg15 : memref<40x128xf32, #tpu.memory_space<vmem>>) dst(%dma_wait3A_162 : memref<40x128xf32, #tpu.memory_space<vmem_shared>>)
    %dma_wait3A_163 = arith.constant 0 : i32
    %dma_wait3A_164 = arith.constant 0 : i32
    %dma_wait3A_165 = tpu.memref_slice %arg17[%dma_wait3A_163, %dma_wait3A_164] : memref<10240x128xf32, #tpu.memory_space<vmem_shared>> -> memref<40x128xf32, #tpu.memory_space<vmem_shared>>
    %dma_wait3A_166 = arith.constant 0 : i32
    %dma_wait3A_167 = arith.constant 0 : i32
    %dma_wait3A_168 = tpu.memref_slice %arg17[%dma_wait3A_166, %dma_wait3A_167] : memref<10240x128xf32, #tpu.memory_space<vmem_shared>> -> memref<40x128xf32, #tpu.memory_space<vmem_shared>>
    tpu.wait_dma2 semaphore(%arg26 : memref<!tpu.dma_semaphore, #tpu.memory_space<semaphore_mem>>) src(%arg15 : memref<40x128xf32, #tpu.memory_space<vmem>>) dst(%dma_wait3A_168 : memref<40x128xf32, #tpu.memory_space<vmem_shared>>)
    %dma_wait3A_169 = arith.constant 0 : i32
    %dma_wait3A_170 = arith.constant 0 : i32
    %dma_wait3A_171 = tpu.memref_slice %arg17[%dma_wait3A_169, %dma_wait3A_170] : memref<10240x128xf32, #tpu.memory_space<vmem_shared>> -> memref<40x128xf32, #tpu.memory_space<vmem_shared>>
    %dma_wait3A_172 = arith.constant 0 : i32
    %dma_wait3A_173 = arith.constant 0 : i32
    %dma_wait3A_174 = tpu.memref_slice %arg17[%dma_wait3A_172, %dma_wait3A_173] : memref<10240x128xf32, #tpu.memory_space<vmem_shared>> -> memref<40x128xf32, #tpu.memory_space<vmem_shared>>
    tpu.wait_dma2 semaphore(%arg26 : memref<!tpu.dma_semaphore, #tpu.memory_space<semaphore_mem>>) src(%arg15 : memref<40x128xf32, #tpu.memory_space<vmem>>) dst(%dma_wait3A_174 : memref<40x128xf32, #tpu.memory_space<vmem_shared>>)
    %dma_wait3A_175 = arith.constant 0 : i32
    %dma_wait3A_176 = arith.constant 0 : i32
    %dma_wait3A_177 = tpu.memref_slice %arg17[%dma_wait3A_175, %dma_wait3A_176] : memref<10240x128xf32, #tpu.memory_space<vmem_shared>> -> memref<40x128xf32, #tpu.memory_space<vmem_shared>>
    %dma_wait3A_178 = arith.constant 0 : i32
    %dma_wait3A_179 = arith.constant 0 : i32
    %dma_wait3A_180 = tpu.memref_slice %arg17[%dma_wait3A_178, %dma_wait3A_179] : memref<10240x128xf32, #tpu.memory_space<vmem_shared>> -> memref<40x128xf32, #tpu.memory_space<vmem_shared>>
    tpu.wait_dma2 semaphore(%arg26 : memref<!tpu.dma_semaphore, #tpu.memory_space<semaphore_mem>>) src(%arg15 : memref<40x128xf32, #tpu.memory_space<vmem>>) dst(%dma_wait3A_180 : memref<40x128xf32, #tpu.memory_space<vmem_shared>>)
    %dma_wait3A_181 = arith.constant 0 : i32
    %dma_wait3A_182 = arith.constant 0 : i32
    %dma_wait3A_183 = tpu.memref_slice %arg17[%dma_wait3A_181, %dma_wait3A_182] : memref<10240x128xf32, #tpu.memory_space<vmem_shared>> -> memref<40x128xf32, #tpu.memory_space<vmem_shared>>
    %dma_wait3A_184 = arith.constant 0 : i32
    %dma_wait3A_185 = arith.constant 0 : i32
    %dma_wait3A_186 = tpu.memref_slice %arg17[%dma_wait3A_184, %dma_wait3A_185] : memref<10240x128xf32, #tpu.memory_space<vmem_shared>> -> memref<40x128xf32, #tpu.memory_space<vmem_shared>>
    tpu.wait_dma2 semaphore(%arg26 : memref<!tpu.dma_semaphore, #tpu.memory_space<semaphore_mem>>) src(%arg15 : memref<40x128xf32, #tpu.memory_space<vmem>>) dst(%dma_wait3A_186 : memref<40x128xf32, #tpu.memory_space<vmem_shared>>)
    %dma_wait3A_187 = arith.constant 0 : i32
    %dma_wait3A_188 = arith.constant 0 : i32
    %dma_wait3A_189 = tpu.memref_slice %arg17[%dma_wait3A_187, %dma_wait3A_188] : memref<10240x128xf32, #tpu.memory_space<vmem_shared>> -> memref<40x128xf32, #tpu.memory_space<vmem_shared>>
    %dma_wait3A_190 = arith.constant 0 : i32
    %dma_wait3A_191 = arith.constant 0 : i32
    %dma_wait3A_192 = tpu.memref_slice %arg17[%dma_wait3A_190, %dma_wait3A_191] : memref<10240x128xf32, #tpu.memory_space<vmem_shared>> -> memref<40x128xf32, #tpu.memory_space<vmem_shared>>
    tpu.wait_dma2 semaphore(%arg26 : memref<!tpu.dma_semaphore, #tpu.memory_space<semaphore_mem>>) src(%arg15 : memref<40x128xf32, #tpu.memory_space<vmem>>) dst(%dma_wait3A_192 : memref<40x128xf32, #tpu.memory_space<vmem_shared>>)
    %dma_wait3A_193 = arith.constant 0 : i32
    %dma_wait3A_194 = arith.constant 0 : i32
    %dma_wait3A_195 = tpu.memref_slice %arg17[%dma_wait3A_193, %dma_wait3A_194] : memref<10240x128xf32, #tpu.memory_space<vmem_shared>> -> memref<40x128xf32, #tpu.memory_space<vmem_shared>>
    %dma_wait3A_196 = arith.constant 0 : i32
    %dma_wait3A_197 = arith.constant 0 : i32
    %dma_wait3A_198 = tpu.memref_slice %arg17[%dma_wait3A_196, %dma_wait3A_197] : memref<10240x128xf32, #tpu.memory_space<vmem_shared>> -> memref<40x128xf32, #tpu.memory_space<vmem_shared>>
    tpu.wait_dma2 semaphore(%arg26 : memref<!tpu.dma_semaphore, #tpu.memory_space<semaphore_mem>>) src(%arg15 : memref<40x128xf32, #tpu.memory_space<vmem>>) dst(%dma_wait3A_198 : memref<40x128xf32, #tpu.memory_space<vmem_shared>>)
    %dma_wait3A_199 = arith.constant 0 : i32
    %dma_wait3A_200 = arith.constant 0 : i32
    %dma_wait3A_201 = tpu.memref_slice %arg17[%dma_wait3A_199, %dma_wait3A_200] : memref<10240x128xf32, #tpu.memory_space<vmem_shared>> -> memref<40x128xf32, #tpu.memory_space<vmem_shared>>
    %dma_wait3A_202 = arith.constant 0 : i32
    %dma_wait3A_203 = arith.constant 0 : i32
    %dma_wait3A_204 = tpu.memref_slice %arg17[%dma_wait3A_202, %dma_wait3A_203] : memref<10240x128xf32, #tpu.memory_space<vmem_shared>> -> memref<40x128xf32, #tpu.memory_space<vmem_shared>>
    tpu.wait_dma2 semaphore(%arg26 : memref<!tpu.dma_semaphore, #tpu.memory_space<semaphore_mem>>) src(%arg15 : memref<40x128xf32, #tpu.memory_space<vmem>>) dst(%dma_wait3A_204 : memref<40x128xf32, #tpu.memory_space<vmem_shared>>)
    %dma_wait3A_205 = arith.constant 0 : i32
    %dma_wait3A_206 = arith.constant 0 : i32
    %dma_wait3A_207 = tpu.memref_slice %arg17[%dma_wait3A_205, %dma_wait3A_206] : memref<10240x128xf32, #tpu.memory_space<vmem_shared>> -> memref<40x128xf32, #tpu.memory_space<vmem_shared>>
    %dma_wait3A_208 = arith.constant 0 : i32
    %dma_wait3A_209 = arith.constant 0 : i32
    %dma_wait3A_210 = tpu.memref_slice %arg17[%dma_wait3A_208, %dma_wait3A_209] : memref<10240x128xf32, #tpu.memory_space<vmem_shared>> -> memref<40x128xf32, #tpu.memory_space<vmem_shared>>
    tpu.wait_dma2 semaphore(%arg26 : memref<!tpu.dma_semaphore, #tpu.memory_space<semaphore_mem>>) src(%arg15 : memref<40x128xf32, #tpu.memory_space<vmem>>) dst(%dma_wait3A_210 : memref<40x128xf32, #tpu.memory_space<vmem_shared>>)
    %dma_wait3A_211 = arith.constant 0 : i32
    %dma_wait3A_212 = arith.constant 0 : i32
    %dma_wait3A_213 = tpu.memref_slice %arg17[%dma_wait3A_211, %dma_wait3A_212] : memref<10240x128xf32, #tpu.memory_space<vmem_shared>> -> memref<40x128xf32, #tpu.memory_space<vmem_shared>>
    %dma_wait3A_214 = arith.constant 0 : i32
    %dma_wait3A_215 = arith.constant 0 : i32
    %dma_wait3A_216 = tpu.memref_slice %arg17[%dma_wait3A_214, %dma_wait3A_215] : memref<10240x128xf32, #tpu.memory_space<vmem_shared>> -> memref<40x128xf32, #tpu.memory_space<vmem_shared>>
    tpu.wait_dma2 semaphore(%arg26 : memref<!tpu.dma_semaphore, #tpu.memory_space<semaphore_mem>>) src(%arg15 : memref<40x128xf32, #tpu.memory_space<vmem>>) dst(%dma_wait3A_216 : memref<40x128xf32, #tpu.memory_space<vmem_shared>>)
    %dma_wait3A_217 = arith.constant 0 : i32
    %dma_wait3A_218 = arith.constant 0 : i32
    %dma_wait3A_219 = tpu.memref_slice %arg17[%dma_wait3A_217, %dma_wait3A_218] : memref<10240x128xf32, #tpu.memory_space<vmem_shared>> -> memref<40x128xf32, #tpu.memory_space<vmem_shared>>
    %dma_wait3A_220 = arith.constant 0 : i32
    %dma_wait3A_221 = arith.constant 0 : i32
    %dma_wait3A_222 = tpu.memref_slice %arg17[%dma_wait3A_220, %dma_wait3A_221] : memref<10240x128xf32, #tpu.memory_space<vmem_shared>> -> memref<40x128xf32, #tpu.memory_space<vmem_shared>>
    tpu.wait_dma2 semaphore(%arg26 : memref<!tpu.dma_semaphore, #tpu.memory_space<semaphore_mem>>) src(%arg15 : memref<40x128xf32, #tpu.memory_space<vmem>>) dst(%dma_wait3A_222 : memref<40x128xf32, #tpu.memory_space<vmem_shared>>)
    %dma_wait3A_223 = arith.constant 0 : i32
    %dma_wait3A_224 = arith.constant 0 : i32
    %dma_wait3A_225 = tpu.memref_slice %arg17[%dma_wait3A_223, %dma_wait3A_224] : memref<10240x128xf32, #tpu.memory_space<vmem_shared>> -> memref<40x128xf32, #tpu.memory_space<vmem_shared>>
    %dma_wait3A_226 = arith.constant 0 : i32
    %dma_wait3A_227 = arith.constant 0 : i32
    %dma_wait3A_228 = tpu.memref_slice %arg17[%dma_wait3A_226, %dma_wait3A_227] : memref<10240x128xf32, #tpu.memory_space<vmem_shared>> -> memref<40x128xf32, #tpu.memory_space<vmem_shared>>
    tpu.wait_dma2 semaphore(%arg26 : memref<!tpu.dma_semaphore, #tpu.memory_space<semaphore_mem>>) src(%arg15 : memref<40x128xf32, #tpu.memory_space<vmem>>) dst(%dma_wait3A_228 : memref<40x128xf32, #tpu.memory_space<vmem_shared>>)
    %barrier3A = arith.constant 0 : index
    tpu.barrier barrier_id(%barrier3A)
    %mul3A_229 = arith.constant 10000 : i32
    %mul3A_230 = arith.muli %add3A, %mul3A_229 : i32
    %add3A_231 = arith.constant 0 : i32
    %add3A_232 = arith.addi %mul3A_230, %add3A_231 : i32
    %multiple_of3A = tpu.assume_multiple %add3A_232, 8 : i32
    %dma_start3A_233 = tpu.memref_slice %arg4[%multiple_of3A] : memref<320000xi32, #tpu.memory_space<hbm>> -> memref<40xi32, #tpu.memory_space<hbm>>
    %dma_start3A_234 = tpu.memref_slice %arg4[%multiple_of3A] : memref<320000xi32, #tpu.memory_space<hbm>> -> memref<40xi32, #tpu.memory_space<hbm>>
    tpu.enqueue_dma source(%dma_start3A_234 : memref<40xi32, #tpu.memory_space<hbm>>) target(%arg7 : memref<40xi32, #tpu.memory_space<vmem>>) target_semaphore(%arg18 : memref<!tpu.dma_semaphore, #tpu.memory_space<semaphore_mem>>)
    %mul3A_235 = arith.constant 10000 : i32
    %mul3A_236 = arith.muli %add3A, %mul3A_235 : i32
    %add3A_237 = arith.constant 0 : i32
    %add3A_238 = arith.addi %mul3A_236, %add3A_237 : i32
    %multiple_of3A_239 = tpu.assume_multiple %add3A_238, 8 : i32
    %dma_start3A_240 = arith.constant 0 : i32
    %dma_start3A_241 = tpu.memref_slice %arg3[%multiple_of3A_239, %dma_start3A_240] : memref<320000x128xf32, #tpu.memory_space<hbm>> -> memref<40x128xf32, #tpu.memory_space<hbm>>
    %dma_start3A_242 = arith.constant 0 : i32
    %dma_start3A_243 = tpu.memref_slice %arg3[%multiple_of3A_239, %dma_start3A_242] : memref<320000x128xf32, #tpu.memory_space<hbm>> -> memref<40x128xf32, #tpu.memory_space<hbm>>
    tpu.enqueue_dma source(%dma_start3A_243 : memref<40x128xf32, #tpu.memory_space<hbm>>) target(%arg11 : memref<40x128xf32, #tpu.memory_space<vmem>>) target_semaphore(%arg22 : memref<!tpu.dma_semaphore, #tpu.memory_space<semaphore_mem>>)
    %mul3A_244 = arith.constant 10000 : i32
    %mul3A_245 = arith.muli %add3A, %mul3A_244 : i32
    %add3A_246 = arith.constant 40 : i32
    %add3A_247 = arith.addi %mul3A_245, %add3A_246 : i32
    %multiple_of3A_248 = tpu.assume_multiple %add3A_247, 8 : i32
    %dma_start3A_249 = tpu.memref_slice %arg4[%multiple_of3A_248] : memref<320000xi32, #tpu.memory_space<hbm>> -> memref<40xi32, #tpu.memory_space<hbm>>
    %dma_start3A_250 = tpu.memref_slice %arg4[%multiple_of3A_248] : memref<320000xi32, #tpu.memory_space<hbm>> -> memref<40xi32, #tpu.memory_space<hbm>>
    tpu.enqueue_dma source(%dma_start3A_250 : memref<40xi32, #tpu.memory_space<hbm>>) target(%arg8 : memref<40xi32, #tpu.memory_space<vmem>>) target_semaphore(%arg19 : memref<!tpu.dma_semaphore, #tpu.memory_space<semaphore_mem>>)
    %mul3A_251 = arith.constant 10000 : i32
    %mul3A_252 = arith.muli %add3A, %mul3A_251 : i32
    %add3A_253 = arith.constant 40 : i32
    %add3A_254 = arith.addi %mul3A_252, %add3A_253 : i32
    %multiple_of3A_255 = tpu.assume_multiple %add3A_254, 8 : i32
    %dma_start3A_256 = arith.constant 0 : i32
    %dma_start3A_257 = tpu.memref_slice %arg3[%multiple_of3A_255, %dma_start3A_256] : memref<320000x128xf32, #tpu.memory_space<hbm>> -> memref<40x128xf32, #tpu.memory_space<hbm>>
    %dma_start3A_258 = arith.constant 0 : i32
    %dma_start3A_259 = tpu.memref_slice %arg3[%multiple_of3A_255, %dma_start3A_258] : memref<320000x128xf32, #tpu.memory_space<hbm>> -> memref<40x128xf32, #tpu.memory_space<hbm>>
    tpu.enqueue_dma source(%dma_start3A_259 : memref<40x128xf32, #tpu.memory_space<hbm>>) target(%arg12 : memref<40x128xf32, #tpu.memory_space<vmem>>) target_semaphore(%arg23 : memref<!tpu.dma_semaphore, #tpu.memory_space<semaphore_mem>>)
    %dma_wait3A_260 = arith.constant 0 : i32
    %dma_wait3A_261 = tpu.memref_slice %arg4[%dma_wait3A_260] : memref<320000xi32, #tpu.memory_space<hbm>> -> memref<40xi32, #tpu.memory_space<hbm>>
    %dma_wait3A_262 = arith.constant 0 : i32
    %dma_wait3A_263 = tpu.memref_slice %arg4[%dma_wait3A_262] : memref<320000xi32, #tpu.memory_space<hbm>> -> memref<40xi32, #tpu.memory_space<hbm>>
    tpu.wait_dma2 semaphore(%arg18 : memref<!tpu.dma_semaphore, #tpu.memory_space<semaphore_mem>>) src(%dma_wait3A_263 : memref<40xi32, #tpu.memory_space<hbm>>) dst(%arg7 : memref<40xi32, #tpu.memory_space<vmem>>)
    %dma_start3A_264 = arith.constant 0 : i32
    %dma_start3A_265 = arith.constant 0 : i32
    %dma_start3A_266 = tpu.memref_slice %arg2[%dma_start3A_264, %dma_start3A_265] : memref<10000x128xf32, #tpu.memory_space<hbm>> -> memref<10000x128xf32, #tpu.memory_space<hbm>>
    tpu.enqueue_indirect_dma source(%dma_start3A_266 : memref<10000x128xf32, #tpu.memory_space<hbm>>) target(%arg13 : memref<40x128xf32, #tpu.memory_space<vmem>>) offsets(%arg7 : memref<40xi32, #tpu.memory_space<vmem>>) semaphore(%arg24 : memref<!tpu.dma_semaphore, #tpu.memory_space<semaphore_mem>>)
    %dma_wait3A_267 = arith.constant 0 : i32
    %dma_wait3A_268 = tpu.memref_slice %arg4[%dma_wait3A_267] : memref<320000xi32, #tpu.memory_space<hbm>> -> memref<40xi32, #tpu.memory_space<hbm>>
    %dma_wait3A_269 = arith.constant 0 : i32
    %dma_wait3A_270 = tpu.memref_slice %arg4[%dma_wait3A_269] : memref<320000xi32, #tpu.memory_space<hbm>> -> memref<40xi32, #tpu.memory_space<hbm>>
    tpu.wait_dma2 semaphore(%arg19 : memref<!tpu.dma_semaphore, #tpu.memory_space<semaphore_mem>>) src(%dma_wait3A_270 : memref<40xi32, #tpu.memory_space<hbm>>) dst(%arg8 : memref<40xi32, #tpu.memory_space<vmem>>)
    %dma_start3A_271 = arith.constant 0 : i32
    %dma_start3A_272 = arith.constant 0 : i32
    %dma_start3A_273 = tpu.memref_slice %arg2[%dma_start3A_271, %dma_start3A_272] : memref<10000x128xf32, #tpu.memory_space<hbm>> -> memref<10000x128xf32, #tpu.memory_space<hbm>>
    tpu.enqueue_indirect_dma source(%dma_start3A_273 : memref<10000x128xf32, #tpu.memory_space<hbm>>) target(%arg14 : memref<40x128xf32, #tpu.memory_space<vmem>>) offsets(%arg8 : memref<40xi32, #tpu.memory_space<vmem>>) semaphore(%arg25 : memref<!tpu.dma_semaphore, #tpu.memory_space<semaphore_mem>>)
    %dma_wait3A_274 = arith.constant 0 : i32
    %dma_wait3A_275 = arith.constant 0 : i32
    %dma_wait3A_276 = tpu.memref_slice %arg3[%dma_wait3A_274, %dma_wait3A_275] : memref<320000x128xf32, #tpu.memory_space<hbm>> -> memref<40x128xf32, #tpu.memory_space<hbm>>
    %dma_wait3A_277 = arith.constant 0 : i32
    %dma_wait3A_278 = arith.constant 0 : i32
    %dma_wait3A_279 = tpu.memref_slice %arg3[%dma_wait3A_277, %dma_wait3A_278] : memref<320000x128xf32, #tpu.memory_space<hbm>> -> memref<40x128xf32, #tpu.memory_space<hbm>>
    tpu.wait_dma2 semaphore(%arg22 : memref<!tpu.dma_semaphore, #tpu.memory_space<semaphore_mem>>) src(%dma_wait3A_279 : memref<40x128xf32, #tpu.memory_space<hbm>>) dst(%arg11 : memref<40x128xf32, #tpu.memory_space<vmem>>)
    %dma_wait3A_280 = arith.constant 0 : i32
    %dma_wait3A_281 = arith.constant 0 : i32
    %dma_wait3A_282 = tpu.memref_slice %arg2[%dma_wait3A_280, %dma_wait3A_281] : memref<10000x128xf32, #tpu.memory_space<hbm>> -> memref<40x128xf32, #tpu.memory_space<hbm>>
    %dma_wait3A_283 = arith.constant 0 : i32
    %dma_wait3A_284 = arith.constant 0 : i32
    %dma_wait3A_285 = tpu.memref_slice %arg2[%dma_wait3A_283, %dma_wait3A_284] : memref<10000x128xf32, #tpu.memory_space<hbm>> -> memref<40x128xf32, #tpu.memory_space<hbm>>
    tpu.wait_dma2 semaphore(%arg24 : memref<!tpu.dma_semaphore, #tpu.memory_space<semaphore_mem>>) src(%dma_wait3A_285 : memref<40x128xf32, #tpu.memory_space<hbm>>) dst(%arg13 : memref<40x128xf32, #tpu.memory_space<vmem>>)
    %mul3A_286 = arith.constant 10000 : i32
    %mul3A_287 = arith.muli %add3A, %mul3A_286 : i32
    %add3A_288 = arith.constant 80 : i32
    %add3A_289 = arith.addi %mul3A_287, %add3A_288 : i32
    %multiple_of3A_290 = tpu.assume_multiple %add3A_289, 8 : i32
    %dma_start3A_291 = tpu.memref_slice %arg4[%multiple_of3A_290] : memref<320000xi32, #tpu.memory_space<hbm>> -> memref<40xi32, #tpu.memory_space<hbm>>
    %dma_start3A_292 = tpu.memref_slice %arg4[%multiple_of3A_290] : memref<320000xi32, #tpu.memory_space<hbm>> -> memref<40xi32, #tpu.memory_space<hbm>>
    tpu.enqueue_dma source(%dma_start3A_292 : memref<40xi32, #tpu.memory_space<hbm>>) target(%arg7 : memref<40xi32, #tpu.memory_space<vmem>>) target_semaphore(%arg18 : memref<!tpu.dma_semaphore, #tpu.memory_space<semaphore_mem>>)
    %mul3A_293 = arith.constant 10000 : i32
    %mul3A_294 = arith.muli %add3A, %mul3A_293 : i32
    %add3A_295 = arith.constant 0 : i32
    %add3A_296 = arith.addi %mul3A_294, %add3A_295 : i32
    %multiple_of3A_297 = tpu.assume_multiple %add3A_296, 8 : i32
    %dma_start3A_298 = tpu.memref_slice %arg5[%multiple_of3A_297] : memref<320000xi32, #tpu.memory_space<hbm>> -> memref<40xi32, #tpu.memory_space<hbm>>
    %dma_start3A_299 = tpu.memref_slice %arg5[%multiple_of3A_297] : memref<320000xi32, #tpu.memory_space<hbm>> -> memref<40xi32, #tpu.memory_space<hbm>>
    tpu.enqueue_dma source(%dma_start3A_299 : memref<40xi32, #tpu.memory_space<hbm>>) target(%arg9 : memref<40xi32, #tpu.memory_space<vmem>>) target_semaphore(%arg20 : memref<!tpu.dma_semaphore, #tpu.memory_space<semaphore_mem>>)
    %scan3A_300 = arith.constant 0 : i32
    %scan3A_301 = arith.constant 0 : i32
    %scan3A_302 = arith.constant 40 : i32
    %scan3A_303 = arith.addi %scan3A_301, %scan3A_302 : i32
    %scan3A_304 = arith.constant 1 : i32
    %scan3A_305 = scf.for %scan3A_410 = %scan3A_301 to %scan3A_303 step %scan3A_304 iter_args(%scan3A_411 = %scan3A_300) -> (i32)  : i32 {
      %get3A = arith.index_cast %scan3A_410 : i32 to index
      %get3A_412 = arith.constant 0 : index
      %get3A_413 = tpu.vector_load %arg13[%get3A, %get3A_412] {strides = array<i32>} : memref<40x128xf32, #tpu.memory_space<vmem>>, vector<1x16xf32>,
      %get3A_414 = vector.shape_cast %get3A_413 : vector<1x16xf32> to vector<16xf32>
      %get3A_415 = arith.index_cast %scan3A_410 : i32 to index
      %get3A_416 = arith.constant 0 : index
      %get3A_417 = tpu.vector_load %arg11[%get3A_415, %get3A_416] {strides = array<i32>} : memref<40x128xf32, #tpu.memory_space<vmem>>, vector<1x16xf32>,
      %get3A_418 = vector.shape_cast %get3A_417 : vector<1x16xf32> to vector<16xf32>
      %add3A_419 = arith.addf %get3A_414, %get3A_418 : vector<16xf32>
      %max3A = arith.constant 0.000000e+00 : f32
      %max3A_420 = vector.broadcast %max3A : f32 to vector<16xf32>
      %max3A_421 = arith.maximumf %add3A_419, %max3A_420 : vector<16xf32>
      %swap3A = arith.index_cast %scan3A_410 : i32 to index
      %swap3A_422 = arith.constant 0 : index
      %swap3A_423 = tpu.vector_load %arg15[%swap3A, %swap3A_422] {strides = array<i32>} : memref<40x128xf32, #tpu.memory_space<vmem>>, vector<1x16xf32>,
      %swap3A_424 = vector.shape_cast %swap3A_423 : vector<1x16xf32> to vector<16xf32>
      %swap3A_425 = vector.shape_cast %max3A_421 : vector<16xf32> to vector<1x16xf32>
      tpu.vector_store %arg15[%swap3A, %swap3A_422], %swap3A_425 {strides = array<i32>} : memref<40x128xf32, #tpu.memory_space<vmem>>, vector<1x16xf32>,
      %get3A_426 = arith.index_cast %scan3A_410 : i32 to index
      %get3A_427 = arith.constant 16 : index
      %get3A_428 = tpu.vector_load %arg13[%get3A_426, %get3A_427] {strides = array<i32>} : memref<40x128xf32, #tpu.memory_space<vmem>>, vector<1x16xf32>,
      %get3A_429 = vector.shape_cast %get3A_428 : vector<1x16xf32> to vector<16xf32>
      %get3A_430 = arith.index_cast %scan3A_410 : i32 to index
      %get3A_431 = arith.constant 16 : index
      %get3A_432 = tpu.vector_load %arg11[%get3A_430, %get3A_431] {strides = array<i32>} : memref<40x128xf32, #tpu.memory_space<vmem>>, vector<1x16xf32>,
      %get3A_433 = vector.shape_cast %get3A_432 : vector<1x16xf32> to vector<16xf32>
      %add3A_434 = arith.addf %get3A_429, %get3A_433 : vector<16xf32>
      %max3A_435 = arith.constant 0.000000e+00 : f32
      %max3A_436 = vector.broadcast %max3A_435 : f32 to vector<16xf32>
      %max3A_437 = arith.maximumf %add3A_434, %max3A_436 : vector<16xf32>
      %swap3A_438 = arith.index_cast %scan3A_410 : i32 to index
      %swap3A_439 = arith.constant 16 : index
      %swap3A_440 = tpu.vector_load %arg15[%swap3A_438, %swap3A_439] {strides = array<i32>} : memref<40x128xf32, #tpu.memory_space<vmem>>, vector<1x16xf32>,
      %swap3A_441 = vector.shape_cast %swap3A_440 : vector<1x16xf32> to vector<16xf32>
      %swap3A_442 = vector.shape_cast %max3A_437 : vector<16xf32> to vector<1x16xf32>
      tpu.vector_store %arg15[%swap3A_438, %swap3A_439], %swap3A_442 {strides = array<i32>} : memref<40x128xf32, #tpu.memory_space<vmem>>, vector<1x16xf32>,
      %get3A_443 = arith.index_cast %scan3A_410 : i32 to index
      %get3A_444 = arith.constant 32 : index
      %get3A_445 = tpu.vector_load %arg13[%get3A_443, %get3A_444] {strides = array<i32>} : memref<40x128xf32, #tpu.memory_space<vmem>>, vector<1x16xf32>,
      %get3A_446 = vector.shape_cast %get3A_445 : vector<1x16xf32> to vector<16xf32>
      %get3A_447 = arith.index_cast %scan3A_410 : i32 to index
      %get3A_448 = arith.constant 32 : index
      %get3A_449 = tpu.vector_load %arg11[%get3A_447, %get3A_448] {strides = array<i32>} : memref<40x128xf32, #tpu.memory_space<vmem>>, vector<1x16xf32>,
      %get3A_450 = vector.shape_cast %get3A_449 : vector<1x16xf32> to vector<16xf32>
      %add3A_451 = arith.addf %get3A_446, %get3A_450 : vector<16xf32>
      %max3A_452 = arith.constant 0.000000e+00 : f32
      %max3A_453 = vector.broadcast %max3A_452 : f32 to vector<16xf32>
      %max3A_454 = arith.maximumf %add3A_451, %max3A_453 : vector<16xf32>
      %swap3A_455 = arith.index_cast %scan3A_410 : i32 to index
      %swap3A_456 = arith.constant 32 : index
      %swap3A_457 = tpu.vector_load %arg15[%swap3A_455, %swap3A_456] {strides = array<i32>} : memref<40x128xf32, #tpu.memory_space<vmem>>, vector<1x16xf32>,
      %swap3A_458 = vector.shape_cast %swap3A_457 : vector<1x16xf32> to vector<16xf32>
      %swap3A_459 = vector.shape_cast %max3A_454 : vector<16xf32> to vector<1x16xf32>
      tpu.vector_store %arg15[%swap3A_455, %swap3A_456], %swap3A_459 {strides = array<i32>} : memref<40x128xf32, #tpu.memory_space<vmem>>, vector<1x16xf32>,
      %get3A_460 = arith.index_cast %scan3A_410 : i32 to index
      %get3A_461 = arith.constant 48 : index
      %get3A_462 = tpu.vector_load %arg13[%get3A_460, %get3A_461] {strides = array<i32>} : memref<40x128xf32, #tpu.memory_space<vmem>>, vector<1x16xf32>,
      %get3A_463 = vector.shape_cast %get3A_462 : vector<1x16xf32> to vector<16xf32>
      %get3A_464 = arith.index_cast %scan3A_410 : i32 to index
      %get3A_465 = arith.constant 48 : index
      %get3A_466 = tpu.vector_load %arg11[%get3A_464, %get3A_465] {strides = array<i32>} : memref<40x128xf32, #tpu.memory_space<vmem>>, vector<1x16xf32>,
      %get3A_467 = vector.shape_cast %get3A_466 : vector<1x16xf32> to vector<16xf32>
      %add3A_468 = arith.addf %get3A_463, %get3A_467 : vector<16xf32>
      %max3A_469 = arith.constant 0.000000e+00 : f32
      %max3A_470 = vector.broadcast %max3A_469 : f32 to vector<16xf32>
      %max3A_471 = arith.maximumf %add3A_468, %max3A_470 : vector<16xf32>
      %swap3A_472 = arith.index_cast %scan3A_410 : i32 to index
      %swap3A_473 = arith.constant 48 : index
      %swap3A_474 = tpu.vector_load %arg15[%swap3A_472, %swap3A_473] {strides = array<i32>} : memref<40x128xf32, #tpu.memory_space<vmem>>, vector<1x16xf32>,
      %swap3A_475 = vector.shape_cast %swap3A_474 : vector<1x16xf32> to vector<16xf32>
      %swap3A_476 = vector.shape_cast %max3A_471 : vector<16xf32> to vector<1x16xf32>
      tpu.vector_store %arg15[%swap3A_472, %swap3A_473], %swap3A_476 {strides = array<i32>} : memref<40x128xf32, #tpu.memory_space<vmem>>, vector<1x16xf32>,
      %get3A_477 = arith.index_cast %scan3A_410 : i32 to index
      %get3A_478 = arith.constant 64 : index
      %get3A_479 = tpu.vector_load %arg13[%get3A_477, %get3A_478] {strides = array<i32>} : memref<40x128xf32, #tpu.memory_space<vmem>>, vector<1x16xf32>,
      %get3A_480 = vector.shape_cast %get3A_479 : vector<1x16xf32> to vector<16xf32>
      %get3A_481 = arith.index_cast %scan3A_410 : i32 to index
      %get3A_482 = arith.constant 64 : index
      %get3A_483 = tpu.vector_load %arg11[%get3A_481, %get3A_482] {strides = array<i32>} : memref<40x128xf32, #tpu.memory_space<vmem>>, vector<1x16xf32>,
      %get3A_484 = vector.shape_cast %get3A_483 : vector<1x16xf32> to vector<16xf32>
      %add3A_485 = arith.addf %get3A_480, %get3A_484 : vector<16xf32>
      %max3A_486 = arith.constant 0.000000e+00 : f32
      %max3A_487 = vector.broadcast %max3A_486 : f32 to vector<16xf32>
      %max3A_488 = arith.maximumf %add3A_485, %max3A_487 : vector<16xf32>
      %swap3A_489 = arith.index_cast %scan3A_410 : i32 to index
      %swap3A_490 = arith.constant 64 : index
      %swap3A_491 = tpu.vector_load %arg15[%swap3A_489, %swap3A_490] {strides = array<i32>} : memref<40x128xf32, #tpu.memory_space<vmem>>, vector<1x16xf32>,
      %swap3A_492 = vector.shape_cast %swap3A_491 : vector<1x16xf32> to vector<16xf32>
      %swap3A_493 = vector.shape_cast %max3A_488 : vector<16xf32> to vector<1x16xf32>
      tpu.vector_store %arg15[%swap3A_489, %swap3A_490], %swap3A_493 {strides = array<i32>} : memref<40x128xf32, #tpu.memory_space<vmem>>, vector<1x16xf32>,
      %get3A_494 = arith.index_cast %scan3A_410 : i32 to index
      %get3A_495 = arith.constant 80 : index
      %get3A_496 = tpu.vector_load %arg13[%get3A_494, %get3A_495] {strides = array<i32>} : memref<40x128xf32, #tpu.memory_space<vmem>>, vector<1x16xf32>,
      %get3A_497 = vector.shape_cast %get3A_496 : vector<1x16xf32> to vector<16xf32>
      %get3A_498 = arith.index_cast %scan3A_410 : i32 to index
      %get3A_499 = arith.constant 80 : index
      %get3A_500 = tpu.vector_load %arg11[%get3A_498, %get3A_499] {strides = array<i32>} : memref<40x128xf32, #tpu.memory_space<vmem>>, vector<1x16xf32>,
      %get3A_501 = vector.shape_cast %get3A_500 : vector<1x16xf32> to vector<16xf32>
      %add3A_502 = arith.addf %get3A_497, %get3A_501 : vector<16xf32>
      %max3A_503 = arith.constant 0.000000e+00 : f32
      %max3A_504 = vector.broadcast %max3A_503 : f32 to vector<16xf32>
      %max3A_505 = arith.maximumf %add3A_502, %max3A_504 : vector<16xf32>
      %swap3A_506 = arith.index_cast %scan3A_410 : i32 to index
      %swap3A_507 = arith.constant 80 : index
      %swap3A_508 = tpu.vector_load %arg15[%swap3A_506, %swap3A_507] {strides = array<i32>} : memref<40x128xf32, #tpu.memory_space<vmem>>, vector<1x16xf32>,
      %swap3A_509 = vector.shape_cast %swap3A_508 : vector<1x16xf32> to vector<16xf32>
      %swap3A_510 = vector.shape_cast %max3A_505 : vector<16xf32> to vector<1x16xf32>
      tpu.vector_store %arg15[%swap3A_506, %swap3A_507], %swap3A_510 {strides = array<i32>} : memref<40x128xf32, #tpu.memory_space<vmem>>, vector<1x16xf32>,
      %get3A_511 = arith.index_cast %scan3A_410 : i32 to index
      %get3A_512 = arith.constant 96 : index
      %get3A_513 = tpu.vector_load %arg13[%get3A_511, %get3A_512] {strides = array<i32>} : memref<40x128xf32, #tpu.memory_space<vmem>>, vector<1x16xf32>,
      %get3A_514 = vector.shape_cast %get3A_513 : vector<1x16xf32> to vector<16xf32>
      %get3A_515 = arith.index_cast %scan3A_410 : i32 to index
      %get3A_516 = arith.constant 96 : index
      %get3A_517 = tpu.vector_load %arg11[%get3A_515, %get3A_516] {strides = array<i32>} : memref<40x128xf32, #tpu.memory_space<vmem>>, vector<1x16xf32>,
      %get3A_518 = vector.shape_cast %get3A_517 : vector<1x16xf32> to vector<16xf32>
      %add3A_519 = arith.addf %get3A_514, %get3A_518 : vector<16xf32>
      %max3A_520 = arith.constant 0.000000e+00 : f32
      %max3A_521 = vector.broadcast %max3A_520 : f32 to vector<16xf32>
      %max3A_522 = arith.maximumf %add3A_519, %max3A_521 : vector<16xf32>
      %swap3A_523 = arith.index_cast %scan3A_410 : i32 to index
      %swap3A_524 = arith.constant 96 : index
      %swap3A_525 = tpu.vector_load %arg15[%swap3A_523, %swap3A_524] {strides = array<i32>} : memref<40x128xf32, #tpu.memory_space<vmem>>, vector<1x16xf32>,
      %swap3A_526 = vector.shape_cast %swap3A_525 : vector<1x16xf32> to vector<16xf32>
      %swap3A_527 = vector.shape_cast %max3A_522 : vector<16xf32> to vector<1x16xf32>
      tpu.vector_store %arg15[%swap3A_523, %swap3A_524], %swap3A_527 {strides = array<i32>} : memref<40x128xf32, #tpu.memory_space<vmem>>, vector<1x16xf32>,
      %get3A_528 = arith.index_cast %scan3A_410 : i32 to index
      %get3A_529 = arith.constant 112 : index
      %get3A_530 = tpu.vector_load %arg13[%get3A_528, %get3A_529] {strides = array<i32>} : memref<40x128xf32, #tpu.memory_space<vmem>>, vector<1x16xf32>,
      %get3A_531 = vector.shape_cast %get3A_530 : vector<1x16xf32> to vector<16xf32>
      %get3A_532 = arith.index_cast %scan3A_410 : i32 to index
      %get3A_533 = arith.constant 112 : index
      %get3A_534 = tpu.vector_load %arg11[%get3A_532, %get3A_533] {strides = array<i32>} : memref<40x128xf32, #tpu.memory_space<vmem>>, vector<1x16xf32>,
      %get3A_535 = vector.shape_cast %get3A_534 : vector<1x16xf32> to vector<16xf32>
      %add3A_536 = arith.addf %get3A_531, %get3A_535 : vector<16xf32>
      %max3A_537 = arith.constant 0.000000e+00 : f32
      %max3A_538 = vector.broadcast %max3A_537 : f32 to vector<16xf32>
      %max3A_539 = arith.maximumf %add3A_536, %max3A_538 : vector<16xf32>
      %swap3A_540 = arith.index_cast %scan3A_410 : i32 to index
      %swap3A_541 = arith.constant 112 : index
      %swap3A_542 = tpu.vector_load %arg15[%swap3A_540, %swap3A_541] {strides = array<i32>} : memref<40x128xf32, #tpu.memory_space<vmem>>, vector<1x16xf32>,
      %swap3A_543 = vector.shape_cast %swap3A_542 : vector<1x16xf32> to vector<16xf32>
      %swap3A_544 = vector.shape_cast %max3A_539 : vector<16xf32> to vector<1x16xf32>
      tpu.vector_store %arg15[%swap3A_540, %swap3A_541], %swap3A_544 {strides = array<i32>} : memref<40x128xf32, #tpu.memory_space<vmem>>, vector<1x16xf32>,
      %scan3A_545 = arith.constant 0 : i32
      scf.yield %scan3A_545 : i32
    }
    %scan3A_306 = arith.constant 40 : i32
    %dma_wait3A_307 = arith.constant 0 : i32
    %dma_wait3A_308 = tpu.memref_slice %arg4[%dma_wait3A_307] : memref<320000xi32, #tpu.memory_space<hbm>> -> memref<40xi32, #tpu.memory_space<hbm>>
    %dma_wait3A_309 = arith.constant 0 : i32
    %dma_wait3A_310 = tpu.memref_slice %arg4[%dma_wait3A_309] : memref<320000xi32, #tpu.memory_space<hbm>> -> memref<40xi32, #tpu.memory_space<hbm>>
    tpu.wait_dma2 semaphore(%arg20 : memref<!tpu.dma_semaphore, #tpu.memory_space<semaphore_mem>>) src(%dma_wait3A_310 : memref<40xi32, #tpu.memory_space<hbm>>) dst(%arg9 : memref<40xi32, #tpu.memory_space<vmem>>)
    %dma_start3A_311 = arith.constant 0 : i32
    %dma_start3A_312 = arith.constant 0 : i32
    %dma_start3A_313 = tpu.memref_slice %arg17[%dma_start3A_311, %dma_start3A_312] : memref<10240x128xf32, #tpu.memory_space<vmem_shared>> -> memref<10240x128xf32, #tpu.memory_space<vmem_shared>>
    tpu.enqueue_indirect_dma source(%arg15 : memref<40x128xf32, #tpu.memory_space<vmem>>) target(%dma_start3A_313 : memref<10240x128xf32, #tpu.memory_space<vmem_shared>>) offsets(%arg9 : memref<40xi32, #tpu.memory_space<vmem>>) semaphore(%arg26 : memref<!tpu.dma_semaphore, #tpu.memory_space<semaphore_mem>>) {add = true}
    %mul3A_314 = arith.constant 10000 : i32
    %mul3A_315 = arith.muli %add3A, %mul3A_314 : i32
    %add3A_316 = arith.constant 80 : i32
    %add3A_317 = arith.addi %mul3A_315, %add3A_316 : i32
    %multiple_of3A_318 = tpu.assume_multiple %add3A_317, 8 : i32
    %dma_start3A_319 = arith.constant 0 : i32
    %dma_start3A_320 = tpu.memref_slice %arg3[%multiple_of3A_318, %dma_start3A_319] : memref<320000x128xf32, #tpu.memory_space<hbm>> -> memref<40x128xf32, #tpu.memory_space<hbm>>
    %dma_start3A_321 = arith.constant 0 : i32
    %dma_start3A_322 = tpu.memref_slice %arg3[%multiple_of3A_318, %dma_start3A_321] : memref<320000x128xf32, #tpu.memory_space<hbm>> -> memref<40x128xf32, #tpu.memory_space<hbm>>
    tpu.enqueue_dma source(%dma_start3A_322 : memref<40x128xf32, #tpu.memory_space<hbm>>) target(%arg11 : memref<40x128xf32, #tpu.memory_space<vmem>>) target_semaphore(%arg22 : memref<!tpu.dma_semaphore, #tpu.memory_space<semaphore_mem>>)
    %dma_wait3A_323 = arith.constant 0 : i32
    %dma_wait3A_324 = tpu.memref_slice %arg4[%dma_wait3A_323] : memref<320000xi32, #tpu.memory_space<hbm>> -> memref<40xi32, #tpu.memory_space<hbm>>
    %dma_wait3A_325 = arith.constant 0 : i32
    %dma_wait3A_326 = tpu.memref_slice %arg4[%dma_wait3A_325] : memref<320000xi32, #tpu.memory_space<hbm>> -> memref<40xi32, #tpu.memory_space<hbm>>
    tpu.wait_dma2 semaphore(%arg18 : memref<!tpu.dma_semaphore, #tpu.memory_space<semaphore_mem>>) src(%dma_wait3A_326 : memref<40xi32, #tpu.memory_space<hbm>>) dst(%arg7 : memref<40xi32, #tpu.memory_space<vmem>>)
    %dma_start3A_327 = arith.constant 0 : i32
    %dma_start3A_328 = arith.constant 0 : i32
    %dma_start3A_329 = tpu.memref_slice %arg2[%dma_start3A_327, %dma_start3A_328] : memref<10000x128xf32, #tpu.memory_space<hbm>> -> memref<10000x128xf32, #tpu.memory_space<hbm>>
    tpu.enqueue_indirect_dma source(%dma_start3A_329 : memref<10000x128xf32, #tpu.memory_space<hbm>>) target(%arg13 : memref<40x128xf32, #tpu.memory_space<vmem>>) offsets(%arg7 : memref<40xi32, #tpu.memory_space<vmem>>) semaphore(%arg24 : memref<!tpu.dma_semaphore, #tpu.memory_space<semaphore_mem>>)
    %dma_wait3A_330 = arith.constant 0 : i32
    %dma_wait3A_331 = arith.constant 0 : i32
    %dma_wait3A_332 = tpu.memref_slice %arg3[%dma_wait3A_330, %dma_wait3A_331] : memref<320000x128xf32, #tpu.memory_space<hbm>> -> memref<40x128xf32, #tpu.memory_space<hbm>>
    %dma_wait3A_333 = arith.constant 0 : i32
    %dma_wait3A_334 = arith.constant 0 : i32
    %dma_wait3A_335 = tpu.memref_slice %arg3[%dma_wait3A_333, %dma_wait3A_334] : memref<320000x128xf32, #tpu.memory_space<hbm>> -> memref<40x128xf32, #tpu.memory_space<hbm>>
    tpu.wait_dma2 semaphore(%arg23 : memref<!tpu.dma_semaphore, #tpu.memory_space<semaphore_mem>>) src(%dma_wait3A_335 : memref<40x128xf32, #tpu.memory_space<hbm>>) dst(%arg12 : memref<40x128xf32, #tpu.memory_space<vmem>>)
    %dma_wait3A_336 = arith.constant 0 : i32
    %dma_wait3A_337 = arith.constant 0 : i32
    %dma_wait3A_338 = tpu.memref_slice %arg2[%dma_wait3A_336, %dma_wait3A_337] : memref<10000x128xf32, #tpu.memory_space<hbm>> -> memref<40x128xf32, #tpu.memory_space<hbm>>
    %dma_wait3A_339 = arith.constant 0 : i32
    %dma_wait3A_340 = arith.constant 0 : i32
    %dma_wait3A_341 = tpu.memref_slice %arg2[%dma_wait3A_339, %dma_wait3A_340] : memref<10000x128xf32, #tpu.memory_space<hbm>> -> memref<40x128xf32, #tpu.memory_space<hbm>>
    tpu.wait_dma2 semaphore(%arg25 : memref<!tpu.dma_semaphore, #tpu.memory_space<semaphore_mem>>) src(%dma_wait3A_341 : memref<40x128xf32, #tpu.memory_space<hbm>>) dst(%arg14 : memref<40x128xf32, #tpu.memory_space<vmem>>)
    %mul3A_342 = arith.constant 10000 : i32
    %mul3A_343 = arith.muli %add3A, %mul3A_342 : i32
    %add3A_344 = arith.constant 120 : i32
    %add3A_345 = arith.addi %mul3A_343, %add3A_344 : i32
    %multiple_of3A_346 = tpu.assume_multiple %add3A_345, 8 : i32
    %dma_start3A_347 = tpu.memref_slice %arg4[%multiple_of3A_346] : memref<320000xi32, #tpu.memory_space<hbm>> -> memref<40xi32, #tpu.memory_space<hbm>>
    %dma_start3A_348 = tpu.memref_slice %arg4[%multiple_of3A_346] : memref<320000xi32, #tpu.memory_space<hbm>> -> memref<40xi32, #tpu.memory_space<hbm>>
    tpu.enqueue_dma source(%dma_start3A_348 : memref<40xi32, #tpu.memory_space<hbm>>) target(%arg8 : memref<40xi32, #tpu.memory_space<vmem>>) target_semaphore(%arg19 : memref<!tpu.dma_semaphore, #tpu.memory_space<semaphore_mem>>)
    %mul3A_349 = arith.constant 10000 : i32
    %mul3A_350 = arith.muli %add3A, %mul3A_349 : i32
    %add3A_351 = arith.constant 40 : i32
    %add3A_352 = arith.addi %mul3A_350, %add3A_351 : i32
    %multiple_of3A_353 = tpu.assume_multiple %add3A_352, 8 : i32
    %dma_start3A_354 = tpu.memref_slice %arg5[%multiple_of3A_353] : memref<320000xi32, #tpu.memory_space<hbm>> -> memref<40xi32, #tpu.memory_space<hbm>>
    %dma_start3A_355 = tpu.memref_slice %arg5[%multiple_of3A_353] : memref<320000xi32, #tpu.memory_space<hbm>> -> memref<40xi32, #tpu.memory_space<hbm>>
    tpu.enqueue_dma source(%dma_start3A_355 : memref<40xi32, #tpu.memory_space<hbm>>) target(%arg10 : memref<40xi32, #tpu.memory_space<vmem>>) target_semaphore(%arg21 : memref<!tpu.dma_semaphore, #tpu.memory_space<semaphore_mem>>)
    %scan3A_356 = arith.constant 0 : i32
    %scan3A_357 = arith.constant 0 : i32
    %scan3A_358 = arith.constant 40 : i32
    %scan3A_359 = arith.addi %scan3A_357, %scan3A_358 : i32
    %scan3A_360 = arith.constant 1 : i32
    %scan3A_361 = scf.for %scan3A_410 = %scan3A_357 to %scan3A_359 step %scan3A_360 iter_args(%scan3A_411 = %scan3A_356) -> (i32)  : i32 {
      %get3A = arith.index_cast %scan3A_410 : i32 to index
      %get3A_412 = arith.constant 0 : index
      %get3A_413 = tpu.vector_load %arg14[%get3A, %get3A_412] {strides = array<i32>} : memref<40x128xf32, #tpu.memory_space<vmem>>, vector<1x16xf32>,
      %get3A_414 = vector.shape_cast %get3A_413 : vector<1x16xf32> to vector<16xf32>
      %get3A_415 = arith.index_cast %scan3A_410 : i32 to index
      %get3A_416 = arith.constant 0 : index
      %get3A_417 = tpu.vector_load %arg12[%get3A_415, %get3A_416] {strides = array<i32>} : memref<40x128xf32, #tpu.memory_space<vmem>>, vector<1x16xf32>,
      %get3A_418 = vector.shape_cast %get3A_417 : vector<1x16xf32> to vector<16xf32>
      %add3A_419 = arith.addf %get3A_414, %get3A_418 : vector<16xf32>
      %max3A = arith.constant 0.000000e+00 : f32
      %max3A_420 = vector.broadcast %max3A : f32 to vector<16xf32>
      %max3A_421 = arith.maximumf %add3A_419, %max3A_420 : vector<16xf32>
      %swap3A = arith.index_cast %scan3A_410 : i32 to index
      %swap3A_422 = arith.constant 0 : index
      %swap3A_423 = tpu.vector_load %arg16[%swap3A, %swap3A_422] {strides = array<i32>} : memref<40x128xf32, #tpu.memory_space<vmem>>, vector<1x16xf32>,
      %swap3A_424 = vector.shape_cast %swap3A_423 : vector<1x16xf32> to vector<16xf32>
      %swap3A_425 = vector.shape_cast %max3A_421 : vector<16xf32> to vector<1x16xf32>
      tpu.vector_store %arg16[%swap3A, %swap3A_422], %swap3A_425 {strides = array<i32>} : memref<40x128xf32, #tpu.memory_space<vmem>>, vector<1x16xf32>,
      %get3A_426 = arith.index_cast %scan3A_410 : i32 to index
      %get3A_427 = arith.constant 16 : index
      %get3A_428 = tpu.vector_load %arg14[%get3A_426, %get3A_427] {strides = array<i32>} : memref<40x128xf32, #tpu.memory_space<vmem>>, vector<1x16xf32>,
      %get3A_429 = vector.shape_cast %get3A_428 : vector<1x16xf32> to vector<16xf32>
      %get3A_430 = arith.index_cast %scan3A_410 : i32 to index
      %get3A_431 = arith.constant 16 : index
      %get3A_432 = tpu.vector_load %arg12[%get3A_430, %get3A_431] {strides = array<i32>} : memref<40x128xf32, #tpu.memory_space<vmem>>, vector<1x16xf32>,
      %get3A_433 = vector.shape_cast %get3A_432 : vector<1x16xf32> to vector<16xf32>
      %add3A_434 = arith.addf %get3A_429, %get3A_433 : vector<16xf32>
      %max3A_435 = arith.constant 0.000000e+00 : f32
      %max3A_436 = vector.broadcast %max3A_435 : f32 to vector<16xf32>
      %max3A_437 = arith.maximumf %add3A_434, %max3A_436 : vector<16xf32>
      %swap3A_438 = arith.index_cast %scan3A_410 : i32 to index
      %swap3A_439 = arith.constant 16 : index
      %swap3A_440 = tpu.vector_load %arg16[%swap3A_438, %swap3A_439] {strides = array<i32>} : memref<40x128xf32, #tpu.memory_space<vmem>>, vector<1x16xf32>,
      %swap3A_441 = vector.shape_cast %swap3A_440 : vector<1x16xf32> to vector<16xf32>
      %swap3A_442 = vector.shape_cast %max3A_437 : vector<16xf32> to vector<1x16xf32>
      tpu.vector_store %arg16[%swap3A_438, %swap3A_439], %swap3A_442 {strides = array<i32>} : memref<40x128xf32, #tpu.memory_space<vmem>>, vector<1x16xf32>,
      %get3A_443 = arith.index_cast %scan3A_410 : i32 to index
      %get3A_444 = arith.constant 32 : index
      %get3A_445 = tpu.vector_load %arg14[%get3A_443, %get3A_444] {strides = array<i32>} : memref<40x128xf32, #tpu.memory_space<vmem>>, vector<1x16xf32>,
      %get3A_446 = vector.shape_cast %get3A_445 : vector<1x16xf32> to vector<16xf32>
      %get3A_447 = arith.index_cast %scan3A_410 : i32 to index
      %get3A_448 = arith.constant 32 : index
      %get3A_449 = tpu.vector_load %arg12[%get3A_447, %get3A_448] {strides = array<i32>} : memref<40x128xf32, #tpu.memory_space<vmem>>, vector<1x16xf32>,
      %get3A_450 = vector.shape_cast %get3A_449 : vector<1x16xf32> to vector<16xf32>
      %add3A_451 = arith.addf %get3A_446, %get3A_450 : vector<16xf32>
      %max3A_452 = arith.constant 0.000000e+00 : f32
      %max3A_453 = vector.broadcast %max3A_452 : f32 to vector<16xf32>
      %max3A_454 = arith.maximumf %add3A_451, %max3A_453 : vector<16xf32>
      %swap3A_455 = arith.index_cast %scan3A_410 : i32 to index
      %swap3A_456 = arith.constant 32 : index
      %swap3A_457 = tpu.vector_load %arg16[%swap3A_455, %swap3A_456] {strides = array<i32>} : memref<40x128xf32, #tpu.memory_space<vmem>>, vector<1x16xf32>,
      %swap3A_458 = vector.shape_cast %swap3A_457 : vector<1x16xf32> to vector<16xf32>
      %swap3A_459 = vector.shape_cast %max3A_454 : vector<16xf32> to vector<1x16xf32>
      tpu.vector_store %arg16[%swap3A_455, %swap3A_456], %swap3A_459 {strides = array<i32>} : memref<40x128xf32, #tpu.memory_space<vmem>>, vector<1x16xf32>,
      %get3A_460 = arith.index_cast %scan3A_410 : i32 to index
      %get3A_461 = arith.constant 48 : index
      %get3A_462 = tpu.vector_load %arg14[%get3A_460, %get3A_461] {strides = array<i32>} : memref<40x128xf32, #tpu.memory_space<vmem>>, vector<1x16xf32>,
      %get3A_463 = vector.shape_cast %get3A_462 : vector<1x16xf32> to vector<16xf32>
      %get3A_464 = arith.index_cast %scan3A_410 : i32 to index
      %get3A_465 = arith.constant 48 : index
      %get3A_466 = tpu.vector_load %arg12[%get3A_464, %get3A_465] {strides = array<i32>} : memref<40x128xf32, #tpu.memory_space<vmem>>, vector<1x16xf32>,
      %get3A_467 = vector.shape_cast %get3A_466 : vector<1x16xf32> to vector<16xf32>
      %add3A_468 = arith.addf %get3A_463, %get3A_467 : vector<16xf32>
      %max3A_469 = arith.constant 0.000000e+00 : f32
      %max3A_470 = vector.broadcast %max3A_469 : f32 to vector<16xf32>
      %max3A_471 = arith.maximumf %add3A_468, %max3A_470 : vector<16xf32>
      %swap3A_472 = arith.index_cast %scan3A_410 : i32 to index
      %swap3A_473 = arith.constant 48 : index
      %swap3A_474 = tpu.vector_load %arg16[%swap3A_472, %swap3A_473] {strides = array<i32>} : memref<40x128xf32, #tpu.memory_space<vmem>>, vector<1x16xf32>,
      %swap3A_475 = vector.shape_cast %swap3A_474 : vector<1x16xf32> to vector<16xf32>
      %swap3A_476 = vector.shape_cast %max3A_471 : vector<16xf32> to vector<1x16xf32>
      tpu.vector_store %arg16[%swap3A_472, %swap3A_473], %swap3A_476 {strides = array<i32>} : memref<40x128xf32, #tpu.memory_space<vmem>>, vector<1x16xf32>,
      %get3A_477 = arith.index_cast %scan3A_410 : i32 to index
      %get3A_478 = arith.constant 64 : index
      %get3A_479 = tpu.vector_load %arg14[%get3A_477, %get3A_478] {strides = array<i32>} : memref<40x128xf32, #tpu.memory_space<vmem>>, vector<1x16xf32>,
      %get3A_480 = vector.shape_cast %get3A_479 : vector<1x16xf32> to vector<16xf32>
      %get3A_481 = arith.index_cast %scan3A_410 : i32 to index
      %get3A_482 = arith.constant 64 : index
      %get3A_483 = tpu.vector_load %arg12[%get3A_481, %get3A_482] {strides = array<i32>} : memref<40x128xf32, #tpu.memory_space<vmem>>, vector<1x16xf32>,
      %get3A_484 = vector.shape_cast %get3A_483 : vector<1x16xf32> to vector<16xf32>
      %add3A_485 = arith.addf %get3A_480, %get3A_484 : vector<16xf32>
      %max3A_486 = arith.constant 0.000000e+00 : f32
      %max3A_487 = vector.broadcast %max3A_486 : f32 to vector<16xf32>
      %max3A_488 = arith.maximumf %add3A_485, %max3A_487 : vector<16xf32>
      %swap3A_489 = arith.index_cast %scan3A_410 : i32 to index
      %swap3A_490 = arith.constant 64 : index
      %swap3A_491 = tpu.vector_load %arg16[%swap3A_489, %swap3A_490] {strides = array<i32>} : memref<40x128xf32, #tpu.memory_space<vmem>>, vector<1x16xf32>,
      %swap3A_492 = vector.shape_cast %swap3A_491 : vector<1x16xf32> to vector<16xf32>
      %swap3A_493 = vector.shape_cast %max3A_488 : vector<16xf32> to vector<1x16xf32>
      tpu.vector_store %arg16[%swap3A_489, %swap3A_490], %swap3A_493 {strides = array<i32>} : memref<40x128xf32, #tpu.memory_space<vmem>>, vector<1x16xf32>,
      %get3A_494 = arith.index_cast %scan3A_410 : i32 to index
      %get3A_495 = arith.constant 80 : index
      %get3A_496 = tpu.vector_load %arg14[%get3A_494, %get3A_495] {strides = array<i32>} : memref<40x128xf32, #tpu.memory_space<vmem>>, vector<1x16xf32>,
      %get3A_497 = vector.shape_cast %get3A_496 : vector<1x16xf32> to vector<16xf32>
      %get3A_498 = arith.index_cast %scan3A_410 : i32 to index
      %get3A_499 = arith.constant 80 : index
      %get3A_500 = tpu.vector_load %arg12[%get3A_498, %get3A_499] {strides = array<i32>} : memref<40x128xf32, #tpu.memory_space<vmem>>, vector<1x16xf32>,
      %get3A_501 = vector.shape_cast %get3A_500 : vector<1x16xf32> to vector<16xf32>
      %add3A_502 = arith.addf %get3A_497, %get3A_501 : vector<16xf32>
      %max3A_503 = arith.constant 0.000000e+00 : f32
      %max3A_504 = vector.broadcast %max3A_503 : f32 to vector<16xf32>
      %max3A_505 = arith.maximumf %add3A_502, %max3A_504 : vector<16xf32>
      %swap3A_506 = arith.index_cast %scan3A_410 : i32 to index
      %swap3A_507 = arith.constant 80 : index
      %swap3A_508 = tpu.vector_load %arg16[%swap3A_506, %swap3A_507] {strides = array<i32>} : memref<40x128xf32, #tpu.memory_space<vmem>>, vector<1x16xf32>,
      %swap3A_509 = vector.shape_cast %swap3A_508 : vector<1x16xf32> to vector<16xf32>
      %swap3A_510 = vector.shape_cast %max3A_505 : vector<16xf32> to vector<1x16xf32>
      tpu.vector_store %arg16[%swap3A_506, %swap3A_507], %swap3A_510 {strides = array<i32>} : memref<40x128xf32, #tpu.memory_space<vmem>>, vector<1x16xf32>,
      %get3A_511 = arith.index_cast %scan3A_410 : i32 to index
      %get3A_512 = arith.constant 96 : index
      %get3A_513 = tpu.vector_load %arg14[%get3A_511, %get3A_512] {strides = array<i32>} : memref<40x128xf32, #tpu.memory_space<vmem>>, vector<1x16xf32>,
      %get3A_514 = vector.shape_cast %get3A_513 : vector<1x16xf32> to vector<16xf32>
      %get3A_515 = arith.index_cast %scan3A_410 : i32 to index
      %get3A_516 = arith.constant 96 : index
      %get3A_517 = tpu.vector_load %arg12[%get3A_515, %get3A_516] {strides = array<i32>} : memref<40x128xf32, #tpu.memory_space<vmem>>, vector<1x16xf32>,
      %get3A_518 = vector.shape_cast %get3A_517 : vector<1x16xf32> to vector<16xf32>
      %add3A_519 = arith.addf %get3A_514, %get3A_518 : vector<16xf32>
      %max3A_520 = arith.constant 0.000000e+00 : f32
      %max3A_521 = vector.broadcast %max3A_520 : f32 to vector<16xf32>
      %max3A_522 = arith.maximumf %add3A_519, %max3A_521 : vector<16xf32>
      %swap3A_523 = arith.index_cast %scan3A_410 : i32 to index
      %swap3A_524 = arith.constant 96 : index
      %swap3A_525 = tpu.vector_load %arg16[%swap3A_523, %swap3A_524] {strides = array<i32>} : memref<40x128xf32, #tpu.memory_space<vmem>>, vector<1x16xf32>,
      %swap3A_526 = vector.shape_cast %swap3A_525 : vector<1x16xf32> to vector<16xf32>
      %swap3A_527 = vector.shape_cast %max3A_522 : vector<16xf32> to vector<1x16xf32>
      tpu.vector_store %arg16[%swap3A_523, %swap3A_524], %swap3A_527 {strides = array<i32>} : memref<40x128xf32, #tpu.memory_space<vmem>>, vector<1x16xf32>,
      %get3A_528 = arith.index_cast %scan3A_410 : i32 to index
      %get3A_529 = arith.constant 112 : index
      %get3A_530 = tpu.vector_load %arg14[%get3A_528, %get3A_529] {strides = array<i32>} : memref<40x128xf32, #tpu.memory_space<vmem>>, vector<1x16xf32>,
      %get3A_531 = vector.shape_cast %get3A_530 : vector<1x16xf32> to vector<16xf32>
      %get3A_532 = arith.index_cast %scan3A_410 : i32 to index
      %get3A_533 = arith.constant 112 : index
      %get3A_534 = tpu.vector_load %arg12[%get3A_532, %get3A_533] {strides = array<i32>} : memref<40x128xf32, #tpu.memory_space<vmem>>, vector<1x16xf32>,
      %get3A_535 = vector.shape_cast %get3A_534 : vector<1x16xf32> to vector<16xf32>
      %add3A_536 = arith.addf %get3A_531, %get3A_535 : vector<16xf32>
      %max3A_537 = arith.constant 0.000000e+00 : f32
      %max3A_538 = vector.broadcast %max3A_537 : f32 to vector<16xf32>
      %max3A_539 = arith.maximumf %add3A_536, %max3A_538 : vector<16xf32>
      %swap3A_540 = arith.index_cast %scan3A_410 : i32 to index
      %swap3A_541 = arith.constant 112 : index
      %swap3A_542 = tpu.vector_load %arg16[%swap3A_540, %swap3A_541] {strides = array<i32>} : memref<40x128xf32, #tpu.memory_space<vmem>>, vector<1x16xf32>,
      %swap3A_543 = vector.shape_cast %swap3A_542 : vector<1x16xf32> to vector<16xf32>
      %swap3A_544 = vector.shape_cast %max3A_539 : vector<16xf32> to vector<1x16xf32>
      tpu.vector_store %arg16[%swap3A_540, %swap3A_541], %swap3A_544 {strides = array<i32>} : memref<40x128xf32, #tpu.memory_space<vmem>>, vector<1x16xf32>,
      %scan3A_545 = arith.constant 0 : i32
      scf.yield %scan3A_545 : i32
    }
    %scan3A_362 = arith.constant 40 : i32
    %dma_wait3A_363 = arith.constant 0 : i32
    %dma_wait3A_364 = tpu.memref_slice %arg4[%dma_wait3A_363] : memref<320000xi32, #tpu.memory_space<hbm>> -> memref<40xi32, #tpu.memory_space<hbm>>
    %dma_wait3A_365 = arith.constant 0 : i32
    %dma_wait3A_366 = tpu.memref_slice %arg4[%dma_wait3A_365] : memref<320000xi32, #tpu.memory_space<hbm>> -> memref<40xi32, #tpu.memory_space<hbm>>
    tpu.wait_dma2 semaphore(%arg21 : memref<!tpu.dma_semaphore, #tpu.memory_space<semaphore_mem>>) src(%dma_wait3A_366 : memref<40xi32, #tpu.memory_space<hbm>>) dst(%arg10 : memref<40xi32, #tpu.memory_space<vmem>>)
    %dma_start3A_367 = arith.constant 0 : i32
    %dma_start3A_368 = arith.constant 0 : i32
    %dma_start3A_369 = tpu.memref_slice %arg17[%dma_start3A_367, %dma_start3A_368] : memref<10240x128xf32, #tpu.memory_space<vmem_shared>> -> memref<10240x128xf32, #tpu.memory_space<vmem_shared>>
    tpu.enqueue_indirect_dma source(%arg16 : memref<40x128xf32, #tpu.memory_space<vmem>>) target(%dma_start3A_369 : memref<10240x128xf32, #tpu.memory_space<vmem_shared>>) offsets(%arg10 : memref<40xi32, #tpu.memory_space<vmem>>) semaphore(%arg27 : memref<!tpu.dma_semaphore, #tpu.memory_space<semaphore_mem>>) {add = true}
    %mul3A_370 = arith.constant 10000 : i32
    %mul3A_371 = arith.muli %add3A, %mul3A_370 : i32
    %add3A_372 = arith.constant 120 : i32
    %add3A_373 = arith.addi %mul3A_371, %add3A_372 : i32
    %multiple_of3A_374 = tpu.assume_multiple %add3A_373, 8 : i32
    %dma_start3A_375 = arith.constant 0 : i32
    %dma_start3A_376 = tpu.memref_slice %arg3[%multiple_of3A_374, %dma_start3A_375] : memref<320000x128xf32, #tpu.memory_space<hbm>> -> memref<40x128xf32, #tpu.memory_space<hbm>>
    %dma_start3A_377 = arith.constant 0 : i32
    %dma_start3A_378 = tpu.memref_slice %arg3[%multiple_of3A_374, %dma_start3A_377] : memref<320000x128xf32, #tpu.memory_space<hbm>> -> memref<40x128xf32, #tpu.memory_space<hbm>>
    tpu.enqueue_dma source(%dma_start3A_378 : memref<40x128xf32, #tpu.memory_space<hbm>>) target(%arg12 : memref<40x128xf32, #tpu.memory_space<vmem>>) target_semaphore(%arg23 : memref<!tpu.dma_semaphore, #tpu.memory_space<semaphore_mem>>)
    %dma_wait3A_379 = arith.constant 0 : i32
    %dma_wait3A_380 = tpu.memref_slice %arg4[%dma_wait3A_379] : memref<320000xi32, #tpu.memory_space<hbm>> -> memref<40xi32, #tpu.memory_space<hbm>>
    %dma_wait3A_381 = arith.constant 0 : i32
    %dma_wait3A_382 = tpu.memref_slice %arg4[%dma_wait3A_381] : memref<320000xi32, #tpu.memory_space<hbm>> -> memref<40xi32, #tpu.memory_space<hbm>>
    tpu.wait_dma2 semaphore(%arg19 : memref<!tpu.dma_semaphore, #tpu.memory_space<semaphore_mem>>) src(%dma_wait3A_382 : memref<40xi32, #tpu.memory_space<hbm>>) dst(%arg8 : memref<40xi32, #tpu.memory_space<vmem>>)
    %dma_start3A_383 = arith.constant 0 : i32
    %dma_start3A_384 = arith.constant 0 : i32
    %dma_start3A_385 = tpu.memref_slice %arg2[%dma_start3A_383, %dma_start3A_384] : memref<10000x128xf32, #tpu.memory_space<hbm>> -> memref<10000x128xf32, #tpu.memory_space<hbm>>
    tpu.enqueue_indirect_dma source(%dma_start3A_385 : memref<10000x128xf32, #tpu.memory_space<hbm>>) target(%arg14 : memref<40x128xf32, #tpu.memory_space<vmem>>) offsets(%arg8 : memref<40xi32, #tpu.memory_space<vmem>>) semaphore(%arg25 : memref<!tpu.dma_semaphore, #tpu.memory_space<semaphore_mem>>)
    %scan3A_386 = arith.constant 0 : i32
    %scan3A_387 = arith.constant 0 : i32
    %scan3A_388 = arith.constant 124 : i32
    %scan3A_389 = arith.addi %scan3A_387, %scan3A_388 : i32
    %scan3A_390 = arith.constant 1 : i32
    %scan3A_391 = scf.for %scan3A_410 = %scan3A_387 to %scan3A_389 step %scan3A_390 iter_args(%scan3A_411 = %scan3A_386) -> (i32)  : i32 {
      %mul3A_412 = arith.constant 2 : i32
      %mul3A_413 = arith.muli %mul3A_412, %scan3A_410 : i32
      %add3A_414 = arith.constant 2 : i32
      %add3A_415 = arith.addi %mul3A_413, %add3A_414 : i32
      %dma_wait3A_416 = arith.constant 0 : i32
      %dma_wait3A_417 = arith.constant 0 : i32
      %dma_wait3A_418 = tpu.memref_slice %arg3[%dma_wait3A_416, %dma_wait3A_417] : memref<320000x128xf32, #tpu.memory_space<hbm>> -> memref<40x128xf32, #tpu.memory_space<hbm>>
      %dma_wait3A_419 = arith.constant 0 : i32
      %dma_wait3A_420 = arith.constant 0 : i32
      %dma_wait3A_421 = tpu.memref_slice %arg3[%dma_wait3A_419, %dma_wait3A_420] : memref<320000x128xf32, #tpu.memory_space<hbm>> -> memref<40x128xf32, #tpu.memory_space<hbm>>
      tpu.wait_dma2 semaphore(%arg22 : memref<!tpu.dma_semaphore, #tpu.memory_space<semaphore_mem>>) src(%dma_wait3A_421 : memref<40x128xf32, #tpu.memory_space<hbm>>) dst(%arg11 : memref<40x128xf32, #tpu.memory_space<vmem>>)
      %dma_wait3A_422 = arith.constant 0 : i32
      %dma_wait3A_423 = arith.constant 0 : i32
      %dma_wait3A_424 = tpu.memref_slice %arg2[%dma_wait3A_422, %dma_wait3A_423] : memref<10000x128xf32, #tpu.memory_space<hbm>> -> memref<40x128xf32, #tpu.memory_space<hbm>>
      %dma_wait3A_425 = arith.constant 0 : i32
      %dma_wait3A_426 = arith.constant 0 : i32
      %dma_wait3A_427 = tpu.memref_slice %arg2[%dma_wait3A_425, %dma_wait3A_426] : memref<10000x128xf32, #tpu.memory_space<hbm>> -> memref<40x128xf32, #tpu.memory_space<hbm>>
      tpu.wait_dma2 semaphore(%arg24 : memref<!tpu.dma_semaphore, #tpu.memory_space<semaphore_mem>>) src(%dma_wait3A_427 : memref<40x128xf32, #tpu.memory_space<hbm>>) dst(%arg13 : memref<40x128xf32, #tpu.memory_space<vmem>>)
      %add3A_428 = arith.constant 2 : i32
      %add3A_429 = arith.addi %add3A_415, %add3A_428 : i32
      %lt3A = arith.constant 250 : i32
      %lt3A_430 = arith.cmpi slt, %add3A_429, %lt3A : i32
      %convert_element_type3A = arith.extui %lt3A_430 : i1 to i32
      %cond3A = arith.constant 0 : i32
      %cond3A_431 = arith.cmpi ne, %convert_element_type3A, %cond3A : i32
      scf.if %cond3A_431 {
        %add3A_540 = arith.constant 2 : i32
        %add3A_541 = arith.addi %add3A_415, %add3A_540 : i32
        %mul3A_542 = arith.constant 10000 : i32
        %mul3A_543 = arith.muli %add3A, %mul3A_542 : i32
        %mul3A_544 = arith.constant 40 : i32
        %mul3A_545 = arith.muli %add3A_541, %mul3A_544 : i32
        %add3A_546 = arith.addi %mul3A_543, %mul3A_545 : i32
        %multiple_of3A_547 = tpu.assume_multiple %add3A_546, 8 : i32
        %dma_start3A_548 = tpu.memref_slice %arg4[%multiple_of3A_547] : memref<320000xi32, #tpu.memory_space<hbm>> -> memref<40xi32, #tpu.memory_space<hbm>>
        %dma_start3A_549 = tpu.memref_slice %arg4[%multiple_of3A_547] : memref<320000xi32, #tpu.memory_space<hbm>> -> memref<40xi32, #tpu.memory_space<hbm>>
        tpu.enqueue_dma source(%dma_start3A_549 : memref<40xi32, #tpu.memory_space<hbm>>) target(%arg7 : memref<40xi32, #tpu.memory_space<vmem>>) target_semaphore(%arg18 : memref<!tpu.dma_semaphore, #tpu.memory_space<semaphore_mem>>)
      } else {
      }
      %dma_wait3A_432 = arith.constant 0 : i32
      %dma_wait3A_433 = arith.constant 0 : i32
      %dma_wait3A_434 = tpu.memref_slice %arg17[%dma_wait3A_432, %dma_wait3A_433] : memref<10240x128xf32, #tpu.memory_space<vmem_shared>> -> memref<40x128xf32, #tpu.memory_space<vmem_shared>>
      %dma_wait3A_435 = arith.constant 0 : i32
      %dma_wait3A_436 = arith.constant 0 : i32
      %dma_wait3A_437 = tpu.memref_slice %arg17[%dma_wait3A_435, %dma_wait3A_436] : memref<10240x128xf32, #tpu.memory_space<vmem_shared>> -> memref<40x128xf32, #tpu.memory_space<vmem_shared>>
      tpu.wait_dma2 semaphore(%arg26 : memref<!tpu.dma_semaphore, #tpu.memory_space<semaphore_mem>>) src(%arg15 : memref<40x128xf32, #tpu.memory_space<vmem>>) dst(%dma_wait3A_437 : memref<40x128xf32, #tpu.memory_space<vmem_shared>>)
      %mul3A_438 = arith.constant 10000 : i32
      %mul3A_439 = arith.muli %add3A, %mul3A_438 : i32
      %mul3A_440 = arith.constant 40 : i32
      %mul3A_441 = arith.muli %add3A_415, %mul3A_440 : i32
      %add3A_442 = arith.addi %mul3A_439, %mul3A_441 : i32
      %multiple_of3A_443 = tpu.assume_multiple %add3A_442, 8 : i32
      %dma_start3A_444 = tpu.memref_slice %arg5[%multiple_of3A_443] : memref<320000xi32, #tpu.memory_space<hbm>> -> memref<40xi32, #tpu.memory_space<hbm>>
      %dma_start3A_445 = tpu.memref_slice %arg5[%multiple_of3A_443] : memref<320000xi32, #tpu.memory_space<hbm>> -> memref<40xi32, #tpu.memory_space<hbm>>
      tpu.enqueue_dma source(%dma_start3A_445 : memref<40xi32, #tpu.memory_space<hbm>>) target(%arg9 : memref<40xi32, #tpu.memory_space<vmem>>) target_semaphore(%arg20 : memref<!tpu.dma_semaphore, #tpu.memory_space<semaphore_mem>>)
      %scan3A_446 = arith.constant 0 : i32
      %scan3A_447 = arith.constant 0 : i32
      %scan3A_448 = arith.constant 40 : i32
      %scan3A_449 = arith.addi %scan3A_447, %scan3A_448 : i32
      %scan3A_450 = arith.constant 1 : i32
      %scan3A_451 = scf.for %scan3A_540 = %scan3A_447 to %scan3A_449 step %scan3A_450 iter_args(%scan3A_541 = %scan3A_446) -> (i32)  : i32 {
        %get3A = arith.index_cast %scan3A_540 : i32 to index
        %get3A_542 = arith.constant 0 : index
        %get3A_543 = tpu.vector_load %arg13[%get3A, %get3A_542] {strides = array<i32>} : memref<40x128xf32, #tpu.memory_space<vmem>>, vector<1x16xf32>,
        %get3A_544 = vector.shape_cast %get3A_543 : vector<1x16xf32> to vector<16xf32>
        %get3A_545 = arith.index_cast %scan3A_540 : i32 to index
        %get3A_546 = arith.constant 0 : index
        %get3A_547 = tpu.vector_load %arg11[%get3A_545, %get3A_546] {strides = array<i32>} : memref<40x128xf32, #tpu.memory_space<vmem>>, vector<1x16xf32>,
        %get3A_548 = vector.shape_cast %get3A_547 : vector<1x16xf32> to vector<16xf32>
        %add3A_549 = arith.addf %get3A_544, %get3A_548 : vector<16xf32>
        %max3A = arith.constant 0.000000e+00 : f32
        %max3A_550 = vector.broadcast %max3A : f32 to vector<16xf32>
        %max3A_551 = arith.maximumf %add3A_549, %max3A_550 : vector<16xf32>
        %swap3A = arith.index_cast %scan3A_540 : i32 to index
        %swap3A_552 = arith.constant 0 : index
        %swap3A_553 = tpu.vector_load %arg15[%swap3A, %swap3A_552] {strides = array<i32>} : memref<40x128xf32, #tpu.memory_space<vmem>>, vector<1x16xf32>,
        %swap3A_554 = vector.shape_cast %swap3A_553 : vector<1x16xf32> to vector<16xf32>
        %swap3A_555 = vector.shape_cast %max3A_551 : vector<16xf32> to vector<1x16xf32>
        tpu.vector_store %arg15[%swap3A, %swap3A_552], %swap3A_555 {strides = array<i32>} : memref<40x128xf32, #tpu.memory_space<vmem>>, vector<1x16xf32>,
        %get3A_556 = arith.index_cast %scan3A_540 : i32 to index
        %get3A_557 = arith.constant 16 : index
        %get3A_558 = tpu.vector_load %arg13[%get3A_556, %get3A_557] {strides = array<i32>} : memref<40x128xf32, #tpu.memory_space<vmem>>, vector<1x16xf32>,
        %get3A_559 = vector.shape_cast %get3A_558 : vector<1x16xf32> to vector<16xf32>
        %get3A_560 = arith.index_cast %scan3A_540 : i32 to index
        %get3A_561 = arith.constant 16 : index
        %get3A_562 = tpu.vector_load %arg11[%get3A_560, %get3A_561] {strides = array<i32>} : memref<40x128xf32, #tpu.memory_space<vmem>>, vector<1x16xf32>,
        %get3A_563 = vector.shape_cast %get3A_562 : vector<1x16xf32> to vector<16xf32>
        %add3A_564 = arith.addf %get3A_559, %get3A_563 : vector<16xf32>
        %max3A_565 = arith.constant 0.000000e+00 : f32
        %max3A_566 = vector.broadcast %max3A_565 : f32 to vector<16xf32>
        %max3A_567 = arith.maximumf %add3A_564, %max3A_566 : vector<16xf32>
        %swap3A_568 = arith.index_cast %scan3A_540 : i32 to index
        %swap3A_569 = arith.constant 16 : index
        %swap3A_570 = tpu.vector_load %arg15[%swap3A_568, %swap3A_569] {strides = array<i32>} : memref<40x128xf32, #tpu.memory_space<vmem>>, vector<1x16xf32>,
        %swap3A_571 = vector.shape_cast %swap3A_570 : vector<1x16xf32> to vector<16xf32>
        %swap3A_572 = vector.shape_cast %max3A_567 : vector<16xf32> to vector<1x16xf32>
        tpu.vector_store %arg15[%swap3A_568, %swap3A_569], %swap3A_572 {strides = array<i32>} : memref<40x128xf32, #tpu.memory_space<vmem>>, vector<1x16xf32>,
        %get3A_573 = arith.index_cast %scan3A_540 : i32 to index
        %get3A_574 = arith.constant 32 : index
        %get3A_575 = tpu.vector_load %arg13[%get3A_573, %get3A_574] {strides = array<i32>} : memref<40x128xf32, #tpu.memory_space<vmem>>, vector<1x16xf32>,
        %get3A_576 = vector.shape_cast %get3A_575 : vector<1x16xf32> to vector<16xf32>
        %get3A_577 = arith.index_cast %scan3A_540 : i32 to index
        %get3A_578 = arith.constant 32 : index
        %get3A_579 = tpu.vector_load %arg11[%get3A_577, %get3A_578] {strides = array<i32>} : memref<40x128xf32, #tpu.memory_space<vmem>>, vector<1x16xf32>,
        %get3A_580 = vector.shape_cast %get3A_579 : vector<1x16xf32> to vector<16xf32>
        %add3A_581 = arith.addf %get3A_576, %get3A_580 : vector<16xf32>
        %max3A_582 = arith.constant 0.000000e+00 : f32
        %max3A_583 = vector.broadcast %max3A_582 : f32 to vector<16xf32>
        %max3A_584 = arith.maximumf %add3A_581, %max3A_583 : vector<16xf32>
        %swap3A_585 = arith.index_cast %scan3A_540 : i32 to index
        %swap3A_586 = arith.constant 32 : index
        %swap3A_587 = tpu.vector_load %arg15[%swap3A_585, %swap3A_586] {strides = array<i32>} : memref<40x128xf32, #tpu.memory_space<vmem>>, vector<1x16xf32>,
        %swap3A_588 = vector.shape_cast %swap3A_587 : vector<1x16xf32> to vector<16xf32>
        %swap3A_589 = vector.shape_cast %max3A_584 : vector<16xf32> to vector<1x16xf32>
        tpu.vector_store %arg15[%swap3A_585, %swap3A_586], %swap3A_589 {strides = array<i32>} : memref<40x128xf32, #tpu.memory_space<vmem>>, vector<1x16xf32>,
        %get3A_590 = arith.index_cast %scan3A_540 : i32 to index
        %get3A_591 = arith.constant 48 : index
        %get3A_592 = tpu.vector_load %arg13[%get3A_590, %get3A_591] {strides = array<i32>} : memref<40x128xf32, #tpu.memory_space<vmem>>, vector<1x16xf32>,
        %get3A_593 = vector.shape_cast %get3A_592 : vector<1x16xf32> to vector<16xf32>
        %get3A_594 = arith.index_cast %scan3A_540 : i32 to index
        %get3A_595 = arith.constant 48 : index
        %get3A_596 = tpu.vector_load %arg11[%get3A_594, %get3A_595] {strides = array<i32>} : memref<40x128xf32, #tpu.memory_space<vmem>>, vector<1x16xf32>,
        %get3A_597 = vector.shape_cast %get3A_596 : vector<1x16xf32> to vector<16xf32>
        %add3A_598 = arith.addf %get3A_593, %get3A_597 : vector<16xf32>
        %max3A_599 = arith.constant 0.000000e+00 : f32
        %max3A_600 = vector.broadcast %max3A_599 : f32 to vector<16xf32>
        %max3A_601 = arith.maximumf %add3A_598, %max3A_600 : vector<16xf32>
        %swap3A_602 = arith.index_cast %scan3A_540 : i32 to index
        %swap3A_603 = arith.constant 48 : index
        %swap3A_604 = tpu.vector_load %arg15[%swap3A_602, %swap3A_603] {strides = array<i32>} : memref<40x128xf32, #tpu.memory_space<vmem>>, vector<1x16xf32>,
        %swap3A_605 = vector.shape_cast %swap3A_604 : vector<1x16xf32> to vector<16xf32>
        %swap3A_606 = vector.shape_cast %max3A_601 : vector<16xf32> to vector<1x16xf32>
        tpu.vector_store %arg15[%swap3A_602, %swap3A_603], %swap3A_606 {strides = array<i32>} : memref<40x128xf32, #tpu.memory_space<vmem>>, vector<1x16xf32>,
        %get3A_607 = arith.index_cast %scan3A_540 : i32 to index
        %get3A_608 = arith.constant 64 : index
        %get3A_609 = tpu.vector_load %arg13[%get3A_607, %get3A_608] {strides = array<i32>} : memref<40x128xf32, #tpu.memory_space<vmem>>, vector<1x16xf32>,
        %get3A_610 = vector.shape_cast %get3A_609 : vector<1x16xf32> to vector<16xf32>
        %get3A_611 = arith.index_cast %scan3A_540 : i32 to index
        %get3A_612 = arith.constant 64 : index
        %get3A_613 = tpu.vector_load %arg11[%get3A_611, %get3A_612] {strides = array<i32>} : memref<40x128xf32, #tpu.memory_space<vmem>>, vector<1x16xf32>,
        %get3A_614 = vector.shape_cast %get3A_613 : vector<1x16xf32> to vector<16xf32>
        %add3A_615 = arith.addf %get3A_610, %get3A_614 : vector<16xf32>
        %max3A_616 = arith.constant 0.000000e+00 : f32
        %max3A_617 = vector.broadcast %max3A_616 : f32 to vector<16xf32>
        %max3A_618 = arith.maximumf %add3A_615, %max3A_617 : vector<16xf32>
        %swap3A_619 = arith.index_cast %scan3A_540 : i32 to index
        %swap3A_620 = arith.constant 64 : index
        %swap3A_621 = tpu.vector_load %arg15[%swap3A_619, %swap3A_620] {strides = array<i32>} : memref<40x128xf32, #tpu.memory_space<vmem>>, vector<1x16xf32>,
        %swap3A_622 = vector.shape_cast %swap3A_621 : vector<1x16xf32> to vector<16xf32>
        %swap3A_623 = vector.shape_cast %max3A_618 : vector<16xf32> to vector<1x16xf32>
        tpu.vector_store %arg15[%swap3A_619, %swap3A_620], %swap3A_623 {strides = array<i32>} : memref<40x128xf32, #tpu.memory_space<vmem>>, vector<1x16xf32>,
        %get3A_624 = arith.index_cast %scan3A_540 : i32 to index
        %get3A_625 = arith.constant 80 : index
        %get3A_626 = tpu.vector_load %arg13[%get3A_624, %get3A_625] {strides = array<i32>} : memref<40x128xf32, #tpu.memory_space<vmem>>, vector<1x16xf32>,
        %get3A_627 = vector.shape_cast %get3A_626 : vector<1x16xf32> to vector<16xf32>
        %get3A_628 = arith.index_cast %scan3A_540 : i32 to index
        %get3A_629 = arith.constant 80 : index
        %get3A_630 = tpu.vector_load %arg11[%get3A_628, %get3A_629] {strides = array<i32>} : memref<40x128xf32, #tpu.memory_space<vmem>>, vector<1x16xf32>,
        %get3A_631 = vector.shape_cast %get3A_630 : vector<1x16xf32> to vector<16xf32>
        %add3A_632 = arith.addf %get3A_627, %get3A_631 : vector<16xf32>
        %max3A_633 = arith.constant 0.000000e+00 : f32
        %max3A_634 = vector.broadcast %max3A_633 : f32 to vector<16xf32>
        %max3A_635 = arith.maximumf %add3A_632, %max3A_634 : vector<16xf32>
        %swap3A_636 = arith.index_cast %scan3A_540 : i32 to index
        %swap3A_637 = arith.constant 80 : index
        %swap3A_638 = tpu.vector_load %arg15[%swap3A_636, %swap3A_637] {strides = array<i32>} : memref<40x128xf32, #tpu.memory_space<vmem>>, vector<1x16xf32>,
        %swap3A_639 = vector.shape_cast %swap3A_638 : vector<1x16xf32> to vector<16xf32>
        %swap3A_640 = vector.shape_cast %max3A_635 : vector<16xf32> to vector<1x16xf32>
        tpu.vector_store %arg15[%swap3A_636, %swap3A_637], %swap3A_640 {strides = array<i32>} : memref<40x128xf32, #tpu.memory_space<vmem>>, vector<1x16xf32>,
        %get3A_641 = arith.index_cast %scan3A_540 : i32 to index
        %get3A_642 = arith.constant 96 : index
        %get3A_643 = tpu.vector_load %arg13[%get3A_641, %get3A_642] {strides = array<i32>} : memref<40x128xf32, #tpu.memory_space<vmem>>, vector<1x16xf32>,
        %get3A_644 = vector.shape_cast %get3A_643 : vector<1x16xf32> to vector<16xf32>
        %get3A_645 = arith.index_cast %scan3A_540 : i32 to index
        %get3A_646 = arith.constant 96 : index
        %get3A_647 = tpu.vector_load %arg11[%get3A_645, %get3A_646] {strides = array<i32>} : memref<40x128xf32, #tpu.memory_space<vmem>>, vector<1x16xf32>,
        %get3A_648 = vector.shape_cast %get3A_647 : vector<1x16xf32> to vector<16xf32>
        %add3A_649 = arith.addf %get3A_644, %get3A_648 : vector<16xf32>
        %max3A_650 = arith.constant 0.000000e+00 : f32
        %max3A_651 = vector.broadcast %max3A_650 : f32 to vector<16xf32>
        %max3A_652 = arith.maximumf %add3A_649, %max3A_651 : vector<16xf32>
        %swap3A_653 = arith.index_cast %scan3A_540 : i32 to index
        %swap3A_654 = arith.constant 96 : index
        %swap3A_655 = tpu.vector_load %arg15[%swap3A_653, %swap3A_654] {strides = array<i32>} : memref<40x128xf32, #tpu.memory_space<vmem>>, vector<1x16xf32>,
        %swap3A_656 = vector.shape_cast %swap3A_655 : vector<1x16xf32> to vector<16xf32>
        %swap3A_657 = vector.shape_cast %max3A_652 : vector<16xf32> to vector<1x16xf32>
        tpu.vector_store %arg15[%swap3A_653, %swap3A_654], %swap3A_657 {strides = array<i32>} : memref<40x128xf32, #tpu.memory_space<vmem>>, vector<1x16xf32>,
        %get3A_658 = arith.index_cast %scan3A_540 : i32 to index
        %get3A_659 = arith.constant 112 : index
        %get3A_660 = tpu.vector_load %arg13[%get3A_658, %get3A_659] {strides = array<i32>} : memref<40x128xf32, #tpu.memory_space<vmem>>, vector<1x16xf32>,
        %get3A_661 = vector.shape_cast %get3A_660 : vector<1x16xf32> to vector<16xf32>
        %get3A_662 = arith.index_cast %scan3A_540 : i32 to index
        %get3A_663 = arith.constant 112 : index
        %get3A_664 = tpu.vector_load %arg11[%get3A_662, %get3A_663] {strides = array<i32>} : memref<40x128xf32, #tpu.memory_space<vmem>>, vector<1x16xf32>,
        %get3A_665 = vector.shape_cast %get3A_664 : vector<1x16xf32> to vector<16xf32>
        %add3A_666 = arith.addf %get3A_661, %get3A_665 : vector<16xf32>
        %max3A_667 = arith.constant 0.000000e+00 : f32
        %max3A_668 = vector.broadcast %max3A_667 : f32 to vector<16xf32>
        %max3A_669 = arith.maximumf %add3A_666, %max3A_668 : vector<16xf32>
        %swap3A_670 = arith.index_cast %scan3A_540 : i32 to index
        %swap3A_671 = arith.constant 112 : index
        %swap3A_672 = tpu.vector_load %arg15[%swap3A_670, %swap3A_671] {strides = array<i32>} : memref<40x128xf32, #tpu.memory_space<vmem>>, vector<1x16xf32>,
        %swap3A_673 = vector.shape_cast %swap3A_672 : vector<1x16xf32> to vector<16xf32>
        %swap3A_674 = vector.shape_cast %max3A_669 : vector<16xf32> to vector<1x16xf32>
        tpu.vector_store %arg15[%swap3A_670, %swap3A_671], %swap3A_674 {strides = array<i32>} : memref<40x128xf32, #tpu.memory_space<vmem>>, vector<1x16xf32>,
        %scan3A_675 = arith.constant 0 : i32
        scf.yield %scan3A_675 : i32
      }
      %scan3A_452 = arith.constant 40 : i32
      %dma_wait3A_453 = arith.constant 0 : i32
      %dma_wait3A_454 = tpu.memref_slice %arg4[%dma_wait3A_453] : memref<320000xi32, #tpu.memory_space<hbm>> -> memref<40xi32, #tpu.memory_space<hbm>>
      %dma_wait3A_455 = arith.constant 0 : i32
      %dma_wait3A_456 = tpu.memref_slice %arg4[%dma_wait3A_455] : memref<320000xi32, #tpu.memory_space<hbm>> -> memref<40xi32, #tpu.memory_space<hbm>>
      tpu.wait_dma2 semaphore(%arg20 : memref<!tpu.dma_semaphore, #tpu.memory_space<semaphore_mem>>) src(%dma_wait3A_456 : memref<40xi32, #tpu.memory_space<hbm>>) dst(%arg9 : memref<40xi32, #tpu.memory_space<vmem>>)
      %dma_start3A_457 = arith.constant 0 : i32
      %dma_start3A_458 = arith.constant 0 : i32
      %dma_start3A_459 = tpu.memref_slice %arg17[%dma_start3A_457, %dma_start3A_458] : memref<10240x128xf32, #tpu.memory_space<vmem_shared>> -> memref<10240x128xf32, #tpu.memory_space<vmem_shared>>
      tpu.enqueue_indirect_dma source(%arg15 : memref<40x128xf32, #tpu.memory_space<vmem>>) target(%dma_start3A_459 : memref<10240x128xf32, #tpu.memory_space<vmem_shared>>) offsets(%arg9 : memref<40xi32, #tpu.memory_space<vmem>>) semaphore(%arg26 : memref<!tpu.dma_semaphore, #tpu.memory_space<semaphore_mem>>) {add = true}
      %add3A_460 = arith.constant 2 : i32
      %add3A_461 = arith.addi %add3A_415, %add3A_460 : i32
      %lt3A_462 = arith.constant 250 : i32
      %lt3A_463 = arith.cmpi slt, %add3A_461, %lt3A_462 : i32
      %convert_element_type3A_464 = arith.extui %lt3A_463 : i1 to i32
      %cond3A_465 = arith.constant 0 : i32
      %cond3A_466 = arith.cmpi ne, %convert_element_type3A_464, %cond3A_465 : i32
      scf.if %cond3A_466 {
        %add3A_540 = arith.constant 2 : i32
        %add3A_541 = arith.addi %add3A_415, %add3A_540 : i32
        %mul3A_542 = arith.constant 10000 : i32
        %mul3A_543 = arith.muli %add3A, %mul3A_542 : i32
        %mul3A_544 = arith.constant 40 : i32
        %mul3A_545 = arith.muli %add3A_541, %mul3A_544 : i32
        %add3A_546 = arith.addi %mul3A_543, %mul3A_545 : i32
        %multiple_of3A_547 = tpu.assume_multiple %add3A_546, 8 : i32
        %dma_start3A_548 = arith.constant 0 : i32
        %dma_start3A_549 = tpu.memref_slice %arg3[%multiple_of3A_547, %dma_start3A_548] : memref<320000x128xf32, #tpu.memory_space<hbm>> -> memref<40x128xf32, #tpu.memory_space<hbm>>
        %dma_start3A_550 = arith.constant 0 : i32
        %dma_start3A_551 = tpu.memref_slice %arg3[%multiple_of3A_547, %dma_start3A_550] : memref<320000x128xf32, #tpu.memory_space<hbm>> -> memref<40x128xf32, #tpu.memory_space<hbm>>
        tpu.enqueue_dma source(%dma_start3A_551 : memref<40x128xf32, #tpu.memory_space<hbm>>) target(%arg11 : memref<40x128xf32, #tpu.memory_space<vmem>>) target_semaphore(%arg22 : memref<!tpu.dma_semaphore, #tpu.memory_space<semaphore_mem>>)
      } else {
      }
      %add3A_467 = arith.constant 2 : i32
      %add3A_468 = arith.addi %add3A_415, %add3A_467 : i32
      %lt3A_469 = arith.constant 250 : i32
      %lt3A_470 = arith.cmpi slt, %add3A_468, %lt3A_469 : i32
      %convert_element_type3A_471 = arith.extui %lt3A_470 : i1 to i32
      %cond3A_472 = arith.constant 0 : i32
      %cond3A_473 = arith.cmpi ne, %convert_element_type3A_471, %cond3A_472 : i32
      scf.if %cond3A_473 {
        %dma_wait3A_540 = arith.constant 0 : i32
        %dma_wait3A_541 = tpu.memref_slice %arg4[%dma_wait3A_540] : memref<320000xi32, #tpu.memory_space<hbm>> -> memref<40xi32, #tpu.memory_space<hbm>>
        %dma_wait3A_542 = arith.constant 0 : i32
        %dma_wait3A_543 = tpu.memref_slice %arg4[%dma_wait3A_542] : memref<320000xi32, #tpu.memory_space<hbm>> -> memref<40xi32, #tpu.memory_space<hbm>>
        tpu.wait_dma2 semaphore(%arg18 : memref<!tpu.dma_semaphore, #tpu.memory_space<semaphore_mem>>) src(%dma_wait3A_543 : memref<40xi32, #tpu.memory_space<hbm>>) dst(%arg7 : memref<40xi32, #tpu.memory_space<vmem>>)
        %dma_start3A_544 = arith.constant 0 : i32
        %dma_start3A_545 = arith.constant 0 : i32
        %dma_start3A_546 = tpu.memref_slice %arg2[%dma_start3A_544, %dma_start3A_545] : memref<10000x128xf32, #tpu.memory_space<hbm>> -> memref<10000x128xf32, #tpu.memory_space<hbm>>
        tpu.enqueue_indirect_dma source(%dma_start3A_546 : memref<10000x128xf32, #tpu.memory_space<hbm>>) target(%arg13 : memref<40x128xf32, #tpu.memory_space<vmem>>) offsets(%arg7 : memref<40xi32, #tpu.memory_space<vmem>>) semaphore(%arg24 : memref<!tpu.dma_semaphore, #tpu.memory_space<semaphore_mem>>)
      } else {
      }
      %mul3A_474 = arith.constant 2 : i32
      %mul3A_475 = arith.muli %mul3A_474, %scan3A_410 : i32
      %add3A_476 = arith.constant 3 : i32
      %add3A_477 = arith.addi %mul3A_475, %add3A_476 : i32
      %dma_wait3A_478 = arith.constant 0 : i32
      %dma_wait3A_479 = arith.constant 0 : i32
      %dma_wait3A_480 = tpu.memref_slice %arg3[%dma_wait3A_478, %dma_wait3A_479] : memref<320000x128xf32, #tpu.memory_space<hbm>> -> memref<40x128xf32, #tpu.memory_space<hbm>>
      %dma_wait3A_481 = arith.constant 0 : i32
      %dma_wait3A_482 = arith.constant 0 : i32
      %dma_wait3A_483 = tpu.memref_slice %arg3[%dma_wait3A_481, %dma_wait3A_482] : memref<320000x128xf32, #tpu.memory_space<hbm>> -> memref<40x128xf32, #tpu.memory_space<hbm>>
      tpu.wait_dma2 semaphore(%arg23 : memref<!tpu.dma_semaphore, #tpu.memory_space<semaphore_mem>>) src(%dma_wait3A_483 : memref<40x128xf32, #tpu.memory_space<hbm>>) dst(%arg12 : memref<40x128xf32, #tpu.memory_space<vmem>>)
      %dma_wait3A_484 = arith.constant 0 : i32
      %dma_wait3A_485 = arith.constant 0 : i32
      %dma_wait3A_486 = tpu.memref_slice %arg2[%dma_wait3A_484, %dma_wait3A_485] : memref<10000x128xf32, #tpu.memory_space<hbm>> -> memref<40x128xf32, #tpu.memory_space<hbm>>
      %dma_wait3A_487 = arith.constant 0 : i32
      %dma_wait3A_488 = arith.constant 0 : i32
      %dma_wait3A_489 = tpu.memref_slice %arg2[%dma_wait3A_487, %dma_wait3A_488] : memref<10000x128xf32, #tpu.memory_space<hbm>> -> memref<40x128xf32, #tpu.memory_space<hbm>>
      tpu.wait_dma2 semaphore(%arg25 : memref<!tpu.dma_semaphore, #tpu.memory_space<semaphore_mem>>) src(%dma_wait3A_489 : memref<40x128xf32, #tpu.memory_space<hbm>>) dst(%arg14 : memref<40x128xf32, #tpu.memory_space<vmem>>)
      %add3A_490 = arith.constant 2 : i32
      %add3A_491 = arith.addi %add3A_477, %add3A_490 : i32
      %lt3A_492 = arith.constant 250 : i32
      %lt3A_493 = arith.cmpi slt, %add3A_491, %lt3A_492 : i32
      %convert_element_type3A_494 = arith.extui %lt3A_493 : i1 to i32
      %cond3A_495 = arith.constant 0 : i32
      %cond3A_496 = arith.cmpi ne, %convert_element_type3A_494, %cond3A_495 : i32
      scf.if %cond3A_496 {
        %add3A_540 = arith.constant 2 : i32
        %add3A_541 = arith.addi %add3A_477, %add3A_540 : i32
        %mul3A_542 = arith.constant 10000 : i32
        %mul3A_543 = arith.muli %add3A, %mul3A_542 : i32
        %mul3A_544 = arith.constant 40 : i32
        %mul3A_545 = arith.muli %add3A_541, %mul3A_544 : i32
        %add3A_546 = arith.addi %mul3A_543, %mul3A_545 : i32
        %multiple_of3A_547 = tpu.assume_multiple %add3A_546, 8 : i32
        %dma_start3A_548 = tpu.memref_slice %arg4[%multiple_of3A_547] : memref<320000xi32, #tpu.memory_space<hbm>> -> memref<40xi32, #tpu.memory_space<hbm>>
        %dma_start3A_549 = tpu.memref_slice %arg4[%multiple_of3A_547] : memref<320000xi32, #tpu.memory_space<hbm>> -> memref<40xi32, #tpu.memory_space<hbm>>
        tpu.enqueue_dma source(%dma_start3A_549 : memref<40xi32, #tpu.memory_space<hbm>>) target(%arg8 : memref<40xi32, #tpu.memory_space<vmem>>) target_semaphore(%arg19 : memref<!tpu.dma_semaphore, #tpu.memory_space<semaphore_mem>>)
      } else {
      }
      %dma_wait3A_497 = arith.constant 0 : i32
      %dma_wait3A_498 = arith.constant 0 : i32
      %dma_wait3A_499 = tpu.memref_slice %arg17[%dma_wait3A_497, %dma_wait3A_498] : memref<10240x128xf32, #tpu.memory_space<vmem_shared>> -> memref<40x128xf32, #tpu.memory_space<vmem_shared>>
      %dma_wait3A_500 = arith.constant 0 : i32
      %dma_wait3A_501 = arith.constant 0 : i32
      %dma_wait3A_502 = tpu.memref_slice %arg17[%dma_wait3A_500, %dma_wait3A_501] : memref<10240x128xf32, #tpu.memory_space<vmem_shared>> -> memref<40x128xf32, #tpu.memory_space<vmem_shared>>
      tpu.wait_dma2 semaphore(%arg27 : memref<!tpu.dma_semaphore, #tpu.memory_space<semaphore_mem>>) src(%arg16 : memref<40x128xf32, #tpu.memory_space<vmem>>) dst(%dma_wait3A_502 : memref<40x128xf32, #tpu.memory_space<vmem_shared>>)
      %mul3A_503 = arith.constant 10000 : i32
      %mul3A_504 = arith.muli %add3A, %mul3A_503 : i32
      %mul3A_505 = arith.constant 40 : i32
      %mul3A_506 = arith.muli %add3A_477, %mul3A_505 : i32
      %add3A_507 = arith.addi %mul3A_504, %mul3A_506 : i32
      %multiple_of3A_508 = tpu.assume_multiple %add3A_507, 8 : i32
      %dma_start3A_509 = tpu.memref_slice %arg5[%multiple_of3A_508] : memref<320000xi32, #tpu.memory_space<hbm>> -> memref<40xi32, #tpu.memory_space<hbm>>
      %dma_start3A_510 = tpu.memref_slice %arg5[%multiple_of3A_508] : memref<320000xi32, #tpu.memory_space<hbm>> -> memref<40xi32, #tpu.memory_space<hbm>>
      tpu.enqueue_dma source(%dma_start3A_510 : memref<40xi32, #tpu.memory_space<hbm>>) target(%arg10 : memref<40xi32, #tpu.memory_space<vmem>>) target_semaphore(%arg21 : memref<!tpu.dma_semaphore, #tpu.memory_space<semaphore_mem>>)
      %scan3A_511 = arith.constant 0 : i32
      %scan3A_512 = arith.constant 0 : i32
      %scan3A_513 = arith.constant 40 : i32
      %scan3A_514 = arith.addi %scan3A_512, %scan3A_513 : i32
      %scan3A_515 = arith.constant 1 : i32
      %scan3A_516 = scf.for %scan3A_540 = %scan3A_512 to %scan3A_514 step %scan3A_515 iter_args(%scan3A_541 = %scan3A_511) -> (i32)  : i32 {
        %get3A = arith.index_cast %scan3A_540 : i32 to index
        %get3A_542 = arith.constant 0 : index
        %get3A_543 = tpu.vector_load %arg14[%get3A, %get3A_542] {strides = array<i32>} : memref<40x128xf32, #tpu.memory_space<vmem>>, vector<1x16xf32>,
        %get3A_544 = vector.shape_cast %get3A_543 : vector<1x16xf32> to vector<16xf32>
        %get3A_545 = arith.index_cast %scan3A_540 : i32 to index
        %get3A_546 = arith.constant 0 : index
        %get3A_547 = tpu.vector_load %arg12[%get3A_545, %get3A_546] {strides = array<i32>} : memref<40x128xf32, #tpu.memory_space<vmem>>, vector<1x16xf32>,
        %get3A_548 = vector.shape_cast %get3A_547 : vector<1x16xf32> to vector<16xf32>
        %add3A_549 = arith.addf %get3A_544, %get3A_548 : vector<16xf32>
        %max3A = arith.constant 0.000000e+00 : f32
        %max3A_550 = vector.broadcast %max3A : f32 to vector<16xf32>
        %max3A_551 = arith.maximumf %add3A_549, %max3A_550 : vector<16xf32>
        %swap3A = arith.index_cast %scan3A_540 : i32 to index
        %swap3A_552 = arith.constant 0 : index
        %swap3A_553 = tpu.vector_load %arg16[%swap3A, %swap3A_552] {strides = array<i32>} : memref<40x128xf32, #tpu.memory_space<vmem>>, vector<1x16xf32>,
        %swap3A_554 = vector.shape_cast %swap3A_553 : vector<1x16xf32> to vector<16xf32>
        %swap3A_555 = vector.shape_cast %max3A_551 : vector<16xf32> to vector<1x16xf32>
        tpu.vector_store %arg16[%swap3A, %swap3A_552], %swap3A_555 {strides = array<i32>} : memref<40x128xf32, #tpu.memory_space<vmem>>, vector<1x16xf32>,
        %get3A_556 = arith.index_cast %scan3A_540 : i32 to index
        %get3A_557 = arith.constant 16 : index
        %get3A_558 = tpu.vector_load %arg14[%get3A_556, %get3A_557] {strides = array<i32>} : memref<40x128xf32, #tpu.memory_space<vmem>>, vector<1x16xf32>,
        %get3A_559 = vector.shape_cast %get3A_558 : vector<1x16xf32> to vector<16xf32>
        %get3A_560 = arith.index_cast %scan3A_540 : i32 to index
        %get3A_561 = arith.constant 16 : index
        %get3A_562 = tpu.vector_load %arg12[%get3A_560, %get3A_561] {strides = array<i32>} : memref<40x128xf32, #tpu.memory_space<vmem>>, vector<1x16xf32>,
        %get3A_563 = vector.shape_cast %get3A_562 : vector<1x16xf32> to vector<16xf32>
        %add3A_564 = arith.addf %get3A_559, %get3A_563 : vector<16xf32>
        %max3A_565 = arith.constant 0.000000e+00 : f32
        %max3A_566 = vector.broadcast %max3A_565 : f32 to vector<16xf32>
        %max3A_567 = arith.maximumf %add3A_564, %max3A_566 : vector<16xf32>
        %swap3A_568 = arith.index_cast %scan3A_540 : i32 to index
        %swap3A_569 = arith.constant 16 : index
        %swap3A_570 = tpu.vector_load %arg16[%swap3A_568, %swap3A_569] {strides = array<i32>} : memref<40x128xf32, #tpu.memory_space<vmem>>, vector<1x16xf32>,
        %swap3A_571 = vector.shape_cast %swap3A_570 : vector<1x16xf32> to vector<16xf32>
        %swap3A_572 = vector.shape_cast %max3A_567 : vector<16xf32> to vector<1x16xf32>
        tpu.vector_store %arg16[%swap3A_568, %swap3A_569], %swap3A_572 {strides = array<i32>} : memref<40x128xf32, #tpu.memory_space<vmem>>, vector<1x16xf32>,
        %get3A_573 = arith.index_cast %scan3A_540 : i32 to index
        %get3A_574 = arith.constant 32 : index
        %get3A_575 = tpu.vector_load %arg14[%get3A_573, %get3A_574] {strides = array<i32>} : memref<40x128xf32, #tpu.memory_space<vmem>>, vector<1x16xf32>,
        %get3A_576 = vector.shape_cast %get3A_575 : vector<1x16xf32> to vector<16xf32>
        %get3A_577 = arith.index_cast %scan3A_540 : i32 to index
        %get3A_578 = arith.constant 32 : index
        %get3A_579 = tpu.vector_load %arg12[%get3A_577, %get3A_578] {strides = array<i32>} : memref<40x128xf32, #tpu.memory_space<vmem>>, vector<1x16xf32>,
        %get3A_580 = vector.shape_cast %get3A_579 : vector<1x16xf32> to vector<16xf32>
        %add3A_581 = arith.addf %get3A_576, %get3A_580 : vector<16xf32>
        %max3A_582 = arith.constant 0.000000e+00 : f32
        %max3A_583 = vector.broadcast %max3A_582 : f32 to vector<16xf32>
        %max3A_584 = arith.maximumf %add3A_581, %max3A_583 : vector<16xf32>
        %swap3A_585 = arith.index_cast %scan3A_540 : i32 to index
        %swap3A_586 = arith.constant 32 : index
        %swap3A_587 = tpu.vector_load %arg16[%swap3A_585, %swap3A_586] {strides = array<i32>} : memref<40x128xf32, #tpu.memory_space<vmem>>, vector<1x16xf32>,
        %swap3A_588 = vector.shape_cast %swap3A_587 : vector<1x16xf32> to vector<16xf32>
        %swap3A_589 = vector.shape_cast %max3A_584 : vector<16xf32> to vector<1x16xf32>
        tpu.vector_store %arg16[%swap3A_585, %swap3A_586], %swap3A_589 {strides = array<i32>} : memref<40x128xf32, #tpu.memory_space<vmem>>, vector<1x16xf32>,
        %get3A_590 = arith.index_cast %scan3A_540 : i32 to index
        %get3A_591 = arith.constant 48 : index
        %get3A_592 = tpu.vector_load %arg14[%get3A_590, %get3A_591] {strides = array<i32>} : memref<40x128xf32, #tpu.memory_space<vmem>>, vector<1x16xf32>,
        %get3A_593 = vector.shape_cast %get3A_592 : vector<1x16xf32> to vector<16xf32>
        %get3A_594 = arith.index_cast %scan3A_540 : i32 to index
        %get3A_595 = arith.constant 48 : index
        %get3A_596 = tpu.vector_load %arg12[%get3A_594, %get3A_595] {strides = array<i32>} : memref<40x128xf32, #tpu.memory_space<vmem>>, vector<1x16xf32>,
        %get3A_597 = vector.shape_cast %get3A_596 : vector<1x16xf32> to vector<16xf32>
        %add3A_598 = arith.addf %get3A_593, %get3A_597 : vector<16xf32>
        %max3A_599 = arith.constant 0.000000e+00 : f32
        %max3A_600 = vector.broadcast %max3A_599 : f32 to vector<16xf32>
        %max3A_601 = arith.maximumf %add3A_598, %max3A_600 : vector<16xf32>
        %swap3A_602 = arith.index_cast %scan3A_540 : i32 to index
        %swap3A_603 = arith.constant 48 : index
        %swap3A_604 = tpu.vector_load %arg16[%swap3A_602, %swap3A_603] {strides = array<i32>} : memref<40x128xf32, #tpu.memory_space<vmem>>, vector<1x16xf32>,
        %swap3A_605 = vector.shape_cast %swap3A_604 : vector<1x16xf32> to vector<16xf32>
        %swap3A_606 = vector.shape_cast %max3A_601 : vector<16xf32> to vector<1x16xf32>
        tpu.vector_store %arg16[%swap3A_602, %swap3A_603], %swap3A_606 {strides = array<i32>} : memref<40x128xf32, #tpu.memory_space<vmem>>, vector<1x16xf32>,
        %get3A_607 = arith.index_cast %scan3A_540 : i32 to index
        %get3A_608 = arith.constant 64 : index
        %get3A_609 = tpu.vector_load %arg14[%get3A_607, %get3A_608] {strides = array<i32>} : memref<40x128xf32, #tpu.memory_space<vmem>>, vector<1x16xf32>,
        %get3A_610 = vector.shape_cast %get3A_609 : vector<1x16xf32> to vector<16xf32>
        %get3A_611 = arith.index_cast %scan3A_540 : i32 to index
        %get3A_612 = arith.constant 64 : index
        %get3A_613 = tpu.vector_load %arg12[%get3A_611, %get3A_612] {strides = array<i32>} : memref<40x128xf32, #tpu.memory_space<vmem>>, vector<1x16xf32>,
        %get3A_614 = vector.shape_cast %get3A_613 : vector<1x16xf32> to vector<16xf32>
        %add3A_615 = arith.addf %get3A_610, %get3A_614 : vector<16xf32>
        %max3A_616 = arith.constant 0.000000e+00 : f32
        %max3A_617 = vector.broadcast %max3A_616 : f32 to vector<16xf32>
        %max3A_618 = arith.maximumf %add3A_615, %max3A_617 : vector<16xf32>
        %swap3A_619 = arith.index_cast %scan3A_540 : i32 to index
        %swap3A_620 = arith.constant 64 : index
        %swap3A_621 = tpu.vector_load %arg16[%swap3A_619, %swap3A_620] {strides = array<i32>} : memref<40x128xf32, #tpu.memory_space<vmem>>, vector<1x16xf32>,
        %swap3A_622 = vector.shape_cast %swap3A_621 : vector<1x16xf32> to vector<16xf32>
        %swap3A_623 = vector.shape_cast %max3A_618 : vector<16xf32> to vector<1x16xf32>
        tpu.vector_store %arg16[%swap3A_619, %swap3A_620], %swap3A_623 {strides = array<i32>} : memref<40x128xf32, #tpu.memory_space<vmem>>, vector<1x16xf32>,
        %get3A_624 = arith.index_cast %scan3A_540 : i32 to index
        %get3A_625 = arith.constant 80 : index
        %get3A_626 = tpu.vector_load %arg14[%get3A_624, %get3A_625] {strides = array<i32>} : memref<40x128xf32, #tpu.memory_space<vmem>>, vector<1x16xf32>,
        %get3A_627 = vector.shape_cast %get3A_626 : vector<1x16xf32> to vector<16xf32>
        %get3A_628 = arith.index_cast %scan3A_540 : i32 to index
        %get3A_629 = arith.constant 80 : index
        %get3A_630 = tpu.vector_load %arg12[%get3A_628, %get3A_629] {strides = array<i32>} : memref<40x128xf32, #tpu.memory_space<vmem>>, vector<1x16xf32>,
        %get3A_631 = vector.shape_cast %get3A_630 : vector<1x16xf32> to vector<16xf32>
        %add3A_632 = arith.addf %get3A_627, %get3A_631 : vector<16xf32>
        %max3A_633 = arith.constant 0.000000e+00 : f32
        %max3A_634 = vector.broadcast %max3A_633 : f32 to vector<16xf32>
        %max3A_635 = arith.maximumf %add3A_632, %max3A_634 : vector<16xf32>
        %swap3A_636 = arith.index_cast %scan3A_540 : i32 to index
        %swap3A_637 = arith.constant 80 : index
        %swap3A_638 = tpu.vector_load %arg16[%swap3A_636, %swap3A_637] {strides = array<i32>} : memref<40x128xf32, #tpu.memory_space<vmem>>, vector<1x16xf32>,
        %swap3A_639 = vector.shape_cast %swap3A_638 : vector<1x16xf32> to vector<16xf32>
        %swap3A_640 = vector.shape_cast %max3A_635 : vector<16xf32> to vector<1x16xf32>
        tpu.vector_store %arg16[%swap3A_636, %swap3A_637], %swap3A_640 {strides = array<i32>} : memref<40x128xf32, #tpu.memory_space<vmem>>, vector<1x16xf32>,
        %get3A_641 = arith.index_cast %scan3A_540 : i32 to index
        %get3A_642 = arith.constant 96 : index
        %get3A_643 = tpu.vector_load %arg14[%get3A_641, %get3A_642] {strides = array<i32>} : memref<40x128xf32, #tpu.memory_space<vmem>>, vector<1x16xf32>,
        %get3A_644 = vector.shape_cast %get3A_643 : vector<1x16xf32> to vector<16xf32>
        %get3A_645 = arith.index_cast %scan3A_540 : i32 to index
        %get3A_646 = arith.constant 96 : index
        %get3A_647 = tpu.vector_load %arg12[%get3A_645, %get3A_646] {strides = array<i32>} : memref<40x128xf32, #tpu.memory_space<vmem>>, vector<1x16xf32>,
        %get3A_648 = vector.shape_cast %get3A_647 : vector<1x16xf32> to vector<16xf32>
        %add3A_649 = arith.addf %get3A_644, %get3A_648 : vector<16xf32>
        %max3A_650 = arith.constant 0.000000e+00 : f32
        %max3A_651 = vector.broadcast %max3A_650 : f32 to vector<16xf32>
        %max3A_652 = arith.maximumf %add3A_649, %max3A_651 : vector<16xf32>
        %swap3A_653 = arith.index_cast %scan3A_540 : i32 to index
        %swap3A_654 = arith.constant 96 : index
        %swap3A_655 = tpu.vector_load %arg16[%swap3A_653, %swap3A_654] {strides = array<i32>} : memref<40x128xf32, #tpu.memory_space<vmem>>, vector<1x16xf32>,
        %swap3A_656 = vector.shape_cast %swap3A_655 : vector<1x16xf32> to vector<16xf32>
        %swap3A_657 = vector.shape_cast %max3A_652 : vector<16xf32> to vector<1x16xf32>
        tpu.vector_store %arg16[%swap3A_653, %swap3A_654], %swap3A_657 {strides = array<i32>} : memref<40x128xf32, #tpu.memory_space<vmem>>, vector<1x16xf32>,
        %get3A_658 = arith.index_cast %scan3A_540 : i32 to index
        %get3A_659 = arith.constant 112 : index
        %get3A_660 = tpu.vector_load %arg14[%get3A_658, %get3A_659] {strides = array<i32>} : memref<40x128xf32, #tpu.memory_space<vmem>>, vector<1x16xf32>,
        %get3A_661 = vector.shape_cast %get3A_660 : vector<1x16xf32> to vector<16xf32>
        %get3A_662 = arith.index_cast %scan3A_540 : i32 to index
        %get3A_663 = arith.constant 112 : index
        %get3A_664 = tpu.vector_load %arg12[%get3A_662, %get3A_663] {strides = array<i32>} : memref<40x128xf32, #tpu.memory_space<vmem>>, vector<1x16xf32>,
        %get3A_665 = vector.shape_cast %get3A_664 : vector<1x16xf32> to vector<16xf32>
        %add3A_666 = arith.addf %get3A_661, %get3A_665 : vector<16xf32>
        %max3A_667 = arith.constant 0.000000e+00 : f32
        %max3A_668 = vector.broadcast %max3A_667 : f32 to vector<16xf32>
        %max3A_669 = arith.maximumf %add3A_666, %max3A_668 : vector<16xf32>
        %swap3A_670 = arith.index_cast %scan3A_540 : i32 to index
        %swap3A_671 = arith.constant 112 : index
        %swap3A_672 = tpu.vector_load %arg16[%swap3A_670, %swap3A_671] {strides = array<i32>} : memref<40x128xf32, #tpu.memory_space<vmem>>, vector<1x16xf32>,
        %swap3A_673 = vector.shape_cast %swap3A_672 : vector<1x16xf32> to vector<16xf32>
        %swap3A_674 = vector.shape_cast %max3A_669 : vector<16xf32> to vector<1x16xf32>
        tpu.vector_store %arg16[%swap3A_670, %swap3A_671], %swap3A_674 {strides = array<i32>} : memref<40x128xf32, #tpu.memory_space<vmem>>, vector<1x16xf32>,
        %scan3A_675 = arith.constant 0 : i32
        scf.yield %scan3A_675 : i32
      }
      %scan3A_517 = arith.constant 40 : i32
      %dma_wait3A_518 = arith.constant 0 : i32
      %dma_wait3A_519 = tpu.memref_slice %arg4[%dma_wait3A_518] : memref<320000xi32, #tpu.memory_space<hbm>> -> memref<40xi32, #tpu.memory_space<hbm>>
      %dma_wait3A_520 = arith.constant 0 : i32
      %dma_wait3A_521 = tpu.memref_slice %arg4[%dma_wait3A_520] : memref<320000xi32, #tpu.memory_space<hbm>> -> memref<40xi32, #tpu.memory_space<hbm>>
      tpu.wait_dma2 semaphore(%arg21 : memref<!tpu.dma_semaphore, #tpu.memory_space<semaphore_mem>>) src(%dma_wait3A_521 : memref<40xi32, #tpu.memory_space<hbm>>) dst(%arg10 : memref<40xi32, #tpu.memory_space<vmem>>)
      %dma_start3A_522 = arith.constant 0 : i32
      %dma_start3A_523 = arith.constant 0 : i32
      %dma_start3A_524 = tpu.memref_slice %arg17[%dma_start3A_522, %dma_start3A_523] : memref<10240x128xf32, #tpu.memory_space<vmem_shared>> -> memref<10240x128xf32, #tpu.memory_space<vmem_shared>>
      tpu.enqueue_indirect_dma source(%arg16 : memref<40x128xf32, #tpu.memory_space<vmem>>) target(%dma_start3A_524 : memref<10240x128xf32, #tpu.memory_space<vmem_shared>>) offsets(%arg10 : memref<40xi32, #tpu.memory_space<vmem>>) semaphore(%arg27 : memref<!tpu.dma_semaphore, #tpu.memory_space<semaphore_mem>>) {add = true}
      %add3A_525 = arith.constant 2 : i32
      %add3A_526 = arith.addi %add3A_477, %add3A_525 : i32
      %lt3A_527 = arith.constant 250 : i32
      %lt3A_528 = arith.cmpi slt, %add3A_526, %lt3A_527 : i32
      %convert_element_type3A_529 = arith.extui %lt3A_528 : i1 to i32
      %cond3A_530 = arith.constant 0 : i32
      %cond3A_531 = arith.cmpi ne, %convert_element_type3A_529, %cond3A_530 : i32
      scf.if %cond3A_531 {
        %add3A_540 = arith.constant 2 : i32
        %add3A_541 = arith.addi %add3A_477, %add3A_540 : i32
        %mul3A_542 = arith.constant 10000 : i32
        %mul3A_543 = arith.muli %add3A, %mul3A_542 : i32
        %mul3A_544 = arith.constant 40 : i32
        %mul3A_545 = arith.muli %add3A_541, %mul3A_544 : i32
        %add3A_546 = arith.addi %mul3A_543, %mul3A_545 : i32
        %multiple_of3A_547 = tpu.assume_multiple %add3A_546, 8 : i32
        %dma_start3A_548 = arith.constant 0 : i32
        %dma_start3A_549 = tpu.memref_slice %arg3[%multiple_of3A_547, %dma_start3A_548] : memref<320000x128xf32, #tpu.memory_space<hbm>> -> memref<40x128xf32, #tpu.memory_space<hbm>>
        %dma_start3A_550 = arith.constant 0 : i32
        %dma_start3A_551 = tpu.memref_slice %arg3[%multiple_of3A_547, %dma_start3A_550] : memref<320000x128xf32, #tpu.memory_space<hbm>> -> memref<40x128xf32, #tpu.memory_space<hbm>>
        tpu.enqueue_dma source(%dma_start3A_551 : memref<40x128xf32, #tpu.memory_space<hbm>>) target(%arg12 : memref<40x128xf32, #tpu.memory_space<vmem>>) target_semaphore(%arg23 : memref<!tpu.dma_semaphore, #tpu.memory_space<semaphore_mem>>)
      } else {
      }
      %add3A_532 = arith.constant 2 : i32
      %add3A_533 = arith.addi %add3A_477, %add3A_532 : i32
      %lt3A_534 = arith.constant 250 : i32
      %lt3A_535 = arith.cmpi slt, %add3A_533, %lt3A_534 : i32
      %convert_element_type3A_536 = arith.extui %lt3A_535 : i1 to i32
      %cond3A_537 = arith.constant 0 : i32
      %cond3A_538 = arith.cmpi ne, %convert_element_type3A_536, %cond3A_537 : i32
      scf.if %cond3A_538 {
        %dma_wait3A_540 = arith.constant 0 : i32
        %dma_wait3A_541 = tpu.memref_slice %arg4[%dma_wait3A_540] : memref<320000xi32, #tpu.memory_space<hbm>> -> memref<40xi32, #tpu.memory_space<hbm>>
        %dma_wait3A_542 = arith.constant 0 : i32
        %dma_wait3A_543 = tpu.memref_slice %arg4[%dma_wait3A_542] : memref<320000xi32, #tpu.memory_space<hbm>> -> memref<40xi32, #tpu.memory_space<hbm>>
        tpu.wait_dma2 semaphore(%arg19 : memref<!tpu.dma_semaphore, #tpu.memory_space<semaphore_mem>>) src(%dma_wait3A_543 : memref<40xi32, #tpu.memory_space<hbm>>) dst(%arg8 : memref<40xi32, #tpu.memory_space<vmem>>)
        %dma_start3A_544 = arith.constant 0 : i32
        %dma_start3A_545 = arith.constant 0 : i32
        %dma_start3A_546 = tpu.memref_slice %arg2[%dma_start3A_544, %dma_start3A_545] : memref<10000x128xf32, #tpu.memory_space<hbm>> -> memref<10000x128xf32, #tpu.memory_space<hbm>>
        tpu.enqueue_indirect_dma source(%dma_start3A_546 : memref<10000x128xf32, #tpu.memory_space<hbm>>) target(%arg14 : memref<40x128xf32, #tpu.memory_space<vmem>>) offsets(%arg8 : memref<40xi32, #tpu.memory_space<vmem>>) semaphore(%arg25 : memref<!tpu.dma_semaphore, #tpu.memory_space<semaphore_mem>>)
      } else {
      }
      %scan3A_539 = arith.constant 0 : i32
      scf.yield %scan3A_539 : i32
    }
    %scan3A_392 = arith.constant 124 : i32
    %dma_wait3A_393 = arith.constant 0 : i32
    %dma_wait3A_394 = arith.constant 0 : i32
    %dma_wait3A_395 = tpu.memref_slice %arg17[%dma_wait3A_393, %dma_wait3A_394] : memref<10240x128xf32, #tpu.memory_space<vmem_shared>> -> memref<40x128xf32, #tpu.memory_space<vmem_shared>>
    %dma_wait3A_396 = arith.constant 0 : i32
    %dma_wait3A_397 = arith.constant 0 : i32
    %dma_wait3A_398 = tpu.memref_slice %arg17[%dma_wait3A_396, %dma_wait3A_397] : memref<10240x128xf32, #tpu.memory_space<vmem_shared>> -> memref<40x128xf32, #tpu.memory_space<vmem_shared>>
    tpu.wait_dma2 semaphore(%arg26 : memref<!tpu.dma_semaphore, #tpu.memory_space<semaphore_mem>>) src(%arg15 : memref<40x128xf32, #tpu.memory_space<vmem>>) dst(%dma_wait3A_398 : memref<40x128xf32, #tpu.memory_space<vmem_shared>>)
    %dma_wait3A_399 = arith.constant 0 : i32
    %dma_wait3A_400 = arith.constant 0 : i32
    %dma_wait3A_401 = tpu.memref_slice %arg17[%dma_wait3A_399, %dma_wait3A_400] : memref<10240x128xf32, #tpu.memory_space<vmem_shared>> -> memref<40x128xf32, #tpu.memory_space<vmem_shared>>
    %dma_wait3A_402 = arith.constant 0 : i32
    %dma_wait3A_403 = arith.constant 0 : i32
    %dma_wait3A_404 = tpu.memref_slice %arg17[%dma_wait3A_402, %dma_wait3A_403] : memref<10240x128xf32, #tpu.memory_space<vmem_shared>> -> memref<40x128xf32, #tpu.memory_space<vmem_shared>>
    tpu.wait_dma2 semaphore(%arg27 : memref<!tpu.dma_semaphore, #tpu.memory_space<semaphore_mem>>) src(%arg16 : memref<40x128xf32, #tpu.memory_space<vmem>>) dst(%dma_wait3A_404 : memref<40x128xf32, #tpu.memory_space<vmem_shared>>)
    %barrier3A_405 = arith.constant 0 : index
    tpu.barrier barrier_id(%barrier3A_405)
    %mul3A_406 = arith.constant 640 : i32
    %mul3A_407 = arith.muli %arg1, %mul3A_406 : i32
    %mul3A_408 = arith.constant 640 : i32
    %mul3A_409 = arith.muli %arg1, %mul3A_408 : i32
    "tpu.region"() ({
      %run_scoped3A = tpu.sem_alloc : memref<!tpu.dma_semaphore, #tpu.memory_space<semaphore_mem>>
      %dma_start3A_410 = arith.constant 0 : i32
      %dma_start3A_411 = tpu.memref_slice %arg6[%arg0, %mul3A_409, %dma_start3A_410] : memref<2x10240x128xf32, #tpu.memory_space<hbm>> -> memref<1x640x128xf32, #tpu.memory_space<hbm>>
      %dma_start3A_412 = tpu.memref_squeeze %dma_start3A_411 : memref<1x640x128xf32, #tpu.memory_space<hbm>> -> memref<640x128xf32, #tpu.memory_space<hbm>>
      %dma_start3A_413 = arith.constant 0 : i32
      %dma_start3A_414 = tpu.memref_slice %arg17[%mul3A_407, %dma_start3A_413] : memref<10240x128xf32, #tpu.memory_space<vmem_shared>> -> memref<640x128xf32, #tpu.memory_space<vmem_shared>>
      tpu.enqueue_dma source(%dma_start3A_414 : memref<640x128xf32, #tpu.memory_space<vmem_shared>>) target(%dma_start3A_412 : memref<640x128xf32, #tpu.memory_space<hbm>>) target_semaphore(%run_scoped3A : memref<!tpu.dma_semaphore, #tpu.memory_space<semaphore_mem>>)
      %dma_wait3A_415 = arith.constant 0 : i32
      %dma_wait3A_416 = tpu.memref_slice %arg6[%arg0, %mul3A_409, %dma_wait3A_415] : memref<2x10240x128xf32, #tpu.memory_space<hbm>> -> memref<1x640x128xf32, #tpu.memory_space<hbm>>
      %dma_wait3A_417 = tpu.memref_squeeze %dma_wait3A_416 : memref<1x640x128xf32, #tpu.memory_space<hbm>> -> memref<640x128xf32, #tpu.memory_space<hbm>>
      %dma_wait3A_418 = arith.constant 0 : i32
      %dma_wait3A_419 = tpu.memref_slice %arg17[%mul3A_407, %dma_wait3A_418] : memref<10240x128xf32, #tpu.memory_space<vmem_shared>> -> memref<640x128xf32, #tpu.memory_space<vmem_shared>>
      tpu.wait_dma2 semaphore(%run_scoped3A : memref<!tpu.dma_semaphore, #tpu.memory_space<semaphore_mem>>) src(%dma_wait3A_419 : memref<640x128xf32, #tpu.memory_space<vmem_shared>>) dst(%dma_wait3A_417 : memref<640x128xf32, #tpu.memory_space<hbm>>)
      tpu.yield
    }) : () -> ()
    return
  }
}

#map = affine_map<(d0, d1) -> (0, 0)>
#map1 = affine_map<(d0, d1) -> (0)>
#map2 = affine_map<(d0, d1) -> (0, 0, 0)>
module attributes {stable_mosaic.version = 14 : i64} {
  func.func @msg(%arg0: i32, %arg1: i32, %arg2: memref<10000x128xf32, #tpu.memory_space<hbm>>, %arg3: memref<320000x128xf32, #tpu.memory_space<hbm>>, %arg4: memref<320000xi32, #tpu.memory_space<hbm>>, %arg5: memref<320000xi32, #tpu.memory_space<hbm>>, %arg6: memref<2x10240x128xf32, #tpu.memory_space<hbm>>, %arg7: memref<40xi32, #tpu.memory_space<vmem>>, %arg8: memref<40xi32, #tpu.memory_space<vmem>>, %arg9: memref<40xi32, #tpu.memory_space<vmem>>, %arg10: memref<40xi32, #tpu.memory_space<vmem>>, %arg11: memref<40x128xf32, #tpu.memory_space<vmem>>, %arg12: memref<40x128xf32, #tpu.memory_space<vmem>>, %arg13: memref<40x128xf32, #tpu.memory_space<vmem>>, %arg14: memref<40x128xf32, #tpu.memory_space<vmem>>, %arg15: memref<40x128xf32, #tpu.memory_space<vmem>>, %arg16: memref<40x128xf32, #tpu.memory_space<vmem>>, %arg17: memref<10240x128xf32, #tpu.memory_space<vmem_shared>>, %arg18: memref<!tpu.dma_semaphore, #tpu.memory_space<semaphore_mem>>, %arg19: memref<!tpu.dma_semaphore, #tpu.memory_space<semaphore_mem>>, %arg20: memref<!tpu.dma_semaphore, #tpu.memory_space<semaphore_mem>>, %arg21: memref<!tpu.dma_semaphore, #tpu.memory_space<semaphore_mem>>, %arg22: memref<!tpu.dma_semaphore, #tpu.memory_space<semaphore_mem>>, %arg23: memref<!tpu.dma_semaphore, #tpu.memory_space<semaphore_mem>>, %arg24: memref<!tpu.dma_semaphore, #tpu.memory_space<semaphore_mem>>, %arg25: memref<!tpu.dma_semaphore, #tpu.memory_space<semaphore_mem>>, %arg26: memref<!tpu.dma_semaphore, #tpu.memory_space<semaphore_mem>>, %arg27: memref<!tpu.dma_semaphore, #tpu.memory_space<semaphore_mem>>) attributes {dimension_semantics = [#tpu.dimension_semantics<core_parallel>, #tpu.dimension_semantics<subcore_parallel>], iteration_bounds = array<i64: 2, 16>, scalar_prefetch = 0 : i64, scratch_operands = 21 : i64, tpu.core_type = #tpu.core_type<sc_vector_subcore>, window_params = [{transform_indices = #map}, {transform_indices = #map}, {transform_indices = #map1}, {transform_indices = #map1}, {transform_indices = #map2}]} {
    %mul3A = arith.constant 16 : i32
    %mul3A_0 = arith.muli %arg0, %mul3A : i32
    %add3A = arith.addi %mul3A_0, %arg1 : i32
    %scan3A = arith.constant 0 : i32
    %scan3A_1 = arith.constant 0 : i32
    %scan3A_2 = arith.constant 40 : i32
    %scan3A_3 = arith.addi %scan3A_1, %scan3A_2 : i32
    %scan3A_4 = arith.constant 1 : i32
    %scan3A_5 = scf.for %scan3A_410 = %scan3A_1 to %scan3A_3 step %scan3A_4 iter_args(%scan3A_411 = %scan3A) -> (i32)  : i32 {
      %broadcast_in_dim3A = arith.constant 0.000000e+00 : f32
      %broadcast_in_dim3A_412 = vector.broadcast %broadcast_in_dim3A : f32 to vector<16xf32>
      %swap3A = arith.index_cast %scan3A_410 : i32 to index
      %swap3A_413 = arith.constant 0 : index
      %swap3A_414 = tpu.vector_load %arg15[%swap3A, %swap3A_413] {strides = array<i32>} : memref<40x128xf32, #tpu.memory_space<vmem>>, vector<1x16xf32>,
      %swap3A_415 = vector.shape_cast %swap3A_414 : vector<1x16xf32> to vector<16xf32>
      %swap3A_416 = vector.shape_cast %broadcast_in_dim3A_412 : vector<16xf32> to vector<1x16xf32>
      tpu.vector_store %arg15[%swap3A, %swap3A_413], %swap3A_416 {strides = array<i32>} : memref<40x128xf32, #tpu.memory_space<vmem>>, vector<1x16xf32>,
      %broadcast_in_dim3A_417 = arith.constant 0.000000e+00 : f32
      %broadcast_in_dim3A_418 = vector.broadcast %broadcast_in_dim3A_417 : f32 to vector<16xf32>
      %swap3A_419 = arith.index_cast %scan3A_410 : i32 to index
      %swap3A_420 = arith.constant 16 : index
      %swap3A_421 = tpu.vector_load %arg15[%swap3A_419, %swap3A_420] {strides = array<i32>} : memref<40x128xf32, #tpu.memory_space<vmem>>, vector<1x16xf32>,
      %swap3A_422 = vector.shape_cast %swap3A_421 : vector<1x16xf32> to vector<16xf32>
      %swap3A_423 = vector.shape_cast %broadcast_in_dim3A_418 : vector<16xf32> to vector<1x16xf32>
      tpu.vector_store %arg15[%swap3A_419, %swap3A_420], %swap3A_423 {strides = array<i32>} : memref<40x128xf32, #tpu.memory_space<vmem>>, vector<1x16xf32>,
      %broadcast_in_dim3A_424 = arith.constant 0.000000e+00 : f32
      %broadcast_in_dim3A_425 = vector.broadcast %broadcast_in_dim3A_424 : f32 to vector<16xf32>
      %swap3A_426 = arith.index_cast %scan3A_410 : i32 to index
      %swap3A_427 = arith.constant 32 : index
      %swap3A_428 = tpu.vector_load %arg15[%swap3A_426, %swap3A_427] {strides = array<i32>} : memref<40x128xf32, #tpu.memory_space<vmem>>, vector<1x16xf32>,
      %swap3A_429 = vector.shape_cast %swap3A_428 : vector<1x16xf32> to vector<16xf32>
      %swap3A_430 = vector.shape_cast %broadcast_in_dim3A_425 : vector<16xf32> to vector<1x16xf32>
      tpu.vector_store %arg15[%swap3A_426, %swap3A_427], %swap3A_430 {strides = array<i32>} : memref<40x128xf32, #tpu.memory_space<vmem>>, vector<1x16xf32>,
      %broadcast_in_dim3A_431 = arith.constant 0.000000e+00 : f32
      %broadcast_in_dim3A_432 = vector.broadcast %broadcast_in_dim3A_431 : f32 to vector<16xf32>
      %swap3A_433 = arith.index_cast %scan3A_410 : i32 to index
      %swap3A_434 = arith.constant 48 : index
      %swap3A_435 = tpu.vector_load %arg15[%swap3A_433, %swap3A_434] {strides = array<i32>} : memref<40x128xf32, #tpu.memory_space<vmem>>, vector<1x16xf32>,
      %swap3A_436 = vector.shape_cast %swap3A_435 : vector<1x16xf32> to vector<16xf32>
      %swap3A_437 = vector.shape_cast %broadcast_in_dim3A_432 : vector<16xf32> to vector<1x16xf32>
      tpu.vector_store %arg15[%swap3A_433, %swap3A_434], %swap3A_437 {strides = array<i32>} : memref<40x128xf32, #tpu.memory_space<vmem>>, vector<1x16xf32>,
      %broadcast_in_dim3A_438 = arith.constant 0.000000e+00 : f32
      %broadcast_in_dim3A_439 = vector.broadcast %broadcast_in_dim3A_438 : f32 to vector<16xf32>
      %swap3A_440 = arith.index_cast %scan3A_410 : i32 to index
      %swap3A_441 = arith.constant 64 : index
      %swap3A_442 = tpu.vector_load %arg15[%swap3A_440, %swap3A_441] {strides = array<i32>} : memref<40x128xf32, #tpu.memory_space<vmem>>, vector<1x16xf32>,
      %swap3A_443 = vector.shape_cast %swap3A_442 : vector<1x16xf32> to vector<16xf32>
      %swap3A_444 = vector.shape_cast %broadcast_in_dim3A_439 : vector<16xf32> to vector<1x16xf32>
      tpu.vector_store %arg15[%swap3A_440, %swap3A_441], %swap3A_444 {strides = array<i32>} : memref<40x128xf32, #tpu.memory_space<vmem>>, vector<1x16xf32>,
      %broadcast_in_dim3A_445 = arith.constant 0.000000e+00 : f32
      %broadcast_in_dim3A_446 = vector.broadcast %broadcast_in_dim3A_445 : f32 to vector<16xf32>
      %swap3A_447 = arith.index_cast %scan3A_410 : i32 to index
      %swap3A_448 = arith.constant 80 : index
      %swap3A_449 = tpu.vector_load %arg15[%swap3A_447, %swap3A_448] {strides = array<i32>} : memref<40x128xf32, #tpu.memory_space<vmem>>, vector<1x16xf32>,
      %swap3A_450 = vector.shape_cast %swap3A_449 : vector<1x16xf32> to vector<16xf32>
      %swap3A_451 = vector.shape_cast %broadcast_in_dim3A_446 : vector<16xf32> to vector<1x16xf32>
      tpu.vector_store %arg15[%swap3A_447, %swap3A_448], %swap3A_451 {strides = array<i32>} : memref<40x128xf32, #tpu.memory_space<vmem>>, vector<1x16xf32>,
      %broadcast_in_dim3A_452 = arith.constant 0.000000e+00 : f32
      %broadcast_in_dim3A_453 = vector.broadcast %broadcast_in_dim3A_452 : f32 to vector<16xf32>
      %swap3A_454 = arith.index_cast %scan3A_410 : i32 to index
      %swap3A_455 = arith.constant 96 : index
      %swap3A_456 = tpu.vector_load %arg15[%swap3A_454, %swap3A_455] {strides = array<i32>} : memref<40x128xf32, #tpu.memory_space<vmem>>, vector<1x16xf32>,
      %swap3A_457 = vector.shape_cast %swap3A_456 : vector<1x16xf32> to vector<16xf32>
      %swap3A_458 = vector.shape_cast %broadcast_in_dim3A_453 : vector<16xf32> to vector<1x16xf32>
      tpu.vector_store %arg15[%swap3A_454, %swap3A_455], %swap3A_458 {strides = array<i32>} : memref<40x128xf32, #tpu.memory_space<vmem>>, vector<1x16xf32>,
      %broadcast_in_dim3A_459 = arith.constant 0.000000e+00 : f32
      %broadcast_in_dim3A_460 = vector.broadcast %broadcast_in_dim3A_459 : f32 to vector<16xf32>
      %swap3A_461 = arith.index_cast %scan3A_410 : i32 to index
      %swap3A_462 = arith.constant 112 : index
      %swap3A_463 = tpu.vector_load %arg15[%swap3A_461, %swap3A_462] {strides = array<i32>} : memref<40x128xf32, #tpu.memory_space<vmem>>, vector<1x16xf32>,
      %swap3A_464 = vector.shape_cast %swap3A_463 : vector<1x16xf32> to vector<16xf32>
      %swap3A_465 = vector.shape_cast %broadcast_in_dim3A_460 : vector<16xf32> to vector<1x16xf32>
      tpu.vector_store %arg15[%swap3A_461, %swap3A_462], %swap3A_465 {strides = array<i32>} : memref<40x128xf32, #tpu.memory_space<vmem>>, vector<1x16xf32>,
      %scan3A_466 = arith.constant 0 : i32
      scf.yield %scan3A_466 : i32
    }
    %scan3A_6 = arith.constant 40 : i32
    %mul3A_7 = arith.constant 640 : i32
    %mul3A_8 = arith.muli %arg1, %mul3A_7 : i32
    %add3A_9 = arith.constant 0 : i32
    %add3A_10 = arith.addi %mul3A_8, %add3A_9 : i32
    %dma_start3A = arith.constant 0 : i32
    %dma_start3A_11 = tpu.memref_slice %arg17[%add3A_10, %dma_start3A] : memref<10240x128xf32, #tpu.memory_space<vmem_shared>> -> memref<40x128xf32, #tpu.memory_space<vmem_shared>>
    %dma_start3A_12 = arith.constant 0 : i32
    %dma_start3A_13 = tpu.memref_slice %arg17[%add3A_10, %dma_start3A_12] : memref<10240x128xf32, #tpu.memory_space<vmem_shared>> -> memref<40x128xf32, #tpu.memory_space<vmem_shared>>
    tpu.enqueue_dma source(%arg15 : memref<40x128xf32, #tpu.memory_space<vmem>>) target(%dma_start3A_13 : memref<40x128xf32, #tpu.memory_space<vmem_shared>>) target_semaphore(%arg26 : memref<!tpu.dma_semaphore, #tpu.memory_space<semaphore_mem>>)
    %mul3A_14 = arith.constant 640 : i32
    %mul3A_15 = arith.muli %arg1, %mul3A_14 : i32
    %add3A_16 = arith.constant 40 : i32
    %add3A_17 = arith.addi %mul3A_15, %add3A_16 : i32
    %dma_start3A_18 = arith.constant 0 : i32
    %dma_start3A_19 = tpu.memref_slice %arg17[%add3A_17, %dma_start3A_18] : memref<10240x128xf32, #tpu.memory_space<vmem_shared>> -> memref<40x128xf32, #tpu.memory_space<vmem_shared>>
    %dma_start3A_20 = arith.constant 0 : i32
    %dma_start3A_21 = tpu.memref_slice %arg17[%add3A_17, %dma_start3A_20] : memref<10240x128xf32, #tpu.memory_space<vmem_shared>> -> memref<40x128xf32, #tpu.memory_space<vmem_shared>>
    tpu.enqueue_dma source(%arg15 : memref<40x128xf32, #tpu.memory_space<vmem>>) target(%dma_start3A_21 : memref<40x128xf32, #tpu.memory_space<vmem_shared>>) target_semaphore(%arg26 : memref<!tpu.dma_semaphore, #tpu.memory_space<semaphore_mem>>)
    %mul3A_22 = arith.constant 640 : i32
    %mul3A_23 = arith.muli %arg1, %mul3A_22 : i32
    %add3A_24 = arith.constant 80 : i32
    %add3A_25 = arith.addi %mul3A_23, %add3A_24 : i32
    %dma_start3A_26 = arith.constant 0 : i32
    %dma_start3A_27 = tpu.memref_slice %arg17[%add3A_25, %dma_start3A_26] : memref<10240x128xf32, #tpu.memory_space<vmem_shared>> -> memref<40x128xf32, #tpu.memory_space<vmem_shared>>
    %dma_start3A_28 = arith.constant 0 : i32
    %dma_start3A_29 = tpu.memref_slice %arg17[%add3A_25, %dma_start3A_28] : memref<10240x128xf32, #tpu.memory_space<vmem_shared>> -> memref<40x128xf32, #tpu.memory_space<vmem_shared>>
    tpu.enqueue_dma source(%arg15 : memref<40x128xf32, #tpu.memory_space<vmem>>) target(%dma_start3A_29 : memref<40x128xf32, #tpu.memory_space<vmem_shared>>) target_semaphore(%arg26 : memref<!tpu.dma_semaphore, #tpu.memory_space<semaphore_mem>>)
    %mul3A_30 = arith.constant 640 : i32
    %mul3A_31 = arith.muli %arg1, %mul3A_30 : i32
    %add3A_32 = arith.constant 120 : i32
    %add3A_33 = arith.addi %mul3A_31, %add3A_32 : i32
    %dma_start3A_34 = arith.constant 0 : i32
    %dma_start3A_35 = tpu.memref_slice %arg17[%add3A_33, %dma_start3A_34] : memref<10240x128xf32, #tpu.memory_space<vmem_shared>> -> memref<40x128xf32, #tpu.memory_space<vmem_shared>>
    %dma_start3A_36 = arith.constant 0 : i32
    %dma_start3A_37 = tpu.memref_slice %arg17[%add3A_33, %dma_start3A_36] : memref<10240x128xf32, #tpu.memory_space<vmem_shared>> -> memref<40x128xf32, #tpu.memory_space<vmem_shared>>
    tpu.enqueue_dma source(%arg15 : memref<40x128xf32, #tpu.memory_space<vmem>>) target(%dma_start3A_37 : memref<40x128xf32, #tpu.memory_space<vmem_shared>>) target_semaphore(%arg26 : memref<!tpu.dma_semaphore, #tpu.memory_space<semaphore_mem>>)
    %mul3A_38 = arith.constant 640 : i32
    %mul3A_39 = arith.muli %arg1, %mul3A_38 : i32
    %add3A_40 = arith.constant 160 : i32
    %add3A_41 = arith.addi %mul3A_39, %add3A_40 : i32
    %dma_start3A_42 = arith.constant 0 : i32
    %dma_start3A_43 = tpu.memref_slice %arg17[%add3A_41, %dma_start3A_42] : memref<10240x128xf32, #tpu.memory_space<vmem_shared>> -> memref<40x128xf32, #tpu.memory_space<vmem_shared>>
    %dma_start3A_44 = arith.constant 0 : i32
    %dma_start3A_45 = tpu.memref_slice %arg17[%add3A_41, %dma_start3A_44] : memref<10240x128xf32, #tpu.memory_space<vmem_shared>> -> memref<40x128xf32, #tpu.memory_space<vmem_shared>>
    tpu.enqueue_dma source(%arg15 : memref<40x128xf32, #tpu.memory_space<vmem>>) target(%dma_start3A_45 : memref<40x128xf32, #tpu.memory_space<vmem_shared>>) target_semaphore(%arg26 : memref<!tpu.dma_semaphore, #tpu.memory_space<semaphore_mem>>)
    %mul3A_46 = arith.constant 640 : i32
    %mul3A_47 = arith.muli %arg1, %mul3A_46 : i32
    %add3A_48 = arith.constant 200 : i32
    %add3A_49 = arith.addi %mul3A_47, %add3A_48 : i32
    %dma_start3A_50 = arith.constant 0 : i32
    %dma_start3A_51 = tpu.memref_slice %arg17[%add3A_49, %dma_start3A_50] : memref<10240x128xf32, #tpu.memory_space<vmem_shared>> -> memref<40x128xf32, #tpu.memory_space<vmem_shared>>
    %dma_start3A_52 = arith.constant 0 : i32
    %dma_start3A_53 = tpu.memref_slice %arg17[%add3A_49, %dma_start3A_52] : memref<10240x128xf32, #tpu.memory_space<vmem_shared>> -> memref<40x128xf32, #tpu.memory_space<vmem_shared>>
    tpu.enqueue_dma source(%arg15 : memref<40x128xf32, #tpu.memory_space<vmem>>) target(%dma_start3A_53 : memref<40x128xf32, #tpu.memory_space<vmem_shared>>) target_semaphore(%arg26 : memref<!tpu.dma_semaphore, #tpu.memory_space<semaphore_mem>>)
    %mul3A_54 = arith.constant 640 : i32
    %mul3A_55 = arith.muli %arg1, %mul3A_54 : i32
    %add3A_56 = arith.constant 240 : i32
    %add3A_57 = arith.addi %mul3A_55, %add3A_56 : i32
    %dma_start3A_58 = arith.constant 0 : i32
    %dma_start3A_59 = tpu.memref_slice %arg17[%add3A_57, %dma_start3A_58] : memref<10240x128xf32, #tpu.memory_space<vmem_shared>> -> memref<40x128xf32, #tpu.memory_space<vmem_shared>>
    %dma_start3A_60 = arith.constant 0 : i32
    %dma_start3A_61 = tpu.memref_slice %arg17[%add3A_57, %dma_start3A_60] : memref<10240x128xf32, #tpu.memory_space<vmem_shared>> -> memref<40x128xf32, #tpu.memory_space<vmem_shared>>
    tpu.enqueue_dma source(%arg15 : memref<40x128xf32, #tpu.memory_space<vmem>>) target(%dma_start3A_61 : memref<40x128xf32, #tpu.memory_space<vmem_shared>>) target_semaphore(%arg26 : memref<!tpu.dma_semaphore, #tpu.memory_space<semaphore_mem>>)
    %mul3A_62 = arith.constant 640 : i32
    %mul3A_63 = arith.muli %arg1, %mul3A_62 : i32
    %add3A_64 = arith.constant 280 : i32
    %add3A_65 = arith.addi %mul3A_63, %add3A_64 : i32
    %dma_start3A_66 = arith.constant 0 : i32
    %dma_start3A_67 = tpu.memref_slice %arg17[%add3A_65, %dma_start3A_66] : memref<10240x128xf32, #tpu.memory_space<vmem_shared>> -> memref<40x128xf32, #tpu.memory_space<vmem_shared>>
    %dma_start3A_68 = arith.constant 0 : i32
    %dma_start3A_69 = tpu.memref_slice %arg17[%add3A_65, %dma_start3A_68] : memref<10240x128xf32, #tpu.memory_space<vmem_shared>> -> memref<40x128xf32, #tpu.memory_space<vmem_shared>>
    tpu.enqueue_dma source(%arg15 : memref<40x128xf32, #tpu.memory_space<vmem>>) target(%dma_start3A_69 : memref<40x128xf32, #tpu.memory_space<vmem_shared>>) target_semaphore(%arg26 : memref<!tpu.dma_semaphore, #tpu.memory_space<semaphore_mem>>)
    %mul3A_70 = arith.constant 640 : i32
    %mul3A_71 = arith.muli %arg1, %mul3A_70 : i32
    %add3A_72 = arith.constant 320 : i32
    %add3A_73 = arith.addi %mul3A_71, %add3A_72 : i32
    %dma_start3A_74 = arith.constant 0 : i32
    %dma_start3A_75 = tpu.memref_slice %arg17[%add3A_73, %dma_start3A_74] : memref<10240x128xf32, #tpu.memory_space<vmem_shared>> -> memref<40x128xf32, #tpu.memory_space<vmem_shared>>
    %dma_start3A_76 = arith.constant 0 : i32
    %dma_start3A_77 = tpu.memref_slice %arg17[%add3A_73, %dma_start3A_76] : memref<10240x128xf32, #tpu.memory_space<vmem_shared>> -> memref<40x128xf32, #tpu.memory_space<vmem_shared>>
    tpu.enqueue_dma source(%arg15 : memref<40x128xf32, #tpu.memory_space<vmem>>) target(%dma_start3A_77 : memref<40x128xf32, #tpu.memory_space<vmem_shared>>) target_semaphore(%arg26 : memref<!tpu.dma_semaphore, #tpu.memory_space<semaphore_mem>>)
    %mul3A_78 = arith.constant 640 : i32
    %mul3A_79 = arith.muli %arg1, %mul3A_78 : i32
    %add3A_80 = arith.constant 360 : i32
    %add3A_81 = arith.addi %mul3A_79, %add3A_80 : i32
    %dma_start3A_82 = arith.constant 0 : i32
    %dma_start3A_83 = tpu.memref_slice %arg17[%add3A_81, %dma_start3A_82] : memref<10240x128xf32, #tpu.memory_space<vmem_shared>> -> memref<40x128xf32, #tpu.memory_space<vmem_shared>>
    %dma_start3A_84 = arith.constant 0 : i32
    %dma_start3A_85 = tpu.memref_slice %arg17[%add3A_81, %dma_start3A_84] : memref<10240x128xf32, #tpu.memory_space<vmem_shared>> -> memref<40x128xf32, #tpu.memory_space<vmem_shared>>
    tpu.enqueue_dma source(%arg15 : memref<40x128xf32, #tpu.memory_space<vmem>>) target(%dma_start3A_85 : memref<40x128xf32, #tpu.memory_space<vmem_shared>>) target_semaphore(%arg26 : memref<!tpu.dma_semaphore, #tpu.memory_space<semaphore_mem>>)
    %mul3A_86 = arith.constant 640 : i32
    %mul3A_87 = arith.muli %arg1, %mul3A_86 : i32
    %add3A_88 = arith.constant 400 : i32
    %add3A_89 = arith.addi %mul3A_87, %add3A_88 : i32
    %dma_start3A_90 = arith.constant 0 : i32
    %dma_start3A_91 = tpu.memref_slice %arg17[%add3A_89, %dma_start3A_90] : memref<10240x128xf32, #tpu.memory_space<vmem_shared>> -> memref<40x128xf32, #tpu.memory_space<vmem_shared>>
    %dma_start3A_92 = arith.constant 0 : i32
    %dma_start3A_93 = tpu.memref_slice %arg17[%add3A_89, %dma_start3A_92] : memref<10240x128xf32, #tpu.memory_space<vmem_shared>> -> memref<40x128xf32, #tpu.memory_space<vmem_shared>>
    tpu.enqueue_dma source(%arg15 : memref<40x128xf32, #tpu.memory_space<vmem>>) target(%dma_start3A_93 : memref<40x128xf32, #tpu.memory_space<vmem_shared>>) target_semaphore(%arg26 : memref<!tpu.dma_semaphore, #tpu.memory_space<semaphore_mem>>)
    %mul3A_94 = arith.constant 640 : i32
    %mul3A_95 = arith.muli %arg1, %mul3A_94 : i32
    %add3A_96 = arith.constant 440 : i32
    %add3A_97 = arith.addi %mul3A_95, %add3A_96 : i32
    %dma_start3A_98 = arith.constant 0 : i32
    %dma_start3A_99 = tpu.memref_slice %arg17[%add3A_97, %dma_start3A_98] : memref<10240x128xf32, #tpu.memory_space<vmem_shared>> -> memref<40x128xf32, #tpu.memory_space<vmem_shared>>
    %dma_start3A_100 = arith.constant 0 : i32
    %dma_start3A_101 = tpu.memref_slice %arg17[%add3A_97, %dma_start3A_100] : memref<10240x128xf32, #tpu.memory_space<vmem_shared>> -> memref<40x128xf32, #tpu.memory_space<vmem_shared>>
    tpu.enqueue_dma source(%arg15 : memref<40x128xf32, #tpu.memory_space<vmem>>) target(%dma_start3A_101 : memref<40x128xf32, #tpu.memory_space<vmem_shared>>) target_semaphore(%arg26 : memref<!tpu.dma_semaphore, #tpu.memory_space<semaphore_mem>>)
    %mul3A_102 = arith.constant 640 : i32
    %mul3A_103 = arith.muli %arg1, %mul3A_102 : i32
    %add3A_104 = arith.constant 480 : i32
    %add3A_105 = arith.addi %mul3A_103, %add3A_104 : i32
    %dma_start3A_106 = arith.constant 0 : i32
    %dma_start3A_107 = tpu.memref_slice %arg17[%add3A_105, %dma_start3A_106] : memref<10240x128xf32, #tpu.memory_space<vmem_shared>> -> memref<40x128xf32, #tpu.memory_space<vmem_shared>>
    %dma_start3A_108 = arith.constant 0 : i32
    %dma_start3A_109 = tpu.memref_slice %arg17[%add3A_105, %dma_start3A_108] : memref<10240x128xf32, #tpu.memory_space<vmem_shared>> -> memref<40x128xf32, #tpu.memory_space<vmem_shared>>
    tpu.enqueue_dma source(%arg15 : memref<40x128xf32, #tpu.memory_space<vmem>>) target(%dma_start3A_109 : memref<40x128xf32, #tpu.memory_space<vmem_shared>>) target_semaphore(%arg26 : memref<!tpu.dma_semaphore, #tpu.memory_space<semaphore_mem>>)
    %mul3A_110 = arith.constant 640 : i32
    %mul3A_111 = arith.muli %arg1, %mul3A_110 : i32
    %add3A_112 = arith.constant 520 : i32
    %add3A_113 = arith.addi %mul3A_111, %add3A_112 : i32
    %dma_start3A_114 = arith.constant 0 : i32
    %dma_start3A_115 = tpu.memref_slice %arg17[%add3A_113, %dma_start3A_114] : memref<10240x128xf32, #tpu.memory_space<vmem_shared>> -> memref<40x128xf32, #tpu.memory_space<vmem_shared>>
    %dma_start3A_116 = arith.constant 0 : i32
    %dma_start3A_117 = tpu.memref_slice %arg17[%add3A_113, %dma_start3A_116] : memref<10240x128xf32, #tpu.memory_space<vmem_shared>> -> memref<40x128xf32, #tpu.memory_space<vmem_shared>>
    tpu.enqueue_dma source(%arg15 : memref<40x128xf32, #tpu.memory_space<vmem>>) target(%dma_start3A_117 : memref<40x128xf32, #tpu.memory_space<vmem_shared>>) target_semaphore(%arg26 : memref<!tpu.dma_semaphore, #tpu.memory_space<semaphore_mem>>)
    %mul3A_118 = arith.constant 640 : i32
    %mul3A_119 = arith.muli %arg1, %mul3A_118 : i32
    %add3A_120 = arith.constant 560 : i32
    %add3A_121 = arith.addi %mul3A_119, %add3A_120 : i32
    %dma_start3A_122 = arith.constant 0 : i32
    %dma_start3A_123 = tpu.memref_slice %arg17[%add3A_121, %dma_start3A_122] : memref<10240x128xf32, #tpu.memory_space<vmem_shared>> -> memref<40x128xf32, #tpu.memory_space<vmem_shared>>
    %dma_start3A_124 = arith.constant 0 : i32
    %dma_start3A_125 = tpu.memref_slice %arg17[%add3A_121, %dma_start3A_124] : memref<10240x128xf32, #tpu.memory_space<vmem_shared>> -> memref<40x128xf32, #tpu.memory_space<vmem_shared>>
    tpu.enqueue_dma source(%arg15 : memref<40x128xf32, #tpu.memory_space<vmem>>) target(%dma_start3A_125 : memref<40x128xf32, #tpu.memory_space<vmem_shared>>) target_semaphore(%arg26 : memref<!tpu.dma_semaphore, #tpu.memory_space<semaphore_mem>>)
    %mul3A_126 = arith.constant 640 : i32
    %mul3A_127 = arith.muli %arg1, %mul3A_126 : i32
    %add3A_128 = arith.constant 600 : i32
    %add3A_129 = arith.addi %mul3A_127, %add3A_128 : i32
    %dma_start3A_130 = arith.constant 0 : i32
    %dma_start3A_131 = tpu.memref_slice %arg17[%add3A_129, %dma_start3A_130] : memref<10240x128xf32, #tpu.memory_space<vmem_shared>> -> memref<40x128xf32, #tpu.memory_space<vmem_shared>>
    %dma_start3A_132 = arith.constant 0 : i32
    %dma_start3A_133 = tpu.memref_slice %arg17[%add3A_129, %dma_start3A_132] : memref<10240x128xf32, #tpu.memory_space<vmem_shared>> -> memref<40x128xf32, #tpu.memory_space<vmem_shared>>
    tpu.enqueue_dma source(%arg15 : memref<40x128xf32, #tpu.memory_space<vmem>>) target(%dma_start3A_133 : memref<40x128xf32, #tpu.memory_space<vmem_shared>>) target_semaphore(%arg26 : memref<!tpu.dma_semaphore, #tpu.memory_space<semaphore_mem>>)
    %dma_wait3A = arith.constant 0 : i32
    %dma_wait3A_134 = arith.constant 0 : i32
    %dma_wait3A_135 = tpu.memref_slice %arg17[%dma_wait3A, %dma_wait3A_134] : memref<10240x128xf32, #tpu.memory_space<vmem_shared>> -> memref<40x128xf32, #tpu.memory_space<vmem_shared>>
    %dma_wait3A_136 = arith.constant 0 : i32
    %dma_wait3A_137 = arith.constant 0 : i32
    %dma_wait3A_138 = tpu.memref_slice %arg17[%dma_wait3A_136, %dma_wait3A_137] : memref<10240x128xf32, #tpu.memory_space<vmem_shared>> -> memref<40x128xf32, #tpu.memory_space<vmem_shared>>
    tpu.wait_dma2 semaphore(%arg26 : memref<!tpu.dma_semaphore, #tpu.memory_space<semaphore_mem>>) src(%arg15 : memref<40x128xf32, #tpu.memory_space<vmem>>) dst(%dma_wait3A_138 : memref<40x128xf32, #tpu.memory_space<vmem_shared>>)
    %dma_wait3A_139 = arith.constant 0 : i32
    %dma_wait3A_140 = arith.constant 0 : i32
    %dma_wait3A_141 = tpu.memref_slice %arg17[%dma_wait3A_139, %dma_wait3A_140] : memref<10240x128xf32, #tpu.memory_space<vmem_shared>> -> memref<40x128xf32, #tpu.memory_space<vmem_shared>>
    %dma_wait3A_142 = arith.constant 0 : i32
    %dma_wait3A_143 = arith.constant 0 : i32
    %dma_wait3A_144 = tpu.memref_slice %arg17[%dma_wait3A_142, %dma_wait3A_143] : memref<10240x128xf32, #tpu.memory_space<vmem_shared>> -> memref<40x128xf32, #tpu.memory_space<vmem_shared>>
    tpu.wait_dma2 semaphore(%arg26 : memref<!tpu.dma_semaphore, #tpu.memory_space<semaphore_mem>>) src(%arg15 : memref<40x128xf32, #tpu.memory_space<vmem>>) dst(%dma_wait3A_144 : memref<40x128xf32, #tpu.memory_space<vmem_shared>>)
    %dma_wait3A_145 = arith.constant 0 : i32
    %dma_wait3A_146 = arith.constant 0 : i32
    %dma_wait3A_147 = tpu.memref_slice %arg17[%dma_wait3A_145, %dma_wait3A_146] : memref<10240x128xf32, #tpu.memory_space<vmem_shared>> -> memref<40x128xf32, #tpu.memory_space<vmem_shared>>
    %dma_wait3A_148 = arith.constant 0 : i32
    %dma_wait3A_149 = arith.constant 0 : i32
    %dma_wait3A_150 = tpu.memref_slice %arg17[%dma_wait3A_148, %dma_wait3A_149] : memref<10240x128xf32, #tpu.memory_space<vmem_shared>> -> memref<40x128xf32, #tpu.memory_space<vmem_shared>>
    tpu.wait_dma2 semaphore(%arg26 : memref<!tpu.dma_semaphore, #tpu.memory_space<semaphore_mem>>) src(%arg15 : memref<40x128xf32, #tpu.memory_space<vmem>>) dst(%dma_wait3A_150 : memref<40x128xf32, #tpu.memory_space<vmem_shared>>)
    %dma_wait3A_151 = arith.constant 0 : i32
    %dma_wait3A_152 = arith.constant 0 : i32
    %dma_wait3A_153 = tpu.memref_slice %arg17[%dma_wait3A_151, %dma_wait3A_152] : memref<10240x128xf32, #tpu.memory_space<vmem_shared>> -> memref<40x128xf32, #tpu.memory_space<vmem_shared>>
    %dma_wait3A_154 = arith.constant 0 : i32
    %dma_wait3A_155 = arith.constant 0 : i32
    %dma_wait3A_156 = tpu.memref_slice %arg17[%dma_wait3A_154, %dma_wait3A_155] : memref<10240x128xf32, #tpu.memory_space<vmem_shared>> -> memref<40x128xf32, #tpu.memory_space<vmem_shared>>
    tpu.wait_dma2 semaphore(%arg26 : memref<!tpu.dma_semaphore, #tpu.memory_space<semaphore_mem>>) src(%arg15 : memref<40x128xf32, #tpu.memory_space<vmem>>) dst(%dma_wait3A_156 : memref<40x128xf32, #tpu.memory_space<vmem_shared>>)
    %dma_wait3A_157 = arith.constant 0 : i32
    %dma_wait3A_158 = arith.constant 0 : i32
    %dma_wait3A_159 = tpu.memref_slice %arg17[%dma_wait3A_157, %dma_wait3A_158] : memref<10240x128xf32, #tpu.memory_space<vmem_shared>> -> memref<40x128xf32, #tpu.memory_space<vmem_shared>>
    %dma_wait3A_160 = arith.constant 0 : i32
    %dma_wait3A_161 = arith.constant 0 : i32
    %dma_wait3A_162 = tpu.memref_slice %arg17[%dma_wait3A_160, %dma_wait3A_161] : memref<10240x128xf32, #tpu.memory_space<vmem_shared>> -> memref<40x128xf32, #tpu.memory_space<vmem_shared>>
    tpu.wait_dma2 semaphore(%arg26 : memref<!tpu.dma_semaphore, #tpu.memory_space<semaphore_mem>>) src(%arg15 : memref<40x128xf32, #tpu.memory_space<vmem>>) dst(%dma_wait3A_162 : memref<40x128xf32, #tpu.memory_space<vmem_shared>>)
    %dma_wait3A_163 = arith.constant 0 : i32
    %dma_wait3A_164 = arith.constant 0 : i32
    %dma_wait3A_165 = tpu.memref_slice %arg17[%dma_wait3A_163, %dma_wait3A_164] : memref<10240x128xf32, #tpu.memory_space<vmem_shared>> -> memref<40x128xf32, #tpu.memory_space<vmem_shared>>
    %dma_wait3A_166 = arith.constant 0 : i32
    %dma_wait3A_167 = arith.constant 0 : i32
    %dma_wait3A_168 = tpu.memref_slice %arg17[%dma_wait3A_166, %dma_wait3A_167] : memref<10240x128xf32, #tpu.memory_space<vmem_shared>> -> memref<40x128xf32, #tpu.memory_space<vmem_shared>>
    tpu.wait_dma2 semaphore(%arg26 : memref<!tpu.dma_semaphore, #tpu.memory_space<semaphore_mem>>) src(%arg15 : memref<40x128xf32, #tpu.memory_space<vmem>>) dst(%dma_wait3A_168 : memref<40x128xf32, #tpu.memory_space<vmem_shared>>)
    %dma_wait3A_169 = arith.constant 0 : i32
    %dma_wait3A_170 = arith.constant 0 : i32
    %dma_wait3A_171 = tpu.memref_slice %arg17[%dma_wait3A_169, %dma_wait3A_170] : memref<10240x128xf32, #tpu.memory_space<vmem_shared>> -> memref<40x128xf32, #tpu.memory_space<vmem_shared>>
    %dma_wait3A_172 = arith.constant 0 : i32
    %dma_wait3A_173 = arith.constant 0 : i32
    %dma_wait3A_174 = tpu.memref_slice %arg17[%dma_wait3A_172, %dma_wait3A_173] : memref<10240x128xf32, #tpu.memory_space<vmem_shared>> -> memref<40x128xf32, #tpu.memory_space<vmem_shared>>
    tpu.wait_dma2 semaphore(%arg26 : memref<!tpu.dma_semaphore, #tpu.memory_space<semaphore_mem>>) src(%arg15 : memref<40x128xf32, #tpu.memory_space<vmem>>) dst(%dma_wait3A_174 : memref<40x128xf32, #tpu.memory_space<vmem_shared>>)
    %dma_wait3A_175 = arith.constant 0 : i32
    %dma_wait3A_176 = arith.constant 0 : i32
    %dma_wait3A_177 = tpu.memref_slice %arg17[%dma_wait3A_175, %dma_wait3A_176] : memref<10240x128xf32, #tpu.memory_space<vmem_shared>> -> memref<40x128xf32, #tpu.memory_space<vmem_shared>>
    %dma_wait3A_178 = arith.constant 0 : i32
    %dma_wait3A_179 = arith.constant 0 : i32
    %dma_wait3A_180 = tpu.memref_slice %arg17[%dma_wait3A_178, %dma_wait3A_179] : memref<10240x128xf32, #tpu.memory_space<vmem_shared>> -> memref<40x128xf32, #tpu.memory_space<vmem_shared>>
    tpu.wait_dma2 semaphore(%arg26 : memref<!tpu.dma_semaphore, #tpu.memory_space<semaphore_mem>>) src(%arg15 : memref<40x128xf32, #tpu.memory_space<vmem>>) dst(%dma_wait3A_180 : memref<40x128xf32, #tpu.memory_space<vmem_shared>>)
    %dma_wait3A_181 = arith.constant 0 : i32
    %dma_wait3A_182 = arith.constant 0 : i32
    %dma_wait3A_183 = tpu.memref_slice %arg17[%dma_wait3A_181, %dma_wait3A_182] : memref<10240x128xf32, #tpu.memory_space<vmem_shared>> -> memref<40x128xf32, #tpu.memory_space<vmem_shared>>
    %dma_wait3A_184 = arith.constant 0 : i32
    %dma_wait3A_185 = arith.constant 0 : i32
    %dma_wait3A_186 = tpu.memref_slice %arg17[%dma_wait3A_184, %dma_wait3A_185] : memref<10240x128xf32, #tpu.memory_space<vmem_shared>> -> memref<40x128xf32, #tpu.memory_space<vmem_shared>>
    tpu.wait_dma2 semaphore(%arg26 : memref<!tpu.dma_semaphore, #tpu.memory_space<semaphore_mem>>) src(%arg15 : memref<40x128xf32, #tpu.memory_space<vmem>>) dst(%dma_wait3A_186 : memref<40x128xf32, #tpu.memory_space<vmem_shared>>)
    %dma_wait3A_187 = arith.constant 0 : i32
    %dma_wait3A_188 = arith.constant 0 : i32
    %dma_wait3A_189 = tpu.memref_slice %arg17[%dma_wait3A_187, %dma_wait3A_188] : memref<10240x128xf32, #tpu.memory_space<vmem_shared>> -> memref<40x128xf32, #tpu.memory_space<vmem_shared>>
    %dma_wait3A_190 = arith.constant 0 : i32
    %dma_wait3A_191 = arith.constant 0 : i32
    %dma_wait3A_192 = tpu.memref_slice %arg17[%dma_wait3A_190, %dma_wait3A_191] : memref<10240x128xf32, #tpu.memory_space<vmem_shared>> -> memref<40x128xf32, #tpu.memory_space<vmem_shared>>
    tpu.wait_dma2 semaphore(%arg26 : memref<!tpu.dma_semaphore, #tpu.memory_space<semaphore_mem>>) src(%arg15 : memref<40x128xf32, #tpu.memory_space<vmem>>) dst(%dma_wait3A_192 : memref<40x128xf32, #tpu.memory_space<vmem_shared>>)
    %dma_wait3A_193 = arith.constant 0 : i32
    %dma_wait3A_194 = arith.constant 0 : i32
    %dma_wait3A_195 = tpu.memref_slice %arg17[%dma_wait3A_193, %dma_wait3A_194] : memref<10240x128xf32, #tpu.memory_space<vmem_shared>> -> memref<40x128xf32, #tpu.memory_space<vmem_shared>>
    %dma_wait3A_196 = arith.constant 0 : i32
    %dma_wait3A_197 = arith.constant 0 : i32
    %dma_wait3A_198 = tpu.memref_slice %arg17[%dma_wait3A_196, %dma_wait3A_197] : memref<10240x128xf32, #tpu.memory_space<vmem_shared>> -> memref<40x128xf32, #tpu.memory_space<vmem_shared>>
    tpu.wait_dma2 semaphore(%arg26 : memref<!tpu.dma_semaphore, #tpu.memory_space<semaphore_mem>>) src(%arg15 : memref<40x128xf32, #tpu.memory_space<vmem>>) dst(%dma_wait3A_198 : memref<40x128xf32, #tpu.memory_space<vmem_shared>>)
    %dma_wait3A_199 = arith.constant 0 : i32
    %dma_wait3A_200 = arith.constant 0 : i32
    %dma_wait3A_201 = tpu.memref_slice %arg17[%dma_wait3A_199, %dma_wait3A_200] : memref<10240x128xf32, #tpu.memory_space<vmem_shared>> -> memref<40x128xf32, #tpu.memory_space<vmem_shared>>
    %dma_wait3A_202 = arith.constant 0 : i32
    %dma_wait3A_203 = arith.constant 0 : i32
    %dma_wait3A_204 = tpu.memref_slice %arg17[%dma_wait3A_202, %dma_wait3A_203] : memref<10240x128xf32, #tpu.memory_space<vmem_shared>> -> memref<40x128xf32, #tpu.memory_space<vmem_shared>>
    tpu.wait_dma2 semaphore(%arg26 : memref<!tpu.dma_semaphore, #tpu.memory_space<semaphore_mem>>) src(%arg15 : memref<40x128xf32, #tpu.memory_space<vmem>>) dst(%dma_wait3A_204 : memref<40x128xf32, #tpu.memory_space<vmem_shared>>)
    %dma_wait3A_205 = arith.constant 0 : i32
    %dma_wait3A_206 = arith.constant 0 : i32
    %dma_wait3A_207 = tpu.memref_slice %arg17[%dma_wait3A_205, %dma_wait3A_206] : memref<10240x128xf32, #tpu.memory_space<vmem_shared>> -> memref<40x128xf32, #tpu.memory_space<vmem_shared>>
    %dma_wait3A_208 = arith.constant 0 : i32
    %dma_wait3A_209 = arith.constant 0 : i32
    %dma_wait3A_210 = tpu.memref_slice %arg17[%dma_wait3A_208, %dma_wait3A_209] : memref<10240x128xf32, #tpu.memory_space<vmem_shared>> -> memref<40x128xf32, #tpu.memory_space<vmem_shared>>
    tpu.wait_dma2 semaphore(%arg26 : memref<!tpu.dma_semaphore, #tpu.memory_space<semaphore_mem>>) src(%arg15 : memref<40x128xf32, #tpu.memory_space<vmem>>) dst(%dma_wait3A_210 : memref<40x128xf32, #tpu.memory_space<vmem_shared>>)
    %dma_wait3A_211 = arith.constant 0 : i32
    %dma_wait3A_212 = arith.constant 0 : i32
    %dma_wait3A_213 = tpu.memref_slice %arg17[%dma_wait3A_211, %dma_wait3A_212] : memref<10240x128xf32, #tpu.memory_space<vmem_shared>> -> memref<40x128xf32, #tpu.memory_space<vmem_shared>>
    %dma_wait3A_214 = arith.constant 0 : i32
    %dma_wait3A_215 = arith.constant 0 : i32
    %dma_wait3A_216 = tpu.memref_slice %arg17[%dma_wait3A_214, %dma_wait3A_215] : memref<10240x128xf32, #tpu.memory_space<vmem_shared>> -> memref<40x128xf32, #tpu.memory_space<vmem_shared>>
    tpu.wait_dma2 semaphore(%arg26 : memref<!tpu.dma_semaphore, #tpu.memory_space<semaphore_mem>>) src(%arg15 : memref<40x128xf32, #tpu.memory_space<vmem>>) dst(%dma_wait3A_216 : memref<40x128xf32, #tpu.memory_space<vmem_shared>>)
    %dma_wait3A_217 = arith.constant 0 : i32
    %dma_wait3A_218 = arith.constant 0 : i32
    %dma_wait3A_219 = tpu.memref_slice %arg17[%dma_wait3A_217, %dma_wait3A_218] : memref<10240x128xf32, #tpu.memory_space<vmem_shared>> -> memref<40x128xf32, #tpu.memory_space<vmem_shared>>
    %dma_wait3A_220 = arith.constant 0 : i32
    %dma_wait3A_221 = arith.constant 0 : i32
    %dma_wait3A_222 = tpu.memref_slice %arg17[%dma_wait3A_220, %dma_wait3A_221] : memref<10240x128xf32, #tpu.memory_space<vmem_shared>> -> memref<40x128xf32, #tpu.memory_space<vmem_shared>>
    tpu.wait_dma2 semaphore(%arg26 : memref<!tpu.dma_semaphore, #tpu.memory_space<semaphore_mem>>) src(%arg15 : memref<40x128xf32, #tpu.memory_space<vmem>>) dst(%dma_wait3A_222 : memref<40x128xf32, #tpu.memory_space<vmem_shared>>)
    %dma_wait3A_223 = arith.constant 0 : i32
    %dma_wait3A_224 = arith.constant 0 : i32
    %dma_wait3A_225 = tpu.memref_slice %arg17[%dma_wait3A_223, %dma_wait3A_224] : memref<10240x128xf32, #tpu.memory_space<vmem_shared>> -> memref<40x128xf32, #tpu.memory_space<vmem_shared>>
    %dma_wait3A_226 = arith.constant 0 : i32
    %dma_wait3A_227 = arith.constant 0 : i32
    %dma_wait3A_228 = tpu.memref_slice %arg17[%dma_wait3A_226, %dma_wait3A_227] : memref<10240x128xf32, #tpu.memory_space<vmem_shared>> -> memref<40x128xf32, #tpu.memory_space<vmem_shared>>
    tpu.wait_dma2 semaphore(%arg26 : memref<!tpu.dma_semaphore, #tpu.memory_space<semaphore_mem>>) src(%arg15 : memref<40x128xf32, #tpu.memory_space<vmem>>) dst(%dma_wait3A_228 : memref<40x128xf32, #tpu.memory_space<vmem_shared>>)
    %barrier3A = arith.constant 0 : index
    tpu.barrier barrier_id(%barrier3A)
    %mul3A_229 = arith.constant 10000 : i32
    %mul3A_230 = arith.muli %add3A, %mul3A_229 : i32
    %add3A_231 = arith.constant 0 : i32
    %add3A_232 = arith.addi %mul3A_230, %add3A_231 : i32
    %multiple_of3A = tpu.assume_multiple %add3A_232, 8 : i32
    %dma_start3A_233 = tpu.memref_slice %arg4[%multiple_of3A] : memref<320000xi32, #tpu.memory_space<hbm>> -> memref<40xi32, #tpu.memory_space<hbm>>
    %dma_start3A_234 = tpu.memref_slice %arg4[%multiple_of3A] : memref<320000xi32, #tpu.memory_space<hbm>> -> memref<40xi32, #tpu.memory_space<hbm>>
    tpu.enqueue_dma source(%dma_start3A_234 : memref<40xi32, #tpu.memory_space<hbm>>) target(%arg7 : memref<40xi32, #tpu.memory_space<vmem>>) target_semaphore(%arg18 : memref<!tpu.dma_semaphore, #tpu.memory_space<semaphore_mem>>)
    %mul3A_235 = arith.constant 10000 : i32
    %mul3A_236 = arith.muli %add3A, %mul3A_235 : i32
    %add3A_237 = arith.constant 0 : i32
    %add3A_238 = arith.addi %mul3A_236, %add3A_237 : i32
    %multiple_of3A_239 = tpu.assume_multiple %add3A_238, 8 : i32
    %dma_start3A_240 = arith.constant 0 : i32
    %dma_start3A_241 = tpu.memref_slice %arg3[%multiple_of3A_239, %dma_start3A_240] : memref<320000x128xf32, #tpu.memory_space<hbm>> -> memref<40x128xf32, #tpu.memory_space<hbm>>
    %dma_start3A_242 = arith.constant 0 : i32
    %dma_start3A_243 = tpu.memref_slice %arg3[%multiple_of3A_239, %dma_start3A_242] : memref<320000x128xf32, #tpu.memory_space<hbm>> -> memref<40x128xf32, #tpu.memory_space<hbm>>
    tpu.enqueue_dma source(%dma_start3A_243 : memref<40x128xf32, #tpu.memory_space<hbm>>) target(%arg11 : memref<40x128xf32, #tpu.memory_space<vmem>>) target_semaphore(%arg22 : memref<!tpu.dma_semaphore, #tpu.memory_space<semaphore_mem>>)
    %mul3A_244 = arith.constant 10000 : i32
    %mul3A_245 = arith.muli %add3A, %mul3A_244 : i32
    %add3A_246 = arith.constant 40 : i32
    %add3A_247 = arith.addi %mul3A_245, %add3A_246 : i32
    %multiple_of3A_248 = tpu.assume_multiple %add3A_247, 8 : i32
    %dma_start3A_249 = tpu.memref_slice %arg4[%multiple_of3A_248] : memref<320000xi32, #tpu.memory_space<hbm>> -> memref<40xi32, #tpu.memory_space<hbm>>
    %dma_start3A_250 = tpu.memref_slice %arg4[%multiple_of3A_248] : memref<320000xi32, #tpu.memory_space<hbm>> -> memref<40xi32, #tpu.memory_space<hbm>>
    tpu.enqueue_dma source(%dma_start3A_250 : memref<40xi32, #tpu.memory_space<hbm>>) target(%arg8 : memref<40xi32, #tpu.memory_space<vmem>>) target_semaphore(%arg19 : memref<!tpu.dma_semaphore, #tpu.memory_space<semaphore_mem>>)
    %mul3A_251 = arith.constant 10000 : i32
    %mul3A_252 = arith.muli %add3A, %mul3A_251 : i32
    %add3A_253 = arith.constant 40 : i32
    %add3A_254 = arith.addi %mul3A_252, %add3A_253 : i32
    %multiple_of3A_255 = tpu.assume_multiple %add3A_254, 8 : i32
    %dma_start3A_256 = arith.constant 0 : i32
    %dma_start3A_257 = tpu.memref_slice %arg3[%multiple_of3A_255, %dma_start3A_256] : memref<320000x128xf32, #tpu.memory_space<hbm>> -> memref<40x128xf32, #tpu.memory_space<hbm>>
    %dma_start3A_258 = arith.constant 0 : i32
    %dma_start3A_259 = tpu.memref_slice %arg3[%multiple_of3A_255, %dma_start3A_258] : memref<320000x128xf32, #tpu.memory_space<hbm>> -> memref<40x128xf32, #tpu.memory_space<hbm>>
    tpu.enqueue_dma source(%dma_start3A_259 : memref<40x128xf32, #tpu.memory_space<hbm>>) target(%arg12 : memref<40x128xf32, #tpu.memory_space<vmem>>) target_semaphore(%arg23 : memref<!tpu.dma_semaphore, #tpu.memory_space<semaphore_mem>>)
    %dma_wait3A_260 = arith.constant 0 : i32
    %dma_wait3A_261 = tpu.memref_slice %arg4[%dma_wait3A_260] : memref<320000xi32, #tpu.memory_space<hbm>> -> memref<40xi32, #tpu.memory_space<hbm>>
    %dma_wait3A_262 = arith.constant 0 : i32
    %dma_wait3A_263 = tpu.memref_slice %arg4[%dma_wait3A_262] : memref<320000xi32, #tpu.memory_space<hbm>> -> memref<40xi32, #tpu.memory_space<hbm>>
    tpu.wait_dma2 semaphore(%arg18 : memref<!tpu.dma_semaphore, #tpu.memory_space<semaphore_mem>>) src(%dma_wait3A_263 : memref<40xi32, #tpu.memory_space<hbm>>) dst(%arg7 : memref<40xi32, #tpu.memory_space<vmem>>)
    %dma_start3A_264 = arith.constant 0 : i32
    %dma_start3A_265 = arith.constant 0 : i32
    %dma_start3A_266 = tpu.memref_slice %arg2[%dma_start3A_264, %dma_start3A_265] : memref<10000x128xf32, #tpu.memory_space<hbm>> -> memref<10000x128xf32, #tpu.memory_space<hbm>>
    tpu.enqueue_indirect_dma source(%dma_start3A_266 : memref<10000x128xf32, #tpu.memory_space<hbm>>) target(%arg13 : memref<40x128xf32, #tpu.memory_space<vmem>>) offsets(%arg7 : memref<40xi32, #tpu.memory_space<vmem>>) semaphore(%arg24 : memref<!tpu.dma_semaphore, #tpu.memory_space<semaphore_mem>>)
    %dma_wait3A_267 = arith.constant 0 : i32
    %dma_wait3A_268 = tpu.memref_slice %arg4[%dma_wait3A_267] : memref<320000xi32, #tpu.memory_space<hbm>> -> memref<40xi32, #tpu.memory_space<hbm>>
    %dma_wait3A_269 = arith.constant 0 : i32
    %dma_wait3A_270 = tpu.memref_slice %arg4[%dma_wait3A_269] : memref<320000xi32, #tpu.memory_space<hbm>> -> memref<40xi32, #tpu.memory_space<hbm>>
    tpu.wait_dma2 semaphore(%arg19 : memref<!tpu.dma_semaphore, #tpu.memory_space<semaphore_mem>>) src(%dma_wait3A_270 : memref<40xi32, #tpu.memory_space<hbm>>) dst(%arg8 : memref<40xi32, #tpu.memory_space<vmem>>)
    %dma_start3A_271 = arith.constant 0 : i32
    %dma_start3A_272 = arith.constant 0 : i32
    %dma_start3A_273 = tpu.memref_slice %arg2[%dma_start3A_271, %dma_start3A_272] : memref<10000x128xf32, #tpu.memory_space<hbm>> -> memref<10000x128xf32, #tpu.memory_space<hbm>>
    tpu.enqueue_indirect_dma source(%dma_start3A_273 : memref<10000x128xf32, #tpu.memory_space<hbm>>) target(%arg14 : memref<40x128xf32, #tpu.memory_space<vmem>>) offsets(%arg8 : memref<40xi32, #tpu.memory_space<vmem>>) semaphore(%arg25 : memref<!tpu.dma_semaphore, #tpu.memory_space<semaphore_mem>>)
    %dma_wait3A_274 = arith.constant 0 : i32
    %dma_wait3A_275 = arith.constant 0 : i32
    %dma_wait3A_276 = tpu.memref_slice %arg3[%dma_wait3A_274, %dma_wait3A_275] : memref<320000x128xf32, #tpu.memory_space<hbm>> -> memref<40x128xf32, #tpu.memory_space<hbm>>
    %dma_wait3A_277 = arith.constant 0 : i32
    %dma_wait3A_278 = arith.constant 0 : i32
    %dma_wait3A_279 = tpu.memref_slice %arg3[%dma_wait3A_277, %dma_wait3A_278] : memref<320000x128xf32, #tpu.memory_space<hbm>> -> memref<40x128xf32, #tpu.memory_space<hbm>>
    tpu.wait_dma2 semaphore(%arg22 : memref<!tpu.dma_semaphore, #tpu.memory_space<semaphore_mem>>) src(%dma_wait3A_279 : memref<40x128xf32, #tpu.memory_space<hbm>>) dst(%arg11 : memref<40x128xf32, #tpu.memory_space<vmem>>)
    %dma_wait3A_280 = arith.constant 0 : i32
    %dma_wait3A_281 = arith.constant 0 : i32
    %dma_wait3A_282 = tpu.memref_slice %arg2[%dma_wait3A_280, %dma_wait3A_281] : memref<10000x128xf32, #tpu.memory_space<hbm>> -> memref<40x128xf32, #tpu.memory_space<hbm>>
    %dma_wait3A_283 = arith.constant 0 : i32
    %dma_wait3A_284 = arith.constant 0 : i32
    %dma_wait3A_285 = tpu.memref_slice %arg2[%dma_wait3A_283, %dma_wait3A_284] : memref<10000x128xf32, #tpu.memory_space<hbm>> -> memref<40x128xf32, #tpu.memory_space<hbm>>
    tpu.wait_dma2 semaphore(%arg24 : memref<!tpu.dma_semaphore, #tpu.memory_space<semaphore_mem>>) src(%dma_wait3A_285 : memref<40x128xf32, #tpu.memory_space<hbm>>) dst(%arg13 : memref<40x128xf32, #tpu.memory_space<vmem>>)
    %mul3A_286 = arith.constant 10000 : i32
    %mul3A_287 = arith.muli %add3A, %mul3A_286 : i32
    %add3A_288 = arith.constant 80 : i32
    %add3A_289 = arith.addi %mul3A_287, %add3A_288 : i32
    %multiple_of3A_290 = tpu.assume_multiple %add3A_289, 8 : i32
    %dma_start3A_291 = tpu.memref_slice %arg4[%multiple_of3A_290] : memref<320000xi32, #tpu.memory_space<hbm>> -> memref<40xi32, #tpu.memory_space<hbm>>
    %dma_start3A_292 = tpu.memref_slice %arg4[%multiple_of3A_290] : memref<320000xi32, #tpu.memory_space<hbm>> -> memref<40xi32, #tpu.memory_space<hbm>>
    tpu.enqueue_dma source(%dma_start3A_292 : memref<40xi32, #tpu.memory_space<hbm>>) target(%arg7 : memref<40xi32, #tpu.memory_space<vmem>>) target_semaphore(%arg18 : memref<!tpu.dma_semaphore, #tpu.memory_space<semaphore_mem>>)
    %mul3A_293 = arith.constant 10000 : i32
    %mul3A_294 = arith.muli %add3A, %mul3A_293 : i32
    %add3A_295 = arith.constant 0 : i32
    %add3A_296 = arith.addi %mul3A_294, %add3A_295 : i32
    %multiple_of3A_297 = tpu.assume_multiple %add3A_296, 8 : i32
    %dma_start3A_298 = tpu.memref_slice %arg5[%multiple_of3A_297] : memref<320000xi32, #tpu.memory_space<hbm>> -> memref<40xi32, #tpu.memory_space<hbm>>
    %dma_start3A_299 = tpu.memref_slice %arg5[%multiple_of3A_297] : memref<320000xi32, #tpu.memory_space<hbm>> -> memref<40xi32, #tpu.memory_space<hbm>>
    tpu.enqueue_dma source(%dma_start3A_299 : memref<40xi32, #tpu.memory_space<hbm>>) target(%arg9 : memref<40xi32, #tpu.memory_space<vmem>>) target_semaphore(%arg20 : memref<!tpu.dma_semaphore, #tpu.memory_space<semaphore_mem>>)
    %scan3A_300 = arith.constant 0 : i32
    %scan3A_301 = arith.constant 0 : i32
    %scan3A_302 = arith.constant 40 : i32
    %scan3A_303 = arith.addi %scan3A_301, %scan3A_302 : i32
    %scan3A_304 = arith.constant 1 : i32
    %scan3A_305 = scf.for %scan3A_410 = %scan3A_301 to %scan3A_303 step %scan3A_304 iter_args(%scan3A_411 = %scan3A_300) -> (i32)  : i32 {
      %get3A = arith.index_cast %scan3A_410 : i32 to index
      %get3A_412 = arith.constant 0 : index
      %get3A_413 = tpu.vector_load %arg13[%get3A, %get3A_412] {strides = array<i32>} : memref<40x128xf32, #tpu.memory_space<vmem>>, vector<1x16xf32>,
      %get3A_414 = vector.shape_cast %get3A_413 : vector<1x16xf32> to vector<16xf32>
      %get3A_415 = arith.index_cast %scan3A_410 : i32 to index
      %get3A_416 = arith.constant 0 : index
      %get3A_417 = tpu.vector_load %arg11[%get3A_415, %get3A_416] {strides = array<i32>} : memref<40x128xf32, #tpu.memory_space<vmem>>, vector<1x16xf32>,
      %get3A_418 = vector.shape_cast %get3A_417 : vector<1x16xf32> to vector<16xf32>
      %add3A_419 = arith.addf %get3A_414, %get3A_418 : vector<16xf32>
      %max3A = arith.constant 0.000000e+00 : f32
      %max3A_420 = vector.broadcast %max3A : f32 to vector<16xf32>
      %max3A_421 = arith.maximumf %add3A_419, %max3A_420 : vector<16xf32>
      %swap3A = arith.index_cast %scan3A_410 : i32 to index
      %swap3A_422 = arith.constant 0 : index
      %swap3A_423 = tpu.vector_load %arg15[%swap3A, %swap3A_422] {strides = array<i32>} : memref<40x128xf32, #tpu.memory_space<vmem>>, vector<1x16xf32>,
      %swap3A_424 = vector.shape_cast %swap3A_423 : vector<1x16xf32> to vector<16xf32>
      %swap3A_425 = vector.shape_cast %max3A_421 : vector<16xf32> to vector<1x16xf32>
      tpu.vector_store %arg15[%swap3A, %swap3A_422], %swap3A_425 {strides = array<i32>} : memref<40x128xf32, #tpu.memory_space<vmem>>, vector<1x16xf32>,
      %get3A_426 = arith.index_cast %scan3A_410 : i32 to index
      %get3A_427 = arith.constant 16 : index
      %get3A_428 = tpu.vector_load %arg13[%get3A_426, %get3A_427] {strides = array<i32>} : memref<40x128xf32, #tpu.memory_space<vmem>>, vector<1x16xf32>,
      %get3A_429 = vector.shape_cast %get3A_428 : vector<1x16xf32> to vector<16xf32>
      %get3A_430 = arith.index_cast %scan3A_410 : i32 to index
      %get3A_431 = arith.constant 16 : index
      %get3A_432 = tpu.vector_load %arg11[%get3A_430, %get3A_431] {strides = array<i32>} : memref<40x128xf32, #tpu.memory_space<vmem>>, vector<1x16xf32>,
      %get3A_433 = vector.shape_cast %get3A_432 : vector<1x16xf32> to vector<16xf32>
      %add3A_434 = arith.addf %get3A_429, %get3A_433 : vector<16xf32>
      %max3A_435 = arith.constant 0.000000e+00 : f32
      %max3A_436 = vector.broadcast %max3A_435 : f32 to vector<16xf32>
      %max3A_437 = arith.maximumf %add3A_434, %max3A_436 : vector<16xf32>
      %swap3A_438 = arith.index_cast %scan3A_410 : i32 to index
      %swap3A_439 = arith.constant 16 : index
      %swap3A_440 = tpu.vector_load %arg15[%swap3A_438, %swap3A_439] {strides = array<i32>} : memref<40x128xf32, #tpu.memory_space<vmem>>, vector<1x16xf32>,
      %swap3A_441 = vector.shape_cast %swap3A_440 : vector<1x16xf32> to vector<16xf32>
      %swap3A_442 = vector.shape_cast %max3A_437 : vector<16xf32> to vector<1x16xf32>
      tpu.vector_store %arg15[%swap3A_438, %swap3A_439], %swap3A_442 {strides = array<i32>} : memref<40x128xf32, #tpu.memory_space<vmem>>, vector<1x16xf32>,
      %get3A_443 = arith.index_cast %scan3A_410 : i32 to index
      %get3A_444 = arith.constant 32 : index
      %get3A_445 = tpu.vector_load %arg13[%get3A_443, %get3A_444] {strides = array<i32>} : memref<40x128xf32, #tpu.memory_space<vmem>>, vector<1x16xf32>,
      %get3A_446 = vector.shape_cast %get3A_445 : vector<1x16xf32> to vector<16xf32>
      %get3A_447 = arith.index_cast %scan3A_410 : i32 to index
      %get3A_448 = arith.constant 32 : index
      %get3A_449 = tpu.vector_load %arg11[%get3A_447, %get3A_448] {strides = array<i32>} : memref<40x128xf32, #tpu.memory_space<vmem>>, vector<1x16xf32>,
      %get3A_450 = vector.shape_cast %get3A_449 : vector<1x16xf32> to vector<16xf32>
      %add3A_451 = arith.addf %get3A_446, %get3A_450 : vector<16xf32>
      %max3A_452 = arith.constant 0.000000e+00 : f32
      %max3A_453 = vector.broadcast %max3A_452 : f32 to vector<16xf32>
      %max3A_454 = arith.maximumf %add3A_451, %max3A_453 : vector<16xf32>
      %swap3A_455 = arith.index_cast %scan3A_410 : i32 to index
      %swap3A_456 = arith.constant 32 : index
      %swap3A_457 = tpu.vector_load %arg15[%swap3A_455, %swap3A_456] {strides = array<i32>} : memref<40x128xf32, #tpu.memory_space<vmem>>, vector<1x16xf32>,
      %swap3A_458 = vector.shape_cast %swap3A_457 : vector<1x16xf32> to vector<16xf32>
      %swap3A_459 = vector.shape_cast %max3A_454 : vector<16xf32> to vector<1x16xf32>
      tpu.vector_store %arg15[%swap3A_455, %swap3A_456], %swap3A_459 {strides = array<i32>} : memref<40x128xf32, #tpu.memory_space<vmem>>, vector<1x16xf32>,
      %get3A_460 = arith.index_cast %scan3A_410 : i32 to index
      %get3A_461 = arith.constant 48 : index
      %get3A_462 = tpu.vector_load %arg13[%get3A_460, %get3A_461] {strides = array<i32>} : memref<40x128xf32, #tpu.memory_space<vmem>>, vector<1x16xf32>,
      %get3A_463 = vector.shape_cast %get3A_462 : vector<1x16xf32> to vector<16xf32>
      %get3A_464 = arith.index_cast %scan3A_410 : i32 to index
      %get3A_465 = arith.constant 48 : index
      %get3A_466 = tpu.vector_load %arg11[%get3A_464, %get3A_465] {strides = array<i32>} : memref<40x128xf32, #tpu.memory_space<vmem>>, vector<1x16xf32>,
      %get3A_467 = vector.shape_cast %get3A_466 : vector<1x16xf32> to vector<16xf32>
      %add3A_468 = arith.addf %get3A_463, %get3A_467 : vector<16xf32>
      %max3A_469 = arith.constant 0.000000e+00 : f32
      %max3A_470 = vector.broadcast %max3A_469 : f32 to vector<16xf32>
      %max3A_471 = arith.maximumf %add3A_468, %max3A_470 : vector<16xf32>
      %swap3A_472 = arith.index_cast %scan3A_410 : i32 to index
      %swap3A_473 = arith.constant 48 : index
      %swap3A_474 = tpu.vector_load %arg15[%swap3A_472, %swap3A_473] {strides = array<i32>} : memref<40x128xf32, #tpu.memory_space<vmem>>, vector<1x16xf32>,
      %swap3A_475 = vector.shape_cast %swap3A_474 : vector<1x16xf32> to vector<16xf32>
      %swap3A_476 = vector.shape_cast %max3A_471 : vector<16xf32> to vector<1x16xf32>
      tpu.vector_store %arg15[%swap3A_472, %swap3A_473], %swap3A_476 {strides = array<i32>} : memref<40x128xf32, #tpu.memory_space<vmem>>, vector<1x16xf32>,
      %get3A_477 = arith.index_cast %scan3A_410 : i32 to index
      %get3A_478 = arith.constant 64 : index
      %get3A_479 = tpu.vector_load %arg13[%get3A_477, %get3A_478] {strides = array<i32>} : memref<40x128xf32, #tpu.memory_space<vmem>>, vector<1x16xf32>,
      %get3A_480 = vector.shape_cast %get3A_479 : vector<1x16xf32> to vector<16xf32>
      %get3A_481 = arith.index_cast %scan3A_410 : i32 to index
      %get3A_482 = arith.constant 64 : index
      %get3A_483 = tpu.vector_load %arg11[%get3A_481, %get3A_482] {strides = array<i32>} : memref<40x128xf32, #tpu.memory_space<vmem>>, vector<1x16xf32>,
      %get3A_484 = vector.shape_cast %get3A_483 : vector<1x16xf32> to vector<16xf32>
      %add3A_485 = arith.addf %get3A_480, %get3A_484 : vector<16xf32>
      %max3A_486 = arith.constant 0.000000e+00 : f32
      %max3A_487 = vector.broadcast %max3A_486 : f32 to vector<16xf32>
      %max3A_488 = arith.maximumf %add3A_485, %max3A_487 : vector<16xf32>
      %swap3A_489 = arith.index_cast %scan3A_410 : i32 to index
      %swap3A_490 = arith.constant 64 : index
      %swap3A_491 = tpu.vector_load %arg15[%swap3A_489, %swap3A_490] {strides = array<i32>} : memref<40x128xf32, #tpu.memory_space<vmem>>, vector<1x16xf32>,
      %swap3A_492 = vector.shape_cast %swap3A_491 : vector<1x16xf32> to vector<16xf32>
      %swap3A_493 = vector.shape_cast %max3A_488 : vector<16xf32> to vector<1x16xf32>
      tpu.vector_store %arg15[%swap3A_489, %swap3A_490], %swap3A_493 {strides = array<i32>} : memref<40x128xf32, #tpu.memory_space<vmem>>, vector<1x16xf32>,
      %get3A_494 = arith.index_cast %scan3A_410 : i32 to index
      %get3A_495 = arith.constant 80 : index
      %get3A_496 = tpu.vector_load %arg13[%get3A_494, %get3A_495] {strides = array<i32>} : memref<40x128xf32, #tpu.memory_space<vmem>>, vector<1x16xf32>,
      %get3A_497 = vector.shape_cast %get3A_496 : vector<1x16xf32> to vector<16xf32>
      %get3A_498 = arith.index_cast %scan3A_410 : i32 to index
      %get3A_499 = arith.constant 80 : index
      %get3A_500 = tpu.vector_load %arg11[%get3A_498, %get3A_499] {strides = array<i32>} : memref<40x128xf32, #tpu.memory_space<vmem>>, vector<1x16xf32>,
      %get3A_501 = vector.shape_cast %get3A_500 : vector<1x16xf32> to vector<16xf32>
      %add3A_502 = arith.addf %get3A_497, %get3A_501 : vector<16xf32>
      %max3A_503 = arith.constant 0.000000e+00 : f32
      %max3A_504 = vector.broadcast %max3A_503 : f32 to vector<16xf32>
      %max3A_505 = arith.maximumf %add3A_502, %max3A_504 : vector<16xf32>
      %swap3A_506 = arith.index_cast %scan3A_410 : i32 to index
      %swap3A_507 = arith.constant 80 : index
      %swap3A_508 = tpu.vector_load %arg15[%swap3A_506, %swap3A_507] {strides = array<i32>} : memref<40x128xf32, #tpu.memory_space<vmem>>, vector<1x16xf32>,
      %swap3A_509 = vector.shape_cast %swap3A_508 : vector<1x16xf32> to vector<16xf32>
      %swap3A_510 = vector.shape_cast %max3A_505 : vector<16xf32> to vector<1x16xf32>
      tpu.vector_store %arg15[%swap3A_506, %swap3A_507], %swap3A_510 {strides = array<i32>} : memref<40x128xf32, #tpu.memory_space<vmem>>, vector<1x16xf32>,
      %get3A_511 = arith.index_cast %scan3A_410 : i32 to index
      %get3A_512 = arith.constant 96 : index
      %get3A_513 = tpu.vector_load %arg13[%get3A_511, %get3A_512] {strides = array<i32>} : memref<40x128xf32, #tpu.memory_space<vmem>>, vector<1x16xf32>,
      %get3A_514 = vector.shape_cast %get3A_513 : vector<1x16xf32> to vector<16xf32>
      %get3A_515 = arith.index_cast %scan3A_410 : i32 to index
      %get3A_516 = arith.constant 96 : index
      %get3A_517 = tpu.vector_load %arg11[%get3A_515, %get3A_516] {strides = array<i32>} : memref<40x128xf32, #tpu.memory_space<vmem>>, vector<1x16xf32>,
      %get3A_518 = vector.shape_cast %get3A_517 : vector<1x16xf32> to vector<16xf32>
      %add3A_519 = arith.addf %get3A_514, %get3A_518 : vector<16xf32>
      %max3A_520 = arith.constant 0.000000e+00 : f32
      %max3A_521 = vector.broadcast %max3A_520 : f32 to vector<16xf32>
      %max3A_522 = arith.maximumf %add3A_519, %max3A_521 : vector<16xf32>
      %swap3A_523 = arith.index_cast %scan3A_410 : i32 to index
      %swap3A_524 = arith.constant 96 : index
      %swap3A_525 = tpu.vector_load %arg15[%swap3A_523, %swap3A_524] {strides = array<i32>} : memref<40x128xf32, #tpu.memory_space<vmem>>, vector<1x16xf32>,
      %swap3A_526 = vector.shape_cast %swap3A_525 : vector<1x16xf32> to vector<16xf32>
      %swap3A_527 = vector.shape_cast %max3A_522 : vector<16xf32> to vector<1x16xf32>
      tpu.vector_store %arg15[%swap3A_523, %swap3A_524], %swap3A_527 {strides = array<i32>} : memref<40x128xf32, #tpu.memory_space<vmem>>, vector<1x16xf32>,
      %get3A_528 = arith.index_cast %scan3A_410 : i32 to index
      %get3A_529 = arith.constant 112 : index
      %get3A_530 = tpu.vector_load %arg13[%get3A_528, %get3A_529] {strides = array<i32>} : memref<40x128xf32, #tpu.memory_space<vmem>>, vector<1x16xf32>,
      %get3A_531 = vector.shape_cast %get3A_530 : vector<1x16xf32> to vector<16xf32>
      %get3A_532 = arith.index_cast %scan3A_410 : i32 to index
      %get3A_533 = arith.constant 112 : index
      %get3A_534 = tpu.vector_load %arg11[%get3A_532, %get3A_533] {strides = array<i32>} : memref<40x128xf32, #tpu.memory_space<vmem>>, vector<1x16xf32>,
      %get3A_535 = vector.shape_cast %get3A_534 : vector<1x16xf32> to vector<16xf32>
      %add3A_536 = arith.addf %get3A_531, %get3A_535 : vector<16xf32>
      %max3A_537 = arith.constant 0.000000e+00 : f32
      %max3A_538 = vector.broadcast %max3A_537 : f32 to vector<16xf32>
      %max3A_539 = arith.maximumf %add3A_536, %max3A_538 : vector<16xf32>
      %swap3A_540 = arith.index_cast %scan3A_410 : i32 to index
      %swap3A_541 = arith.constant 112 : index
      %swap3A_542 = tpu.vector_load %arg15[%swap3A_540, %swap3A_541] {strides = array<i32>} : memref<40x128xf32, #tpu.memory_space<vmem>>, vector<1x16xf32>,
      %swap3A_543 = vector.shape_cast %swap3A_542 : vector<1x16xf32> to vector<16xf32>
      %swap3A_544 = vector.shape_cast %max3A_539 : vector<16xf32> to vector<1x16xf32>
      tpu.vector_store %arg15[%swap3A_540, %swap3A_541], %swap3A_544 {strides = array<i32>} : memref<40x128xf32, #tpu.memory_space<vmem>>, vector<1x16xf32>,
      %scan3A_545 = arith.constant 0 : i32
      scf.yield %scan3A_545 : i32
    }
    %scan3A_306 = arith.constant 40 : i32
    %dma_wait3A_307 = arith.constant 0 : i32
    %dma_wait3A_308 = tpu.memref_slice %arg4[%dma_wait3A_307] : memref<320000xi32, #tpu.memory_space<hbm>> -> memref<40xi32, #tpu.memory_space<hbm>>
    %dma_wait3A_309 = arith.constant 0 : i32
    %dma_wait3A_310 = tpu.memref_slice %arg4[%dma_wait3A_309] : memref<320000xi32, #tpu.memory_space<hbm>> -> memref<40xi32, #tpu.memory_space<hbm>>
    tpu.wait_dma2 semaphore(%arg20 : memref<!tpu.dma_semaphore, #tpu.memory_space<semaphore_mem>>) src(%dma_wait3A_310 : memref<40xi32, #tpu.memory_space<hbm>>) dst(%arg9 : memref<40xi32, #tpu.memory_space<vmem>>)
    %dma_start3A_311 = arith.constant 0 : i32
    %dma_start3A_312 = arith.constant 0 : i32
    %dma_start3A_313 = tpu.memref_slice %arg17[%dma_start3A_311, %dma_start3A_312] : memref<10240x128xf32, #tpu.memory_space<vmem_shared>> -> memref<10240x128xf32, #tpu.memory_space<vmem_shared>>
    tpu.enqueue_indirect_dma source(%arg15 : memref<40x128xf32, #tpu.memory_space<vmem>>) target(%dma_start3A_313 : memref<10240x128xf32, #tpu.memory_space<vmem_shared>>) offsets(%arg9 : memref<40xi32, #tpu.memory_space<vmem>>) semaphore(%arg26 : memref<!tpu.dma_semaphore, #tpu.memory_space<semaphore_mem>>) {add = true}
    %mul3A_314 = arith.constant 10000 : i32
    %mul3A_315 = arith.muli %add3A, %mul3A_314 : i32
    %add3A_316 = arith.constant 80 : i32
    %add3A_317 = arith.addi %mul3A_315, %add3A_316 : i32
    %multiple_of3A_318 = tpu.assume_multiple %add3A_317, 8 : i32
    %dma_start3A_319 = arith.constant 0 : i32
    %dma_start3A_320 = tpu.memref_slice %arg3[%multiple_of3A_318, %dma_start3A_319] : memref<320000x128xf32, #tpu.memory_space<hbm>> -> memref<40x128xf32, #tpu.memory_space<hbm>>
    %dma_start3A_321 = arith.constant 0 : i32
    %dma_start3A_322 = tpu.memref_slice %arg3[%multiple_of3A_318, %dma_start3A_321] : memref<320000x128xf32, #tpu.memory_space<hbm>> -> memref<40x128xf32, #tpu.memory_space<hbm>>
    tpu.enqueue_dma source(%dma_start3A_322 : memref<40x128xf32, #tpu.memory_space<hbm>>) target(%arg11 : memref<40x128xf32, #tpu.memory_space<vmem>>) target_semaphore(%arg22 : memref<!tpu.dma_semaphore, #tpu.memory_space<semaphore_mem>>)
    %dma_wait3A_323 = arith.constant 0 : i32
    %dma_wait3A_324 = tpu.memref_slice %arg4[%dma_wait3A_323] : memref<320000xi32, #tpu.memory_space<hbm>> -> memref<40xi32, #tpu.memory_space<hbm>>
    %dma_wait3A_325 = arith.constant 0 : i32
    %dma_wait3A_326 = tpu.memref_slice %arg4[%dma_wait3A_325] : memref<320000xi32, #tpu.memory_space<hbm>> -> memref<40xi32, #tpu.memory_space<hbm>>
    tpu.wait_dma2 semaphore(%arg18 : memref<!tpu.dma_semaphore, #tpu.memory_space<semaphore_mem>>) src(%dma_wait3A_326 : memref<40xi32, #tpu.memory_space<hbm>>) dst(%arg7 : memref<40xi32, #tpu.memory_space<vmem>>)
    %dma_start3A_327 = arith.constant 0 : i32
    %dma_start3A_328 = arith.constant 0 : i32
    %dma_start3A_329 = tpu.memref_slice %arg2[%dma_start3A_327, %dma_start3A_328] : memref<10000x128xf32, #tpu.memory_space<hbm>> -> memref<10000x128xf32, #tpu.memory_space<hbm>>
    tpu.enqueue_indirect_dma source(%dma_start3A_329 : memref<10000x128xf32, #tpu.memory_space<hbm>>) target(%arg13 : memref<40x128xf32, #tpu.memory_space<vmem>>) offsets(%arg7 : memref<40xi32, #tpu.memory_space<vmem>>) semaphore(%arg24 : memref<!tpu.dma_semaphore, #tpu.memory_space<semaphore_mem>>)
    %dma_wait3A_330 = arith.constant 0 : i32
    %dma_wait3A_331 = arith.constant 0 : i32
    %dma_wait3A_332 = tpu.memref_slice %arg3[%dma_wait3A_330, %dma_wait3A_331] : memref<320000x128xf32, #tpu.memory_space<hbm>> -> memref<40x128xf32, #tpu.memory_space<hbm>>
    %dma_wait3A_333 = arith.constant 0 : i32
    %dma_wait3A_334 = arith.constant 0 : i32
    %dma_wait3A_335 = tpu.memref_slice %arg3[%dma_wait3A_333, %dma_wait3A_334] : memref<320000x128xf32, #tpu.memory_space<hbm>> -> memref<40x128xf32, #tpu.memory_space<hbm>>
    tpu.wait_dma2 semaphore(%arg23 : memref<!tpu.dma_semaphore, #tpu.memory_space<semaphore_mem>>) src(%dma_wait3A_335 : memref<40x128xf32, #tpu.memory_space<hbm>>) dst(%arg12 : memref<40x128xf32, #tpu.memory_space<vmem>>)
    %dma_wait3A_336 = arith.constant 0 : i32
    %dma_wait3A_337 = arith.constant 0 : i32
    %dma_wait3A_338 = tpu.memref_slice %arg2[%dma_wait3A_336, %dma_wait3A_337] : memref<10000x128xf32, #tpu.memory_space<hbm>> -> memref<40x128xf32, #tpu.memory_space<hbm>>
    %dma_wait3A_339 = arith.constant 0 : i32
    %dma_wait3A_340 = arith.constant 0 : i32
    %dma_wait3A_341 = tpu.memref_slice %arg2[%dma_wait3A_339, %dma_wait3A_340] : memref<10000x128xf32, #tpu.memory_space<hbm>> -> memref<40x128xf32, #tpu.memory_space<hbm>>
    tpu.wait_dma2 semaphore(%arg25 : memref<!tpu.dma_semaphore, #tpu.memory_space<semaphore_mem>>) src(%dma_wait3A_341 : memref<40x128xf32, #tpu.memory_space<hbm>>) dst(%arg14 : memref<40x128xf32, #tpu.memory_space<vmem>>)
    %mul3A_342 = arith.constant 10000 : i32
    %mul3A_343 = arith.muli %add3A, %mul3A_342 : i32
    %add3A_344 = arith.constant 120 : i32
    %add3A_345 = arith.addi %mul3A_343, %add3A_344 : i32
    %multiple_of3A_346 = tpu.assume_multiple %add3A_345, 8 : i32
    %dma_start3A_347 = tpu.memref_slice %arg4[%multiple_of3A_346] : memref<320000xi32, #tpu.memory_space<hbm>> -> memref<40xi32, #tpu.memory_space<hbm>>
    %dma_start3A_348 = tpu.memref_slice %arg4[%multiple_of3A_346] : memref<320000xi32, #tpu.memory_space<hbm>> -> memref<40xi32, #tpu.memory_space<hbm>>
    tpu.enqueue_dma source(%dma_start3A_348 : memref<40xi32, #tpu.memory_space<hbm>>) target(%arg8 : memref<40xi32, #tpu.memory_space<vmem>>) target_semaphore(%arg19 : memref<!tpu.dma_semaphore, #tpu.memory_space<semaphore_mem>>)
    %mul3A_349 = arith.constant 10000 : i32
    %mul3A_350 = arith.muli %add3A, %mul3A_349 : i32
    %add3A_351 = arith.constant 40 : i32
    %add3A_352 = arith.addi %mul3A_350, %add3A_351 : i32
    %multiple_of3A_353 = tpu.assume_multiple %add3A_352, 8 : i32
    %dma_start3A_354 = tpu.memref_slice %arg5[%multiple_of3A_353] : memref<320000xi32, #tpu.memory_space<hbm>> -> memref<40xi32, #tpu.memory_space<hbm>>
    %dma_start3A_355 = tpu.memref_slice %arg5[%multiple_of3A_353] : memref<320000xi32, #tpu.memory_space<hbm>> -> memref<40xi32, #tpu.memory_space<hbm>>
    tpu.enqueue_dma source(%dma_start3A_355 : memref<40xi32, #tpu.memory_space<hbm>>) target(%arg10 : memref<40xi32, #tpu.memory_space<vmem>>) target_semaphore(%arg21 : memref<!tpu.dma_semaphore, #tpu.memory_space<semaphore_mem>>)
    %scan3A_356 = arith.constant 0 : i32
    %scan3A_357 = arith.constant 0 : i32
    %scan3A_358 = arith.constant 40 : i32
    %scan3A_359 = arith.addi %scan3A_357, %scan3A_358 : i32
    %scan3A_360 = arith.constant 1 : i32
    %scan3A_361 = scf.for %scan3A_410 = %scan3A_357 to %scan3A_359 step %scan3A_360 iter_args(%scan3A_411 = %scan3A_356) -> (i32)  : i32 {
      %get3A = arith.index_cast %scan3A_410 : i32 to index
      %get3A_412 = arith.constant 0 : index
      %get3A_413 = tpu.vector_load %arg14[%get3A, %get3A_412] {strides = array<i32>} : memref<40x128xf32, #tpu.memory_space<vmem>>, vector<1x16xf32>,
      %get3A_414 = vector.shape_cast %get3A_413 : vector<1x16xf32> to vector<16xf32>
      %get3A_415 = arith.index_cast %scan3A_410 : i32 to index
      %get3A_416 = arith.constant 0 : index
      %get3A_417 = tpu.vector_load %arg12[%get3A_415, %get3A_416] {strides = array<i32>} : memref<40x128xf32, #tpu.memory_space<vmem>>, vector<1x16xf32>,
      %get3A_418 = vector.shape_cast %get3A_417 : vector<1x16xf32> to vector<16xf32>
      %add3A_419 = arith.addf %get3A_414, %get3A_418 : vector<16xf32>
      %max3A = arith.constant 0.000000e+00 : f32
      %max3A_420 = vector.broadcast %max3A : f32 to vector<16xf32>
      %max3A_421 = arith.maximumf %add3A_419, %max3A_420 : vector<16xf32>
      %swap3A = arith.index_cast %scan3A_410 : i32 to index
      %swap3A_422 = arith.constant 0 : index
      %swap3A_423 = tpu.vector_load %arg16[%swap3A, %swap3A_422] {strides = array<i32>} : memref<40x128xf32, #tpu.memory_space<vmem>>, vector<1x16xf32>,
      %swap3A_424 = vector.shape_cast %swap3A_423 : vector<1x16xf32> to vector<16xf32>
      %swap3A_425 = vector.shape_cast %max3A_421 : vector<16xf32> to vector<1x16xf32>
      tpu.vector_store %arg16[%swap3A, %swap3A_422], %swap3A_425 {strides = array<i32>} : memref<40x128xf32, #tpu.memory_space<vmem>>, vector<1x16xf32>,
      %get3A_426 = arith.index_cast %scan3A_410 : i32 to index
      %get3A_427 = arith.constant 16 : index
      %get3A_428 = tpu.vector_load %arg14[%get3A_426, %get3A_427] {strides = array<i32>} : memref<40x128xf32, #tpu.memory_space<vmem>>, vector<1x16xf32>,
      %get3A_429 = vector.shape_cast %get3A_428 : vector<1x16xf32> to vector<16xf32>
      %get3A_430 = arith.index_cast %scan3A_410 : i32 to index
      %get3A_431 = arith.constant 16 : index
      %get3A_432 = tpu.vector_load %arg12[%get3A_430, %get3A_431] {strides = array<i32>} : memref<40x128xf32, #tpu.memory_space<vmem>>, vector<1x16xf32>,
      %get3A_433 = vector.shape_cast %get3A_432 : vector<1x16xf32> to vector<16xf32>
      %add3A_434 = arith.addf %get3A_429, %get3A_433 : vector<16xf32>
      %max3A_435 = arith.constant 0.000000e+00 : f32
      %max3A_436 = vector.broadcast %max3A_435 : f32 to vector<16xf32>
      %max3A_437 = arith.maximumf %add3A_434, %max3A_436 : vector<16xf32>
      %swap3A_438 = arith.index_cast %scan3A_410 : i32 to index
      %swap3A_439 = arith.constant 16 : index
      %swap3A_440 = tpu.vector_load %arg16[%swap3A_438, %swap3A_439] {strides = array<i32>} : memref<40x128xf32, #tpu.memory_space<vmem>>, vector<1x16xf32>,
      %swap3A_441 = vector.shape_cast %swap3A_440 : vector<1x16xf32> to vector<16xf32>
      %swap3A_442 = vector.shape_cast %max3A_437 : vector<16xf32> to vector<1x16xf32>
      tpu.vector_store %arg16[%swap3A_438, %swap3A_439], %swap3A_442 {strides = array<i32>} : memref<40x128xf32, #tpu.memory_space<vmem>>, vector<1x16xf32>,
      %get3A_443 = arith.index_cast %scan3A_410 : i32 to index
      %get3A_444 = arith.constant 32 : index
      %get3A_445 = tpu.vector_load %arg14[%get3A_443, %get3A_444] {strides = array<i32>} : memref<40x128xf32, #tpu.memory_space<vmem>>, vector<1x16xf32>,
      %get3A_446 = vector.shape_cast %get3A_445 : vector<1x16xf32> to vector<16xf32>
      %get3A_447 = arith.index_cast %scan3A_410 : i32 to index
      %get3A_448 = arith.constant 32 : index
      %get3A_449 = tpu.vector_load %arg12[%get3A_447, %get3A_448] {strides = array<i32>} : memref<40x128xf32, #tpu.memory_space<vmem>>, vector<1x16xf32>,
      %get3A_450 = vector.shape_cast %get3A_449 : vector<1x16xf32> to vector<16xf32>
      %add3A_451 = arith.addf %get3A_446, %get3A_450 : vector<16xf32>
      %max3A_452 = arith.constant 0.000000e+00 : f32
      %max3A_453 = vector.broadcast %max3A_452 : f32 to vector<16xf32>
      %max3A_454 = arith.maximumf %add3A_451, %max3A_453 : vector<16xf32>
      %swap3A_455 = arith.index_cast %scan3A_410 : i32 to index
      %swap3A_456 = arith.constant 32 : index
      %swap3A_457 = tpu.vector_load %arg16[%swap3A_455, %swap3A_456] {strides = array<i32>} : memref<40x128xf32, #tpu.memory_space<vmem>>, vector<1x16xf32>,
      %swap3A_458 = vector.shape_cast %swap3A_457 : vector<1x16xf32> to vector<16xf32>
      %swap3A_459 = vector.shape_cast %max3A_454 : vector<16xf32> to vector<1x16xf32>
      tpu.vector_store %arg16[%swap3A_455, %swap3A_456], %swap3A_459 {strides = array<i32>} : memref<40x128xf32, #tpu.memory_space<vmem>>, vector<1x16xf32>,
      %get3A_460 = arith.index_cast %scan3A_410 : i32 to index
      %get3A_461 = arith.constant 48 : index
      %get3A_462 = tpu.vector_load %arg14[%get3A_460, %get3A_461] {strides = array<i32>} : memref<40x128xf32, #tpu.memory_space<vmem>>, vector<1x16xf32>,
      %get3A_463 = vector.shape_cast %get3A_462 : vector<1x16xf32> to vector<16xf32>
      %get3A_464 = arith.index_cast %scan3A_410 : i32 to index
      %get3A_465 = arith.constant 48 : index
      %get3A_466 = tpu.vector_load %arg12[%get3A_464, %get3A_465] {strides = array<i32>} : memref<40x128xf32, #tpu.memory_space<vmem>>, vector<1x16xf32>,
      %get3A_467 = vector.shape_cast %get3A_466 : vector<1x16xf32> to vector<16xf32>
      %add3A_468 = arith.addf %get3A_463, %get3A_467 : vector<16xf32>
      %max3A_469 = arith.constant 0.000000e+00 : f32
      %max3A_470 = vector.broadcast %max3A_469 : f32 to vector<16xf32>
      %max3A_471 = arith.maximumf %add3A_468, %max3A_470 : vector<16xf32>
      %swap3A_472 = arith.index_cast %scan3A_410 : i32 to index
      %swap3A_473 = arith.constant 48 : index
      %swap3A_474 = tpu.vector_load %arg16[%swap3A_472, %swap3A_473] {strides = array<i32>} : memref<40x128xf32, #tpu.memory_space<vmem>>, vector<1x16xf32>,
      %swap3A_475 = vector.shape_cast %swap3A_474 : vector<1x16xf32> to vector<16xf32>
      %swap3A_476 = vector.shape_cast %max3A_471 : vector<16xf32> to vector<1x16xf32>
      tpu.vector_store %arg16[%swap3A_472, %swap3A_473], %swap3A_476 {strides = array<i32>} : memref<40x128xf32, #tpu.memory_space<vmem>>, vector<1x16xf32>,
      %get3A_477 = arith.index_cast %scan3A_410 : i32 to index
      %get3A_478 = arith.constant 64 : index
      %get3A_479 = tpu.vector_load %arg14[%get3A_477, %get3A_478] {strides = array<i32>} : memref<40x128xf32, #tpu.memory_space<vmem>>, vector<1x16xf32>,
      %get3A_480 = vector.shape_cast %get3A_479 : vector<1x16xf32> to vector<16xf32>
      %get3A_481 = arith.index_cast %scan3A_410 : i32 to index
      %get3A_482 = arith.constant 64 : index
      %get3A_483 = tpu.vector_load %arg12[%get3A_481, %get3A_482] {strides = array<i32>} : memref<40x128xf32, #tpu.memory_space<vmem>>, vector<1x16xf32>,
      %get3A_484 = vector.shape_cast %get3A_483 : vector<1x16xf32> to vector<16xf32>
      %add3A_485 = arith.addf %get3A_480, %get3A_484 : vector<16xf32>
      %max3A_486 = arith.constant 0.000000e+00 : f32
      %max3A_487 = vector.broadcast %max3A_486 : f32 to vector<16xf32>
      %max3A_488 = arith.maximumf %add3A_485, %max3A_487 : vector<16xf32>
      %swap3A_489 = arith.index_cast %scan3A_410 : i32 to index
      %swap3A_490 = arith.constant 64 : index
      %swap3A_491 = tpu.vector_load %arg16[%swap3A_489, %swap3A_490] {strides = array<i32>} : memref<40x128xf32, #tpu.memory_space<vmem>>, vector<1x16xf32>,
      %swap3A_492 = vector.shape_cast %swap3A_491 : vector<1x16xf32> to vector<16xf32>
      %swap3A_493 = vector.shape_cast %max3A_488 : vector<16xf32> to vector<1x16xf32>
      tpu.vector_store %arg16[%swap3A_489, %swap3A_490], %swap3A_493 {strides = array<i32>} : memref<40x128xf32, #tpu.memory_space<vmem>>, vector<1x16xf32>,
      %get3A_494 = arith.index_cast %scan3A_410 : i32 to index
      %get3A_495 = arith.constant 80 : index
      %get3A_496 = tpu.vector_load %arg14[%get3A_494, %get3A_495] {strides = array<i32>} : memref<40x128xf32, #tpu.memory_space<vmem>>, vector<1x16xf32>,
      %get3A_497 = vector.shape_cast %get3A_496 : vector<1x16xf32> to vector<16xf32>
      %get3A_498 = arith.index_cast %scan3A_410 : i32 to index
      %get3A_499 = arith.constant 80 : index
      %get3A_500 = tpu.vector_load %arg12[%get3A_498, %get3A_499] {strides = array<i32>} : memref<40x128xf32, #tpu.memory_space<vmem>>, vector<1x16xf32>,
      %get3A_501 = vector.shape_cast %get3A_500 : vector<1x16xf32> to vector<16xf32>
      %add3A_502 = arith.addf %get3A_497, %get3A_501 : vector<16xf32>
      %max3A_503 = arith.constant 0.000000e+00 : f32
      %max3A_504 = vector.broadcast %max3A_503 : f32 to vector<16xf32>
      %max3A_505 = arith.maximumf %add3A_502, %max3A_504 : vector<16xf32>
      %swap3A_506 = arith.index_cast %scan3A_410 : i32 to index
      %swap3A_507 = arith.constant 80 : index
      %swap3A_508 = tpu.vector_load %arg16[%swap3A_506, %swap3A_507] {strides = array<i32>} : memref<40x128xf32, #tpu.memory_space<vmem>>, vector<1x16xf32>,
      %swap3A_509 = vector.shape_cast %swap3A_508 : vector<1x16xf32> to vector<16xf32>
      %swap3A_510 = vector.shape_cast %max3A_505 : vector<16xf32> to vector<1x16xf32>
      tpu.vector_store %arg16[%swap3A_506, %swap3A_507], %swap3A_510 {strides = array<i32>} : memref<40x128xf32, #tpu.memory_space<vmem>>, vector<1x16xf32>,
      %get3A_511 = arith.index_cast %scan3A_410 : i32 to index
      %get3A_512 = arith.constant 96 : index
      %get3A_513 = tpu.vector_load %arg14[%get3A_511, %get3A_512] {strides = array<i32>} : memref<40x128xf32, #tpu.memory_space<vmem>>, vector<1x16xf32>,
      %get3A_514 = vector.shape_cast %get3A_513 : vector<1x16xf32> to vector<16xf32>
      %get3A_515 = arith.index_cast %scan3A_410 : i32 to index
      %get3A_516 = arith.constant 96 : index
      %get3A_517 = tpu.vector_load %arg12[%get3A_515, %get3A_516] {strides = array<i32>} : memref<40x128xf32, #tpu.memory_space<vmem>>, vector<1x16xf32>,
      %get3A_518 = vector.shape_cast %get3A_517 : vector<1x16xf32> to vector<16xf32>
      %add3A_519 = arith.addf %get3A_514, %get3A_518 : vector<16xf32>
      %max3A_520 = arith.constant 0.000000e+00 : f32
      %max3A_521 = vector.broadcast %max3A_520 : f32 to vector<16xf32>
      %max3A_522 = arith.maximumf %add3A_519, %max3A_521 : vector<16xf32>
      %swap3A_523 = arith.index_cast %scan3A_410 : i32 to index
      %swap3A_524 = arith.constant 96 : index
      %swap3A_525 = tpu.vector_load %arg16[%swap3A_523, %swap3A_524] {strides = array<i32>} : memref<40x128xf32, #tpu.memory_space<vmem>>, vector<1x16xf32>,
      %swap3A_526 = vector.shape_cast %swap3A_525 : vector<1x16xf32> to vector<16xf32>
      %swap3A_527 = vector.shape_cast %max3A_522 : vector<16xf32> to vector<1x16xf32>
      tpu.vector_store %arg16[%swap3A_523, %swap3A_524], %swap3A_527 {strides = array<i32>} : memref<40x128xf32, #tpu.memory_space<vmem>>, vector<1x16xf32>,
      %get3A_528 = arith.index_cast %scan3A_410 : i32 to index
      %get3A_529 = arith.constant 112 : index
      %get3A_530 = tpu.vector_load %arg14[%get3A_528, %get3A_529] {strides = array<i32>} : memref<40x128xf32, #tpu.memory_space<vmem>>, vector<1x16xf32>,
      %get3A_531 = vector.shape_cast %get3A_530 : vector<1x16xf32> to vector<16xf32>
      %get3A_532 = arith.index_cast %scan3A_410 : i32 to index
      %get3A_533 = arith.constant 112 : index
      %get3A_534 = tpu.vector_load %arg12[%get3A_532, %get3A_533] {strides = array<i32>} : memref<40x128xf32, #tpu.memory_space<vmem>>, vector<1x16xf32>,
      %get3A_535 = vector.shape_cast %get3A_534 : vector<1x16xf32> to vector<16xf32>
      %add3A_536 = arith.addf %get3A_531, %get3A_535 : vector<16xf32>
      %max3A_537 = arith.constant 0.000000e+00 : f32
      %max3A_538 = vector.broadcast %max3A_537 : f32 to vector<16xf32>
      %max3A_539 = arith.maximumf %add3A_536, %max3A_538 : vector<16xf32>
      %swap3A_540 = arith.index_cast %scan3A_410 : i32 to index
      %swap3A_541 = arith.constant 112 : index
      %swap3A_542 = tpu.vector_load %arg16[%swap3A_540, %swap3A_541] {strides = array<i32>} : memref<40x128xf32, #tpu.memory_space<vmem>>, vector<1x16xf32>,
      %swap3A_543 = vector.shape_cast %swap3A_542 : vector<1x16xf32> to vector<16xf32>
      %swap3A_544 = vector.shape_cast %max3A_539 : vector<16xf32> to vector<1x16xf32>
      tpu.vector_store %arg16[%swap3A_540, %swap3A_541], %swap3A_544 {strides = array<i32>} : memref<40x128xf32, #tpu.memory_space<vmem>>, vector<1x16xf32>,
      %scan3A_545 = arith.constant 0 : i32
      scf.yield %scan3A_545 : i32
    }
    %scan3A_362 = arith.constant 40 : i32
    %dma_wait3A_363 = arith.constant 0 : i32
    %dma_wait3A_364 = tpu.memref_slice %arg4[%dma_wait3A_363] : memref<320000xi32, #tpu.memory_space<hbm>> -> memref<40xi32, #tpu.memory_space<hbm>>
    %dma_wait3A_365 = arith.constant 0 : i32
    %dma_wait3A_366 = tpu.memref_slice %arg4[%dma_wait3A_365] : memref<320000xi32, #tpu.memory_space<hbm>> -> memref<40xi32, #tpu.memory_space<hbm>>
    tpu.wait_dma2 semaphore(%arg21 : memref<!tpu.dma_semaphore, #tpu.memory_space<semaphore_mem>>) src(%dma_wait3A_366 : memref<40xi32, #tpu.memory_space<hbm>>) dst(%arg10 : memref<40xi32, #tpu.memory_space<vmem>>)
    %dma_start3A_367 = arith.constant 0 : i32
    %dma_start3A_368 = arith.constant 0 : i32
    %dma_start3A_369 = tpu.memref_slice %arg17[%dma_start3A_367, %dma_start3A_368] : memref<10240x128xf32, #tpu.memory_space<vmem_shared>> -> memref<10240x128xf32, #tpu.memory_space<vmem_shared>>
    tpu.enqueue_indirect_dma source(%arg16 : memref<40x128xf32, #tpu.memory_space<vmem>>) target(%dma_start3A_369 : memref<10240x128xf32, #tpu.memory_space<vmem_shared>>) offsets(%arg10 : memref<40xi32, #tpu.memory_space<vmem>>) semaphore(%arg27 : memref<!tpu.dma_semaphore, #tpu.memory_space<semaphore_mem>>) {add = true}
    %mul3A_370 = arith.constant 10000 : i32
    %mul3A_371 = arith.muli %add3A, %mul3A_370 : i32
    %add3A_372 = arith.constant 120 : i32
    %add3A_373 = arith.addi %mul3A_371, %add3A_372 : i32
    %multiple_of3A_374 = tpu.assume_multiple %add3A_373, 8 : i32
    %dma_start3A_375 = arith.constant 0 : i32
    %dma_start3A_376 = tpu.memref_slice %arg3[%multiple_of3A_374, %dma_start3A_375] : memref<320000x128xf32, #tpu.memory_space<hbm>> -> memref<40x128xf32, #tpu.memory_space<hbm>>
    %dma_start3A_377 = arith.constant 0 : i32
    %dma_start3A_378 = tpu.memref_slice %arg3[%multiple_of3A_374, %dma_start3A_377] : memref<320000x128xf32, #tpu.memory_space<hbm>> -> memref<40x128xf32, #tpu.memory_space<hbm>>
    tpu.enqueue_dma source(%dma_start3A_378 : memref<40x128xf32, #tpu.memory_space<hbm>>) target(%arg12 : memref<40x128xf32, #tpu.memory_space<vmem>>) target_semaphore(%arg23 : memref<!tpu.dma_semaphore, #tpu.memory_space<semaphore_mem>>)
    %dma_wait3A_379 = arith.constant 0 : i32
    %dma_wait3A_380 = tpu.memref_slice %arg4[%dma_wait3A_379] : memref<320000xi32, #tpu.memory_space<hbm>> -> memref<40xi32, #tpu.memory_space<hbm>>
    %dma_wait3A_381 = arith.constant 0 : i32
    %dma_wait3A_382 = tpu.memref_slice %arg4[%dma_wait3A_381] : memref<320000xi32, #tpu.memory_space<hbm>> -> memref<40xi32, #tpu.memory_space<hbm>>
    tpu.wait_dma2 semaphore(%arg19 : memref<!tpu.dma_semaphore, #tpu.memory_space<semaphore_mem>>) src(%dma_wait3A_382 : memref<40xi32, #tpu.memory_space<hbm>>) dst(%arg8 : memref<40xi32, #tpu.memory_space<vmem>>)
    %dma_start3A_383 = arith.constant 0 : i32
    %dma_start3A_384 = arith.constant 0 : i32
    %dma_start3A_385 = tpu.memref_slice %arg2[%dma_start3A_383, %dma_start3A_384] : memref<10000x128xf32, #tpu.memory_space<hbm>> -> memref<10000x128xf32, #tpu.memory_space<hbm>>
    tpu.enqueue_indirect_dma source(%dma_start3A_385 : memref<10000x128xf32, #tpu.memory_space<hbm>>) target(%arg14 : memref<40x128xf32, #tpu.memory_space<vmem>>) offsets(%arg8 : memref<40xi32, #tpu.memory_space<vmem>>) semaphore(%arg25 : memref<!tpu.dma_semaphore, #tpu.memory_space<semaphore_mem>>)
    %scan3A_386 = arith.constant 0 : i32
    %scan3A_387 = arith.constant 0 : i32
    %scan3A_388 = arith.constant 124 : i32
    %scan3A_389 = arith.addi %scan3A_387, %scan3A_388 : i32
    %scan3A_390 = arith.constant 1 : i32
    %scan3A_391 = scf.for %scan3A_410 = %scan3A_387 to %scan3A_389 step %scan3A_390 iter_args(%scan3A_411 = %scan3A_386) -> (i32)  : i32 {
      %mul3A_412 = arith.constant 2 : i32
      %mul3A_413 = arith.muli %mul3A_412, %scan3A_410 : i32
      %add3A_414 = arith.constant 2 : i32
      %add3A_415 = arith.addi %mul3A_413, %add3A_414 : i32
      %dma_wait3A_416 = arith.constant 0 : i32
      %dma_wait3A_417 = arith.constant 0 : i32
      %dma_wait3A_418 = tpu.memref_slice %arg3[%dma_wait3A_416, %dma_wait3A_417] : memref<320000x128xf32, #tpu.memory_space<hbm>> -> memref<40x128xf32, #tpu.memory_space<hbm>>
      %dma_wait3A_419 = arith.constant 0 : i32
      %dma_wait3A_420 = arith.constant 0 : i32
      %dma_wait3A_421 = tpu.memref_slice %arg3[%dma_wait3A_419, %dma_wait3A_420] : memref<320000x128xf32, #tpu.memory_space<hbm>> -> memref<40x128xf32, #tpu.memory_space<hbm>>
      tpu.wait_dma2 semaphore(%arg22 : memref<!tpu.dma_semaphore, #tpu.memory_space<semaphore_mem>>) src(%dma_wait3A_421 : memref<40x128xf32, #tpu.memory_space<hbm>>) dst(%arg11 : memref<40x128xf32, #tpu.memory_space<vmem>>)
      %dma_wait3A_422 = arith.constant 0 : i32
      %dma_wait3A_423 = arith.constant 0 : i32
      %dma_wait3A_424 = tpu.memref_slice %arg2[%dma_wait3A_422, %dma_wait3A_423] : memref<10000x128xf32, #tpu.memory_space<hbm>> -> memref<40x128xf32, #tpu.memory_space<hbm>>
      %dma_wait3A_425 = arith.constant 0 : i32
      %dma_wait3A_426 = arith.constant 0 : i32
      %dma_wait3A_427 = tpu.memref_slice %arg2[%dma_wait3A_425, %dma_wait3A_426] : memref<10000x128xf32, #tpu.memory_space<hbm>> -> memref<40x128xf32, #tpu.memory_space<hbm>>
      tpu.wait_dma2 semaphore(%arg24 : memref<!tpu.dma_semaphore, #tpu.memory_space<semaphore_mem>>) src(%dma_wait3A_427 : memref<40x128xf32, #tpu.memory_space<hbm>>) dst(%arg13 : memref<40x128xf32, #tpu.memory_space<vmem>>)
      %add3A_428 = arith.constant 2 : i32
      %add3A_429 = arith.addi %add3A_415, %add3A_428 : i32
      %lt3A = arith.constant 250 : i32
      %lt3A_430 = arith.cmpi slt, %add3A_429, %lt3A : i32
      %convert_element_type3A = arith.extui %lt3A_430 : i1 to i32
      %cond3A = arith.constant 0 : i32
      %cond3A_431 = arith.cmpi ne, %convert_element_type3A, %cond3A : i32
      scf.if %cond3A_431 {
        %add3A_540 = arith.constant 2 : i32
        %add3A_541 = arith.addi %add3A_415, %add3A_540 : i32
        %mul3A_542 = arith.constant 10000 : i32
        %mul3A_543 = arith.muli %add3A, %mul3A_542 : i32
        %mul3A_544 = arith.constant 40 : i32
        %mul3A_545 = arith.muli %add3A_541, %mul3A_544 : i32
        %add3A_546 = arith.addi %mul3A_543, %mul3A_545 : i32
        %multiple_of3A_547 = tpu.assume_multiple %add3A_546, 8 : i32
        %dma_start3A_548 = tpu.memref_slice %arg4[%multiple_of3A_547] : memref<320000xi32, #tpu.memory_space<hbm>> -> memref<40xi32, #tpu.memory_space<hbm>>
        %dma_start3A_549 = tpu.memref_slice %arg4[%multiple_of3A_547] : memref<320000xi32, #tpu.memory_space<hbm>> -> memref<40xi32, #tpu.memory_space<hbm>>
        tpu.enqueue_dma source(%dma_start3A_549 : memref<40xi32, #tpu.memory_space<hbm>>) target(%arg7 : memref<40xi32, #tpu.memory_space<vmem>>) target_semaphore(%arg18 : memref<!tpu.dma_semaphore, #tpu.memory_space<semaphore_mem>>)
      } else {
      }
      %dma_wait3A_432 = arith.constant 0 : i32
      %dma_wait3A_433 = arith.constant 0 : i32
      %dma_wait3A_434 = tpu.memref_slice %arg17[%dma_wait3A_432, %dma_wait3A_433] : memref<10240x128xf32, #tpu.memory_space<vmem_shared>> -> memref<40x128xf32, #tpu.memory_space<vmem_shared>>
      %dma_wait3A_435 = arith.constant 0 : i32
      %dma_wait3A_436 = arith.constant 0 : i32
      %dma_wait3A_437 = tpu.memref_slice %arg17[%dma_wait3A_435, %dma_wait3A_436] : memref<10240x128xf32, #tpu.memory_space<vmem_shared>> -> memref<40x128xf32, #tpu.memory_space<vmem_shared>>
      tpu.wait_dma2 semaphore(%arg26 : memref<!tpu.dma_semaphore, #tpu.memory_space<semaphore_mem>>) src(%arg15 : memref<40x128xf32, #tpu.memory_space<vmem>>) dst(%dma_wait3A_437 : memref<40x128xf32, #tpu.memory_space<vmem_shared>>)
      %mul3A_438 = arith.constant 10000 : i32
      %mul3A_439 = arith.muli %add3A, %mul3A_438 : i32
      %mul3A_440 = arith.constant 40 : i32
      %mul3A_441 = arith.muli %add3A_415, %mul3A_440 : i32
      %add3A_442 = arith.addi %mul3A_439, %mul3A_441 : i32
      %multiple_of3A_443 = tpu.assume_multiple %add3A_442, 8 : i32
      %dma_start3A_444 = tpu.memref_slice %arg5[%multiple_of3A_443] : memref<320000xi32, #tpu.memory_space<hbm>> -> memref<40xi32, #tpu.memory_space<hbm>>
      %dma_start3A_445 = tpu.memref_slice %arg5[%multiple_of3A_443] : memref<320000xi32, #tpu.memory_space<hbm>> -> memref<40xi32, #tpu.memory_space<hbm>>
      tpu.enqueue_dma source(%dma_start3A_445 : memref<40xi32, #tpu.memory_space<hbm>>) target(%arg9 : memref<40xi32, #tpu.memory_space<vmem>>) target_semaphore(%arg20 : memref<!tpu.dma_semaphore, #tpu.memory_space<semaphore_mem>>)
      %scan3A_446 = arith.constant 0 : i32
      %scan3A_447 = arith.constant 0 : i32
      %scan3A_448 = arith.constant 40 : i32
      %scan3A_449 = arith.addi %scan3A_447, %scan3A_448 : i32
      %scan3A_450 = arith.constant 1 : i32
      %scan3A_451 = scf.for %scan3A_540 = %scan3A_447 to %scan3A_449 step %scan3A_450 iter_args(%scan3A_541 = %scan3A_446) -> (i32)  : i32 {
        %get3A = arith.index_cast %scan3A_540 : i32 to index
        %get3A_542 = arith.constant 0 : index
        %get3A_543 = tpu.vector_load %arg13[%get3A, %get3A_542] {strides = array<i32>} : memref<40x128xf32, #tpu.memory_space<vmem>>, vector<1x16xf32>,
        %get3A_544 = vector.shape_cast %get3A_543 : vector<1x16xf32> to vector<16xf32>
        %get3A_545 = arith.index_cast %scan3A_540 : i32 to index
        %get3A_546 = arith.constant 0 : index
        %get3A_547 = tpu.vector_load %arg11[%get3A_545, %get3A_546] {strides = array<i32>} : memref<40x128xf32, #tpu.memory_space<vmem>>, vector<1x16xf32>,
        %get3A_548 = vector.shape_cast %get3A_547 : vector<1x16xf32> to vector<16xf32>
        %add3A_549 = arith.addf %get3A_544, %get3A_548 : vector<16xf32>
        %max3A = arith.constant 0.000000e+00 : f32
        %max3A_550 = vector.broadcast %max3A : f32 to vector<16xf32>
        %max3A_551 = arith.maximumf %add3A_549, %max3A_550 : vector<16xf32>
        %swap3A = arith.index_cast %scan3A_540 : i32 to index
        %swap3A_552 = arith.constant 0 : index
        %swap3A_553 = tpu.vector_load %arg15[%swap3A, %swap3A_552] {strides = array<i32>} : memref<40x128xf32, #tpu.memory_space<vmem>>, vector<1x16xf32>,
        %swap3A_554 = vector.shape_cast %swap3A_553 : vector<1x16xf32> to vector<16xf32>
        %swap3A_555 = vector.shape_cast %max3A_551 : vector<16xf32> to vector<1x16xf32>
        tpu.vector_store %arg15[%swap3A, %swap3A_552], %swap3A_555 {strides = array<i32>} : memref<40x128xf32, #tpu.memory_space<vmem>>, vector<1x16xf32>,
        %get3A_556 = arith.index_cast %scan3A_540 : i32 to index
        %get3A_557 = arith.constant 16 : index
        %get3A_558 = tpu.vector_load %arg13[%get3A_556, %get3A_557] {strides = array<i32>} : memref<40x128xf32, #tpu.memory_space<vmem>>, vector<1x16xf32>,
        %get3A_559 = vector.shape_cast %get3A_558 : vector<1x16xf32> to vector<16xf32>
        %get3A_560 = arith.index_cast %scan3A_540 : i32 to index
        %get3A_561 = arith.constant 16 : index
        %get3A_562 = tpu.vector_load %arg11[%get3A_560, %get3A_561] {strides = array<i32>} : memref<40x128xf32, #tpu.memory_space<vmem>>, vector<1x16xf32>,
        %get3A_563 = vector.shape_cast %get3A_562 : vector<1x16xf32> to vector<16xf32>
        %add3A_564 = arith.addf %get3A_559, %get3A_563 : vector<16xf32>
        %max3A_565 = arith.constant 0.000000e+00 : f32
        %max3A_566 = vector.broadcast %max3A_565 : f32 to vector<16xf32>
        %max3A_567 = arith.maximumf %add3A_564, %max3A_566 : vector<16xf32>
        %swap3A_568 = arith.index_cast %scan3A_540 : i32 to index
        %swap3A_569 = arith.constant 16 : index
        %swap3A_570 = tpu.vector_load %arg15[%swap3A_568, %swap3A_569] {strides = array<i32>} : memref<40x128xf32, #tpu.memory_space<vmem>>, vector<1x16xf32>,
        %swap3A_571 = vector.shape_cast %swap3A_570 : vector<1x16xf32> to vector<16xf32>
        %swap3A_572 = vector.shape_cast %max3A_567 : vector<16xf32> to vector<1x16xf32>
        tpu.vector_store %arg15[%swap3A_568, %swap3A_569], %swap3A_572 {strides = array<i32>} : memref<40x128xf32, #tpu.memory_space<vmem>>, vector<1x16xf32>,
        %get3A_573 = arith.index_cast %scan3A_540 : i32 to index
        %get3A_574 = arith.constant 32 : index
        %get3A_575 = tpu.vector_load %arg13[%get3A_573, %get3A_574] {strides = array<i32>} : memref<40x128xf32, #tpu.memory_space<vmem>>, vector<1x16xf32>,
        %get3A_576 = vector.shape_cast %get3A_575 : vector<1x16xf32> to vector<16xf32>
        %get3A_577 = arith.index_cast %scan3A_540 : i32 to index
        %get3A_578 = arith.constant 32 : index
        %get3A_579 = tpu.vector_load %arg11[%get3A_577, %get3A_578] {strides = array<i32>} : memref<40x128xf32, #tpu.memory_space<vmem>>, vector<1x16xf32>,
        %get3A_580 = vector.shape_cast %get3A_579 : vector<1x16xf32> to vector<16xf32>
        %add3A_581 = arith.addf %get3A_576, %get3A_580 : vector<16xf32>
        %max3A_582 = arith.constant 0.000000e+00 : f32
        %max3A_583 = vector.broadcast %max3A_582 : f32 to vector<16xf32>
        %max3A_584 = arith.maximumf %add3A_581, %max3A_583 : vector<16xf32>
        %swap3A_585 = arith.index_cast %scan3A_540 : i32 to index
        %swap3A_586 = arith.constant 32 : index
        %swap3A_587 = tpu.vector_load %arg15[%swap3A_585, %swap3A_586] {strides = array<i32>} : memref<40x128xf32, #tpu.memory_space<vmem>>, vector<1x16xf32>,
        %swap3A_588 = vector.shape_cast %swap3A_587 : vector<1x16xf32> to vector<16xf32>
        %swap3A_589 = vector.shape_cast %max3A_584 : vector<16xf32> to vector<1x16xf32>
        tpu.vector_store %arg15[%swap3A_585, %swap3A_586], %swap3A_589 {strides = array<i32>} : memref<40x128xf32, #tpu.memory_space<vmem>>, vector<1x16xf32>,
        %get3A_590 = arith.index_cast %scan3A_540 : i32 to index
        %get3A_591 = arith.constant 48 : index
        %get3A_592 = tpu.vector_load %arg13[%get3A_590, %get3A_591] {strides = array<i32>} : memref<40x128xf32, #tpu.memory_space<vmem>>, vector<1x16xf32>,
        %get3A_593 = vector.shape_cast %get3A_592 : vector<1x16xf32> to vector<16xf32>
        %get3A_594 = arith.index_cast %scan3A_540 : i32 to index
        %get3A_595 = arith.constant 48 : index
        %get3A_596 = tpu.vector_load %arg11[%get3A_594, %get3A_595] {strides = array<i32>} : memref<40x128xf32, #tpu.memory_space<vmem>>, vector<1x16xf32>,
        %get3A_597 = vector.shape_cast %get3A_596 : vector<1x16xf32> to vector<16xf32>
        %add3A_598 = arith.addf %get3A_593, %get3A_597 : vector<16xf32>
        %max3A_599 = arith.constant 0.000000e+00 : f32
        %max3A_600 = vector.broadcast %max3A_599 : f32 to vector<16xf32>
        %max3A_601 = arith.maximumf %add3A_598, %max3A_600 : vector<16xf32>
        %swap3A_602 = arith.index_cast %scan3A_540 : i32 to index
        %swap3A_603 = arith.constant 48 : index
        %swap3A_604 = tpu.vector_load %arg15[%swap3A_602, %swap3A_603] {strides = array<i32>} : memref<40x128xf32, #tpu.memory_space<vmem>>, vector<1x16xf32>,
        %swap3A_605 = vector.shape_cast %swap3A_604 : vector<1x16xf32> to vector<16xf32>
        %swap3A_606 = vector.shape_cast %max3A_601 : vector<16xf32> to vector<1x16xf32>
        tpu.vector_store %arg15[%swap3A_602, %swap3A_603], %swap3A_606 {strides = array<i32>} : memref<40x128xf32, #tpu.memory_space<vmem>>, vector<1x16xf32>,
        %get3A_607 = arith.index_cast %scan3A_540 : i32 to index
        %get3A_608 = arith.constant 64 : index
        %get3A_609 = tpu.vector_load %arg13[%get3A_607, %get3A_608] {strides = array<i32>} : memref<40x128xf32, #tpu.memory_space<vmem>>, vector<1x16xf32>,
        %get3A_610 = vector.shape_cast %get3A_609 : vector<1x16xf32> to vector<16xf32>
        %get3A_611 = arith.index_cast %scan3A_540 : i32 to index
        %get3A_612 = arith.constant 64 : index
        %get3A_613 = tpu.vector_load %arg11[%get3A_611, %get3A_612] {strides = array<i32>} : memref<40x128xf32, #tpu.memory_space<vmem>>, vector<1x16xf32>,
        %get3A_614 = vector.shape_cast %get3A_613 : vector<1x16xf32> to vector<16xf32>
        %add3A_615 = arith.addf %get3A_610, %get3A_614 : vector<16xf32>
        %max3A_616 = arith.constant 0.000000e+00 : f32
        %max3A_617 = vector.broadcast %max3A_616 : f32 to vector<16xf32>
        %max3A_618 = arith.maximumf %add3A_615, %max3A_617 : vector<16xf32>
        %swap3A_619 = arith.index_cast %scan3A_540 : i32 to index
        %swap3A_620 = arith.constant 64 : index
        %swap3A_621 = tpu.vector_load %arg15[%swap3A_619, %swap3A_620] {strides = array<i32>} : memref<40x128xf32, #tpu.memory_space<vmem>>, vector<1x16xf32>,
        %swap3A_622 = vector.shape_cast %swap3A_621 : vector<1x16xf32> to vector<16xf32>
        %swap3A_623 = vector.shape_cast %max3A_618 : vector<16xf32> to vector<1x16xf32>
        tpu.vector_store %arg15[%swap3A_619, %swap3A_620], %swap3A_623 {strides = array<i32>} : memref<40x128xf32, #tpu.memory_space<vmem>>, vector<1x16xf32>,
        %get3A_624 = arith.index_cast %scan3A_540 : i32 to index
        %get3A_625 = arith.constant 80 : index
        %get3A_626 = tpu.vector_load %arg13[%get3A_624, %get3A_625] {strides = array<i32>} : memref<40x128xf32, #tpu.memory_space<vmem>>, vector<1x16xf32>,
        %get3A_627 = vector.shape_cast %get3A_626 : vector<1x16xf32> to vector<16xf32>
        %get3A_628 = arith.index_cast %scan3A_540 : i32 to index
        %get3A_629 = arith.constant 80 : index
        %get3A_630 = tpu.vector_load %arg11[%get3A_628, %get3A_629] {strides = array<i32>} : memref<40x128xf32, #tpu.memory_space<vmem>>, vector<1x16xf32>,
        %get3A_631 = vector.shape_cast %get3A_630 : vector<1x16xf32> to vector<16xf32>
        %add3A_632 = arith.addf %get3A_627, %get3A_631 : vector<16xf32>
        %max3A_633 = arith.constant 0.000000e+00 : f32
        %max3A_634 = vector.broadcast %max3A_633 : f32 to vector<16xf32>
        %max3A_635 = arith.maximumf %add3A_632, %max3A_634 : vector<16xf32>
        %swap3A_636 = arith.index_cast %scan3A_540 : i32 to index
        %swap3A_637 = arith.constant 80 : index
        %swap3A_638 = tpu.vector_load %arg15[%swap3A_636, %swap3A_637] {strides = array<i32>} : memref<40x128xf32, #tpu.memory_space<vmem>>, vector<1x16xf32>,
        %swap3A_639 = vector.shape_cast %swap3A_638 : vector<1x16xf32> to vector<16xf32>
        %swap3A_640 = vector.shape_cast %max3A_635 : vector<16xf32> to vector<1x16xf32>
        tpu.vector_store %arg15[%swap3A_636, %swap3A_637], %swap3A_640 {strides = array<i32>} : memref<40x128xf32, #tpu.memory_space<vmem>>, vector<1x16xf32>,
        %get3A_641 = arith.index_cast %scan3A_540 : i32 to index
        %get3A_642 = arith.constant 96 : index
        %get3A_643 = tpu.vector_load %arg13[%get3A_641, %get3A_642] {strides = array<i32>} : memref<40x128xf32, #tpu.memory_space<vmem>>, vector<1x16xf32>,
        %get3A_644 = vector.shape_cast %get3A_643 : vector<1x16xf32> to vector<16xf32>
        %get3A_645 = arith.index_cast %scan3A_540 : i32 to index
        %get3A_646 = arith.constant 96 : index
        %get3A_647 = tpu.vector_load %arg11[%get3A_645, %get3A_646] {strides = array<i32>} : memref<40x128xf32, #tpu.memory_space<vmem>>, vector<1x16xf32>,
        %get3A_648 = vector.shape_cast %get3A_647 : vector<1x16xf32> to vector<16xf32>
        %add3A_649 = arith.addf %get3A_644, %get3A_648 : vector<16xf32>
        %max3A_650 = arith.constant 0.000000e+00 : f32
        %max3A_651 = vector.broadcast %max3A_650 : f32 to vector<16xf32>
        %max3A_652 = arith.maximumf %add3A_649, %max3A_651 : vector<16xf32>
        %swap3A_653 = arith.index_cast %scan3A_540 : i32 to index
        %swap3A_654 = arith.constant 96 : index
        %swap3A_655 = tpu.vector_load %arg15[%swap3A_653, %swap3A_654] {strides = array<i32>} : memref<40x128xf32, #tpu.memory_space<vmem>>, vector<1x16xf32>,
        %swap3A_656 = vector.shape_cast %swap3A_655 : vector<1x16xf32> to vector<16xf32>
        %swap3A_657 = vector.shape_cast %max3A_652 : vector<16xf32> to vector<1x16xf32>
        tpu.vector_store %arg15[%swap3A_653, %swap3A_654], %swap3A_657 {strides = array<i32>} : memref<40x128xf32, #tpu.memory_space<vmem>>, vector<1x16xf32>,
        %get3A_658 = arith.index_cast %scan3A_540 : i32 to index
        %get3A_659 = arith.constant 112 : index
        %get3A_660 = tpu.vector_load %arg13[%get3A_658, %get3A_659] {strides = array<i32>} : memref<40x128xf32, #tpu.memory_space<vmem>>, vector<1x16xf32>,
        %get3A_661 = vector.shape_cast %get3A_660 : vector<1x16xf32> to vector<16xf32>
        %get3A_662 = arith.index_cast %scan3A_540 : i32 to index
        %get3A_663 = arith.constant 112 : index
        %get3A_664 = tpu.vector_load %arg11[%get3A_662, %get3A_663] {strides = array<i32>} : memref<40x128xf32, #tpu.memory_space<vmem>>, vector<1x16xf32>,
        %get3A_665 = vector.shape_cast %get3A_664 : vector<1x16xf32> to vector<16xf32>
        %add3A_666 = arith.addf %get3A_661, %get3A_665 : vector<16xf32>
        %max3A_667 = arith.constant 0.000000e+00 : f32
        %max3A_668 = vector.broadcast %max3A_667 : f32 to vector<16xf32>
        %max3A_669 = arith.maximumf %add3A_666, %max3A_668 : vector<16xf32>
        %swap3A_670 = arith.index_cast %scan3A_540 : i32 to index
        %swap3A_671 = arith.constant 112 : index
        %swap3A_672 = tpu.vector_load %arg15[%swap3A_670, %swap3A_671] {strides = array<i32>} : memref<40x128xf32, #tpu.memory_space<vmem>>, vector<1x16xf32>,
        %swap3A_673 = vector.shape_cast %swap3A_672 : vector<1x16xf32> to vector<16xf32>
        %swap3A_674 = vector.shape_cast %max3A_669 : vector<16xf32> to vector<1x16xf32>
        tpu.vector_store %arg15[%swap3A_670, %swap3A_671], %swap3A_674 {strides = array<i32>} : memref<40x128xf32, #tpu.memory_space<vmem>>, vector<1x16xf32>,
        %scan3A_675 = arith.constant 0 : i32
        scf.yield %scan3A_675 : i32
      }
      %scan3A_452 = arith.constant 40 : i32
      %dma_wait3A_453 = arith.constant 0 : i32
      %dma_wait3A_454 = tpu.memref_slice %arg4[%dma_wait3A_453] : memref<320000xi32, #tpu.memory_space<hbm>> -> memref<40xi32, #tpu.memory_space<hbm>>
      %dma_wait3A_455 = arith.constant 0 : i32
      %dma_wait3A_456 = tpu.memref_slice %arg4[%dma_wait3A_455] : memref<320000xi32, #tpu.memory_space<hbm>> -> memref<40xi32, #tpu.memory_space<hbm>>
      tpu.wait_dma2 semaphore(%arg20 : memref<!tpu.dma_semaphore, #tpu.memory_space<semaphore_mem>>) src(%dma_wait3A_456 : memref<40xi32, #tpu.memory_space<hbm>>) dst(%arg9 : memref<40xi32, #tpu.memory_space<vmem>>)
      %dma_start3A_457 = arith.constant 0 : i32
      %dma_start3A_458 = arith.constant 0 : i32
      %dma_start3A_459 = tpu.memref_slice %arg17[%dma_start3A_457, %dma_start3A_458] : memref<10240x128xf32, #tpu.memory_space<vmem_shared>> -> memref<10240x128xf32, #tpu.memory_space<vmem_shared>>
      tpu.enqueue_indirect_dma source(%arg15 : memref<40x128xf32, #tpu.memory_space<vmem>>) target(%dma_start3A_459 : memref<10240x128xf32, #tpu.memory_space<vmem_shared>>) offsets(%arg9 : memref<40xi32, #tpu.memory_space<vmem>>) semaphore(%arg26 : memref<!tpu.dma_semaphore, #tpu.memory_space<semaphore_mem>>) {add = true}
      %add3A_460 = arith.constant 2 : i32
      %add3A_461 = arith.addi %add3A_415, %add3A_460 : i32
      %lt3A_462 = arith.constant 250 : i32
      %lt3A_463 = arith.cmpi slt, %add3A_461, %lt3A_462 : i32
      %convert_element_type3A_464 = arith.extui %lt3A_463 : i1 to i32
      %cond3A_465 = arith.constant 0 : i32
      %cond3A_466 = arith.cmpi ne, %convert_element_type3A_464, %cond3A_465 : i32
      scf.if %cond3A_466 {
        %add3A_540 = arith.constant 2 : i32
        %add3A_541 = arith.addi %add3A_415, %add3A_540 : i32
        %mul3A_542 = arith.constant 10000 : i32
        %mul3A_543 = arith.muli %add3A, %mul3A_542 : i32
        %mul3A_544 = arith.constant 40 : i32
        %mul3A_545 = arith.muli %add3A_541, %mul3A_544 : i32
        %add3A_546 = arith.addi %mul3A_543, %mul3A_545 : i32
        %multiple_of3A_547 = tpu.assume_multiple %add3A_546, 8 : i32
        %dma_start3A_548 = arith.constant 0 : i32
        %dma_start3A_549 = tpu.memref_slice %arg3[%multiple_of3A_547, %dma_start3A_548] : memref<320000x128xf32, #tpu.memory_space<hbm>> -> memref<40x128xf32, #tpu.memory_space<hbm>>
        %dma_start3A_550 = arith.constant 0 : i32
        %dma_start3A_551 = tpu.memref_slice %arg3[%multiple_of3A_547, %dma_start3A_550] : memref<320000x128xf32, #tpu.memory_space<hbm>> -> memref<40x128xf32, #tpu.memory_space<hbm>>
        tpu.enqueue_dma source(%dma_start3A_551 : memref<40x128xf32, #tpu.memory_space<hbm>>) target(%arg11 : memref<40x128xf32, #tpu.memory_space<vmem>>) target_semaphore(%arg22 : memref<!tpu.dma_semaphore, #tpu.memory_space<semaphore_mem>>)
      } else {
      }
      %add3A_467 = arith.constant 2 : i32
      %add3A_468 = arith.addi %add3A_415, %add3A_467 : i32
      %lt3A_469 = arith.constant 250 : i32
      %lt3A_470 = arith.cmpi slt, %add3A_468, %lt3A_469 : i32
      %convert_element_type3A_471 = arith.extui %lt3A_470 : i1 to i32
      %cond3A_472 = arith.constant 0 : i32
      %cond3A_473 = arith.cmpi ne, %convert_element_type3A_471, %cond3A_472 : i32
      scf.if %cond3A_473 {
        %dma_wait3A_540 = arith.constant 0 : i32
        %dma_wait3A_541 = tpu.memref_slice %arg4[%dma_wait3A_540] : memref<320000xi32, #tpu.memory_space<hbm>> -> memref<40xi32, #tpu.memory_space<hbm>>
        %dma_wait3A_542 = arith.constant 0 : i32
        %dma_wait3A_543 = tpu.memref_slice %arg4[%dma_wait3A_542] : memref<320000xi32, #tpu.memory_space<hbm>> -> memref<40xi32, #tpu.memory_space<hbm>>
        tpu.wait_dma2 semaphore(%arg18 : memref<!tpu.dma_semaphore, #tpu.memory_space<semaphore_mem>>) src(%dma_wait3A_543 : memref<40xi32, #tpu.memory_space<hbm>>) dst(%arg7 : memref<40xi32, #tpu.memory_space<vmem>>)
        %dma_start3A_544 = arith.constant 0 : i32
        %dma_start3A_545 = arith.constant 0 : i32
        %dma_start3A_546 = tpu.memref_slice %arg2[%dma_start3A_544, %dma_start3A_545] : memref<10000x128xf32, #tpu.memory_space<hbm>> -> memref<10000x128xf32, #tpu.memory_space<hbm>>
        tpu.enqueue_indirect_dma source(%dma_start3A_546 : memref<10000x128xf32, #tpu.memory_space<hbm>>) target(%arg13 : memref<40x128xf32, #tpu.memory_space<vmem>>) offsets(%arg7 : memref<40xi32, #tpu.memory_space<vmem>>) semaphore(%arg24 : memref<!tpu.dma_semaphore, #tpu.memory_space<semaphore_mem>>)
      } else {
      }
      %mul3A_474 = arith.constant 2 : i32
      %mul3A_475 = arith.muli %mul3A_474, %scan3A_410 : i32
      %add3A_476 = arith.constant 3 : i32
      %add3A_477 = arith.addi %mul3A_475, %add3A_476 : i32
      %dma_wait3A_478 = arith.constant 0 : i32
      %dma_wait3A_479 = arith.constant 0 : i32
      %dma_wait3A_480 = tpu.memref_slice %arg3[%dma_wait3A_478, %dma_wait3A_479] : memref<320000x128xf32, #tpu.memory_space<hbm>> -> memref<40x128xf32, #tpu.memory_space<hbm>>
      %dma_wait3A_481 = arith.constant 0 : i32
      %dma_wait3A_482 = arith.constant 0 : i32
      %dma_wait3A_483 = tpu.memref_slice %arg3[%dma_wait3A_481, %dma_wait3A_482] : memref<320000x128xf32, #tpu.memory_space<hbm>> -> memref<40x128xf32, #tpu.memory_space<hbm>>
      tpu.wait_dma2 semaphore(%arg23 : memref<!tpu.dma_semaphore, #tpu.memory_space<semaphore_mem>>) src(%dma_wait3A_483 : memref<40x128xf32, #tpu.memory_space<hbm>>) dst(%arg12 : memref<40x128xf32, #tpu.memory_space<vmem>>)
      %dma_wait3A_484 = arith.constant 0 : i32
      %dma_wait3A_485 = arith.constant 0 : i32
      %dma_wait3A_486 = tpu.memref_slice %arg2[%dma_wait3A_484, %dma_wait3A_485] : memref<10000x128xf32, #tpu.memory_space<hbm>> -> memref<40x128xf32, #tpu.memory_space<hbm>>
      %dma_wait3A_487 = arith.constant 0 : i32
      %dma_wait3A_488 = arith.constant 0 : i32
      %dma_wait3A_489 = tpu.memref_slice %arg2[%dma_wait3A_487, %dma_wait3A_488] : memref<10000x128xf32, #tpu.memory_space<hbm>> -> memref<40x128xf32, #tpu.memory_space<hbm>>
      tpu.wait_dma2 semaphore(%arg25 : memref<!tpu.dma_semaphore, #tpu.memory_space<semaphore_mem>>) src(%dma_wait3A_489 : memref<40x128xf32, #tpu.memory_space<hbm>>) dst(%arg14 : memref<40x128xf32, #tpu.memory_space<vmem>>)
      %add3A_490 = arith.constant 2 : i32
      %add3A_491 = arith.addi %add3A_477, %add3A_490 : i32
      %lt3A_492 = arith.constant 250 : i32
      %lt3A_493 = arith.cmpi slt, %add3A_491, %lt3A_492 : i32
      %convert_element_type3A_494 = arith.extui %lt3A_493 : i1 to i32
      %cond3A_495 = arith.constant 0 : i32
      %cond3A_496 = arith.cmpi ne, %convert_element_type3A_494, %cond3A_495 : i32
      scf.if %cond3A_496 {
        %add3A_540 = arith.constant 2 : i32
        %add3A_541 = arith.addi %add3A_477, %add3A_540 : i32
        %mul3A_542 = arith.constant 10000 : i32
        %mul3A_543 = arith.muli %add3A, %mul3A_542 : i32
        %mul3A_544 = arith.constant 40 : i32
        %mul3A_545 = arith.muli %add3A_541, %mul3A_544 : i32
        %add3A_546 = arith.addi %mul3A_543, %mul3A_545 : i32
        %multiple_of3A_547 = tpu.assume_multiple %add3A_546, 8 : i32
        %dma_start3A_548 = tpu.memref_slice %arg4[%multiple_of3A_547] : memref<320000xi32, #tpu.memory_space<hbm>> -> memref<40xi32, #tpu.memory_space<hbm>>
        %dma_start3A_549 = tpu.memref_slice %arg4[%multiple_of3A_547] : memref<320000xi32, #tpu.memory_space<hbm>> -> memref<40xi32, #tpu.memory_space<hbm>>
        tpu.enqueue_dma source(%dma_start3A_549 : memref<40xi32, #tpu.memory_space<hbm>>) target(%arg8 : memref<40xi32, #tpu.memory_space<vmem>>) target_semaphore(%arg19 : memref<!tpu.dma_semaphore, #tpu.memory_space<semaphore_mem>>)
      } else {
      }
      %dma_wait3A_497 = arith.constant 0 : i32
      %dma_wait3A_498 = arith.constant 0 : i32
      %dma_wait3A_499 = tpu.memref_slice %arg17[%dma_wait3A_497, %dma_wait3A_498] : memref<10240x128xf32, #tpu.memory_space<vmem_shared>> -> memref<40x128xf32, #tpu.memory_space<vmem_shared>>
      %dma_wait3A_500 = arith.constant 0 : i32
      %dma_wait3A_501 = arith.constant 0 : i32
      %dma_wait3A_502 = tpu.memref_slice %arg17[%dma_wait3A_500, %dma_wait3A_501] : memref<10240x128xf32, #tpu.memory_space<vmem_shared>> -> memref<40x128xf32, #tpu.memory_space<vmem_shared>>
      tpu.wait_dma2 semaphore(%arg27 : memref<!tpu.dma_semaphore, #tpu.memory_space<semaphore_mem>>) src(%arg16 : memref<40x128xf32, #tpu.memory_space<vmem>>) dst(%dma_wait3A_502 : memref<40x128xf32, #tpu.memory_space<vmem_shared>>)
      %mul3A_503 = arith.constant 10000 : i32
      %mul3A_504 = arith.muli %add3A, %mul3A_503 : i32
      %mul3A_505 = arith.constant 40 : i32
      %mul3A_506 = arith.muli %add3A_477, %mul3A_505 : i32
      %add3A_507 = arith.addi %mul3A_504, %mul3A_506 : i32
      %multiple_of3A_508 = tpu.assume_multiple %add3A_507, 8 : i32
      %dma_start3A_509 = tpu.memref_slice %arg5[%multiple_of3A_508] : memref<320000xi32, #tpu.memory_space<hbm>> -> memref<40xi32, #tpu.memory_space<hbm>>
      %dma_start3A_510 = tpu.memref_slice %arg5[%multiple_of3A_508] : memref<320000xi32, #tpu.memory_space<hbm>> -> memref<40xi32, #tpu.memory_space<hbm>>
      tpu.enqueue_dma source(%dma_start3A_510 : memref<40xi32, #tpu.memory_space<hbm>>) target(%arg10 : memref<40xi32, #tpu.memory_space<vmem>>) target_semaphore(%arg21 : memref<!tpu.dma_semaphore, #tpu.memory_space<semaphore_mem>>)
      %scan3A_511 = arith.constant 0 : i32
      %scan3A_512 = arith.constant 0 : i32
      %scan3A_513 = arith.constant 40 : i32
      %scan3A_514 = arith.addi %scan3A_512, %scan3A_513 : i32
      %scan3A_515 = arith.constant 1 : i32
      %scan3A_516 = scf.for %scan3A_540 = %scan3A_512 to %scan3A_514 step %scan3A_515 iter_args(%scan3A_541 = %scan3A_511) -> (i32)  : i32 {
        %get3A = arith.index_cast %scan3A_540 : i32 to index
        %get3A_542 = arith.constant 0 : index
        %get3A_543 = tpu.vector_load %arg14[%get3A, %get3A_542] {strides = array<i32>} : memref<40x128xf32, #tpu.memory_space<vmem>>, vector<1x16xf32>,
        %get3A_544 = vector.shape_cast %get3A_543 : vector<1x16xf32> to vector<16xf32>
        %get3A_545 = arith.index_cast %scan3A_540 : i32 to index
        %get3A_546 = arith.constant 0 : index
        %get3A_547 = tpu.vector_load %arg12[%get3A_545, %get3A_546] {strides = array<i32>} : memref<40x128xf32, #tpu.memory_space<vmem>>, vector<1x16xf32>,
        %get3A_548 = vector.shape_cast %get3A_547 : vector<1x16xf32> to vector<16xf32>
        %add3A_549 = arith.addf %get3A_544, %get3A_548 : vector<16xf32>
        %max3A = arith.constant 0.000000e+00 : f32
        %max3A_550 = vector.broadcast %max3A : f32 to vector<16xf32>
        %max3A_551 = arith.maximumf %add3A_549, %max3A_550 : vector<16xf32>
        %swap3A = arith.index_cast %scan3A_540 : i32 to index
        %swap3A_552 = arith.constant 0 : index
        %swap3A_553 = tpu.vector_load %arg16[%swap3A, %swap3A_552] {strides = array<i32>} : memref<40x128xf32, #tpu.memory_space<vmem>>, vector<1x16xf32>,
        %swap3A_554 = vector.shape_cast %swap3A_553 : vector<1x16xf32> to vector<16xf32>
        %swap3A_555 = vector.shape_cast %max3A_551 : vector<16xf32> to vector<1x16xf32>
        tpu.vector_store %arg16[%swap3A, %swap3A_552], %swap3A_555 {strides = array<i32>} : memref<40x128xf32, #tpu.memory_space<vmem>>, vector<1x16xf32>,
        %get3A_556 = arith.index_cast %scan3A_540 : i32 to index
        %get3A_557 = arith.constant 16 : index
        %get3A_558 = tpu.vector_load %arg14[%get3A_556, %get3A_557] {strides = array<i32>} : memref<40x128xf32, #tpu.memory_space<vmem>>, vector<1x16xf32>,
        %get3A_559 = vector.shape_cast %get3A_558 : vector<1x16xf32> to vector<16xf32>
        %get3A_560 = arith.index_cast %scan3A_540 : i32 to index
        %get3A_561 = arith.constant 16 : index
        %get3A_562 = tpu.vector_load %arg12[%get3A_560, %get3A_561] {strides = array<i32>} : memref<40x128xf32, #tpu.memory_space<vmem>>, vector<1x16xf32>,
        %get3A_563 = vector.shape_cast %get3A_562 : vector<1x16xf32> to vector<16xf32>
        %add3A_564 = arith.addf %get3A_559, %get3A_563 : vector<16xf32>
        %max3A_565 = arith.constant 0.000000e+00 : f32
        %max3A_566 = vector.broadcast %max3A_565 : f32 to vector<16xf32>
        %max3A_567 = arith.maximumf %add3A_564, %max3A_566 : vector<16xf32>
        %swap3A_568 = arith.index_cast %scan3A_540 : i32 to index
        %swap3A_569 = arith.constant 16 : index
        %swap3A_570 = tpu.vector_load %arg16[%swap3A_568, %swap3A_569] {strides = array<i32>} : memref<40x128xf32, #tpu.memory_space<vmem>>, vector<1x16xf32>,
        %swap3A_571 = vector.shape_cast %swap3A_570 : vector<1x16xf32> to vector<16xf32>
        %swap3A_572 = vector.shape_cast %max3A_567 : vector<16xf32> to vector<1x16xf32>
        tpu.vector_store %arg16[%swap3A_568, %swap3A_569], %swap3A_572 {strides = array<i32>} : memref<40x128xf32, #tpu.memory_space<vmem>>, vector<1x16xf32>,
        %get3A_573 = arith.index_cast %scan3A_540 : i32 to index
        %get3A_574 = arith.constant 32 : index
        %get3A_575 = tpu.vector_load %arg14[%get3A_573, %get3A_574] {strides = array<i32>} : memref<40x128xf32, #tpu.memory_space<vmem>>, vector<1x16xf32>,
        %get3A_576 = vector.shape_cast %get3A_575 : vector<1x16xf32> to vector<16xf32>
        %get3A_577 = arith.index_cast %scan3A_540 : i32 to index
        %get3A_578 = arith.constant 32 : index
        %get3A_579 = tpu.vector_load %arg12[%get3A_577, %get3A_578] {strides = array<i32>} : memref<40x128xf32, #tpu.memory_space<vmem>>, vector<1x16xf32>,
        %get3A_580 = vector.shape_cast %get3A_579 : vector<1x16xf32> to vector<16xf32>
        %add3A_581 = arith.addf %get3A_576, %get3A_580 : vector<16xf32>
        %max3A_582 = arith.constant 0.000000e+00 : f32
        %max3A_583 = vector.broadcast %max3A_582 : f32 to vector<16xf32>
        %max3A_584 = arith.maximumf %add3A_581, %max3A_583 : vector<16xf32>
        %swap3A_585 = arith.index_cast %scan3A_540 : i32 to index
        %swap3A_586 = arith.constant 32 : index
        %swap3A_587 = tpu.vector_load %arg16[%swap3A_585, %swap3A_586] {strides = array<i32>} : memref<40x128xf32, #tpu.memory_space<vmem>>, vector<1x16xf32>,
        %swap3A_588 = vector.shape_cast %swap3A_587 : vector<1x16xf32> to vector<16xf32>
        %swap3A_589 = vector.shape_cast %max3A_584 : vector<16xf32> to vector<1x16xf32>
        tpu.vector_store %arg16[%swap3A_585, %swap3A_586], %swap3A_589 {strides = array<i32>} : memref<40x128xf32, #tpu.memory_space<vmem>>, vector<1x16xf32>,
        %get3A_590 = arith.index_cast %scan3A_540 : i32 to index
        %get3A_591 = arith.constant 48 : index
        %get3A_592 = tpu.vector_load %arg14[%get3A_590, %get3A_591] {strides = array<i32>} : memref<40x128xf32, #tpu.memory_space<vmem>>, vector<1x16xf32>,
        %get3A_593 = vector.shape_cast %get3A_592 : vector<1x16xf32> to vector<16xf32>
        %get3A_594 = arith.index_cast %scan3A_540 : i32 to index
        %get3A_595 = arith.constant 48 : index
        %get3A_596 = tpu.vector_load %arg12[%get3A_594, %get3A_595] {strides = array<i32>} : memref<40x128xf32, #tpu.memory_space<vmem>>, vector<1x16xf32>,
        %get3A_597 = vector.shape_cast %get3A_596 : vector<1x16xf32> to vector<16xf32>
        %add3A_598 = arith.addf %get3A_593, %get3A_597 : vector<16xf32>
        %max3A_599 = arith.constant 0.000000e+00 : f32
        %max3A_600 = vector.broadcast %max3A_599 : f32 to vector<16xf32>
        %max3A_601 = arith.maximumf %add3A_598, %max3A_600 : vector<16xf32>
        %swap3A_602 = arith.index_cast %scan3A_540 : i32 to index
        %swap3A_603 = arith.constant 48 : index
        %swap3A_604 = tpu.vector_load %arg16[%swap3A_602, %swap3A_603] {strides = array<i32>} : memref<40x128xf32, #tpu.memory_space<vmem>>, vector<1x16xf32>,
        %swap3A_605 = vector.shape_cast %swap3A_604 : vector<1x16xf32> to vector<16xf32>
        %swap3A_606 = vector.shape_cast %max3A_601 : vector<16xf32> to vector<1x16xf32>
        tpu.vector_store %arg16[%swap3A_602, %swap3A_603], %swap3A_606 {strides = array<i32>} : memref<40x128xf32, #tpu.memory_space<vmem>>, vector<1x16xf32>,
        %get3A_607 = arith.index_cast %scan3A_540 : i32 to index
        %get3A_608 = arith.constant 64 : index
        %get3A_609 = tpu.vector_load %arg14[%get3A_607, %get3A_608] {strides = array<i32>} : memref<40x128xf32, #tpu.memory_space<vmem>>, vector<1x16xf32>,
        %get3A_610 = vector.shape_cast %get3A_609 : vector<1x16xf32> to vector<16xf32>
        %get3A_611 = arith.index_cast %scan3A_540 : i32 to index
        %get3A_612 = arith.constant 64 : index
        %get3A_613 = tpu.vector_load %arg12[%get3A_611, %get3A_612] {strides = array<i32>} : memref<40x128xf32, #tpu.memory_space<vmem>>, vector<1x16xf32>,
        %get3A_614 = vector.shape_cast %get3A_613 : vector<1x16xf32> to vector<16xf32>
        %add3A_615 = arith.addf %get3A_610, %get3A_614 : vector<16xf32>
        %max3A_616 = arith.constant 0.000000e+00 : f32
        %max3A_617 = vector.broadcast %max3A_616 : f32 to vector<16xf32>
        %max3A_618 = arith.maximumf %add3A_615, %max3A_617 : vector<16xf32>
        %swap3A_619 = arith.index_cast %scan3A_540 : i32 to index
        %swap3A_620 = arith.constant 64 : index
        %swap3A_621 = tpu.vector_load %arg16[%swap3A_619, %swap3A_620] {strides = array<i32>} : memref<40x128xf32, #tpu.memory_space<vmem>>, vector<1x16xf32>,
        %swap3A_622 = vector.shape_cast %swap3A_621 : vector<1x16xf32> to vector<16xf32>
        %swap3A_623 = vector.shape_cast %max3A_618 : vector<16xf32> to vector<1x16xf32>
        tpu.vector_store %arg16[%swap3A_619, %swap3A_620], %swap3A_623 {strides = array<i32>} : memref<40x128xf32, #tpu.memory_space<vmem>>, vector<1x16xf32>,
        %get3A_624 = arith.index_cast %scan3A_540 : i32 to index
        %get3A_625 = arith.constant 80 : index
        %get3A_626 = tpu.vector_load %arg14[%get3A_624, %get3A_625] {strides = array<i32>} : memref<40x128xf32, #tpu.memory_space<vmem>>, vector<1x16xf32>,
        %get3A_627 = vector.shape_cast %get3A_626 : vector<1x16xf32> to vector<16xf32>
        %get3A_628 = arith.index_cast %scan3A_540 : i32 to index
        %get3A_629 = arith.constant 80 : index
        %get3A_630 = tpu.vector_load %arg12[%get3A_628, %get3A_629] {strides = array<i32>} : memref<40x128xf32, #tpu.memory_space<vmem>>, vector<1x16xf32>,
        %get3A_631 = vector.shape_cast %get3A_630 : vector<1x16xf32> to vector<16xf32>
        %add3A_632 = arith.addf %get3A_627, %get3A_631 : vector<16xf32>
        %max3A_633 = arith.constant 0.000000e+00 : f32
        %max3A_634 = vector.broadcast %max3A_633 : f32 to vector<16xf32>
        %max3A_635 = arith.maximumf %add3A_632, %max3A_634 : vector<16xf32>
        %swap3A_636 = arith.index_cast %scan3A_540 : i32 to index
        %swap3A_637 = arith.constant 80 : index
        %swap3A_638 = tpu.vector_load %arg16[%swap3A_636, %swap3A_637] {strides = array<i32>} : memref<40x128xf32, #tpu.memory_space<vmem>>, vector<1x16xf32>,
        %swap3A_639 = vector.shape_cast %swap3A_638 : vector<1x16xf32> to vector<16xf32>
        %swap3A_640 = vector.shape_cast %max3A_635 : vector<16xf32> to vector<1x16xf32>
        tpu.vector_store %arg16[%swap3A_636, %swap3A_637], %swap3A_640 {strides = array<i32>} : memref<40x128xf32, #tpu.memory_space<vmem>>, vector<1x16xf32>,
        %get3A_641 = arith.index_cast %scan3A_540 : i32 to index
        %get3A_642 = arith.constant 96 : index
        %get3A_643 = tpu.vector_load %arg14[%get3A_641, %get3A_642] {strides = array<i32>} : memref<40x128xf32, #tpu.memory_space<vmem>>, vector<1x16xf32>,
        %get3A_644 = vector.shape_cast %get3A_643 : vector<1x16xf32> to vector<16xf32>
        %get3A_645 = arith.index_cast %scan3A_540 : i32 to index
        %get3A_646 = arith.constant 96 : index
        %get3A_647 = tpu.vector_load %arg12[%get3A_645, %get3A_646] {strides = array<i32>} : memref<40x128xf32, #tpu.memory_space<vmem>>, vector<1x16xf32>,
        %get3A_648 = vector.shape_cast %get3A_647 : vector<1x16xf32> to vector<16xf32>
        %add3A_649 = arith.addf %get3A_644, %get3A_648 : vector<16xf32>
        %max3A_650 = arith.constant 0.000000e+00 : f32
        %max3A_651 = vector.broadcast %max3A_650 : f32 to vector<16xf32>
        %max3A_652 = arith.maximumf %add3A_649, %max3A_651 : vector<16xf32>
        %swap3A_653 = arith.index_cast %scan3A_540 : i32 to index
        %swap3A_654 = arith.constant 96 : index
        %swap3A_655 = tpu.vector_load %arg16[%swap3A_653, %swap3A_654] {strides = array<i32>} : memref<40x128xf32, #tpu.memory_space<vmem>>, vector<1x16xf32>,
        %swap3A_656 = vector.shape_cast %swap3A_655 : vector<1x16xf32> to vector<16xf32>
        %swap3A_657 = vector.shape_cast %max3A_652 : vector<16xf32> to vector<1x16xf32>
        tpu.vector_store %arg16[%swap3A_653, %swap3A_654], %swap3A_657 {strides = array<i32>} : memref<40x128xf32, #tpu.memory_space<vmem>>, vector<1x16xf32>,
        %get3A_658 = arith.index_cast %scan3A_540 : i32 to index
        %get3A_659 = arith.constant 112 : index
        %get3A_660 = tpu.vector_load %arg14[%get3A_658, %get3A_659] {strides = array<i32>} : memref<40x128xf32, #tpu.memory_space<vmem>>, vector<1x16xf32>,
        %get3A_661 = vector.shape_cast %get3A_660 : vector<1x16xf32> to vector<16xf32>
        %get3A_662 = arith.index_cast %scan3A_540 : i32 to index
        %get3A_663 = arith.constant 112 : index
        %get3A_664 = tpu.vector_load %arg12[%get3A_662, %get3A_663] {strides = array<i32>} : memref<40x128xf32, #tpu.memory_space<vmem>>, vector<1x16xf32>,
        %get3A_665 = vector.shape_cast %get3A_664 : vector<1x16xf32> to vector<16xf32>
        %add3A_666 = arith.addf %get3A_661, %get3A_665 : vector<16xf32>
        %max3A_667 = arith.constant 0.000000e+00 : f32
        %max3A_668 = vector.broadcast %max3A_667 : f32 to vector<16xf32>
        %max3A_669 = arith.maximumf %add3A_666, %max3A_668 : vector<16xf32>
        %swap3A_670 = arith.index_cast %scan3A_540 : i32 to index
        %swap3A_671 = arith.constant 112 : index
        %swap3A_672 = tpu.vector_load %arg16[%swap3A_670, %swap3A_671] {strides = array<i32>} : memref<40x128xf32, #tpu.memory_space<vmem>>, vector<1x16xf32>,
        %swap3A_673 = vector.shape_cast %swap3A_672 : vector<1x16xf32> to vector<16xf32>
        %swap3A_674 = vector.shape_cast %max3A_669 : vector<16xf32> to vector<1x16xf32>
        tpu.vector_store %arg16[%swap3A_670, %swap3A_671], %swap3A_674 {strides = array<i32>} : memref<40x128xf32, #tpu.memory_space<vmem>>, vector<1x16xf32>,
        %scan3A_675 = arith.constant 0 : i32
        scf.yield %scan3A_675 : i32
      }
      %scan3A_517 = arith.constant 40 : i32
      %dma_wait3A_518 = arith.constant 0 : i32
      %dma_wait3A_519 = tpu.memref_slice %arg4[%dma_wait3A_518] : memref<320000xi32, #tpu.memory_space<hbm>> -> memref<40xi32, #tpu.memory_space<hbm>>
      %dma_wait3A_520 = arith.constant 0 : i32
      %dma_wait3A_521 = tpu.memref_slice %arg4[%dma_wait3A_520] : memref<320000xi32, #tpu.memory_space<hbm>> -> memref<40xi32, #tpu.memory_space<hbm>>
      tpu.wait_dma2 semaphore(%arg21 : memref<!tpu.dma_semaphore, #tpu.memory_space<semaphore_mem>>) src(%dma_wait3A_521 : memref<40xi32, #tpu.memory_space<hbm>>) dst(%arg10 : memref<40xi32, #tpu.memory_space<vmem>>)
      %dma_start3A_522 = arith.constant 0 : i32
      %dma_start3A_523 = arith.constant 0 : i32
      %dma_start3A_524 = tpu.memref_slice %arg17[%dma_start3A_522, %dma_start3A_523] : memref<10240x128xf32, #tpu.memory_space<vmem_shared>> -> memref<10240x128xf32, #tpu.memory_space<vmem_shared>>
      tpu.enqueue_indirect_dma source(%arg16 : memref<40x128xf32, #tpu.memory_space<vmem>>) target(%dma_start3A_524 : memref<10240x128xf32, #tpu.memory_space<vmem_shared>>) offsets(%arg10 : memref<40xi32, #tpu.memory_space<vmem>>) semaphore(%arg27 : memref<!tpu.dma_semaphore, #tpu.memory_space<semaphore_mem>>) {add = true}
      %add3A_525 = arith.constant 2 : i32
      %add3A_526 = arith.addi %add3A_477, %add3A_525 : i32
      %lt3A_527 = arith.constant 250 : i32
      %lt3A_528 = arith.cmpi slt, %add3A_526, %lt3A_527 : i32
      %convert_element_type3A_529 = arith.extui %lt3A_528 : i1 to i32
      %cond3A_530 = arith.constant 0 : i32
      %cond3A_531 = arith.cmpi ne, %convert_element_type3A_529, %cond3A_530 : i32
      scf.if %cond3A_531 {
        %add3A_540 = arith.constant 2 : i32
        %add3A_541 = arith.addi %add3A_477, %add3A_540 : i32
        %mul3A_542 = arith.constant 10000 : i32
        %mul3A_543 = arith.muli %add3A, %mul3A_542 : i32
        %mul3A_544 = arith.constant 40 : i32
        %mul3A_545 = arith.muli %add3A_541, %mul3A_544 : i32
        %add3A_546 = arith.addi %mul3A_543, %mul3A_545 : i32
        %multiple_of3A_547 = tpu.assume_multiple %add3A_546, 8 : i32
        %dma_start3A_548 = arith.constant 0 : i32
        %dma_start3A_549 = tpu.memref_slice %arg3[%multiple_of3A_547, %dma_start3A_548] : memref<320000x128xf32, #tpu.memory_space<hbm>> -> memref<40x128xf32, #tpu.memory_space<hbm>>
        %dma_start3A_550 = arith.constant 0 : i32
        %dma_start3A_551 = tpu.memref_slice %arg3[%multiple_of3A_547, %dma_start3A_550] : memref<320000x128xf32, #tpu.memory_space<hbm>> -> memref<40x128xf32, #tpu.memory_space<hbm>>
        tpu.enqueue_dma source(%dma_start3A_551 : memref<40x128xf32, #tpu.memory_space<hbm>>) target(%arg12 : memref<40x128xf32, #tpu.memory_space<vmem>>) target_semaphore(%arg23 : memref<!tpu.dma_semaphore, #tpu.memory_space<semaphore_mem>>)
      } else {
      }
      %add3A_532 = arith.constant 2 : i32
      %add3A_533 = arith.addi %add3A_477, %add3A_532 : i32
      %lt3A_534 = arith.constant 250 : i32
      %lt3A_535 = arith.cmpi slt, %add3A_533, %lt3A_534 : i32
      %convert_element_type3A_536 = arith.extui %lt3A_535 : i1 to i32
      %cond3A_537 = arith.constant 0 : i32
      %cond3A_538 = arith.cmpi ne, %convert_element_type3A_536, %cond3A_537 : i32
      scf.if %cond3A_538 {
        %dma_wait3A_540 = arith.constant 0 : i32
        %dma_wait3A_541 = tpu.memref_slice %arg4[%dma_wait3A_540] : memref<320000xi32, #tpu.memory_space<hbm>> -> memref<40xi32, #tpu.memory_space<hbm>>
        %dma_wait3A_542 = arith.constant 0 : i32
        %dma_wait3A_543 = tpu.memref_slice %arg4[%dma_wait3A_542] : memref<320000xi32, #tpu.memory_space<hbm>> -> memref<40xi32, #tpu.memory_space<hbm>>
        tpu.wait_dma2 semaphore(%arg19 : memref<!tpu.dma_semaphore, #tpu.memory_space<semaphore_mem>>) src(%dma_wait3A_543 : memref<40xi32, #tpu.memory_space<hbm>>) dst(%arg8 : memref<40xi32, #tpu.memory_space<vmem>>)
        %dma_start3A_544 = arith.constant 0 : i32
        %dma_start3A_545 = arith.constant 0 : i32
        %dma_start3A_546 = tpu.memref_slice %arg2[%dma_start3A_544, %dma_start3A_545] : memref<10000x128xf32, #tpu.memory_space<hbm>> -> memref<10000x128xf32, #tpu.memory_space<hbm>>
        tpu.enqueue_indirect_dma source(%dma_start3A_546 : memref<10000x128xf32, #tpu.memory_space<hbm>>) target(%arg14 : memref<40x128xf32, #tpu.memory_space<vmem>>) offsets(%arg8 : memref<40xi32, #tpu.memory_space<vmem>>) semaphore(%arg25 : memref<!tpu.dma_semaphore, #tpu.memory_space<semaphore_mem>>)
      } else {
      }
      %scan3A_539 = arith.constant 0 : i32
      scf.yield %scan3A_539 : i32
    }
    %scan3A_392 = arith.constant 124 : i32
    %dma_wait3A_393 = arith.constant 0 : i32
    %dma_wait3A_394 = arith.constant 0 : i32
    %dma_wait3A_395 = tpu.memref_slice %arg17[%dma_wait3A_393, %dma_wait3A_394] : memref<10240x128xf32, #tpu.memory_space<vmem_shared>> -> memref<40x128xf32, #tpu.memory_space<vmem_shared>>
    %dma_wait3A_396 = arith.constant 0 : i32
    %dma_wait3A_397 = arith.constant 0 : i32
    %dma_wait3A_398 = tpu.memref_slice %arg17[%dma_wait3A_396, %dma_wait3A_397] : memref<10240x128xf32, #tpu.memory_space<vmem_shared>> -> memref<40x128xf32, #tpu.memory_space<vmem_shared>>
    tpu.wait_dma2 semaphore(%arg26 : memref<!tpu.dma_semaphore, #tpu.memory_space<semaphore_mem>>) src(%arg15 : memref<40x128xf32, #tpu.memory_space<vmem>>) dst(%dma_wait3A_398 : memref<40x128xf32, #tpu.memory_space<vmem_shared>>)
    %dma_wait3A_399 = arith.constant 0 : i32
    %dma_wait3A_400 = arith.constant 0 : i32
    %dma_wait3A_401 = tpu.memref_slice %arg17[%dma_wait3A_399, %dma_wait3A_400] : memref<10240x128xf32, #tpu.memory_space<vmem_shared>> -> memref<40x128xf32, #tpu.memory_space<vmem_shared>>
    %dma_wait3A_402 = arith.constant 0 : i32
    %dma_wait3A_403 = arith.constant 0 : i32
    %dma_wait3A_404 = tpu.memref_slice %arg17[%dma_wait3A_402, %dma_wait3A_403] : memref<10240x128xf32, #tpu.memory_space<vmem_shared>> -> memref<40x128xf32, #tpu.memory_space<vmem_shared>>
    tpu.wait_dma2 semaphore(%arg27 : memref<!tpu.dma_semaphore, #tpu.memory_space<semaphore_mem>>) src(%arg16 : memref<40x128xf32, #tpu.memory_space<vmem>>) dst(%dma_wait3A_404 : memref<40x128xf32, #tpu.memory_space<vmem_shared>>)
    %barrier3A_405 = arith.constant 0 : index
    tpu.barrier barrier_id(%barrier3A_405)
    %mul3A_406 = arith.constant 640 : i32
    %mul3A_407 = arith.muli %arg1, %mul3A_406 : i32
    %mul3A_408 = arith.constant 640 : i32
    %mul3A_409 = arith.muli %arg1, %mul3A_408 : i32
    "tpu.region"() ({
      %run_scoped3A = tpu.sem_alloc : memref<!tpu.dma_semaphore, #tpu.memory_space<semaphore_mem>>
      %dma_start3A_410 = arith.constant 0 : i32
      %dma_start3A_411 = tpu.memref_slice %arg6[%arg0, %mul3A_409, %dma_start3A_410] : memref<2x10240x128xf32, #tpu.memory_space<hbm>> -> memref<1x640x128xf32, #tpu.memory_space<hbm>>
      %dma_start3A_412 = tpu.memref_squeeze %dma_start3A_411 : memref<1x640x128xf32, #tpu.memory_space<hbm>> -> memref<640x128xf32, #tpu.memory_space<hbm>>
      %dma_start3A_413 = arith.constant 0 : i32
      %dma_start3A_414 = tpu.memref_slice %arg17[%mul3A_407, %dma_start3A_413] : memref<10240x128xf32, #tpu.memory_space<vmem_shared>> -> memref<640x128xf32, #tpu.memory_space<vmem_shared>>
      tpu.enqueue_dma source(%dma_start3A_414 : memref<640x128xf32, #tpu.memory_space<vmem_shared>>) target(%dma_start3A_412 : memref<640x128xf32, #tpu.memory_space<hbm>>) target_semaphore(%run_scoped3A : memref<!tpu.dma_semaphore, #tpu.memory_space<semaphore_mem>>)
      %dma_wait3A_415 = arith.constant 0 : i32
      %dma_wait3A_416 = tpu.memref_slice %arg6[%arg0, %mul3A_409, %dma_wait3A_415] : memref<2x10240x128xf32, #tpu.memory_space<hbm>> -> memref<1x640x128xf32, #tpu.memory_space<hbm>>
      %dma_wait3A_417 = tpu.memref_squeeze %dma_wait3A_416 : memref<1x640x128xf32, #tpu.memory_space<hbm>> -> memref<640x128xf32, #tpu.memory_space<hbm>>
      %dma_wait3A_418 = arith.constant 0 : i32
      %dma_wait3A_419 = tpu.memref_slice %arg17[%mul3A_407, %dma_wait3A_418] : memref<10240x128xf32, #tpu.memory_space<vmem_shared>> -> memref<640x128xf32, #tpu.memory_space<vmem_shared>>
      tpu.wait_dma2 semaphore(%run_scoped3A : memref<!tpu.dma_semaphore, #tpu.memory_space<semaphore_mem>>) src(%dma_wait3A_419 : memref<640x128xf32, #tpu.memory_space<vmem_shared>>) dst(%dma_wait3A_417 : memref<640x128xf32, #tpu.memory_space<hbm>>)
      tpu.yield
    }) : () -> ()
    return
  }
}

module attributes {stable_mosaic.version = 14 : i64} {
  func.func @body(%arg0: i32, %arg1: memref<4000x64xf32, #tpu.memory_space<vmem>>, %arg2: memref<64x128xf32, #tpu.memory_space<vmem>>, %arg3: memref<1x128xf32, #tpu.memory_space<vmem>>, %arg4: memref<4000x128xf32, #tpu.memory_space<vmem>>) attributes {dimension_semantics = [#tpu.dimension_semantics<arbitrary>], iteration_bounds = array<i64: 80>, scalar_prefetch = 0 : i64, scratch_operands = 0 : i64, tpu.core_type = #tpu.core_type<tc>, window_params = [{transform_indices = @transform_0, window_bounds = array<i64: 4000, 64>}, {pipeline_mode = #tpu.pipeline_mode<synchronous>, transform_indices = @transform_1, window_bounds = array<i64: 64, 128>}, {pipeline_mode = #tpu.pipeline_mode<synchronous>, transform_indices = @transform_2, window_bounds = array<i64: 1, 128>}, {transform_indices = @transform_3, window_bounds = array<i64: 4000, 128>}]} {
    %get3A = arith.constant 0 : index
    %get3A_0 = arith.constant 0 : index
    %get3A_1 = vector.load %arg1[%get3A, %get3A_0] : memref<4000x64xf32, #tpu.memory_space<vmem>>, vector<4000x64xf32>
    %get3A_2 = arith.constant 0 : index
    %get3A_3 = arith.constant 0 : index
    %get3A_4 = vector.load %arg2[%get3A_2, %get3A_3] : memref<64x128xf32, #tpu.memory_space<vmem>>, vector<64x128xf32>
    %dot_general3A = arith.constant dense<0.000000e+00> : vector<4000x128xf32>
    %dot_general3A_5 = tpu.matmul %get3A_1, %get3A_4, %dot_general3A {dimension_numbers = #tpu.dot_dimension_numbers<[1], [0], [0], [1], [0, 0, 1, 1], [], []>, transpose_lhs_hint = false} : vector<4000x64xf32>, vector<64x128xf32>, vector<4000x128xf32> -> vector<4000x128xf32>
    %get3A_6 = arith.constant 0 : index
    %get3A_7 = arith.constant 0 : index
    %get3A_8 = vector.load %arg3[%get3A_6, %get3A_7] : memref<1x128xf32, #tpu.memory_space<vmem>>, vector<1x128xf32>
    %add3A = vector.broadcast %get3A_8 : vector<1x128xf32> to vector<4000x128xf32>
    %add3A_9 = arith.addf %dot_general3A_5, %add3A : vector<4000x128xf32>
    %swap3A = arith.constant 0 : index
    %swap3A_10 = arith.constant 0 : index
    %swap3A_11 = vector.load %arg4[%swap3A, %swap3A_10] : memref<4000x128xf32, #tpu.memory_space<vmem>>, vector<4000x128xf32>
    tpu.vector_store %arg4[%swap3A, %swap3A_10], %add3A_9 {strides = array<i32>} : memref<4000x128xf32, #tpu.memory_space<vmem>>, vector<4000x128xf32>,
    return
  }
  func.func @transform_0(%arg0: i32) -> (i32, i32) {
    %c0_i32 = arith.constant 0 : i32
    %c0_i32_0 = arith.constant 0 : i32
    return %arg0, %c0_i32 : i32, i32
  }
  func.func @transform_1(%arg0: i32) -> (i32, i32) {
    %c0_i32 = arith.constant 0 : i32
    %c0_i32_0 = arith.constant 0 : i32
    %c0_i32_1 = arith.constant 0 : i32
    return %c0_i32, %c0_i32_0 : i32, i32
  }
  func.func @transform_2(%arg0: i32) -> (i32, i32) {
    %c0_i32 = arith.constant 0 : i32
    %c0_i32_0 = arith.constant 0 : i32
    %c0_i32_1 = arith.constant 0 : i32
    return %c0_i32, %c0_i32_0 : i32, i32
  }
  func.func @transform_3(%arg0: i32) -> (i32, i32) {
    %c0_i32 = arith.constant 0 : i32
    %c0_i32_0 = arith.constant 0 : i32
    return %arg0, %c0_i32 : i32, i32
  }
}

module attributes {stable_mosaic.version = 14 : i64} {
  func.func @body(%arg0: i32, %arg1: memref<10000x128xf32, #tpu.memory_space<vmem>>, %arg2: memref<2x10000x128xf32, #tpu.memory_space<vmem>>, %arg3: memref<128x64xf32, #tpu.memory_space<vmem>>, %arg4: memref<1x64xf32, #tpu.memory_space<vmem>>, %arg5: memref<1x64xf32, #tpu.memory_space<vmem>>, %arg6: memref<1x64xf32, #tpu.memory_space<vmem>>, %arg7: memref<64x128xf32, #tpu.memory_space<vmem>>, %arg8: memref<1x128xf32, #tpu.memory_space<vmem>>, %arg9: memref<10000x128xf32, #tpu.memory_space<vmem>>) attributes {dimension_semantics = [#tpu.dimension_semantics<arbitrary>], iteration_bounds = array<i64: 1>, scalar_prefetch = 0 : i64, scratch_operands = 0 : i64, tpu.core_type = #tpu.core_type<tc>, window_params = [{pipeline_mode = #tpu.pipeline_mode<synchronous>, transform_indices = @transform_0, window_bounds = array<i64: 10000, 128>}, {transform_indices = @transform_1, window_bounds = array<i64: 2, 10000, 128>}, {pipeline_mode = #tpu.pipeline_mode<synchronous>, transform_indices = @transform_2, window_bounds = array<i64: 128, 64>}, {pipeline_mode = #tpu.pipeline_mode<synchronous>, transform_indices = @transform_3, window_bounds = array<i64: 1, 64>}, {pipeline_mode = #tpu.pipeline_mode<synchronous>, transform_indices = @transform_4, window_bounds = array<i64: 1, 64>}, {pipeline_mode = #tpu.pipeline_mode<synchronous>, transform_indices = @transform_5, window_bounds = array<i64: 1, 64>}, {pipeline_mode = #tpu.pipeline_mode<synchronous>, transform_indices = @transform_6, window_bounds = array<i64: 64, 128>}, {pipeline_mode = #tpu.pipeline_mode<synchronous>, transform_indices = @transform_7, window_bounds = array<i64: 1, 128>}, {pipeline_mode = #tpu.pipeline_mode<synchronous>, transform_indices = @transform_8, window_bounds = array<i64: 10000, 128>}]} {
    %get3A = arith.constant 0 : index
    %get3A_0 = arith.constant 0 : index
    %get3A_1 = vector.load %arg1[%get3A, %get3A_0] : memref<10000x128xf32, #tpu.memory_space<vmem>>, vector<10000x128xf32>
    %get3A_2 = arith.constant 0 : index
    %get3A_3 = arith.constant 0 : index
    %get3A_4 = arith.constant 0 : index
    %get3A_5 = vector.load %arg2[%get3A_2, %get3A_3, %get3A_4] : memref<2x10000x128xf32, #tpu.memory_space<vmem>>, vector<1x10000x128xf32>
    %get3A_6 = vector.shape_cast %get3A_5 : vector<1x10000x128xf32> to vector<10000x128xf32>
    %add3A = arith.addf %get3A_1, %get3A_6 : vector<10000x128xf32>
    %get3A_7 = arith.constant 1 : index
    %get3A_8 = arith.constant 0 : index
    %get3A_9 = arith.constant 0 : index
    %get3A_10 = vector.load %arg2[%get3A_7, %get3A_8, %get3A_9] : memref<2x10000x128xf32, #tpu.memory_space<vmem>>, vector<1x10000x128xf32>
    %get3A_11 = vector.shape_cast %get3A_10 : vector<1x10000x128xf32> to vector<10000x128xf32>
    %add3A_12 = arith.addf %add3A, %get3A_11 : vector<10000x128xf32>
    %get3A_13 = arith.constant 0 : index
    %get3A_14 = arith.constant 0 : index
    %get3A_15 = vector.load %arg3[%get3A_13, %get3A_14] : memref<128x64xf32, #tpu.memory_space<vmem>>, vector<128x64xf32>
    %dot_general3A = arith.constant dense<0.000000e+00> : vector<10000x64xf32>
    %dot_general3A_16 = tpu.matmul %add3A_12, %get3A_15, %dot_general3A {dimension_numbers = #tpu.dot_dimension_numbers<[1], [0], [0], [1], [0, 0, 1, 1], [], []>, transpose_lhs_hint = false} : vector<10000x128xf32>, vector<128x64xf32>, vector<10000x64xf32> -> vector<10000x64xf32>
    %get3A_17 = arith.constant 0 : index
    %get3A_18 = arith.constant 0 : index
    %get3A_19 = vector.load %arg4[%get3A_17, %get3A_18] : memref<1x64xf32, #tpu.memory_space<vmem>>, vector<1x64xf32>
    %add3A_20 = vector.broadcast %get3A_19 : vector<1x64xf32> to vector<10000x64xf32>
    %add3A_21 = arith.addf %dot_general3A_16, %add3A_20 : vector<10000x64xf32>
    %reduce_sum3A = arith.constant dense<0.000000e+00> : vector<64xf32>
    %reduce_sum3A_22 = vector.multi_reduction <add>, %add3A_21, %reduce_sum3A [0] : vector<10000x64xf32> to vector<64xf32>
    %broadcast_in_dim3A = vector.shape_cast %reduce_sum3A_22 : vector<64xf32> to vector<1x64xf32>
    %div3A = arith.constant 1.000000e+04 : f32
    %div3A_23 = vector.broadcast %div3A : f32 to vector<1x64xf32>
    %div3A_24 = arith.divf %broadcast_in_dim3A, %div3A_23 : vector<1x64xf32>
    %sub3A = vector.broadcast %div3A_24 : vector<1x64xf32> to vector<10000x64xf32>
    %sub3A_25 = arith.subf %add3A_21, %sub3A : vector<10000x64xf32>
    %sub3A_26 = vector.broadcast %div3A_24 : vector<1x64xf32> to vector<10000x64xf32>
    %sub3A_27 = arith.subf %add3A_21, %sub3A_26 : vector<10000x64xf32>
    %mul3A = arith.mulf %sub3A_25, %sub3A_27 : vector<10000x64xf32>
    %reduce_sum3A_28 = arith.constant dense<0.000000e+00> : vector<64xf32>
    %reduce_sum3A_29 = vector.multi_reduction <add>, %mul3A, %reduce_sum3A_28 [0] : vector<10000x64xf32> to vector<64xf32>
    %broadcast_in_dim3A_30 = vector.shape_cast %reduce_sum3A_29 : vector<64xf32> to vector<1x64xf32>
    %div3A_31 = arith.constant 1.000000e+04 : f32
    %div3A_32 = vector.broadcast %div3A_31 : f32 to vector<1x64xf32>
    %div3A_33 = arith.divf %broadcast_in_dim3A_30, %div3A_32 : vector<1x64xf32>
    %sub3A_34 = vector.broadcast %div3A_24 : vector<1x64xf32> to vector<10000x64xf32>
    %sub3A_35 = arith.subf %add3A_21, %sub3A_34 : vector<10000x64xf32>
    %add3A_36 = arith.constant 9.99999974E-6 : f32
    %add3A_37 = vector.broadcast %add3A_36 : f32 to vector<1x64xf32>
    %add3A_38 = arith.addf %div3A_33, %add3A_37 : vector<1x64xf32>
    %rsqrt3A = math.rsqrt %add3A_38 : vector<1x64xf32>
    %mul3A_39 = vector.broadcast %rsqrt3A : vector<1x64xf32> to vector<10000x64xf32>
    %mul3A_40 = arith.mulf %sub3A_35, %mul3A_39 : vector<10000x64xf32>
    %get3A_41 = arith.constant 0 : index
    %get3A_42 = arith.constant 0 : index
    %get3A_43 = vector.load %arg5[%get3A_41, %get3A_42] : memref<1x64xf32, #tpu.memory_space<vmem>>, vector<1x64xf32>
    %mul3A_44 = vector.broadcast %get3A_43 : vector<1x64xf32> to vector<10000x64xf32>
    %mul3A_45 = arith.mulf %mul3A_40, %mul3A_44 : vector<10000x64xf32>
    %get3A_46 = arith.constant 0 : index
    %get3A_47 = arith.constant 0 : index
    %get3A_48 = vector.load %arg6[%get3A_46, %get3A_47] : memref<1x64xf32, #tpu.memory_space<vmem>>, vector<1x64xf32>
    %add3A_49 = vector.broadcast %get3A_48 : vector<1x64xf32> to vector<10000x64xf32>
    %add3A_50 = arith.addf %mul3A_45, %add3A_49 : vector<10000x64xf32>
    %max3A = arith.constant 0.000000e+00 : f32
    %max3A_51 = vector.broadcast %max3A : f32 to vector<10000x64xf32>
    %max3A_52 = arith.maximumf %add3A_50, %max3A_51 : vector<10000x64xf32>
    %get3A_53 = arith.constant 0 : index
    %get3A_54 = arith.constant 0 : index
    %get3A_55 = vector.load %arg7[%get3A_53, %get3A_54] : memref<64x128xf32, #tpu.memory_space<vmem>>, vector<64x128xf32>
    %dot_general3A_56 = arith.constant dense<0.000000e+00> : vector<10000x128xf32>
    %dot_general3A_57 = tpu.matmul %max3A_52, %get3A_55, %dot_general3A_56 {dimension_numbers = #tpu.dot_dimension_numbers<[1], [0], [0], [1], [0, 0, 1, 1], [], []>, transpose_lhs_hint = false} : vector<10000x64xf32>, vector<64x128xf32>, vector<10000x128xf32> -> vector<10000x128xf32>
    %get3A_58 = arith.constant 0 : index
    %get3A_59 = arith.constant 0 : index
    %get3A_60 = vector.load %arg8[%get3A_58, %get3A_59] : memref<1x128xf32, #tpu.memory_space<vmem>>, vector<1x128xf32>
    %add3A_61 = vector.broadcast %get3A_60 : vector<1x128xf32> to vector<10000x128xf32>
    %add3A_62 = arith.addf %dot_general3A_57, %add3A_61 : vector<10000x128xf32>
    %max3A_63 = arith.constant 0.000000e+00 : f32
    %max3A_64 = vector.broadcast %max3A_63 : f32 to vector<10000x128xf32>
    %max3A_65 = arith.maximumf %add3A_62, %max3A_64 : vector<10000x128xf32>
    %swap3A = arith.constant 0 : index
    %swap3A_66 = arith.constant 0 : index
    %swap3A_67 = vector.load %arg9[%swap3A, %swap3A_66] : memref<10000x128xf32, #tpu.memory_space<vmem>>, vector<10000x128xf32>
    tpu.vector_store %arg9[%swap3A, %swap3A_66], %max3A_65 {strides = array<i32>} : memref<10000x128xf32, #tpu.memory_space<vmem>>, vector<10000x128xf32>,
    return
  }
  func.func @transform_0(%arg0: i32) -> (i32, i32) {
    %c0_i32 = arith.constant 0 : i32
    %c0_i32_0 = arith.constant 0 : i32
    %c0_i32_1 = arith.constant 0 : i32
    return %c0_i32, %c0_i32_0 : i32, i32
  }
  func.func @transform_1(%arg0: i32) -> (i32, i32, i32) {
    %c0_i32 = arith.constant 0 : i32
    %c0_i32_0 = arith.constant 0 : i32
    %c0_i32_1 = arith.constant 0 : i32
    %c0_i32_2 = arith.constant 0 : i32
    return %c0_i32, %c0_i32_0, %c0_i32_1 : i32, i32, i32
  }
  func.func @transform_2(%arg0: i32) -> (i32, i32) {
    %c0_i32 = arith.constant 0 : i32
    %c0_i32_0 = arith.constant 0 : i32
    %c0_i32_1 = arith.constant 0 : i32
    return %c0_i32, %c0_i32_0 : i32, i32
  }
  func.func @transform_3(%arg0: i32) -> (i32, i32) {
    %c0_i32 = arith.constant 0 : i32
    %c0_i32_0 = arith.constant 0 : i32
    %c0_i32_1 = arith.constant 0 : i32
    return %c0_i32, %c0_i32_0 : i32, i32
  }
  func.func @transform_4(%arg0: i32) -> (i32, i32) {
    %c0_i32 = arith.constant 0 : i32
    %c0_i32_0 = arith.constant 0 : i32
    %c0_i32_1 = arith.constant 0 : i32
    return %c0_i32, %c0_i32_0 : i32, i32
  }
  func.func @transform_5(%arg0: i32) -> (i32, i32) {
    %c0_i32 = arith.constant 0 : i32
    %c0_i32_0 = arith.constant 0 : i32
    %c0_i32_1 = arith.constant 0 : i32
    return %c0_i32, %c0_i32_0 : i32, i32
  }
  func.func @transform_6(%arg0: i32) -> (i32, i32) {
    %c0_i32 = arith.constant 0 : i32
    %c0_i32_0 = arith.constant 0 : i32
    %c0_i32_1 = arith.constant 0 : i32
    return %c0_i32, %c0_i32_0 : i32, i32
  }
  func.func @transform_7(%arg0: i32) -> (i32, i32) {
    %c0_i32 = arith.constant 0 : i32
    %c0_i32_0 = arith.constant 0 : i32
    %c0_i32_1 = arith.constant 0 : i32
    return %c0_i32, %c0_i32_0 : i32, i32
  }
  func.func @transform_8(%arg0: i32) -> (i32, i32) {
    %c0_i32 = arith.constant 0 : i32
    %c0_i32_0 = arith.constant 0 : i32
    %c0_i32_1 = arith.constant 0 : i32
    return %c0_i32, %c0_i32_0 : i32, i32
  }
}

module attributes {stable_mosaic.version = 14 : i64} {
  func.func @body(%arg0: i32, %arg1: memref<10000x128xf32, #tpu.memory_space<vmem>>, %arg2: memref<2x10000x128xf32, #tpu.memory_space<vmem>>, %arg3: memref<64x64xf32, #tpu.memory_space<vmem>>, %arg4: memref<1x64xf32, #tpu.memory_space<vmem>>, %arg5: memref<1x64xf32, #tpu.memory_space<vmem>>, %arg6: memref<1x64xf32, #tpu.memory_space<vmem>>, %arg7: memref<64x128xf32, #tpu.memory_space<vmem>>, %arg8: memref<1x128xf32, #tpu.memory_space<vmem>>, %arg9: memref<10000x128xf32, #tpu.memory_space<vmem>>) attributes {dimension_semantics = [#tpu.dimension_semantics<arbitrary>], iteration_bounds = array<i64: 1>, scalar_prefetch = 0 : i64, scratch_operands = 0 : i64, tpu.core_type = #tpu.core_type<tc>, window_params = [{pipeline_mode = #tpu.pipeline_mode<synchronous>, transform_indices = @transform_0, window_bounds = array<i64: 10000, 128>}, {transform_indices = @transform_1, window_bounds = array<i64: 2, 10000, 128>}, {pipeline_mode = #tpu.pipeline_mode<synchronous>, transform_indices = @transform_2, window_bounds = array<i64: 64, 64>}, {pipeline_mode = #tpu.pipeline_mode<synchronous>, transform_indices = @transform_3, window_bounds = array<i64: 1, 64>}, {pipeline_mode = #tpu.pipeline_mode<synchronous>, transform_indices = @transform_4, window_bounds = array<i64: 1, 64>}, {pipeline_mode = #tpu.pipeline_mode<synchronous>, transform_indices = @transform_5, window_bounds = array<i64: 1, 64>}, {pipeline_mode = #tpu.pipeline_mode<synchronous>, transform_indices = @transform_6, window_bounds = array<i64: 64, 128>}, {pipeline_mode = #tpu.pipeline_mode<synchronous>, transform_indices = @transform_7, window_bounds = array<i64: 1, 128>}, {pipeline_mode = #tpu.pipeline_mode<synchronous>, transform_indices = @transform_8, window_bounds = array<i64: 10000, 128>}]} {
    %get3A = arith.constant 0 : index
    %get3A_0 = arith.constant 0 : index
    %get3A_1 = vector.load %arg1[%get3A, %get3A_0] : memref<10000x128xf32, #tpu.memory_space<vmem>>, vector<10000x128xf32>
    %slice3A = vector.extract_strided_slice %get3A_1 {offsets = [0, 0], sizes = [10000, 64], strides = [1, 1]} : vector<10000x128xf32> to vector<10000x64xf32>
    %get3A_2 = arith.constant 0 : index
    %get3A_3 = arith.constant 0 : index
    %get3A_4 = arith.constant 0 : index
    %get3A_5 = vector.load %arg2[%get3A_2, %get3A_3, %get3A_4] : memref<2x10000x128xf32, #tpu.memory_space<vmem>>, vector<1x10000x128xf32>
    %get3A_6 = vector.shape_cast %get3A_5 : vector<1x10000x128xf32> to vector<10000x128xf32>
    %slice3A_7 = vector.extract_strided_slice %get3A_6 {offsets = [0, 0], sizes = [10000, 64], strides = [1, 1]} : vector<10000x128xf32> to vector<10000x64xf32>
    %add3A = arith.addf %slice3A, %slice3A_7 : vector<10000x64xf32>
    %get3A_8 = arith.constant 1 : index
    %get3A_9 = arith.constant 0 : index
    %get3A_10 = arith.constant 0 : index
    %get3A_11 = vector.load %arg2[%get3A_8, %get3A_9, %get3A_10] : memref<2x10000x128xf32, #tpu.memory_space<vmem>>, vector<1x10000x128xf32>
    %get3A_12 = vector.shape_cast %get3A_11 : vector<1x10000x128xf32> to vector<10000x128xf32>
    %slice3A_13 = vector.extract_strided_slice %get3A_12 {offsets = [0, 0], sizes = [10000, 64], strides = [1, 1]} : vector<10000x128xf32> to vector<10000x64xf32>
    %add3A_14 = arith.addf %add3A, %slice3A_13 : vector<10000x64xf32>
    %get3A_15 = arith.constant 0 : index
    %get3A_16 = arith.constant 0 : index
    %get3A_17 = vector.load %arg3[%get3A_15, %get3A_16] : memref<64x64xf32, #tpu.memory_space<vmem>>, vector<64x64xf32>
    %dot_general3A = arith.constant dense<0.000000e+00> : vector<10000x64xf32>
    %dot_general3A_18 = tpu.matmul %add3A_14, %get3A_17, %dot_general3A {dimension_numbers = #tpu.dot_dimension_numbers<[1], [0], [0], [1], [0, 0, 1, 1], [], []>, transpose_lhs_hint = false} : vector<10000x64xf32>, vector<64x64xf32>, vector<10000x64xf32> -> vector<10000x64xf32>
    %get3A_19 = arith.constant 0 : index
    %get3A_20 = arith.constant 0 : index
    %get3A_21 = vector.load %arg4[%get3A_19, %get3A_20] : memref<1x64xf32, #tpu.memory_space<vmem>>, vector<1x64xf32>
    %add3A_22 = vector.broadcast %get3A_21 : vector<1x64xf32> to vector<10000x64xf32>
    %add3A_23 = arith.addf %dot_general3A_18, %add3A_22 : vector<10000x64xf32>
    %reduce_sum3A = arith.constant dense<0.000000e+00> : vector<64xf32>
    %reduce_sum3A_24 = vector.multi_reduction <add>, %add3A_23, %reduce_sum3A [0] : vector<10000x64xf32> to vector<64xf32>
    %broadcast_in_dim3A = vector.shape_cast %reduce_sum3A_24 : vector<64xf32> to vector<1x64xf32>
    %div3A = arith.constant 1.000000e+04 : f32
    %div3A_25 = vector.broadcast %div3A : f32 to vector<1x64xf32>
    %div3A_26 = arith.divf %broadcast_in_dim3A, %div3A_25 : vector<1x64xf32>
    %sub3A = vector.broadcast %div3A_26 : vector<1x64xf32> to vector<10000x64xf32>
    %sub3A_27 = arith.subf %add3A_23, %sub3A : vector<10000x64xf32>
    %sub3A_28 = vector.broadcast %div3A_26 : vector<1x64xf32> to vector<10000x64xf32>
    %sub3A_29 = arith.subf %add3A_23, %sub3A_28 : vector<10000x64xf32>
    %mul3A = arith.mulf %sub3A_27, %sub3A_29 : vector<10000x64xf32>
    %reduce_sum3A_30 = arith.constant dense<0.000000e+00> : vector<64xf32>
    %reduce_sum3A_31 = vector.multi_reduction <add>, %mul3A, %reduce_sum3A_30 [0] : vector<10000x64xf32> to vector<64xf32>
    %broadcast_in_dim3A_32 = vector.shape_cast %reduce_sum3A_31 : vector<64xf32> to vector<1x64xf32>
    %div3A_33 = arith.constant 1.000000e+04 : f32
    %div3A_34 = vector.broadcast %div3A_33 : f32 to vector<1x64xf32>
    %div3A_35 = arith.divf %broadcast_in_dim3A_32, %div3A_34 : vector<1x64xf32>
    %sub3A_36 = vector.broadcast %div3A_26 : vector<1x64xf32> to vector<10000x64xf32>
    %sub3A_37 = arith.subf %add3A_23, %sub3A_36 : vector<10000x64xf32>
    %add3A_38 = arith.constant 9.99999974E-6 : f32
    %add3A_39 = vector.broadcast %add3A_38 : f32 to vector<1x64xf32>
    %add3A_40 = arith.addf %div3A_35, %add3A_39 : vector<1x64xf32>
    %rsqrt3A = math.rsqrt %add3A_40 : vector<1x64xf32>
    %mul3A_41 = vector.broadcast %rsqrt3A : vector<1x64xf32> to vector<10000x64xf32>
    %mul3A_42 = arith.mulf %sub3A_37, %mul3A_41 : vector<10000x64xf32>
    %get3A_43 = arith.constant 0 : index
    %get3A_44 = arith.constant 0 : index
    %get3A_45 = vector.load %arg5[%get3A_43, %get3A_44] : memref<1x64xf32, #tpu.memory_space<vmem>>, vector<1x64xf32>
    %mul3A_46 = vector.broadcast %get3A_45 : vector<1x64xf32> to vector<10000x64xf32>
    %mul3A_47 = arith.mulf %mul3A_42, %mul3A_46 : vector<10000x64xf32>
    %get3A_48 = arith.constant 0 : index
    %get3A_49 = arith.constant 0 : index
    %get3A_50 = vector.load %arg6[%get3A_48, %get3A_49] : memref<1x64xf32, #tpu.memory_space<vmem>>, vector<1x64xf32>
    %add3A_51 = vector.broadcast %get3A_50 : vector<1x64xf32> to vector<10000x64xf32>
    %add3A_52 = arith.addf %mul3A_47, %add3A_51 : vector<10000x64xf32>
    %max3A = arith.constant 0.000000e+00 : f32
    %max3A_53 = vector.broadcast %max3A : f32 to vector<10000x64xf32>
    %max3A_54 = arith.maximumf %add3A_52, %max3A_53 : vector<10000x64xf32>
    %get3A_55 = arith.constant 0 : index
    %get3A_56 = arith.constant 0 : index
    %get3A_57 = vector.load %arg7[%get3A_55, %get3A_56] : memref<64x128xf32, #tpu.memory_space<vmem>>, vector<64x128xf32>
    %dot_general3A_58 = arith.constant dense<0.000000e+00> : vector<10000x128xf32>
    %dot_general3A_59 = tpu.matmul %max3A_54, %get3A_57, %dot_general3A_58 {dimension_numbers = #tpu.dot_dimension_numbers<[1], [0], [0], [1], [0, 0, 1, 1], [], []>, transpose_lhs_hint = false} : vector<10000x64xf32>, vector<64x128xf32>, vector<10000x128xf32> -> vector<10000x128xf32>
    %get3A_60 = arith.constant 0 : index
    %get3A_61 = arith.constant 0 : index
    %get3A_62 = vector.load %arg8[%get3A_60, %get3A_61] : memref<1x128xf32, #tpu.memory_space<vmem>>, vector<1x128xf32>
    %add3A_63 = vector.broadcast %get3A_62 : vector<1x128xf32> to vector<10000x128xf32>
    %add3A_64 = arith.addf %dot_general3A_59, %add3A_63 : vector<10000x128xf32>
    %swap3A = arith.constant 0 : index
    %swap3A_65 = arith.constant 0 : index
    %swap3A_66 = vector.load %arg9[%swap3A, %swap3A_65] : memref<10000x128xf32, #tpu.memory_space<vmem>>, vector<10000x128xf32>
    tpu.vector_store %arg9[%swap3A, %swap3A_65], %add3A_64 {strides = array<i32>} : memref<10000x128xf32, #tpu.memory_space<vmem>>, vector<10000x128xf32>,
    return
  }
  func.func @transform_0(%arg0: i32) -> (i32, i32) {
    %c0_i32 = arith.constant 0 : i32
    %c0_i32_0 = arith.constant 0 : i32
    %c0_i32_1 = arith.constant 0 : i32
    return %c0_i32, %c0_i32_0 : i32, i32
  }
  func.func @transform_1(%arg0: i32) -> (i32, i32, i32) {
    %c0_i32 = arith.constant 0 : i32
    %c0_i32_0 = arith.constant 0 : i32
    %c0_i32_1 = arith.constant 0 : i32
    %c0_i32_2 = arith.constant 0 : i32
    return %c0_i32, %c0_i32_0, %c0_i32_1 : i32, i32, i32
  }
  func.func @transform_2(%arg0: i32) -> (i32, i32) {
    %c0_i32 = arith.constant 0 : i32
    %c0_i32_0 = arith.constant 0 : i32
    %c0_i32_1 = arith.constant 0 : i32
    return %c0_i32, %c0_i32_0 : i32, i32
  }
  func.func @transform_3(%arg0: i32) -> (i32, i32) {
    %c0_i32 = arith.constant 0 : i32
    %c0_i32_0 = arith.constant 0 : i32
    %c0_i32_1 = arith.constant 0 : i32
    return %c0_i32, %c0_i32_0 : i32, i32
  }
  func.func @transform_4(%arg0: i32) -> (i32, i32) {
    %c0_i32 = arith.constant 0 : i32
    %c0_i32_0 = arith.constant 0 : i32
    %c0_i32_1 = arith.constant 0 : i32
    return %c0_i32, %c0_i32_0 : i32, i32
  }
  func.func @transform_5(%arg0: i32) -> (i32, i32) {
    %c0_i32 = arith.constant 0 : i32
    %c0_i32_0 = arith.constant 0 : i32
    %c0_i32_1 = arith.constant 0 : i32
    return %c0_i32, %c0_i32_0 : i32, i32
  }
  func.func @transform_6(%arg0: i32) -> (i32, i32) {
    %c0_i32 = arith.constant 0 : i32
    %c0_i32_0 = arith.constant 0 : i32
    %c0_i32_1 = arith.constant 0 : i32
    return %c0_i32, %c0_i32_0 : i32, i32
  }
  func.func @transform_7(%arg0: i32) -> (i32, i32) {
    %c0_i32 = arith.constant 0 : i32
    %c0_i32_0 = arith.constant 0 : i32
    %c0_i32_1 = arith.constant 0 : i32
    return %c0_i32, %c0_i32_0 : i32, i32
  }
  func.func @transform_8(%arg0: i32) -> (i32, i32) {
    %c0_i32 = arith.constant 0 : i32
    %c0_i32_0 = arith.constant 0 : i32
    %c0_i32_1 = arith.constant 0 : i32
    return %c0_i32, %c0_i32_0 : i32, i32
  }
}

</mosaic_0001>

<sc_bundles>
// kernel: kernel.11.cloned.1.call-start
scs
__scs_entry_jumppad:
0x0: {  	(pc) =	sbr.rel $0x88, $3  }
0x1: {  	(tag) =	ssettag $0x0;
	lr =	simm.s32 $0x1  }
0x2: {  	[smem:$0x3F8E] =	sst lr;
	_ =	strace $0xD0000000  }
0x3: {  	_ = 	snop  }
0x4: {  	_ = 	snop  }
0x5: {  	_ = 	snop  }
0x6: {  	_ = 	snop  }
0x7: {  	_ = 	snop  }
__scs_overlays_trampoline_lowered:
0x8: {  	[smem:$0x3F9D] =	sst s0  }
0x9: {  	[smem:$0x3F9E] =	sst s1  }
0xa: {  	[smem:$0x3F9F] =	sst s2  }
0xb: {  	[smem:$0x3FA0] =	sst s3  }
0xc: {  	[smem:$0x3FA1] =	sst s4  }
0xd: {  	[smem:$0x3FA2] =	sst s5  }
0xe: {  	[smem:$0x3FA3] =	sst s6  }
0xf: {  	[smem:$0x3FA4] =	sst s7  }
0x10: {  	[smem:$0x3FA5] =	sst s8  }
0x11: {  	[smem:$0x3FA6] =	sst s9;
	s0 =	simm.s32 @!p0 $0x0  }
0x12: {  	s1 =	sld [smem:$0x3F8C];
	s0 =	simm.s32 @p0 $0x1  }
0x13: {  	[smem:$0x3FA7] =	sst s0;
	s0 =	simm.s32 @!p1 $0x0  }
0x14: {  	s2 =	sld [smem:$0x3F8B];
	s0 =	simm.s32 @p1 $0x1  }
0x15: {  	[smem:$0x3FA8] =	sst s0;
	s0 =	simm.s32 @!p2 $0x0  }
0x16: {  	s3 =	sld [smem:$0x3FDB];
	s0 =	simm.s32 @p2 $0x1  }
0x17: {  	s4 =	simm.s32 $0x1BF5;
	[smem:$0x3FAA] =	sst s0  }
0x18: {  	s0 =	sld [smem:$0x3F8D];
	_ =	swait.ge [sflag:s4], $0x0  }
0x19: {  	s7 =	sld [smem:$0x3F8E]  }
0x1a: {  	s8 =	sadd.s32 $0xFFFFE003, lr  }
0x1b: {  	s9 =	sadd.s32 $0xFFFFFEF7, lr;
	s5 =	simm.s32 $0xFFFFFFFF;
	p2 =	slt.u32 s8, $0xFFFFF086  }
0x1c: {  	p1 =	slt.u32 s9, $0xF7A;
	s5 =	simm.s32 @!p2 $0x0  }
0x1d: {  	s5 =	simm.s32 @p1 $0x1;
	p0 =	seq.s32 s7, s2  }
0x1e: {  	s7 =	smul.u32 @!p0 $0xF7A, s2;
	p2 =	seq.s32 @!p0 s5, $0x0  }
0x1f: {  	s9 =	smul.u32 $0xF7A, s1;
	s8 =	simm.s32 @!p0 $0x1BF5;
	p2 =	por !p2, p0  }
0x20: {  	[sflag:s8] =	ssyncset.s32 @!p0 $0xFFFFF086;
	s6 =	sadd.s32 @!p0 s3, s7;
	s7 =	simm.s32 @!p0 $0x108  }
0x21: {  	s3 =	sadd.s32 s3, s9;
	s6 =	sadd.s32 @!p0 $0x88, s6;
	s7 =	simm.s32 @p2 $0x1082  }
0x22: {  	[simem:s7], [sflag:s8] =	dma.local @!p0 [hbm:s6], $0xF7A  }
0x23: {  	s9 =	sor.u32 $0xD0000000, s2;
	s6 =	simm.s32 $0x108;
	_ =	swait.ge @!p0 [sflag:s8], $0x0  }
0x24: {  	s3 =	sadd.s32 $0x88, s3;
	s6 =	simm.s32 @!p1 $0x1082;
	[sflag:s4] =	ssyncset.s32 $0xFFFFF086  }
0x25: {  	[simem:s6], [sflag:s4] =	dma.local [hbm:s3], $0xF7A  }
0x26: {  	[smem:$0x3F8E] =	sst s1;
	(tag) =	ssettag s2;
	_ =	strace s9  }
0x27: {  	s1 =	sld [smem:$0x3F9E]  }
0x28: {  	s2 =	sld [smem:$0x3F9F]  }
0x29: {  	s4 =	sld [smem:$0x3FA1]  }
0x2a: {  	p0 =	seq.s32 s5, $0x0;
	s5 =	sld [smem:$0x3FA2]  }
0x2b: {  	s6 =	sld [smem:$0x3FA3]  }
0x2c: {  	s7 =	sld [smem:$0x3FA4]  }
0x2d: {  	s3 =	simm.s32 $0x108;
	s8 =	sld [smem:$0x3FA5]  }
0x2e: {  	s3 =	simm.s32 @!p0 $0x1082;
	s9 =	sld [smem:$0x3FA6]  }
0x2f: {  	lr =	sadd.s32 s0, s3;
	s0 =	sld [smem:$0x3F9D]  }
0x30: {  	s3 =	sld [smem:$0x3FA0]  }
0x31: {  	[smem:$0x3FA9] =	sst s10  }
0x32: {  	s10 =	sld [smem:$0x3FA7];
	_ =	sdelay $0x3  }
0x33: {  	p0 =	seq.s32 s10, $0x1;
	s10 =	sld [smem:$0x3FA9];
	_ =	sdelay $0x3  }
0x34: {  	[smem:$0x3FA9] =	sst s10  }
0x35: {  	s10 =	sld [smem:$0x3FA8];
	_ =	sdelay $0x3  }
0x36: {  	p1 =	seq.s32 s10, $0x1;
	s10 =	sld [smem:$0x3FA9];
	_ =	sdelay $0x3  }
0x37: {  	[smem:$0x3FA9] =	sst s10  }
0x38: {  	s10 =	sld [smem:$0x3FAA]  }
0x39: {  	_ = 	snop;
	(pc) =	sbr.ind lr, $3  }
0x3a: {  	_ = 	snop  }
0x3b: {  	_ = 	snop  }
0x3c: {  	p2 =	seq.s32 s10, $0x1;
	s10 =	sld [smem:$0x3FA9]  }
0x3d: {  	_ =	shalt  }
0x3e: {  	_ =	shalt  }
0x3f: {  	_ =	shalt  }
0x40: {  	_ =	shalt  }
0x41: {  	_ =	shalt  }
0x42: {  	_ =	shalt  }
0x43: {  	_ =	shalt  }
0x44: {  	_ =	shalt  }
0x45: {  	_ =	shalt  }
0x46: {  	_ =	shalt  }
0x47: {  	_ =	shalt  }
0x48: {  	_ =	shalt  }
0x49: {  	_ =	shalt  }
0x4a: {  	_ =	shalt  }
0x4b: {  	_ =	shalt  }
0x4c: {  	_ =	shalt  }
0x4d: {  	_ =	shalt  }
0x4e: {  	_ =	shalt  }
0x4f: {  	_ =	shalt  }
0x50: {  	_ =	shalt  }
0x51: {  	_ =	shalt  }
0x52: {  	_ =	shalt  }
0x53: {  	_ =	shalt  }
0x54: {  	_ =	shalt  }
0x55: {  	_ =	shalt  }
0x56: {  	_ =	shalt  }
0x57: {  	_ =	shalt  }
0x58: {  	_ =	shalt  }
0x59: {  	_ =	shalt  }
0x5a: {  	_ =	shalt  }
0x5b: {  	_ =	shalt  }
0x5c: {  	_ =	shalt  }
0x5d: {  	_ =	shalt  }
0x5e: {  	_ =	shalt  }
0x5f: {  	_ =	shalt  }
0x60: {  	_ =	shalt  }
0x61: {  	_ =	shalt  }
0x62: {  	_ =	shalt  }
0x63: {  	_ =	shalt  }
0x64: {  	_ =	shalt  }
0x65: {  	_ =	shalt  }
0x66: {  	_ =	shalt  }
0x67: {  	_ =	shalt  }
0x68: {  	_ =	shalt  }
0x69: {  	_ =	shalt  }
0x6a: {  	_ =	shalt  }
0x6b: {  	_ =	shalt  }
0x6c: {  	_ =	shalt  }
0x6d: {  	_ =	shalt  }
0x6e: {  	_ =	shalt  }
0x6f: {  	_ =	shalt  }
0x70: {  	_ =	shalt  }
0x71: {  	_ =	shalt  }
0x72: {  	_ =	shalt  }
0x73: {  	_ =	shalt  }
0x74: {  	_ =	shalt  }
0x75: {  	_ =	shalt  }
0x76: {  	_ =	shalt  }
0x77: {  	_ =	shalt  }
0x78: {  	_ =	shalt  }
0x79: {  	_ =	shalt  }
0x7a: {  	_ =	shalt  }
0x7b: {  	_ =	shalt  }
0x7c: {  	_ =	shalt  }
0x7d: {  	_ =	shalt  }
0x7e: {  	_ =	shalt  }
0x7f: {  	_ =	shalt  }
0x80: {  	_ =	shalt  }
0x81: {  	_ =	shalt  }
0x82: {  	_ =	shalt  }
0x83: {  	_ =	shalt  }
0x84: {  	_ =	shalt  }
0x85: {  	_ =	shalt  }
0x86: {  	_ =	shalt  }
0x87: {  	_ =	shalt  }
.Lfunc_end0:
.L_simem_size_0:
called_computation.1_lowered:
.L_overlay_start_0:
0x88: {  	s2 =	sld [smem:$0x3FD9]  }
0x89: {  	s3 =	sld [smem:$0x3FFE];
	_ =	sdelay $0x1  }
0x8a: {  	s1 =	srdreg.scid  }
0x8b: {  	s0 =	sand.u32 $0x1, s1  }
0x8c: {  	s17 =	sshll.u32 s0, $0xA;
	s2 =	sadd.s32 s3, s2  }
0x8d: {  	s2 =	sadd.s32 s2, s17  }
0x8e: {  	[smem:$0x3FB5] =	sst s2  }
0x8f: {  	_ = 	snop  }
0x90: {  	s2 =	sld [smem:$0x3FD0];
	(tm) =	ssettm $0x1  }
0x91: {  	s18 =	sld [smem:$0x3FFB];
	_ =	sdelay $0x3  }
0x92: {  	_ =	strace s18  }
0x93: {  	s3 =	sld [smem:$0x3FFC];
	_ =	sdelay $0x3  }
0x94: {  	_ =	strace s3  }
0x95: {  	s3 =	sld [smem:$0x3FFD];
	_ =	sdelay $0x3  }
0x96: {  	_ =	strace s3  }
0x97: {  	_ =	strace $0x8FFFFFFF  }
0x98: {  	s19 =	sld [smem:$0x3FDB];
	_ =	sdelay $0x1  }
0x99: {  	s4 =	simm.s32 $_scs_section_size  }
0x9a: {  	s5 =	simm.s32 $_size__tile_overlayer_lowered;
	s6 =	simm.s32 $_tile_overlayer_lowered  }
0x9b: {  	s22 =	simm.s32 $0x1BFF;
	s21 =	sshll.u32 s6, $0x1;
	s3 =	sadd.s32 s4, s19  }
0x9c: {  	s7 =	simm.s32 $0x0;
	s20 =	sshll.u32 s5, $0x1;
	s5 =	sadd.s32 s21, s3  }
0x9d: {  	[timem:s7], [sflag:s22] =	dma.local [hbm:s5], s20  }
0x9e: {  	_ =	swait.ge [sflag:s22], s20  }
0x9f: {  	s4 =	ssub.s32 $0x0, s20;
	[sflag:s22] =	ssyncset.done $0x0  }
0xa0: {  	[sflag:s22] =	ssyncadd.s32 s4;
	_ =	sdelay $0x1  }
0xa1: {  	s23 =	simm.s32 $0x1B8B  }
0xa2: {  	_ =	swait.ge [sflag:s23], $0x1  }
0xa3: {  	[sflag:s23] =	ssyncset.done $0x0  }
0xa4: {  	s25 =	simm.s32 $0x1B8E;
	s24 =	sld [smem:$0x3FFE];
	[sflag:s23] =	ssyncadd.s32 $0xFFFFFFFF  }
0xa5: {  	s26 =	simm.s32 $execute0_lowered;
	[smem:$0x3FD2] =	sst s25  }
0xa6: {  	s5 =	sshll.u32 s26, $0x1;
	_ =	strace $0x80000049;
	[dreg:$0x1] =	wrdreg $0xFFFFFFFF  }
0xa7: {  	s28 =	simm.s32 $_size_execute0_lowered;
	s3 =	sadd.s32 s3, s5;
	[dreg:$0x0] =	wrdreg $0x0  }
0xa8: {  	s5 =	sshll.u32 s28, $0x1;
	[dreg:$0x2] =	wrdreg s3  }
0xa9: {  	[dreg:$0x3] =	wrdreg s5  }
0xaa: {  	[dreg:$0x4] =	wrdreg $0xC0  }
0xab: {  	_ =	task [dreg:s7], $0x5FFFF  }
0xac: {  	[dreg:$0x1] =	wrdreg $0xFFFFFFFF  }
0xad: {  	[dreg:$0x0] =	wrdreg $0x60  }
0xae: {  	[dreg:$0x2] =	wrdreg s2  }
0xaf: {  	[dreg:$0x3] =	wrdreg s24  }
0xb0: {  	[dreg:$0x4] =	wrdreg $0x7A000  }
0xb1: {  	[dreg:$0x5] =	wrdreg $0x9  }
0xb2: {  	_ =	task.clear_ibuf [dreg:s7], $0x6FFFF;
	_ =	strace $0x90000049  }
0xb3: {  	s29 =	simm.s32 $0x9;
	_ =	strace $0x8000004B  }
0xb4: {  	_ =	swait.ge [sflag:s29], $0x1  }
0xb5: {  	[sflag:s29] =	ssyncadd.s32 $0xFFFFFFFF  }
0xb6: {  	_ =	strace $0x9000004B  }
0xb7: {  	_ =	sfence  }
0xb8: {  	s30 =	sld [smem:$0x0];
	_ =	sdelay $0x2  }
0xb9: {  	s31 =	sshll.u32 s1, $0xD;
	s1 =	sshrl.u32 s1, $0x2  }
0xba: {  	s3 =	sand.u32 $0x4000, s31;
	s1 =	sadd.s32 s1, s30  }
0xbb: {  	s0 =	sor.u32 s3, s0;
	s1 =	sshll.u32 s1, $0x11  }
0xbc: {  	s0 =	sor.u32 s1, s0  }
0xbd: {  	s0 =	sadd.s32 $0x8F2B, s0  }
0xbe: {  	[sflag:s0] =	ssyncadd.remote.s32 $0x1  }
0xbf: {  	_ =	sfence.sel $0xFFFF  }
0xc0: {  	[dreg:$0x0] =	wrdreg $0xFFFFFFFF;
	(pc) =	sbr.abs _section_cstart, $3  }
0xc1: {  	[dreg:$0x1] =	wrdreg $0xFFFFFFFF  }
0xc2: {  	_ =	task.clear_ibuf [dreg:s7], $0x2FFFF;
	_ =	strace $0x9FFFFFFF  }
0xc3: {  	(tm) =	ssettm $0x7FFFFFFF  }
tec
execute0_lowered:
.L_overlay_start_1:
0x0: {  	(tag) =	ssettag $0x1  }
0x1: {  	s1 =	rddreg [dreg:$0x0]  }
0x2: {  	s0 =	rddreg [dreg:$0x1]  }
0x3: {  	s2 =	rddreg [dreg:$0x2];
	s4 =	simm.s32 $0x0;
	s3 =	srdreg.scid  }
0x4: {  	s10 =	stileid.u32;
	s29 =	simm.s32 $0x7;
	s30 =	simm.s32 $0x100  }
0x5: {  	s31 =	simm.s32 $0x3;
	[smem:$0x7FF] =	sst s4;
	s8 =	smul.u32 $0x14000, s10  }
0x6: {  	s3 =	sand.u32 $0x1, s3;
	s5 =	sadd.s32 $0xA2A600, s0;
	s9 =	smul.u32 $0x50000, s10  }
0x7: {  	s6 =	sadd.s32 $0xC800, s0;
	s7 =	sadd.s32 $0x2A00, s0;
	s12 =	smul.u32 $0x140000, s3  }
0x8: {  	_ =	strace $0x8000004A;
	s13 =	sshll.u32 s3, $0x4;
	s3 =	ssub.s32 $0x2, s3  }
0x9: {  	s10 =	sor.u32 s10, s13;
	s11 =	sshrl.u32 s3, $0x1;
	s9 =	sshrl.u32 s9, $0x2  }
0xa: {  	s4 =	sadd.s32 s8, s12;
	s8 =	smul.u32 $0x2710, s10;
	s13 =	sadd.s32 s9, s2  }
0xb: {  	s3 =	ssub.s32 s3, s11;
	s14 =	sadd.s32 $0x1400, s13;
	[dreg:$0x4] =	wrdreg s13  }
0xc: {  	s16 =	smul.u32 $0x27100, s10;
	s17 =	sadd.s32 $0x2800, s13;
	[dreg:$0x5] =	wrdreg s14  }
0xd: {  	s4 =	sshrl.u32 s4, $0x3;
	s11 =	sadd.s32 $0x3C00, s13;
	[dreg:$0x6] =	wrdreg s17  }
0xe: {  	s12 =	sadd.s32 $0x5000, s13;
	s0 =	sadd.s32 s4, s0;
	[dreg:$0x13] =	wrdreg s11  }
0xf: {  	s15 =	sshrl.u32 s8, $0x3;
	s9 =	sadd.s32 s5, s16;
	[dreg:$0x14] =	wrdreg s12  }
0x10: {  	s19 =	sadd.s32 $0x28, s8;
	s16 =	sadd.s32 $0x7800, s13;
	[dreg:$0x8] =	wrdreg s9  }
0x11: {  	s14 =	sadd.s32 $0x50, s8;
	s17 =	sadd.s32 $0x8C00, s13;
	[dreg:$0x16] =	wrdreg s16  }
0x12: {  	s11 =	simm.s32 $0x6600;
	s18 =	sadd.s32 s6, s15;
	[dreg:$0x17] =	wrdreg s17  }
0x13: {  	s12 =	simm.s32 $0xA;
	s4 =	sadd.s32 s7, s15;
	[dreg:$0x7] =	wrdreg s18  }
0x14: {  	s20 =	sshrl.u32 s19, $0x3;
	s0 =	sadd.s32 $0x16600, s0;
	[dreg:$0xc] =	wrdreg s4  }
0x15: {  	s10 =	sshll.u32 s19, $0x4;
	s15 =	sadd.s32 $0x6400, s13;
	[dreg:$0x11] =	wrdreg s0  }
0x16: {  	s22 =	sshrl.u32 s14, $0x3;
	s19 =	sadd.s32 $0xA000, s13;
	[dreg:$0x15] =	wrdreg s15  }
0x17: {  	s24 =	sshll.u32 s14, $0x4;
	s21 =	sadd.s32 s6, s20;
	[dreg:$0x18] =	wrdreg s19  }
0x18: {  	s17 =	simm.s32 $0x5200;
	s10 =	sadd.s32 s5, s10;
	[dreg:$0x9] =	wrdreg s21  }
0x19: {  	s16 =	simm.s32 $0x1;
	s23 =	sadd.s32 s6, s22;
	[dreg:$0xa] =	wrdreg s10  }
0x1a: {  	s18 =	sadd.s32 $0x78, s8;
	s4 =	sadd.s32 s5, s24;
	[dreg:$0xb] =	wrdreg s23  }
0x1b: {  	s9 =	sadd.s32 s7, s20;
	s20 =	sadd.s32 $0xB400, s13;
	[dreg:$0xd] =	wrdreg s4  }
0x1c: {  	s22 =	sadd.s32 $0xDC00, s13;
	s24 =	sadd.s32 $0x10400, s13;
	[dreg:$0xf] =	wrdreg s9  }
0x1d: {  	s19 =	simm.s32 $0x9;
	s15 =	simm.s32 $0x200;
	[dreg:$0x19] =	wrdreg s20  }
0x1e: {  	s0 =	simm.s32 $0x6;
	s25 =	sshrl.u32 s18, $0x3;
	[dreg:$0x1b] =	wrdreg s22  }
0x1f: {  	s28 =	sshll.u32 s18, $0x4;
	s10 =	smax.u32 s3, $0x1;
	[dreg:$0x1d] =	wrdreg s24  }
0x20: {  	s21 =	sadd.s32 $0xC800, s13;
	s23 =	sadd.s32 $0xF000, s13;
	[dreg:$0x12] =	wrdreg s10  }
0x21: {  	s24 =	simm.s32 $0x28;
	s22 =	simm.s32 $0x2A00;
	[dreg:$0x1a] =	wrdreg s21  }
0x22: {  	s20 =	simm.s32 $0x5;
	s26 =	sadd.s32 s6, s25;
	[dreg:$0x1c] =	wrdreg s23  }
.Ltmp0:
0x23: {  	s4 =	sadd.s32 s5, s28;
	[dreg:$0xe] =	wrdreg s26;
	(pc) =	sbr.rel .LBB2_1-.Ltmp0, $4  }
0x24: {  	s3 =	simm.s32 $0x8;
	s25 =	sadd.s32 $0x11800, s13;
	[dreg:$0x10] =	wrdreg s4  }
0x25: {  	s21 =	simm.s32 $0x80;
	s28 =	simm.s32 $0x0;
	[dreg:$0x1e] =	wrdreg s25  }
0x26: {  	s10 =	simm.s32 $0x4;
	s26 =	sadd.s32 $0x12C00, s13;
	[smem:$0x7FD] =	sst s28  }
0x27: {  	v0 =	vimm.f32 $0.0e+00;
	s25 =	simm.s32 $0x180;
	[dreg:$0x1f] =	wrdreg s26;
	s26 =	simm.s32 $0x2  }
.LBB2_14:
0x28: {  	_ =	swait.ge [sflag:s19], $0x1400  }
0x29: {  	[sflag:s19] =	ssyncset.done $0x0  }
0x2a: {  	[sflag:s19] =	ssyncadd.s32 $0xFFFFEC00  }
0x2b: {  	_ =	swait.ge [sflag:s12], $0x1400  }
0x2c: {  	[sflag:s12] =	ssyncset.done $0x0  }
0x2d: {  	[sflag:s12] =	ssyncadd.s32 $0xFFFFEC00  }
0x2e: {  	s4 =	stileid.u32;
	[bflag:$0x0] =	sbarrier.arrive $0xFFFF  }
0x2f: {  	s22 =	simm.s32 $0xB;
	s4 =	sshll.u32 s4, $0x6;
	s13 =	rddreg [dreg:$0x4]  }
0x30: {  	s4 =	sor.u32 $0x1C0B, s4;
	s15 =	rddreg [dreg:$0x11];
	s9 =	sshrl.u32 s13, $0x3  }
0x31: {  	[hbm:s15], [sflag:s4] =	dma.local [spmem:s9], $0x2800  }
0x32: {  	_ =	swait.ge [sflag:s22], $0x2800  }
0x33: {  	s23 =	sld [smem:$0x7FD];
	_ =	sdelay $0x2  }
0x34: {  	s28 =	rddreg [dreg:$0x12];
	s15 =	sadd.s32 $0x1, s23  }
0x35: {  	p0 =	sne.s32 s15, s28  }
.Ltmp1:
0x36: {  	_ = 	snop;
	(pc) =	sbr.rel @!p0 .LBB2_15-.Ltmp1, $4  }
0x37: {  	_ = 	snop  }
0x38: {  	[sflag:s22] =	ssyncset.done $0x0  }
0x39: {  	s16 =	simm.s32 $0x1;
	[sflag:s22] =	ssyncadd.s32 $0xFFFFD800  }
0x3a: {  	s22 =	simm.s32 $0x2A00;
	[smem:$0x7FD] =	sst s15;
	s15 =	simm.s32 $0x200  }
.LBB2_1:
0x3b: {  	s4 =	simm.s32 $0x0;
	s9 =	simm.s32 $0x200  }
.LBB2_2:
0x3c: {  	p0 =	sne.s32 s9, $0x4E00;
	[tilespmem:s4+$0x5270] =	vst v0  }
0x3d: {  	[tilespmem:s4+$0x5200] =	vst v0  }
0x3e: {  	[tilespmem:s4+$0x5210] =	vst v0  }
.Ltmp2:
0x3f: {  	[tilespmem:s4+$0x5220] =	vst v0;
	(pc) =	sbr.rel @p0 .LBB2_2-.Ltmp2, $4  }
0x40: {  	[tilespmem:s4+$0x5230] =	vst v0  }
0x41: {  	[tilespmem:s4+$0x5240] =	vst v0  }
0x42: {  	[tilespmem:s4+$0x5250] =	vst v0  }
0x43: {  	[tilespmem:s4+$0x5260] =	vst v0;
	s4 =	sshra.s32 s9, $0x2;
	s9 =	sadd.s32 $0x200, s9  }
0x44: {  	[tilespmem:s4+$0x5270] =	vst v0  }
0x45: {  	[tilespmem:s4+$0x5200] =	vst v0  }
0x46: {  	[tilespmem:s4+$0x5210] =	vst v0  }
0x47: {  	[tilespmem:s4+$0x5220] =	vst v0  }
0x48: {  	[tilespmem:s4+$0x5230] =	vst v0  }
0x49: {  	[tilespmem:s4+$0x5240] =	vst v0  }
0x4a: {  	[tilespmem:s4+$0x5250] =	vst v0  }
0x4b: {  	[tilespmem:s4+$0x5260] =	vst v0  }
0x4c: {  	[spmem:s13] =	stream.linear.scatter [tilespmem:s17], [sflag:$0x9], $0x1400, $0x38;
	[tilespmem:$0x1BA00] =	vst v63  }
0x4d: {  	s9 =	rddreg [dreg:$0x5]  }
0x4e: {  	[spmem:s9] =	stream.linear.scatter [tilespmem:s17], [sflag:$0x9], $0x1400, $0x38;
	[tilespmem:$0x1BA00] =	vst v63  }
0x4f: {  	s13 =	rddreg [dreg:$0x6]  }
0x50: {  	[spmem:s13] =	stream.linear.scatter [tilespmem:s17], [sflag:$0x9], $0x1400, $0x38;
	[tilespmem:$0x1BA00] =	vst v63  }
0x51: {  	s23 =	rddreg [dreg:$0x13]  }
0x52: {  	[spmem:s23] =	stream.linear.scatter [tilespmem:s17], [sflag:$0x9], $0x1400, $0x38;
	[tilespmem:$0x1BA00] =	vst v63  }
0x53: {  	s28 =	rddreg [dreg:$0x14]  }
0x54: {  	[spmem:s28] =	stream.linear.scatter [tilespmem:s17], [sflag:$0x9], $0x1400, $0x38;
	[tilespmem:$0x1BA00] =	vst v63  }
0x55: {  	s9 =	rddreg [dreg:$0x15]  }
0x56: {  	[spmem:s9] =	stream.linear.scatter [tilespmem:s17], [sflag:$0x9], $0x1400, $0x38;
	[tilespmem:$0x1BA00] =	vst v63  }
0x57: {  	s13 =	rddreg [dreg:$0x16]  }
0x58: {  	[spmem:s13] =	stream.linear.scatter [tilespmem:s17], [sflag:$0x9], $0x1400, $0x38;
	[tilespmem:$0x1BA00] =	vst v63  }
0x59: {  	s23 =	rddreg [dreg:$0x17]  }
0x5a: {  	[spmem:s23] =	stream.linear.scatter [tilespmem:s17], [sflag:$0x9], $0x1400, $0x38;
	[tilespmem:$0x1BA00] =	vst v63  }
0x5b: {  	s28 =	rddreg [dreg:$0x18]  }
0x5c: {  	[spmem:s28] =	stream.linear.scatter [tilespmem:s17], [sflag:$0x9], $0x1400, $0x38;
	[tilespmem:$0x1BA00] =	vst v63  }
0x5d: {  	s9 =	rddreg [dreg:$0x19]  }
0x5e: {  	[spmem:s9] =	stream.linear.scatter [tilespmem:s17], [sflag:$0x9], $0x1400, $0x38;
	[tilespmem:$0x1BA00] =	vst v63  }
0x5f: {  	s13 =	rddreg [dreg:$0x1a]  }
0x60: {  	[spmem:s13] =	stream.linear.scatter [tilespmem:s17], [sflag:$0x9], $0x1400, $0x38;
	[tilespmem:$0x1BA00] =	vst v63  }
0x61: {  	s23 =	rddreg [dreg:$0x1b]  }
0x62: {  	[spmem:s23] =	stream.linear.scatter [tilespmem:s17], [sflag:$0x9], $0x1400, $0x38;
	[tilespmem:$0x1BA00] =	vst v63  }
0x63: {  	s28 =	rddreg [dreg:$0x1c]  }
0x64: {  	[spmem:s28] =	stream.linear.scatter [tilespmem:s17], [sflag:$0x9], $0x1400, $0x38;
	[tilespmem:$0x1BA00] =	vst v63  }
0x65: {  	s9 =	rddreg [dreg:$0x1d]  }
0x66: {  	[spmem:s9] =	stream.linear.scatter [tilespmem:s17], [sflag:$0x9], $0x1400, $0x38;
	[tilespmem:$0x1BA00] =	vst v63  }
0x67: {  	s13 =	rddreg [dreg:$0x1e]  }
0x68: {  	[spmem:s13] =	stream.linear.scatter [tilespmem:s17], [sflag:$0x9], $0x1400, $0x38;
	[tilespmem:$0x1BA00] =	vst v63  }
0x69: {  	s23 =	rddreg [dreg:$0x1f]  }
0x6a: {  	[spmem:s23] =	stream.linear.scatter [tilespmem:s17], [sflag:$0x9], $0x1400, $0x38;
	[tilespmem:$0x1BA00] =	vst v63  }
0x6b: {  	_ =	swait.ge [sflag:s19], $0x1400  }
0x6c: {  	[sflag:s19] =	ssyncset.done $0x0  }
0x6d: {  	[sflag:s19] =	ssyncadd.s32 $0xFFFFEC00  }
0x6e: {  	_ =	swait.ge [sflag:s19], $0x1400  }
0x6f: {  	[sflag:s19] =	ssyncset.done $0x0  }
0x70: {  	[sflag:s19] =	ssyncadd.s32 $0xFFFFEC00  }
0x71: {  	_ =	swait.ge [sflag:s19], $0x1400  }
0x72: {  	[sflag:s19] =	ssyncset.done $0x0  }
0x73: {  	[sflag:s19] =	ssyncadd.s32 $0xFFFFEC00  }
0x74: {  	_ =	swait.ge [sflag:s19], $0x1400  }
0x75: {  	[sflag:s19] =	ssyncset.done $0x0  }
0x76: {  	[sflag:s19] =	ssyncadd.s32 $0xFFFFEC00  }
0x77: {  	_ =	swait.ge [sflag:s19], $0x1400  }
0x78: {  	[sflag:s19] =	ssyncset.done $0x0  }
0x79: {  	[sflag:s19] =	ssyncadd.s32 $0xFFFFEC00  }
0x7a: {  	_ =	swait.ge [sflag:s19], $0x1400  }
0x7b: {  	[sflag:s19] =	ssyncset.done $0x0  }
0x7c: {  	[sflag:s19] =	ssyncadd.s32 $0xFFFFEC00  }
0x7d: {  	_ =	swait.ge [sflag:s19], $0x1400  }
0x7e: {  	[sflag:s19] =	ssyncset.done $0x0  }
0x7f: {  	[sflag:s19] =	ssyncadd.s32 $0xFFFFEC00  }
0x80: {  	_ =	swait.ge [sflag:s19], $0x1400  }
0x81: {  	[sflag:s19] =	ssyncset.done $0x0  }
0x82: {  	[sflag:s19] =	ssyncadd.s32 $0xFFFFEC00  }
0x83: {  	_ =	swait.ge [sflag:s19], $0x1400  }
0x84: {  	[sflag:s19] =	ssyncset.done $0x0  }
0x85: {  	[sflag:s19] =	ssyncadd.s32 $0xFFFFEC00  }
0x86: {  	_ =	swait.ge [sflag:s19], $0x1400  }
0x87: {  	[sflag:s19] =	ssyncset.done $0x0  }
0x88: {  	[sflag:s19] =	ssyncadd.s32 $0xFFFFEC00  }
0x89: {  	_ =	swait.ge [sflag:s19], $0x1400  }
0x8a: {  	[sflag:s19] =	ssyncset.done $0x0  }
0x8b: {  	[sflag:s19] =	ssyncadd.s32 $0xFFFFEC00  }
0x8c: {  	_ =	swait.ge [sflag:s19], $0x1400  }
0x8d: {  	[sflag:s19] =	ssyncset.done $0x0  }
0x8e: {  	[sflag:s19] =	ssyncadd.s32 $0xFFFFEC00  }
0x8f: {  	_ =	swait.ge [sflag:s19], $0x1400  }
0x90: {  	[sflag:s19] =	ssyncset.done $0x0  }
0x91: {  	[sflag:s19] =	ssyncadd.s32 $0xFFFFEC00  }
0x92: {  	_ =	swait.ge [sflag:s19], $0x1400  }
0x93: {  	[sflag:s19] =	ssyncset.done $0x0  }
0x94: {  	[sflag:s19] =	ssyncadd.s32 $0xFFFFEC00  }
0x95: {  	_ =	swait.ge [sflag:s19], $0x1400  }
0x96: {  	[sflag:s19] =	ssyncset.done $0x0  }
0x97: {  	[sflag:s19] =	ssyncadd.s32 $0xFFFFEC00  }
0x98: {  	_ =	swait.ge [sflag:s19], $0x1400  }
0x99: {  	[sflag:s19] =	ssyncset.done $0x0  }
0x9a: {  	[sflag:s19] =	ssyncadd.s32 $0xFFFFEC00  }
0x9b: {  	[bflag:$0x0] =	sbarrier.arrive $0xFFFF  }
0x9c: {  	s4 =	simm.s32 $0x0;
	s9 =	rddreg [dreg:$0x7]  }
0x9d: {  	[tilespmem:s4], [sflag:$0x1] =	stream.linear.gather [hbm4b:s9+s4], $0x28, $0x38;
	[tilespmem:$0x1BA00] =	vst v63  }
0x9e: {  	s28 =	rddreg [dreg:$0x8]  }
0x9f: {  	[tilespmem:s15], [sflag:$0x5] =	stream.linear.gather [hbm4b:s28+s4], $0x1400, $0x38;
	[tilespmem:$0x1BA00] =	vst v63  }
0xa0: {  	s13 =	rddreg [dreg:$0x9]  }
0xa1: {  	[tilespmem:s21], [sflag:$0x2] =	stream.linear.gather [hbm4b:s13+s4], $0x28, $0x38;
	[tilespmem:$0x1BA00] =	vst v63  }
0xa2: {  	s23 =	rddreg [dreg:$0xa];
	s28 =	simm.s32 $0x1600  }
0xa3: {  	[tilespmem:s28], [sflag:$0x6] =	stream.linear.gather [hbm4b:s23+s4], $0x1400, $0x38;
	[tilespmem:$0x1BA00] =	vst v63  }
0xa4: {  	_ =	swait.ge [sflag:s16], $0x28  }
0xa5: {  	[sflag:s16] =	ssyncset.done $0x0  }
0xa6: {  	[sflag:s16] =	ssyncadd.s32 $0xFFFFFFD8  }
0xa7: {  	[tilespmem:s22], [sflag:$0x7] =	stream.indirect.gather [hbm4b:s1+s24], $0x80, s4, s24, $0xb8;
	[tilespmem:$0x1BA00] =	vst v63  }
0xa8: {  	_ =	swait.ge [sflag:s26], $0x28  }
0xa9: {  	[sflag:s26] =	ssyncset.done $0x0  }
0xaa: {  	s13 =	simm.s32 $0x3E00;
	[sflag:s26] =	ssyncadd.s32 $0xFFFFFFD8  }
0xab: {  	[tilespmem:s13], [sflag:$0x8] =	stream.indirect.gather [hbm4b:s1+s24], $0x80, s21, s24, $0xb8;
	[tilespmem:$0x1BA00] =	vst v63  }
0xac: {  	_ =	swait.ge [sflag:s20], $0x1400  }
0xad: {  	[sflag:s20] =	ssyncset.done $0x0  }
0xae: {  	[sflag:s20] =	ssyncadd.s32 $0xFFFFEC00  }
0xaf: {  	_ =	swait.ge [sflag:s29], $0x1400  }
0xb0: {  	[sflag:s29] =	ssyncset.done $0x0  }
0xb1: {  	s23 =	rddreg [dreg:$0xb];
	[sflag:s29] =	ssyncadd.s32 $0xFFFFEC00  }
0xb2: {  	[tilespmem:s4], [sflag:$0x1] =	stream.linear.gather [hbm4b:s23+s4], $0x28, $0x38;
	[tilespmem:$0x1BA00] =	vst v63  }
0xb3: {  	s9 =	simm.s32 $0x0;
	s28 =	rddreg [dreg:$0xc]  }
0xb4: {  	[tilespmem:s30], [sflag:$0x3] =	stream.linear.gather [hbm4b:s28+s4], $0x28, $0x38;
	[tilespmem:$0x1BA00] =	vst v63  }
0xb5: {  	v1 =	vld [tilespmem:s9+$0x2A70]  }
0xb6: {  	v2 =	vld [tilespmem:s9+$0x270]  }
0xb7: {  	v3 =	vld [tilespmem:s9+$0x2A00]  }
0xb8: {  	v4 =	vld [tilespmem:s9+$0x200]  }
0xb9: {  	v5 =	vld [tilespmem:s9+$0x2A10]  }
0xba: {  	v6 =	vld [tilespmem:s9+$0x210]  }
0xbb: {  	v7 =	vld [tilespmem:s9+$0x2A20]  }
0xbc: {  	v1 =	vadd.f32 v2, v1;
	v2 =	vld [tilespmem:s9+$0x220]  }
0xbd: {  	v8 =	vld [tilespmem:s9+$0x2A30]  }
0xbe: {  	v9 =	vld [tilespmem:s9+$0x230];
	v3 =	vadd.f32 v4, v3  }
0xbf: {  	v10 =	vld [tilespmem:s9+$0x2A40];
	v1 =	vmax.f32 v1, $0.0e+00  }
0xc0: {  	[tilespmem:s9+$0x5270] =	vst v1;
	v1 =	vmax.f32 v3, $0.0e+00;
	v3 =	vadd.f32 v6, v5;
	v6 =	vld [tilespmem:s9+$0x240]  }
0xc1: {  	v4 =	vld [tilespmem:s9+$0x250];
	v2 =	vadd.f32 v2, v7  }
0xc2: {  	[tilespmem:s9+$0x5200] =	vst v1;
	v1 =	vld [tilespmem:s9+$0x2A50];
	v3 =	vmax.f32 v3, $0.0e+00  }
0xc3: {  	v5 =	vld [tilespmem:s9+$0x260];
	v7 =	vadd.f32 v9, v8;
	[tilespmem:s9+$0x5210] =	vst v3;
	v3 =	vmax.f32 v2, $0.0e+00  }
0xc4: {  	s4 =	simm.s32 $0x80;
	v2 =	vld [tilespmem:s9+$0x2A60];
	[tilespmem:s9+$0x5220] =	vst v3  }
0xc5: {  	s13 =	simm.s32 $0x400;
	v7 =	vmax.f32 v7, $0.0e+00;
	v6 =	vadd.f32 v6, v10;
	v3 =	vld [tilespmem:s4+$0x2A70]  }
.LBB2_4:
0xc6: {  	p0 =	sne.s32 s13, $0x4E00;
	v8 =	vld [tilespmem:s4+$0x270];
	[tilespmem:s9+$0x5230] =	vst v7  }
0xc7: {  	v7 =	vld [tilespmem:s4+$0x2A00];
	v6 =	vmax.f32 v6, $0.0e+00;
	v1 =	vadd.f32 v4, v1  }
0xc8: {  	v4 =	vld [tilespmem:s4+$0x200];
	[tilespmem:s9+$0x5240] =	vst v6  }
0xc9: {  	v6 =	vld [tilespmem:s4+$0x2A10];
	v1 =	vmax.f32 v1, $0.0e+00;
	v2 =	vadd.f32 v5, v2  }
0xca: {  	v5 =	vld [tilespmem:s4+$0x210];
	[tilespmem:s9+$0x5250] =	vst v1  }
0xcb: {  	v1 =	vld [tilespmem:s4+$0x2A20];
	v3 =	vadd.f32 v8, v3;
	v2 =	vmax.f32 v2, $0.0e+00  }
0xcc: {  	v8 =	vld [tilespmem:s4+$0x220];
	[tilespmem:s9+$0x5260] =	vst v2;
	s9 =	smov.u32 s4  }
0xcd: {  	v2 =	vadd.f32 v4, v7;
	v7 =	vld [tilespmem:s9+$0x2A30];
	v3 =	vmax.f32 v3, $0.0e+00  }
0xce: {  	v9 =	vld [tilespmem:s9+$0x230];
	[tilespmem:s9+$0x5270] =	vst v3  }
0xcf: {  	v2 =	vmax.f32 v2, $0.0e+00;
	v3 =	vadd.f32 v5, v6;
	v6 =	vld [tilespmem:s9+$0x2A40]  }
0xd0: {  	[tilespmem:s9+$0x5200] =	vst v2;
	v10 =	vld [tilespmem:s9+$0x240]  }
.Ltmp3:
0xd1: {  	v2 =	vmax.f32 v3, $0.0e+00;
	v3 =	vadd.f32 v8, v1;
	v1 =	vld [tilespmem:s9+$0x2A50];
	(pc) =	sbr.rel @p0 .LBB2_4-.Ltmp3, $4  }
0xd2: {  	[tilespmem:s9+$0x5210] =	vst v2;
	v4 =	vld [tilespmem:s9+$0x250]  }
0xd3: {  	v3 =	vmax.f32 v3, $0.0e+00;
	v7 =	vadd.f32 v9, v7;
	v2 =	vld [tilespmem:s9+$0x2A60]  }
0xd4: {  	s4 =	sshra.s32 s13, $0x2;
	[tilespmem:s9+$0x5220] =	vst v3;
	v5 =	vld [tilespmem:s9+$0x260]  }
0xd5: {  	s13 =	sadd.s32 $0x200, s13;
	v3 =	vld [tilespmem:s4+$0x2A70];
	v7 =	vmax.f32 v7, $0.0e+00;
	v6 =	vadd.f32 v10, v6  }
0xd6: {  	v8 =	vld [tilespmem:s4+$0x270];
	[tilespmem:s9+$0x5230] =	vst v7  }
0xd7: {  	v7 =	vld [tilespmem:s4+$0x2A00];
	v6 =	vmax.f32 v6, $0.0e+00;
	v1 =	vadd.f32 v4, v1  }
0xd8: {  	v9 =	vld [tilespmem:s4+$0x200];
	[tilespmem:s9+$0x5240] =	vst v6  }
0xd9: {  	v4 =	vld [tilespmem:s4+$0x2A10];
	v1 =	vmax.f32 v1, $0.0e+00;
	v2 =	vadd.f32 v5, v2  }
0xda: {  	v6 =	vld [tilespmem:s4+$0x210];
	[tilespmem:s9+$0x5250] =	vst v1  }
0xdb: {  	v1 =	vld [tilespmem:s4+$0x2A20];
	v2 =	vmax.f32 v2, $0.0e+00  }
0xdc: {  	v5 =	vld [tilespmem:s4+$0x220];
	v3 =	vadd.f32 v8, v3;
	[tilespmem:s9+$0x5260] =	vst v2  }
0xdd: {  	v7 =	vadd.f32 v9, v7;
	v2 =	vld [tilespmem:s4+$0x2A30]  }
0xde: {  	v3 =	vmax.f32 v3, $0.0e+00;
	v8 =	vld [tilespmem:s4+$0x230]  }
0xdf: {  	[tilespmem:s4+$0x5270] =	vst v3;
	v3 =	vmax.f32 v7, $0.0e+00;
	v7 =	vld [tilespmem:s4+$0x2A40]  }
0xe0: {  	v4 =	vadd.f32 v6, v4;
	v6 =	vld [tilespmem:s4+$0x2A50]  }
0xe1: {  	[tilespmem:s4+$0x5200] =	vst v3;
	v3 =	vld [tilespmem:s4+$0x240];
	v1 =	vadd.f32 v5, v1  }
0xe2: {  	v4 =	vmax.f32 v4, $0.0e+00;
	v5 =	vld [tilespmem:s4+$0x2A60]  }
0xe3: {  	[tilespmem:s4+$0x5210] =	vst v4;
	v4 =	vld [tilespmem:s4+$0x250];
	v1 =	vmax.f32 v1, $0.0e+00  }
0xe4: {  	[tilespmem:s4+$0x5220] =	vst v1;
	v1 =	vld [tilespmem:s4+$0x260];
	_ =	sdelay $0x1  }
0xe5: {  	v2 =	vadd.f32 v8, v2  }
0xe6: {  	v3 =	vadd.f32 v3, v7  }
0xe7: {  	v2 =	vmax.f32 v2, $0.0e+00;
	v4 =	vadd.f32 v4, v6  }
0xe8: {  	[tilespmem:s4+$0x5230] =	vst v2;
	v2 =	vmax.f32 v3, $0.0e+00;
	v1 =	vadd.f32 v1, v5  }
0xe9: {  	[tilespmem:s4+$0x5240] =	vst v2;
	v2 =	vmax.f32 v4, $0.0e+00  }
0xea: {  	[tilespmem:s4+$0x5250] =	vst v2;
	v1 =	vmax.f32 v1, $0.0e+00  }
0xeb: {  	[tilespmem:s4+$0x5260] =	vst v1  }
0xec: {  	_ =	swait.ge [sflag:s31], $0x28  }
0xed: {  	[sflag:s31] =	ssyncset.done $0x0  }
0xee: {  	[sflag:s31] =	ssyncadd.s32 $0xFFFFFFD8  }
0xef: {  	[spmem:s2] =	stream.indirect.scatter.add.f32 [tilespmem:s17], [sflag:$0x9], $0x80, s30, s24, $0xb8;
	[tilespmem:$0x1BA00] =	vst v63  }
0xf0: {  	s4 =	simm.s32 $0x0;
	s13 =	rddreg [dreg:$0xd]  }
0xf1: {  	[tilespmem:s15], [sflag:$0x5] =	stream.linear.gather [hbm4b:s13+s4], $0x1400, $0x38;
	[tilespmem:$0x1BA00] =	vst v63  }
0xf2: {  	_ =	swait.ge [sflag:s16], $0x28  }
0xf3: {  	[sflag:s16] =	ssyncset.done $0x0  }
0xf4: {  	[sflag:s16] =	ssyncadd.s32 $0xFFFFFFD8  }
0xf5: {  	[tilespmem:s22], [sflag:$0x7] =	stream.indirect.gather [hbm4b:s1+s24], $0x80, s4, s24, $0xb8;
	[tilespmem:$0x1BA00] =	vst v63  }
0xf6: {  	_ =	swait.ge [sflag:s0], $0x1400  }
0xf7: {  	[sflag:s0] =	ssyncset.done $0x0  }
0xf8: {  	[sflag:s0] =	ssyncadd.s32 $0xFFFFEC00  }
0xf9: {  	_ =	swait.ge [sflag:s3], $0x1400  }
0xfa: {  	[sflag:s3] =	ssyncset.done $0x0  }
0xfb: {  	s23 =	rddreg [dreg:$0xe];
	[sflag:s3] =	ssyncadd.s32 $0xFFFFEC00  }
0xfc: {  	[tilespmem:s21], [sflag:$0x2] =	stream.linear.gather [hbm4b:s23+s4], $0x28, $0x38;
	[tilespmem:$0x1BA00] =	vst v63  }
0xfd: {  	s9 =	simm.s32 $0x0;
	s28 =	rddreg [dreg:$0xf]  }
0xfe: {  	[tilespmem:s25], [sflag:$0x4] =	stream.linear.gather [hbm4b:s28+s4], $0x28, $0x38;
	[tilespmem:$0x1BA00] =	vst v63  }
0xff: {  	v1 =	vld [tilespmem:s9+$0x3E70]  }
0x100: {  	v2 =	vld [tilespmem:s9+$0x1670]  }
0x101: {  	v3 =	vld [tilespmem:s9+$0x3E00]  }
0x102: {  	v4 =	vld [tilespmem:s9+$0x1600]  }
0x103: {  	v5 =	vld [tilespmem:s9+$0x3E10]  }
0x104: {  	v6 =	vld [tilespmem:s9+$0x1610]  }
0x105: {  	v7 =	vld [tilespmem:s9+$0x3E20]  }
0x106: {  	v1 =	vadd.f32 v2, v1;
	v2 =	vld [tilespmem:s9+$0x1620]  }
0x107: {  	v8 =	vld [tilespmem:s9+$0x3E30]  }
0x108: {  	v63 =	vld [tilespmem:s9+$0x1630];
	v3 =	vadd.f32 v4, v3  }
0x109: {  	v10 =	vld [tilespmem:s9+$0x3E40];
	v1 =	vmax.f32 v1, $0.0e+00  }
0x10a: {  	[tilespmem:s9+$0x6670] =	vst v1;
	v1 =	vmax.f32 v3, $0.0e+00;
	v3 =	vadd.f32 v6, v5;
	v6 =	vld [tilespmem:s9+$0x1640]  }
0x10b: {  	v4 =	vld [tilespmem:s9+$0x1650];
	v2 =	vadd.f32 v2, v7  }
0x10c: {  	[tilespmem:s9+$0x6600] =	vst v1;
	v1 =	vld [tilespmem:s9+$0x3E50];
	v3 =	vmax.f32 v3, $0.0e+00  }
0x10d: {  	v5 =	vld [tilespmem:s9+$0x1660];
	v7 =	vadd.f32 v63, v8;
	[tilespmem:s9+$0x6610] =	vst v3;
	v3 =	vmax.f32 v2, $0.0e+00  }
0x10e: {  	s4 =	simm.s32 $0x80;
	v2 =	vld [tilespmem:s9+$0x3E60];
	[tilespmem:s9+$0x6620] =	vst v3  }
0x10f: {  	s13 =	simm.s32 $0x400;
	v7 =	vmax.f32 v7, $0.0e+00;
	v6 =	vadd.f32 v6, v10;
	v3 =	vld [tilespmem:s4+$0x3E70]  }
.LBB2_6:
0x110: {  	p0 =	sne.s32 s13, $0x4E00;
	v8 =	vld [tilespmem:s4+$0x1670];
	[tilespmem:s9+$0x6630] =	vst v7  }
0x111: {  	v7 =	vld [tilespmem:s4+$0x3E00];
	v6 =	vmax.f32 v6, $0.0e+00;
	v1 =	vadd.f32 v4, v1  }
0x112: {  	v4 =	vld [tilespmem:s4+$0x1600];
	[tilespmem:s9+$0x6640] =	vst v6  }
0x113: {  	v6 =	vld [tilespmem:s4+$0x3E10];
	v1 =	vmax.f32 v1, $0.0e+00;
	v2 =	vadd.f32 v5, v2  }
0x114: {  	v5 =	vld [tilespmem:s4+$0x1610];
	[tilespmem:s9+$0x6650] =	vst v1  }
0x115: {  	v1 =	vld [tilespmem:s4+$0x3E20];
	v3 =	vadd.f32 v8, v3;
	v2 =	vmax.f32 v2, $0.0e+00  }
0x116: {  	v8 =	vld [tilespmem:s4+$0x1620];
	[tilespmem:s9+$0x6660] =	vst v2;
	s9 =	smov.u32 s4  }
0x117: {  	v2 =	vadd.f32 v4, v7;
	v7 =	vld [tilespmem:s9+$0x3E30];
	v3 =	vmax.f32 v3, $0.0e+00  }
0x118: {  	v9 =	vld [tilespmem:s9+$0x1630];
	[tilespmem:s9+$0x6670] =	vst v3  }
0x119: {  	v2 =	vmax.f32 v2, $0.0e+00;
	v3 =	vadd.f32 v5, v6;
	v6 =	vld [tilespmem:s9+$0x3E40]  }
0x11a: {  	[tilespmem:s9+$0x6600] =	vst v2;
	v10 =	vld [tilespmem:s9+$0x1640]  }
.Ltmp4:
0x11b: {  	v2 =	vmax.f32 v3, $0.0e+00;
	v3 =	vadd.f32 v8, v1;
	v1 =	vld [tilespmem:s9+$0x3E50];
	(pc) =	sbr.rel @p0 .LBB2_6-.Ltmp4, $4  }
0x11c: {  	[tilespmem:s9+$0x6610] =	vst v2;
	v4 =	vld [tilespmem:s9+$0x1650]  }
0x11d: {  	v3 =	vmax.f32 v3, $0.0e+00;
	v7 =	vadd.f32 v9, v7;
	v2 =	vld [tilespmem:s9+$0x3E60]  }
0x11e: {  	s4 =	sshra.s32 s13, $0x2;
	[tilespmem:s9+$0x6620] =	vst v3;
	v5 =	vld [tilespmem:s9+$0x1660]  }
0x11f: {  	s13 =	sadd.s32 $0x200, s13;
	v3 =	vld [tilespmem:s4+$0x3E70];
	v7 =	vmax.f32 v7, $0.0e+00;
	v6 =	vadd.f32 v10, v6  }
0x120: {  	v8 =	vld [tilespmem:s4+$0x1670];
	[tilespmem:s9+$0x6630] =	vst v7  }
0x121: {  	v7 =	vld [tilespmem:s4+$0x3E00];
	v6 =	vmax.f32 v6, $0.0e+00;
	v1 =	vadd.f32 v4, v1  }
0x122: {  	v9 =	vld [tilespmem:s4+$0x1600];
	[tilespmem:s9+$0x6640] =	vst v6  }
0x123: {  	v57 =	vld [tilespmem:s4+$0x3E10];
	v1 =	vmax.f32 v1, $0.0e+00;
	v2 =	vadd.f32 v5, v2  }
0x124: {  	v6 =	vld [tilespmem:s4+$0x1610];
	[tilespmem:s9+$0x6650] =	vst v1  }
0x125: {  	v1 =	vld [tilespmem:s4+$0x3E20];
	v2 =	vmax.f32 v2, $0.0e+00  }
0x126: {  	v58 =	vld [tilespmem:s4+$0x1620];
	[tilespmem:s9+$0x6660] =	vst v2  }
0x127: {  	v2 =	vld [tilespmem:s4+$0x3E30]  }
0x128: {  	v3 =	vadd.f32 v8, v3;
	v59 =	vld [tilespmem:s4+$0x1630]  }
0x129: {  	v7 =	vadd.f32 v9, v7;
	v60 =	vld [tilespmem:s4+$0x3E40]  }
0x12a: {  	v3 =	vmax.f32 v3, $0.0e+00;
	v61 =	vld [tilespmem:s4+$0x3E50]  }
0x12b: {  	v62 =	vld [tilespmem:s4+$0x1650];
	[tilespmem:s4+$0x6670] =	vst v3;
	v3 =	vmax.f32 v7, $0.0e+00;
	v1 =	vadd.f32 v58, v1  }
0x12c: {  	[tilespmem:s4+$0x6600] =	vst v3;
	v3 =	vld [tilespmem:s4+$0x1640]  }
0x12d: {  	v63 =	vld [tilespmem:s4+$0x3E60];
	v1 =	vmax.f32 v1, $0.0e+00  }
0x12e: {  	[tilespmem:s4+$0x6620] =	vst v1;
	v1 =	vld [tilespmem:s4+$0x1660]  }
0x12f: {  	v4 =	vadd.f32 v6, v57  }
0x130: {  	v2 =	vadd.f32 v59, v2  }
0x131: {  	v4 =	vmax.f32 v4, $0.0e+00;
	v3 =	vadd.f32 v3, v60  }
0x132: {  	[tilespmem:s4+$0x6610] =	vst v4;
	v4 =	vadd.f32 v62, v61;
	v2 =	vmax.f32 v2, $0.0e+00  }
0x133: {  	[tilespmem:s4+$0x6630] =	vst v2;
	v2 =	vmax.f32 v3, $0.0e+00;
	v1 =	vadd.f32 v1, v63  }
0x134: {  	[tilespmem:s4+$0x6640] =	vst v2;
	v2 =	vmax.f32 v4, $0.0e+00  }
0x135: {  	[tilespmem:s4+$0x6650] =	vst v2;
	v1 =	vmax.f32 v1, $0.0e+00  }
0x136: {  	[tilespmem:s4+$0x6660] =	vst v1  }
0x137: {  	_ =	swait.ge [sflag:s10], $0x28  }
0x138: {  	[sflag:s10] =	ssyncset.done $0x0  }
0x139: {  	[sflag:s10] =	ssyncadd.s32 $0xFFFFFFD8  }
0x13a: {  	[spmem:s2] =	stream.indirect.scatter.add.f32 [tilespmem:s11], [sflag:$0xA], $0x80, s25, s24, $0xb8;
	[tilespmem:$0x1BA00] =	vst v63  }
0x13b: {  	s16 =	simm.s32 $0x0;
	s23 =	simm.s32 $0x1600;
	s22 =	rddreg [dreg:$0x10]  }
0x13c: {  	[tilespmem:s23], [sflag:$0x6] =	stream.linear.gather [hbm4b:s22+s16], $0x1400, $0x38;
	[tilespmem:$0x1BA00] =	vst v63  }
0x13d: {  	_ =	swait.ge [sflag:s26], $0x28  }
0x13e: {  	[sflag:s26] =	ssyncset.done $0x0  }
0x13f: {  	s28 =	simm.s32 $0x3E00;
	s13 =	simm.s32 $0x0;
	[sflag:s26] =	ssyncadd.s32 $0xFFFFFFD8  }
0x140: {  	[tilespmem:s28], [sflag:$0x8] =	stream.indirect.gather [hbm4b:s1+s24], $0x80, s21, s24, $0xb8;
	[tilespmem:$0x1BA00] =	vst v63  }
.LBB2_8:
0x141: {  	s9 =	sshll.u32 s13, $0x1  }
0x142: {  	_ =	swait.ge [sflag:s20], $0x1400;
	p0 =	seq.s32 s13, $0x7B;
	s4 =	sadd.s32 $0x4, s9  }
0x143: {  	[sflag:s20] =	ssyncset.done $0x0;
	s4 =	smul.u32 @!p0 $0x28, s4  }
0x144: {  	[sflag:s20] =	ssyncadd.s32 $0xFFFFEC00  }
0x145: {  	_ =	swait.ge [sflag:s29], $0x1400;
	s15 =	sadd.s32 @!p0 s8, s4  }
0x146: {  	s23 =	smul.u32 $0x50, s13;
	[sflag:s29] =	ssyncset.done $0x0;
	s4 =	sshrl.u32 @!p0 s15, $0x3  }
0x147: {  	s22 =	simm.s32 @!p0 $0x0;
	[sflag:s29] =	ssyncadd.s32 $0xFFFFEC00;
	s4 =	sadd.s32 @!p0 s6, s4  }
0x148: {  	[tilespmem:s22], [sflag:$0x1] =	stream.linear.gather @!p0 [hbm4b:s4+s22], $0x28, $0x38;
	[tilespmem:$0x1BA00] =	vst v63  }
0x149: {  	s22 =	sadd.s32 s23, s14;
	_ =	swait.ge [sflag:s19], $0x1400  }
0x14a: {  	s4 =	sshrl.u32 s22, $0x3;
	[sflag:s19] =	ssyncset.done $0x0  }
0x14b: {  	s4 =	sadd.s32 s7, s4;
	[sflag:s19] =	ssyncadd.s32 $0xFFFFEC00  }
0x14c: {  	[tilespmem:s30], [sflag:$0x3] =	stream.linear.gather [hbm4b:s4+s16], $0x28, $0x38;
	[tilespmem:$0x1BA00] =	vst v63  }
0x14d: {  	s4 =	simm.s32 $0x0  }
0x14e: {  	v1 =	vld [tilespmem:s4+$0x2A70]  }
0x14f: {  	v2 =	vld [tilespmem:s4+$0x270]  }
0x150: {  	v3 =	vld [tilespmem:s4+$0x2A00]  }
0x151: {  	v4 =	vld [tilespmem:s4+$0x200]  }
0x152: {  	v5 =	vld [tilespmem:s4+$0x2A10]  }
0x153: {  	v6 =	vld [tilespmem:s4+$0x210]  }
0x154: {  	v7 =	vld [tilespmem:s4+$0x2A20]  }
0x155: {  	v1 =	vadd.f32 v2, v1;
	v2 =	vld [tilespmem:s4+$0x220]  }
0x156: {  	v8 =	vld [tilespmem:s4+$0x2A30]  }
0x157: {  	v9 =	vld [tilespmem:s4+$0x230];
	v3 =	vadd.f32 v4, v3  }
0x158: {  	v10 =	vld [tilespmem:s4+$0x2A40];
	v1 =	vmax.f32 v1, $0.0e+00  }
0x159: {  	[tilespmem:s4+$0x5270] =	vst v1;
	v1 =	vmax.f32 v3, $0.0e+00;
	v3 =	vadd.f32 v6, v5;
	v6 =	vld [tilespmem:s4+$0x240]  }
0x15a: {  	v4 =	vld [tilespmem:s4+$0x250];
	v2 =	vadd.f32 v2, v7  }
0x15b: {  	[tilespmem:s4+$0x5200] =	vst v1;
	v1 =	vld [tilespmem:s4+$0x2A50];
	v3 =	vmax.f32 v3, $0.0e+00  }
0x15c: {  	v5 =	vld [tilespmem:s4+$0x260];
	v7 =	vadd.f32 v9, v8;
	[tilespmem:s4+$0x5210] =	vst v3;
	v3 =	vmax.f32 v2, $0.0e+00  }
0x15d: {  	s22 =	simm.s32 $0x80;
	v2 =	vld [tilespmem:s4+$0x2A60];
	[tilespmem:s4+$0x5220] =	vst v3  }
0x15e: {  	s28 =	simm.s32 $0x400;
	v7 =	vmax.f32 v7, $0.0e+00;
	v6 =	vadd.f32 v6, v10;
	v3 =	vld [tilespmem:s22+$0x2A70]  }
.LBB2_9:
0x15f: {  	p1 =	sne.s32 s28, $0x4E00;
	v8 =	vld [tilespmem:s22+$0x270];
	[tilespmem:s4+$0x5230] =	vst v7  }
0x160: {  	v7 =	vld [tilespmem:s22+$0x2A00];
	v6 =	vmax.f32 v6, $0.0e+00;
	v1 =	vadd.f32 v4, v1  }
0x161: {  	v4 =	vld [tilespmem:s22+$0x200];
	[tilespmem:s4+$0x5240] =	vst v6  }
0x162: {  	v6 =	vld [tilespmem:s22+$0x2A10];
	v1 =	vmax.f32 v1, $0.0e+00;
	v2 =	vadd.f32 v5, v2  }
0x163: {  	v5 =	vld [tilespmem:s22+$0x210];
	[tilespmem:s4+$0x5250] =	vst v1  }
0x164: {  	v1 =	vld [tilespmem:s22+$0x2A20];
	v3 =	vadd.f32 v8, v3;
	v2 =	vmax.f32 v2, $0.0e+00  }
0x165: {  	v8 =	vld [tilespmem:s22+$0x220];
	[tilespmem:s4+$0x5260] =	vst v2;
	s4 =	smov.u32 s22  }
0x166: {  	v2 =	vadd.f32 v4, v7;
	v7 =	vld [tilespmem:s4+$0x2A30];
	v3 =	vmax.f32 v3, $0.0e+00  }
0x167: {  	v9 =	vld [tilespmem:s4+$0x230];
	[tilespmem:s4+$0x5270] =	vst v3  }
0x168: {  	v2 =	vmax.f32 v2, $0.0e+00;
	v3 =	vadd.f32 v5, v6;
	v6 =	vld [tilespmem:s4+$0x2A40]  }
0x169: {  	[tilespmem:s4+$0x5200] =	vst v2;
	v10 =	vld [tilespmem:s4+$0x240]  }
.Ltmp5:
0x16a: {  	v2 =	vmax.f32 v3, $0.0e+00;
	v3 =	vadd.f32 v8, v1;
	v1 =	vld [tilespmem:s4+$0x2A50];
	(pc) =	sbr.rel @p1 .LBB2_9-.Ltmp5, $4  }
0x16b: {  	[tilespmem:s4+$0x5210] =	vst v2;
	v4 =	vld [tilespmem:s4+$0x250]  }
0x16c: {  	v3 =	vmax.f32 v3, $0.0e+00;
	v7 =	vadd.f32 v9, v7;
	v2 =	vld [tilespmem:s4+$0x2A60]  }
0x16d: {  	s22 =	sshra.s32 s28, $0x2;
	[tilespmem:s4+$0x5220] =	vst v3;
	v5 =	vld [tilespmem:s4+$0x260]  }
0x16e: {  	s28 =	sadd.s32 $0x200, s28;
	v3 =	vld [tilespmem:s22+$0x2A70];
	v7 =	vmax.f32 v7, $0.0e+00;
	v6 =	vadd.f32 v10, v6  }
0x16f: {  	v8 =	vld [tilespmem:s22+$0x270];
	[tilespmem:s4+$0x5230] =	vst v7  }
0x170: {  	v7 =	vld [tilespmem:s22+$0x2A00];
	v6 =	vmax.f32 v6, $0.0e+00;
	v1 =	vadd.f32 v4, v1  }
0x171: {  	v9 =	vld [tilespmem:s22+$0x200];
	[tilespmem:s4+$0x5240] =	vst v6  }
0x172: {  	v4 =	vld [tilespmem:s22+$0x2A10];
	v1 =	vmax.f32 v1, $0.0e+00;
	v2 =	vadd.f32 v5, v2  }
0x173: {  	v6 =	vld [tilespmem:s22+$0x210];
	[tilespmem:s4+$0x5250] =	vst v1  }
0x174: {  	v1 =	vld [tilespmem:s22+$0x2A20];
	v2 =	vmax.f32 v2, $0.0e+00  }
0x175: {  	v5 =	vld [tilespmem:s22+$0x220];
	v3 =	vadd.f32 v8, v3;
	[tilespmem:s4+$0x5260] =	vst v2  }
0x176: {  	v7 =	vadd.f32 v9, v7;
	v2 =	vld [tilespmem:s22+$0x2A30]  }
0x177: {  	v3 =	vmax.f32 v3, $0.0e+00;
	v8 =	vld [tilespmem:s22+$0x230]  }
0x178: {  	[tilespmem:s22+$0x5270] =	vst v3;
	v3 =	vmax.f32 v7, $0.0e+00;
	v7 =	vld [tilespmem:s22+$0x2A40]  }
0x179: {  	v4 =	vadd.f32 v6, v4;
	v6 =	vld [tilespmem:s22+$0x2A50]  }
0x17a: {  	[tilespmem:s22+$0x5200] =	vst v3;
	v3 =	vld [tilespmem:s22+$0x240];
	v1 =	vadd.f32 v5, v1  }
0x17b: {  	v4 =	vmax.f32 v4, $0.0e+00;
	v5 =	vld [tilespmem:s22+$0x2A60]  }
0x17c: {  	[tilespmem:s22+$0x5210] =	vst v4;
	v4 =	vld [tilespmem:s22+$0x250];
	v1 =	vmax.f32 v1, $0.0e+00  }
0x17d: {  	[tilespmem:s22+$0x5220] =	vst v1;
	v1 =	vld [tilespmem:s22+$0x260];
	_ =	sdelay $0x1  }
0x17e: {  	v2 =	vadd.f32 v8, v2  }
0x17f: {  	v3 =	vadd.f32 v3, v7  }
0x180: {  	v2 =	vmax.f32 v2, $0.0e+00;
	v4 =	vadd.f32 v4, v6  }
0x181: {  	[tilespmem:s22+$0x5230] =	vst v2;
	v2 =	vmax.f32 v3, $0.0e+00;
	v1 =	vadd.f32 v1, v5  }
0x182: {  	[tilespmem:s22+$0x5240] =	vst v2;
	v2 =	vmax.f32 v4, $0.0e+00  }
0x183: {  	[tilespmem:s22+$0x5250] =	vst v2;
	v1 =	vmax.f32 v1, $0.0e+00  }
0x184: {  	[tilespmem:s22+$0x5260] =	vst v1  }
0x185: {  	_ =	swait.ge [sflag:s31], $0x28  }
0x186: {  	[sflag:s31] =	ssyncset.done $0x0  }
0x187: {  	s4 =	sshll.u32 @!p0 s15, $0x4;
	[sflag:s31] =	ssyncadd.s32 $0xFFFFFFD8  }
0x188: {  	[spmem:s2] =	stream.indirect.scatter.add.f32 [tilespmem:s17], [sflag:$0x9], $0x80, s30, s24, $0xb8;
	[tilespmem:$0x1BA00] =	vst v63  }
0x189: {  	s15 =	simm.s32 @!p0 $0x0;
	s4 =	sadd.s32 @!p0 s5, s4;
	s22 =	simm.s32 @!p0 $0x200  }
0x18a: {  	[tilespmem:s22], [sflag:$0x5] =	stream.linear.gather @!p0 [hbm4b:s4+s15], $0x1400, $0x38;
	[tilespmem:$0x1BA00] =	vst v63  }
0x18b: {  	s4 =	simm.s32 @!p0 $0x1  }
0x18c: {  	_ =	swait.ge @!p0 [sflag:s4], $0x28  }
0x18d: {  	[sflag:s4] =	ssyncset.done @!p0 $0x0  }
0x18e: {  	s22 =	simm.s32 @!p0 $0x2A00;
	[sflag:s4] =	ssyncadd.s32 @!p0 $0xFFFFFFD8;
	s4 =	simm.s32 @!p0 $0x28  }
0x18f: {  	[tilespmem:s22], [sflag:$0x7] =	stream.indirect.gather @!p0 [hbm4b:s1+s4], $0x80, s15, s4, $0xb8;
	[tilespmem:$0x1BA00] =	vst v63  }
0x190: {  	s9 =	sadd.s32 $0x5, s9;
	_ =	swait.ge [sflag:s0], $0x1400  }
0x191: {  	s4 =	smul.u32 @!p0 $0x28, s9;
	[sflag:s0] =	ssyncset.done $0x0  }
0x192: {  	[sflag:s0] =	ssyncadd.s32 $0xFFFFEC00  }
0x193: {  	s4 =	sadd.s32 @!p0 s8, s4;
	_ =	swait.ge [sflag:s3], $0x1400  }
0x194: {  	s4 =	sshrl.u32 @!p0 s4, $0x3;
	[sflag:s3] =	ssyncset.done $0x0  }
0x195: {  	s22 =	simm.s32 @!p0 $0x80;
	s4 =	sadd.s32 @!p0 s6, s4;
	[sflag:s3] =	ssyncadd.s32 $0xFFFFEC00  }
0x196: {  	[tilespmem:s22], [sflag:$0x2] =	stream.linear.gather @!p0 [hbm4b:s4+s15], $0x28, $0x38;
	[tilespmem:$0x1BA00] =	vst v63  }
0x197: {  	s23 =	sadd.s32 s23, s18;
	_ =	swait.ge [sflag:s12], $0x1400  }
0x198: {  	s4 =	sshrl.u32 s23, $0x3;
	[sflag:s12] =	ssyncset.done $0x0  }
0x199: {  	s28 =	simm.s32 $0x0;
	s4 =	sadd.s32 s7, s4;
	[sflag:s12] =	ssyncadd.s32 $0xFFFFEC00  }
0x19a: {  	[tilespmem:s25], [sflag:$0x4] =	stream.linear.gather [hbm4b:s4+s28], $0x28, $0x38;
	[tilespmem:$0x1BA00] =	vst v63  }
0x19b: {  	s4 =	simm.s32 $0x0  }
0x19c: {  	v1 =	vld [tilespmem:s4+$0x3E70]  }
0x19d: {  	v2 =	vld [tilespmem:s4+$0x1670]  }
0x19e: {  	v3 =	vld [tilespmem:s4+$0x3E00]  }
0x19f: {  	v4 =	vld [tilespmem:s4+$0x1600]  }
0x1a0: {  	v5 =	vld [tilespmem:s4+$0x3E10]  }
0x1a1: {  	v6 =	vld [tilespmem:s4+$0x1610]  }
0x1a2: {  	v7 =	vld [tilespmem:s4+$0x3E20]  }
0x1a3: {  	v1 =	vadd.f32 v2, v1;
	v2 =	vld [tilespmem:s4+$0x1620]  }
0x1a4: {  	v8 =	vld [tilespmem:s4+$0x3E30]  }
0x1a5: {  	v63 =	vld [tilespmem:s4+$0x1630];
	v3 =	vadd.f32 v4, v3  }
0x1a6: {  	v10 =	vld [tilespmem:s4+$0x3E40];
	v1 =	vmax.f32 v1, $0.0e+00  }
0x1a7: {  	[tilespmem:s4+$0x6670] =	vst v1;
	v1 =	vmax.f32 v3, $0.0e+00;
	v3 =	vadd.f32 v6, v5;
	v6 =	vld [tilespmem:s4+$0x1640]  }
0x1a8: {  	v4 =	vld [tilespmem:s4+$0x1650];
	v2 =	vadd.f32 v2, v7  }
0x1a9: {  	[tilespmem:s4+$0x6600] =	vst v1;
	v1 =	vld [tilespmem:s4+$0x3E50];
	v3 =	vmax.f32 v3, $0.0e+00  }
0x1aa: {  	v5 =	vld [tilespmem:s4+$0x1660];
	v7 =	vadd.f32 v63, v8;
	[tilespmem:s4+$0x6610] =	vst v3;
	v3 =	vmax.f32 v2, $0.0e+00  }
0x1ab: {  	s15 =	simm.s32 $0x80;
	v2 =	vld [tilespmem:s4+$0x3E60];
	[tilespmem:s4+$0x6620] =	vst v3  }
0x1ac: {  	s22 =	simm.s32 $0x400;
	v7 =	vmax.f32 v7, $0.0e+00;
	v6 =	vadd.f32 v6, v10;
	v3 =	vld [tilespmem:s15+$0x3E70]  }
.LBB2_11:
0x1ad: {  	p1 =	sne.s32 s22, $0x4E00;
	v8 =	vld [tilespmem:s15+$0x1670];
	[tilespmem:s4+$0x6630] =	vst v7  }
0x1ae: {  	v7 =	vld [tilespmem:s15+$0x3E00];
	v6 =	vmax.f32 v6, $0.0e+00;
	v1 =	vadd.f32 v4, v1  }
0x1af: {  	v4 =	vld [tilespmem:s15+$0x1600];
	[tilespmem:s4+$0x6640] =	vst v6  }
0x1b0: {  	v6 =	vld [tilespmem:s15+$0x3E10];
	v1 =	vmax.f32 v1, $0.0e+00;
	v2 =	vadd.f32 v5, v2  }
0x1b1: {  	v5 =	vld [tilespmem:s15+$0x1610];
	[tilespmem:s4+$0x6650] =	vst v1  }
0x1b2: {  	v1 =	vld [tilespmem:s15+$0x3E20];
	v3 =	vadd.f32 v8, v3;
	v2 =	vmax.f32 v2, $0.0e+00  }
0x1b3: {  	v8 =	vld [tilespmem:s15+$0x1620];
	[tilespmem:s4+$0x6660] =	vst v2;
	s4 =	smov.u32 s15  }
0x1b4: {  	v2 =	vadd.f32 v4, v7;
	v7 =	vld [tilespmem:s4+$0x3E30];
	v3 =	vmax.f32 v3, $0.0e+00  }
0x1b5: {  	v9 =	vld [tilespmem:s4+$0x1630];
	[tilespmem:s4+$0x6670] =	vst v3  }
0x1b6: {  	v2 =	vmax.f32 v2, $0.0e+00;
	v3 =	vadd.f32 v5, v6;
	v6 =	vld [tilespmem:s4+$0x3E40]  }
0x1b7: {  	[tilespmem:s4+$0x6600] =	vst v2;
	v10 =	vld [tilespmem:s4+$0x1640]  }
.Ltmp6:
0x1b8: {  	v2 =	vmax.f32 v3, $0.0e+00;
	v3 =	vadd.f32 v8, v1;
	v1 =	vld [tilespmem:s4+$0x3E50];
	(pc) =	sbr.rel @p1 .LBB2_11-.Ltmp6, $4  }
0x1b9: {  	[tilespmem:s4+$0x6610] =	vst v2;
	v4 =	vld [tilespmem:s4+$0x1650]  }
0x1ba: {  	v3 =	vmax.f32 v3, $0.0e+00;
	v7 =	vadd.f32 v9, v7;
	v2 =	vld [tilespmem:s4+$0x3E60]  }
0x1bb: {  	s15 =	sshra.s32 s22, $0x2;
	[tilespmem:s4+$0x6620] =	vst v3;
	v5 =	vld [tilespmem:s4+$0x1660]  }
0x1bc: {  	s22 =	sadd.s32 $0x200, s22;
	v3 =	vld [tilespmem:s15+$0x3E70];
	v7 =	vmax.f32 v7, $0.0e+00;
	v6 =	vadd.f32 v10, v6  }
0x1bd: {  	v8 =	vld [tilespmem:s15+$0x1670];
	[tilespmem:s4+$0x6630] =	vst v7  }
0x1be: {  	v7 =	vld [tilespmem:s15+$0x3E00];
	v6 =	vmax.f32 v6, $0.0e+00;
	v1 =	vadd.f32 v4, v1  }
0x1bf: {  	v9 =	vld [tilespmem:s15+$0x1600];
	[tilespmem:s4+$0x6640] =	vst v6  }
0x1c0: {  	v57 =	vld [tilespmem:s15+$0x3E10];
	v1 =	vmax.f32 v1, $0.0e+00;
	v2 =	vadd.f32 v5, v2  }
0x1c1: {  	v6 =	vld [tilespmem:s15+$0x1610];
	[tilespmem:s4+$0x6650] =	vst v1  }
0x1c2: {  	v1 =	vld [tilespmem:s15+$0x3E20];
	v2 =	vmax.f32 v2, $0.0e+00  }
0x1c3: {  	v58 =	vld [tilespmem:s15+$0x1620];
	[tilespmem:s4+$0x6660] =	vst v2  }
0x1c4: {  	v2 =	vld [tilespmem:s15+$0x3E30]  }
0x1c5: {  	v3 =	vadd.f32 v8, v3;
	v59 =	vld [tilespmem:s15+$0x1630]  }
0x1c6: {  	v7 =	vadd.f32 v9, v7;
	v60 =	vld [tilespmem:s15+$0x3E40]  }
0x1c7: {  	v3 =	vmax.f32 v3, $0.0e+00;
	v61 =	vld [tilespmem:s15+$0x3E50]  }
0x1c8: {  	v62 =	vld [tilespmem:s15+$0x1650];
	[tilespmem:s15+$0x6670] =	vst v3;
	v3 =	vmax.f32 v7, $0.0e+00;
	v1 =	vadd.f32 v58, v1  }
0x1c9: {  	[tilespmem:s15+$0x6600] =	vst v3;
	v3 =	vld [tilespmem:s15+$0x1640]  }
0x1ca: {  	v63 =	vld [tilespmem:s15+$0x3E60];
	v1 =	vmax.f32 v1, $0.0e+00  }
0x1cb: {  	[tilespmem:s15+$0x6620] =	vst v1;
	v1 =	vld [tilespmem:s15+$0x1660]  }
0x1cc: {  	v4 =	vadd.f32 v6, v57  }
0x1cd: {  	v2 =	vadd.f32 v59, v2  }
0x1ce: {  	v4 =	vmax.f32 v4, $0.0e+00;
	v3 =	vadd.f32 v3, v60  }
0x1cf: {  	[tilespmem:s15+$0x6610] =	vst v4;
	v4 =	vadd.f32 v62, v61;
	v2 =	vmax.f32 v2, $0.0e+00  }
0x1d0: {  	[tilespmem:s15+$0x6630] =	vst v2;
	v2 =	vmax.f32 v3, $0.0e+00;
	v1 =	vadd.f32 v1, v63  }
0x1d1: {  	[tilespmem:s15+$0x6640] =	vst v2;
	v2 =	vmax.f32 v4, $0.0e+00  }
0x1d2: {  	[tilespmem:s15+$0x6650] =	vst v2;
	v1 =	vmax.f32 v1, $0.0e+00  }
.Ltmp7:
0x1d3: {  	[tilespmem:s15+$0x6660] =	vst v1;
	(pc) =	sbr.rel @p0 .LBB2_14-.Ltmp7, $4  }
0x1d4: {  	_ =	swait.ge [sflag:s10], $0x28  }
0x1d5: {  	[sflag:s10] =	ssyncset.done $0x0  }
0x1d6: {  	[sflag:s10] =	ssyncadd.s32 $0xFFFFFFD8  }
0x1d7: {  	[spmem:s2] =	stream.indirect.scatter.add.f32 [tilespmem:s11], [sflag:$0xA], $0x80, s25, s24, $0xb8;
	[tilespmem:$0x1BA00] =	vst v63  }
0x1d8: {  	s4 =	smul.u32 $0x28, s9;
	_ =	sdelay $0x1  }
0x1d9: {  	s4 =	sadd.s32 s8, s4  }
0x1da: {  	s4 =	sshll.u32 s4, $0x4  }
0x1db: {  	s23 =	simm.s32 $0x0;
	s15 =	simm.s32 $0x1600;
	s4 =	sadd.s32 s5, s4  }
0x1dc: {  	[tilespmem:s15], [sflag:$0x6] =	stream.linear.gather [hbm4b:s4+s23], $0x1400, $0x38;
	[tilespmem:$0x1BA00] =	vst v63  }
.Ltmp8:
0x1dd: {  	_ = 	snop;
	(pc) =	sbr.rel .LBB2_8-.Ltmp8, $4  }
0x1de: {  	_ =	swait.ge [sflag:s26], $0x28  }
0x1df: {  	[sflag:s26] =	ssyncset.done $0x0  }
0x1e0: {  	s28 =	simm.s32 $0x3E00;
	s13 =	sadd.s32 $0x1, s13;
	[sflag:s26] =	ssyncadd.s32 $0xFFFFFFD8  }
0x1e1: {  	[tilespmem:s28], [sflag:$0x8] =	stream.indirect.gather [hbm4b:s1+s24], $0x80, s21, s24, $0xb8;
	[tilespmem:$0x1BA00] =	vst v63  }
.LBB2_15:
0x1e2: {  	_ =	sfence.sel $0x180000  }
0x1e3: {  	[bflag:$0x0] =	sbarrier.arrive $0xFFFF  }
0x1e4: {  	_ =	strace $0x9000004A  }
0x1e5: {  	s0 =	stileid.u32;
	[bflag:$0x2] =	sbarrier.arrive $0xFFFF  }
0x1e6: {  	p0 =	sne.s32 s0, $0x0;
	s0 =	rddreg [dreg:$0x3]  }
0x1e7: {  	s0 =	sadd.s32 @!p0 $0x100000, s0  }
0x1e8: {  	[sflag:s0] =	ssyncadd.tile.s32 @!p0 $0x1;
	_ =	shalt  }
.Lfunc_end2:
_tile_overlayer_lowered:
.L_overlay_start_2:
0x1e9: {  	(tag) =	ssettag $0x2  }
0x1ea: {  	s0 =	rddreg [dreg:$0x0];
	s2 =	stileid.u32  }
0x1eb: {  	s1 =	rddreg [dreg:$0x1];
	p0 =	sne.s32 s2, $0x0  }
0x1ec: {  	s3 =	rddreg [dreg:$0x2];
	[bflag:$0x3] =	sbarrier.arrive $0xFFFF;
	s2 =	simm.s32 @!p0 $0x1C0B  }
0x1ed: {  	[timem:s3], [sflag:s2] =	dma.local @!p0 [hbm:s0], s1  }
0x1ee: {  	s0 =	simm.s32 @!p0 $0xB  }
0x1ef: {  	_ =	swait.ge @!p0 [sflag:s0], s1  }
0x1f0: {  	s1 =	ssub.s32 @!p0 $0x0, s1;
	[sflag:s0] =	ssyncset.done @!p0 $0x0  }
0x1f1: {  	[sflag:s0] =	ssyncadd.s32 @!p0 s1  }
0x1f2: {  	[bflag:$0x3] =	sbarrier.arrive $0xFFFF  }
0x1f3: {  	_ =	shalt  }

// kernel: kernel.8.cloned.1.call-start
scs
__scs_entry_jumppad:
0x0: {  	(pc) =	sbr.rel $0x88, $3  }
0x1: {  	(tag) =	ssettag $0x0;
	lr =	simm.s32 $0x1  }
0x2: {  	[smem:$0x3F8E] =	sst lr;
	_ =	strace $0xD0000000  }
0x3: {  	_ = 	snop  }
0x4: {  	_ = 	snop  }
0x5: {  	_ = 	snop  }
0x6: {  	_ = 	snop  }
0x7: {  	_ = 	snop  }
__scs_overlays_trampoline_lowered:
0x8: {  	[smem:$0x3F9D] =	sst s0  }
0x9: {  	[smem:$0x3F9E] =	sst s1  }
0xa: {  	[smem:$0x3F9F] =	sst s2  }
0xb: {  	[smem:$0x3FA0] =	sst s3  }
0xc: {  	[smem:$0x3FA1] =	sst s4  }
0xd: {  	[smem:$0x3FA2] =	sst s5  }
0xe: {  	[smem:$0x3FA3] =	sst s6  }
0xf: {  	[smem:$0x3FA4] =	sst s7  }
0x10: {  	[smem:$0x3FA5] =	sst s8  }
0x11: {  	[smem:$0x3FA6] =	sst s9;
	s0 =	simm.s32 @!p0 $0x0  }
0x12: {  	s1 =	sld [smem:$0x3F8C];
	s0 =	simm.s32 @p0 $0x1  }
0x13: {  	[smem:$0x3FA7] =	sst s0;
	s0 =	simm.s32 @!p1 $0x0  }
0x14: {  	s2 =	sld [smem:$0x3F8B];
	s0 =	simm.s32 @p1 $0x1  }
0x15: {  	[smem:$0x3FA8] =	sst s0;
	s0 =	simm.s32 @!p2 $0x0  }
0x16: {  	s3 =	sld [smem:$0x3FDB];
	s0 =	simm.s32 @p2 $0x1  }
0x17: {  	s4 =	simm.s32 $0x1BF5;
	[smem:$0x3FAA] =	sst s0  }
0x18: {  	s0 =	sld [smem:$0x3F8D];
	_ =	swait.ge [sflag:s4], $0x0  }
0x19: {  	s7 =	sld [smem:$0x3F8E]  }
0x1a: {  	s8 =	sadd.s32 $0xFFFFE003, lr  }
0x1b: {  	s9 =	sadd.s32 $0xFFFFFEF7, lr;
	s5 =	simm.s32 $0xFFFFFFFF;
	p2 =	slt.u32 s8, $0xFFFFF086  }
0x1c: {  	p1 =	slt.u32 s9, $0xF7A;
	s5 =	simm.s32 @!p2 $0x0  }
0x1d: {  	s5 =	simm.s32 @p1 $0x1;
	p0 =	seq.s32 s7, s2  }
0x1e: {  	s7 =	smul.u32 @!p0 $0xF7A, s2;
	p2 =	seq.s32 @!p0 s5, $0x0  }
0x1f: {  	s9 =	smul.u32 $0xF7A, s1;
	s8 =	simm.s32 @!p0 $0x1BF5;
	p2 =	por !p2, p0  }
0x20: {  	[sflag:s8] =	ssyncset.s32 @!p0 $0xFFFFF086;
	s6 =	sadd.s32 @!p0 s3, s7;
	s7 =	simm.s32 @!p0 $0x108  }
0x21: {  	s3 =	sadd.s32 s3, s9;
	s6 =	sadd.s32 @!p0 $0x88, s6;
	s7 =	simm.s32 @p2 $0x1082  }
0x22: {  	[simem:s7], [sflag:s8] =	dma.local @!p0 [hbm:s6], $0xF7A  }
0x23: {  	s9 =	sor.u32 $0xD0000000, s2;
	s6 =	simm.s32 $0x108;
	_ =	swait.ge @!p0 [sflag:s8], $0x0  }
0x24: {  	s3 =	sadd.s32 $0x88, s3;
	s6 =	simm.s32 @!p1 $0x1082;
	[sflag:s4] =	ssyncset.s32 $0xFFFFF086  }
0x25: {  	[simem:s6], [sflag:s4] =	dma.local [hbm:s3], $0xF7A  }
0x26: {  	[smem:$0x3F8E] =	sst s1;
	(tag) =	ssettag s2;
	_ =	strace s9  }
0x27: {  	s1 =	sld [smem:$0x3F9E]  }
0x28: {  	s2 =	sld [smem:$0x3F9F]  }
0x29: {  	s4 =	sld [smem:$0x3FA1]  }
0x2a: {  	p0 =	seq.s32 s5, $0x0;
	s5 =	sld [smem:$0x3FA2]  }
0x2b: {  	s6 =	sld [smem:$0x3FA3]  }
0x2c: {  	s7 =	sld [smem:$0x3FA4]  }
0x2d: {  	s3 =	simm.s32 $0x108;
	s8 =	sld [smem:$0x3FA5]  }
0x2e: {  	s3 =	simm.s32 @!p0 $0x1082;
	s9 =	sld [smem:$0x3FA6]  }
0x2f: {  	lr =	sadd.s32 s0, s3;
	s0 =	sld [smem:$0x3F9D]  }
0x30: {  	s3 =	sld [smem:$0x3FA0]  }
0x31: {  	[smem:$0x3FA9] =	sst s10  }
0x32: {  	s10 =	sld [smem:$0x3FA7];
	_ =	sdelay $0x3  }
0x33: {  	p0 =	seq.s32 s10, $0x1;
	s10 =	sld [smem:$0x3FA9];
	_ =	sdelay $0x3  }
0x34: {  	[smem:$0x3FA9] =	sst s10  }
0x35: {  	s10 =	sld [smem:$0x3FA8];
	_ =	sdelay $0x3  }
0x36: {  	p1 =	seq.s32 s10, $0x1;
	s10 =	sld [smem:$0x3FA9];
	_ =	sdelay $0x3  }
0x37: {  	[smem:$0x3FA9] =	sst s10  }
0x38: {  	s10 =	sld [smem:$0x3FAA]  }
0x39: {  	_ = 	snop;
	(pc) =	sbr.ind lr, $3  }
0x3a: {  	_ = 	snop  }
0x3b: {  	_ = 	snop  }
0x3c: {  	p2 =	seq.s32 s10, $0x1;
	s10 =	sld [smem:$0x3FA9]  }
0x3d: {  	_ =	shalt  }
0x3e: {  	_ =	shalt  }
0x3f: {  	_ =	shalt  }
0x40: {  	_ =	shalt  }
0x41: {  	_ =	shalt  }
0x42: {  	_ =	shalt  }
0x43: {  	_ =	shalt  }
0x44: {  	_ =	shalt  }
0x45: {  	_ =	shalt  }
0x46: {  	_ =	shalt  }
0x47: {  	_ =	shalt  }
0x48: {  	_ =	shalt  }
0x49: {  	_ =	shalt  }
0x4a: {  	_ =	shalt  }
0x4b: {  	_ =	shalt  }
0x4c: {  	_ =	shalt  }
0x4d: {  	_ =	shalt  }
0x4e: {  	_ =	shalt  }
0x4f: {  	_ =	shalt  }
0x50: {  	_ =	shalt  }
0x51: {  	_ =	shalt  }
0x52: {  	_ =	shalt  }
0x53: {  	_ =	shalt  }
0x54: {  	_ =	shalt  }
0x55: {  	_ =	shalt  }
0x56: {  	_ =	shalt  }
0x57: {  	_ =	shalt  }
0x58: {  	_ =	shalt  }
0x59: {  	_ =	shalt  }
0x5a: {  	_ =	shalt  }
0x5b: {  	_ =	shalt  }
0x5c: {  	_ =	shalt  }
0x5d: {  	_ =	shalt  }
0x5e: {  	_ =	shalt  }
0x5f: {  	_ =	shalt  }
0x60: {  	_ =	shalt  }
0x61: {  	_ =	shalt  }
0x62: {  	_ =	shalt  }
0x63: {  	_ =	shalt  }
0x64: {  	_ =	shalt  }
0x65: {  	_ =	shalt  }
0x66: {  	_ =	shalt  }
0x67: {  	_ =	shalt  }
0x68: {  	_ =	shalt  }
0x69: {  	_ =	shalt  }
0x6a: {  	_ =	shalt  }
0x6b: {  	_ =	shalt  }
0x6c: {  	_ =	shalt  }
0x6d: {  	_ =	shalt  }
0x6e: {  	_ =	shalt  }
0x6f: {  	_ =	shalt  }
0x70: {  	_ =	shalt  }
0x71: {  	_ =	shalt  }
0x72: {  	_ =	shalt  }
0x73: {  	_ =	shalt  }
0x74: {  	_ =	shalt  }
0x75: {  	_ =	shalt  }
0x76: {  	_ =	shalt  }
0x77: {  	_ =	shalt  }
0x78: {  	_ =	shalt  }
0x79: {  	_ =	shalt  }
0x7a: {  	_ =	shalt  }
0x7b: {  	_ =	shalt  }
0x7c: {  	_ =	shalt  }
0x7d: {  	_ =	shalt  }
0x7e: {  	_ =	shalt  }
0x7f: {  	_ =	shalt  }
0x80: {  	_ =	shalt  }
0x81: {  	_ =	shalt  }
0x82: {  	_ =	shalt  }
0x83: {  	_ =	shalt  }
0x84: {  	_ =	shalt  }
0x85: {  	_ =	shalt  }
0x86: {  	_ =	shalt  }
0x87: {  	_ =	shalt  }
.Lfunc_end0:
.L_simem_size_0:
called_computation_lowered:
.L_overlay_start_0:
0x88: {  	s2 =	sld [smem:$0x3FD9]  }
0x89: {  	s3 =	sld [smem:$0x3FFE];
	_ =	sdelay $0x1  }
0x8a: {  	s1 =	srdreg.scid  }
0x8b: {  	s0 =	sand.u32 $0x1, s1  }
0x8c: {  	s17 =	sshll.u32 s0, $0xA;
	s2 =	sadd.s32 s3, s2  }
0x8d: {  	s2 =	sadd.s32 s2, s17  }
0x8e: {  	[smem:$0x3FB5] =	sst s2  }
0x8f: {  	_ = 	snop  }
0x90: {  	s2 =	sld [smem:$0x3FC9];
	(tm) =	ssettm $0x1  }
0x91: {  	s18 =	sld [smem:$0x3FFB];
	_ =	sdelay $0x3  }
0x92: {  	_ =	strace s18  }
0x93: {  	s3 =	sld [smem:$0x3FFC];
	_ =	sdelay $0x3  }
0x94: {  	_ =	strace s3  }
0x95: {  	s3 =	sld [smem:$0x3FFD];
	_ =	sdelay $0x3  }
0x96: {  	_ =	strace s3  }
0x97: {  	_ =	strace $0x8FFFFFFF  }
0x98: {  	s19 =	sld [smem:$0x3FDB];
	_ =	sdelay $0x1  }
0x99: {  	s4 =	simm.s32 $_scs_section_size  }
0x9a: {  	s5 =	simm.s32 $_size__tile_overlayer_lowered;
	s6 =	simm.s32 $_tile_overlayer_lowered  }
0x9b: {  	s22 =	simm.s32 $0x1BFF;
	s21 =	sshll.u32 s6, $0x1;
	s3 =	sadd.s32 s4, s19  }
0x9c: {  	s7 =	simm.s32 $0x0;
	s20 =	sshll.u32 s5, $0x1;
	s5 =	sadd.s32 s21, s3  }
0x9d: {  	[timem:s7], [sflag:s22] =	dma.local [hbm:s5], s20  }
0x9e: {  	_ =	swait.ge [sflag:s22], s20  }
0x9f: {  	s4 =	ssub.s32 $0x0, s20;
	[sflag:s22] =	ssyncset.done $0x0  }
0xa0: {  	[sflag:s22] =	ssyncadd.s32 s4;
	_ =	sdelay $0x1  }
0xa1: {  	s23 =	simm.s32 $0x1B8B  }
0xa2: {  	_ =	swait.ge [sflag:s23], $0x1  }
0xa3: {  	[sflag:s23] =	ssyncset.done $0x0  }
0xa4: {  	s25 =	simm.s32 $0x1B8E;
	s24 =	sld [smem:$0x3FFE];
	[sflag:s23] =	ssyncadd.s32 $0xFFFFFFFF  }
0xa5: {  	s26 =	simm.s32 $execute0_lowered;
	[smem:$0x3FD2] =	sst s25  }
0xa6: {  	s5 =	sshll.u32 s26, $0x1;
	_ =	strace $0x80000046;
	[dreg:$0x1] =	wrdreg $0xFFFFFFFF  }
0xa7: {  	s28 =	simm.s32 $_size_execute0_lowered;
	s3 =	sadd.s32 s3, s5;
	[dreg:$0x0] =	wrdreg $0x0  }
0xa8: {  	s5 =	sshll.u32 s28, $0x1;
	[dreg:$0x2] =	wrdreg s3  }
0xa9: {  	[dreg:$0x3] =	wrdreg s5  }
0xaa: {  	[dreg:$0x4] =	wrdreg $0xC0  }
0xab: {  	_ =	task [dreg:s7], $0x5FFFF  }
0xac: {  	[dreg:$0x1] =	wrdreg $0xFFFFFFFF  }
0xad: {  	[dreg:$0x0] =	wrdreg $0x60  }
0xae: {  	[dreg:$0x2] =	wrdreg s2  }
0xaf: {  	[dreg:$0x3] =	wrdreg s24  }
0xb0: {  	[dreg:$0x4] =	wrdreg $0x7A000  }
0xb1: {  	[dreg:$0x5] =	wrdreg $0x9  }
0xb2: {  	_ =	task.clear_ibuf [dreg:s7], $0x6FFFF;
	_ =	strace $0x90000046  }
0xb3: {  	s29 =	simm.s32 $0x9;
	_ =	strace $0x80000048  }
0xb4: {  	_ =	swait.ge [sflag:s29], $0x1  }
0xb5: {  	[sflag:s29] =	ssyncadd.s32 $0xFFFFFFFF  }
0xb6: {  	_ =	strace $0x90000048  }
0xb7: {  	_ =	sfence  }
0xb8: {  	s30 =	sld [smem:$0x0];
	_ =	sdelay $0x2  }
0xb9: {  	s31 =	sshll.u32 s1, $0xD;
	s1 =	sshrl.u32 s1, $0x2  }
0xba: {  	s3 =	sand.u32 $0x4000, s31;
	s1 =	sadd.s32 s1, s30  }
0xbb: {  	s0 =	sor.u32 s3, s0;
	s1 =	sshll.u32 s1, $0x11  }
0xbc: {  	s0 =	sor.u32 s1, s0  }
0xbd: {  	s0 =	sadd.s32 $0x8F2B, s0  }
0xbe: {  	[sflag:s0] =	ssyncadd.remote.s32 $0x1  }
0xbf: {  	_ =	sfence.sel $0xFFFF  }
0xc0: {  	[dreg:$0x0] =	wrdreg $0xFFFFFFFF;
	(pc) =	sbr.abs _section_cstart, $3  }
0xc1: {  	[dreg:$0x1] =	wrdreg $0xFFFFFFFF  }
0xc2: {  	_ =	task.clear_ibuf [dreg:s7], $0x2FFFF;
	_ =	strace $0x9FFFFFFF  }
0xc3: {  	(tm) =	ssettm $0x7FFFFFFF  }
tec
execute0_lowered:
.L_overlay_start_1:
0x0: {  	(tag) =	ssettag $0x1  }
0x1: {  	s1 =	rddreg [dreg:$0x0]  }
0x2: {  	s0 =	rddreg [dreg:$0x1]  }
0x3: {  	s2 =	rddreg [dreg:$0x2];
	s4 =	simm.s32 $0x0;
	s3 =	srdreg.scid  }
0x4: {  	s10 =	stileid.u32;
	s29 =	simm.s32 $0x7;
	s30 =	simm.s32 $0x100  }
0x5: {  	s31 =	simm.s32 $0x3;
	[smem:$0x7FF] =	sst s4;
	s8 =	smul.u32 $0x14000, s10  }
0x6: {  	s3 =	sand.u32 $0x1, s3;
	s5 =	sadd.s32 $0x4F8600, s0;
	s9 =	smul.u32 $0x50000, s10  }
0x7: {  	s6 =	sadd.s32 $0xC800, s0;
	s7 =	sadd.s32 $0x2A00, s0;
	s12 =	smul.u32 $0x140000, s3  }
0x8: {  	_ =	strace $0x80000047;
	s13 =	sshll.u32 s3, $0x4;
	s3 =	ssub.s32 $0x2, s3  }
0x9: {  	s10 =	sor.u32 s10, s13;
	s11 =	sshrl.u32 s3, $0x1;
	s9 =	sshrl.u32 s9, $0x2  }
0xa: {  	s4 =	sadd.s32 s8, s12;
	s8 =	smul.u32 $0x2710, s10;
	s13 =	sadd.s32 s9, s2  }
0xb: {  	s3 =	ssub.s32 s3, s11;
	s14 =	sadd.s32 $0x1400, s13;
	[dreg:$0x4] =	wrdreg s13  }
0xc: {  	s16 =	smul.u32 $0x27100, s10;
	s17 =	sadd.s32 $0x2800, s13;
	[dreg:$0x5] =	wrdreg s14  }
0xd: {  	s4 =	sshrl.u32 s4, $0x3;
	s11 =	sadd.s32 $0x3C00, s13;
	[dreg:$0x6] =	wrdreg s17  }
0xe: {  	s12 =	sadd.s32 $0x5000, s13;
	s0 =	sadd.s32 s4, s0;
	[dreg:$0x13] =	wrdreg s11  }
0xf: {  	s15 =	sshrl.u32 s8, $0x3;
	s9 =	sadd.s32 s5, s16;
	[dreg:$0x14] =	wrdreg s12  }
0x10: {  	s19 =	sadd.s32 $0x28, s8;
	s16 =	sadd.s32 $0x7800, s13;
	[dreg:$0x8] =	wrdreg s9  }
0x11: {  	s14 =	sadd.s32 $0x50, s8;
	s17 =	sadd.s32 $0x8C00, s13;
	[dreg:$0x16] =	wrdreg s16  }
0x12: {  	s11 =	simm.s32 $0x6600;
	s18 =	sadd.s32 s6, s15;
	[dreg:$0x17] =	wrdreg s17  }
0x13: {  	s12 =	simm.s32 $0xA;
	s4 =	sadd.s32 s7, s15;
	[dreg:$0x7] =	wrdreg s18  }
0x14: {  	s20 =	sshrl.u32 s19, $0x3;
	s0 =	sadd.s32 $0x9DA600, s0;
	[dreg:$0xc] =	wrdreg s4  }
0x15: {  	s10 =	sshll.u32 s19, $0x4;
	s15 =	sadd.s32 $0x6400, s13;
	[dreg:$0x11] =	wrdreg s0  }
0x16: {  	s22 =	sshrl.u32 s14, $0x3;
	s19 =	sadd.s32 $0xA000, s13;
	[dreg:$0x15] =	wrdreg s15  }
0x17: {  	s24 =	sshll.u32 s14, $0x4;
	s21 =	sadd.s32 s6, s20;
	[dreg:$0x18] =	wrdreg s19  }
0x18: {  	s17 =	simm.s32 $0x5200;
	s10 =	sadd.s32 s5, s10;
	[dreg:$0x9] =	wrdreg s21  }
0x19: {  	s16 =	simm.s32 $0x1;
	s23 =	sadd.s32 s6, s22;
	[dreg:$0xa] =	wrdreg s10  }
0x1a: {  	s18 =	sadd.s32 $0x78, s8;
	s4 =	sadd.s32 s5, s24;
	[dreg:$0xb] =	wrdreg s23  }
0x1b: {  	s9 =	sadd.s32 s7, s20;
	s20 =	sadd.s32 $0xB400, s13;
	[dreg:$0xd] =	wrdreg s4  }
0x1c: {  	s22 =	sadd.s32 $0xDC00, s13;
	s24 =	sadd.s32 $0x10400, s13;
	[dreg:$0xf] =	wrdreg s9  }
0x1d: {  	s19 =	simm.s32 $0x9;
	s15 =	simm.s32 $0x200;
	[dreg:$0x19] =	wrdreg s20  }
0x1e: {  	s0 =	simm.s32 $0x6;
	s25 =	sshrl.u32 s18, $0x3;
	[dreg:$0x1b] =	wrdreg s22  }
0x1f: {  	s28 =	sshll.u32 s18, $0x4;
	s10 =	smax.u32 s3, $0x1;
	[dreg:$0x1d] =	wrdreg s24  }
0x20: {  	s21 =	sadd.s32 $0xC800, s13;
	s23 =	sadd.s32 $0xF000, s13;
	[dreg:$0x12] =	wrdreg s10  }
0x21: {  	s24 =	simm.s32 $0x28;
	s22 =	simm.s32 $0x2A00;
	[dreg:$0x1a] =	wrdreg s21  }
0x22: {  	s20 =	simm.s32 $0x5;
	s26 =	sadd.s32 s6, s25;
	[dreg:$0x1c] =	wrdreg s23  }
.Ltmp0:
0x23: {  	s4 =	sadd.s32 s5, s28;
	[dreg:$0xe] =	wrdreg s26;
	(pc) =	sbr.rel .LBB2_1-.Ltmp0, $4  }
0x24: {  	s3 =	simm.s32 $0x8;
	s25 =	sadd.s32 $0x11800, s13;
	[dreg:$0x10] =	wrdreg s4  }
0x25: {  	s21 =	simm.s32 $0x80;
	s28 =	simm.s32 $0x0;
	[dreg:$0x1e] =	wrdreg s25  }
0x26: {  	s10 =	simm.s32 $0x4;
	s26 =	sadd.s32 $0x12C00, s13;
	[smem:$0x7FD] =	sst s28  }
0x27: {  	v0 =	vimm.f32 $0.0e+00;
	s25 =	simm.s32 $0x180;
	[dreg:$0x1f] =	wrdreg s26;
	s26 =	simm.s32 $0x2  }
.LBB2_14:
0x28: {  	_ =	swait.ge [sflag:s19], $0x1400  }
0x29: {  	[sflag:s19] =	ssyncset.done $0x0  }
0x2a: {  	[sflag:s19] =	ssyncadd.s32 $0xFFFFEC00  }
0x2b: {  	_ =	swait.ge [sflag:s12], $0x1400  }
0x2c: {  	[sflag:s12] =	ssyncset.done $0x0  }
0x2d: {  	[sflag:s12] =	ssyncadd.s32 $0xFFFFEC00  }
0x2e: {  	s4 =	stileid.u32;
	[bflag:$0x0] =	sbarrier.arrive $0xFFFF  }
0x2f: {  	s22 =	simm.s32 $0xB;
	s4 =	sshll.u32 s4, $0x6;
	s13 =	rddreg [dreg:$0x4]  }
0x30: {  	s4 =	sor.u32 $0x1C0B, s4;
	s15 =	rddreg [dreg:$0x11];
	s9 =	sshrl.u32 s13, $0x3  }
0x31: {  	[hbm:s15], [sflag:s4] =	dma.local [spmem:s9], $0x2800  }
0x32: {  	_ =	swait.ge [sflag:s22], $0x2800  }
0x33: {  	s23 =	sld [smem:$0x7FD];
	_ =	sdelay $0x2  }
0x34: {  	s28 =	rddreg [dreg:$0x12];
	s15 =	sadd.s32 $0x1, s23  }
0x35: {  	p0 =	sne.s32 s15, s28  }
.Ltmp1:
0x36: {  	_ = 	snop;
	(pc) =	sbr.rel @!p0 .LBB2_15-.Ltmp1, $4  }
0x37: {  	_ = 	snop  }
0x38: {  	[sflag:s22] =	ssyncset.done $0x0  }
0x39: {  	s16 =	simm.s32 $0x1;
	[sflag:s22] =	ssyncadd.s32 $0xFFFFD800  }
0x3a: {  	s22 =	simm.s32 $0x2A00;
	[smem:$0x7FD] =	sst s15;
	s15 =	simm.s32 $0x200  }
.LBB2_1:
0x3b: {  	s4 =	simm.s32 $0x0;
	s9 =	simm.s32 $0x200  }
.LBB2_2:
0x3c: {  	p0 =	sne.s32 s9, $0x4E00;
	[tilespmem:s4+$0x5270] =	vst v0  }
0x3d: {  	[tilespmem:s4+$0x5200] =	vst v0  }
0x3e: {  	[tilespmem:s4+$0x5210] =	vst v0  }
.Ltmp2:
0x3f: {  	[tilespmem:s4+$0x5220] =	vst v0;
	(pc) =	sbr.rel @p0 .LBB2_2-.Ltmp2, $4  }
0x40: {  	[tilespmem:s4+$0x5230] =	vst v0  }
0x41: {  	[tilespmem:s4+$0x5240] =	vst v0  }
0x42: {  	[tilespmem:s4+$0x5250] =	vst v0  }
0x43: {  	[tilespmem:s4+$0x5260] =	vst v0;
	s4 =	sshra.s32 s9, $0x2;
	s9 =	sadd.s32 $0x200, s9  }
0x44: {  	[tilespmem:s4+$0x5270] =	vst v0  }
0x45: {  	[tilespmem:s4+$0x5200] =	vst v0  }
0x46: {  	[tilespmem:s4+$0x5210] =	vst v0  }
0x47: {  	[tilespmem:s4+$0x5220] =	vst v0  }
0x48: {  	[tilespmem:s4+$0x5230] =	vst v0  }
0x49: {  	[tilespmem:s4+$0x5240] =	vst v0  }
0x4a: {  	[tilespmem:s4+$0x5250] =	vst v0  }
0x4b: {  	[tilespmem:s4+$0x5260] =	vst v0  }
0x4c: {  	[spmem:s13] =	stream.linear.scatter [tilespmem:s17], [sflag:$0x9], $0x1400, $0x38;
	[tilespmem:$0x1BA00] =	vst v63  }
0x4d: {  	s9 =	rddreg [dreg:$0x5]  }
0x4e: {  	[spmem:s9] =	stream.linear.scatter [tilespmem:s17], [sflag:$0x9], $0x1400, $0x38;
	[tilespmem:$0x1BA00] =	vst v63  }
0x4f: {  	s13 =	rddreg [dreg:$0x6]  }
0x50: {  	[spmem:s13] =	stream.linear.scatter [tilespmem:s17], [sflag:$0x9], $0x1400, $0x38;
	[tilespmem:$0x1BA00] =	vst v63  }
0x51: {  	s23 =	rddreg [dreg:$0x13]  }
0x52: {  	[spmem:s23] =	stream.linear.scatter [tilespmem:s17], [sflag:$0x9], $0x1400, $0x38;
	[tilespmem:$0x1BA00] =	vst v63  }
0x53: {  	s28 =	rddreg [dreg:$0x14]  }
0x54: {  	[spmem:s28] =	stream.linear.scatter [tilespmem:s17], [sflag:$0x9], $0x1400, $0x38;
	[tilespmem:$0x1BA00] =	vst v63  }
0x55: {  	s9 =	rddreg [dreg:$0x15]  }
0x56: {  	[spmem:s9] =	stream.linear.scatter [tilespmem:s17], [sflag:$0x9], $0x1400, $0x38;
	[tilespmem:$0x1BA00] =	vst v63  }
0x57: {  	s13 =	rddreg [dreg:$0x16]  }
0x58: {  	[spmem:s13] =	stream.linear.scatter [tilespmem:s17], [sflag:$0x9], $0x1400, $0x38;
	[tilespmem:$0x1BA00] =	vst v63  }
0x59: {  	s23 =	rddreg [dreg:$0x17]  }
0x5a: {  	[spmem:s23] =	stream.linear.scatter [tilespmem:s17], [sflag:$0x9], $0x1400, $0x38;
	[tilespmem:$0x1BA00] =	vst v63  }
0x5b: {  	s28 =	rddreg [dreg:$0x18]  }
0x5c: {  	[spmem:s28] =	stream.linear.scatter [tilespmem:s17], [sflag:$0x9], $0x1400, $0x38;
	[tilespmem:$0x1BA00] =	vst v63  }
0x5d: {  	s9 =	rddreg [dreg:$0x19]  }
0x5e: {  	[spmem:s9] =	stream.linear.scatter [tilespmem:s17], [sflag:$0x9], $0x1400, $0x38;
	[tilespmem:$0x1BA00] =	vst v63  }
0x5f: {  	s13 =	rddreg [dreg:$0x1a]  }
0x60: {  	[spmem:s13] =	stream.linear.scatter [tilespmem:s17], [sflag:$0x9], $0x1400, $0x38;
	[tilespmem:$0x1BA00] =	vst v63  }
0x61: {  	s23 =	rddreg [dreg:$0x1b]  }
0x62: {  	[spmem:s23] =	stream.linear.scatter [tilespmem:s17], [sflag:$0x9], $0x1400, $0x38;
	[tilespmem:$0x1BA00] =	vst v63  }
0x63: {  	s28 =	rddreg [dreg:$0x1c]  }
0x64: {  	[spmem:s28] =	stream.linear.scatter [tilespmem:s17], [sflag:$0x9], $0x1400, $0x38;
	[tilespmem:$0x1BA00] =	vst v63  }
0x65: {  	s9 =	rddreg [dreg:$0x1d]  }
0x66: {  	[spmem:s9] =	stream.linear.scatter [tilespmem:s17], [sflag:$0x9], $0x1400, $0x38;
	[tilespmem:$0x1BA00] =	vst v63  }
0x67: {  	s13 =	rddreg [dreg:$0x1e]  }
0x68: {  	[spmem:s13] =	stream.linear.scatter [tilespmem:s17], [sflag:$0x9], $0x1400, $0x38;
	[tilespmem:$0x1BA00] =	vst v63  }
0x69: {  	s23 =	rddreg [dreg:$0x1f]  }
0x6a: {  	[spmem:s23] =	stream.linear.scatter [tilespmem:s17], [sflag:$0x9], $0x1400, $0x38;
	[tilespmem:$0x1BA00] =	vst v63  }
0x6b: {  	_ =	swait.ge [sflag:s19], $0x1400  }
0x6c: {  	[sflag:s19] =	ssyncset.done $0x0  }
0x6d: {  	[sflag:s19] =	ssyncadd.s32 $0xFFFFEC00  }
0x6e: {  	_ =	swait.ge [sflag:s19], $0x1400  }
0x6f: {  	[sflag:s19] =	ssyncset.done $0x0  }
0x70: {  	[sflag:s19] =	ssyncadd.s32 $0xFFFFEC00  }
0x71: {  	_ =	swait.ge [sflag:s19], $0x1400  }
0x72: {  	[sflag:s19] =	ssyncset.done $0x0  }
0x73: {  	[sflag:s19] =	ssyncadd.s32 $0xFFFFEC00  }
0x74: {  	_ =	swait.ge [sflag:s19], $0x1400  }
0x75: {  	[sflag:s19] =	ssyncset.done $0x0  }
0x76: {  	[sflag:s19] =	ssyncadd.s32 $0xFFFFEC00  }
0x77: {  	_ =	swait.ge [sflag:s19], $0x1400  }
0x78: {  	[sflag:s19] =	ssyncset.done $0x0  }
0x79: {  	[sflag:s19] =	ssyncadd.s32 $0xFFFFEC00  }
0x7a: {  	_ =	swait.ge [sflag:s19], $0x1400  }
0x7b: {  	[sflag:s19] =	ssyncset.done $0x0  }
0x7c: {  	[sflag:s19] =	ssyncadd.s32 $0xFFFFEC00  }
0x7d: {  	_ =	swait.ge [sflag:s19], $0x1400  }
0x7e: {  	[sflag:s19] =	ssyncset.done $0x0  }
0x7f: {  	[sflag:s19] =	ssyncadd.s32 $0xFFFFEC00  }
0x80: {  	_ =	swait.ge [sflag:s19], $0x1400  }
0x81: {  	[sflag:s19] =	ssyncset.done $0x0  }
0x82: {  	[sflag:s19] =	ssyncadd.s32 $0xFFFFEC00  }
0x83: {  	_ =	swait.ge [sflag:s19], $0x1400  }
0x84: {  	[sflag:s19] =	ssyncset.done $0x0  }
0x85: {  	[sflag:s19] =	ssyncadd.s32 $0xFFFFEC00  }
0x86: {  	_ =	swait.ge [sflag:s19], $0x1400  }
0x87: {  	[sflag:s19] =	ssyncset.done $0x0  }
0x88: {  	[sflag:s19] =	ssyncadd.s32 $0xFFFFEC00  }
0x89: {  	_ =	swait.ge [sflag:s19], $0x1400  }
0x8a: {  	[sflag:s19] =	ssyncset.done $0x0  }
0x8b: {  	[sflag:s19] =	ssyncadd.s32 $0xFFFFEC00  }
0x8c: {  	_ =	swait.ge [sflag:s19], $0x1400  }
0x8d: {  	[sflag:s19] =	ssyncset.done $0x0  }
0x8e: {  	[sflag:s19] =	ssyncadd.s32 $0xFFFFEC00  }
0x8f: {  	_ =	swait.ge [sflag:s19], $0x1400  }
0x90: {  	[sflag:s19] =	ssyncset.done $0x0  }
0x91: {  	[sflag:s19] =	ssyncadd.s32 $0xFFFFEC00  }
0x92: {  	_ =	swait.ge [sflag:s19], $0x1400  }
0x93: {  	[sflag:s19] =	ssyncset.done $0x0  }
0x94: {  	[sflag:s19] =	ssyncadd.s32 $0xFFFFEC00  }
0x95: {  	_ =	swait.ge [sflag:s19], $0x1400  }
0x96: {  	[sflag:s19] =	ssyncset.done $0x0  }
0x97: {  	[sflag:s19] =	ssyncadd.s32 $0xFFFFEC00  }
0x98: {  	_ =	swait.ge [sflag:s19], $0x1400  }
0x99: {  	[sflag:s19] =	ssyncset.done $0x0  }
0x9a: {  	[sflag:s19] =	ssyncadd.s32 $0xFFFFEC00  }
0x9b: {  	[bflag:$0x0] =	sbarrier.arrive $0xFFFF  }
0x9c: {  	s4 =	simm.s32 $0x0;
	s9 =	rddreg [dreg:$0x7]  }
0x9d: {  	[tilespmem:s4], [sflag:$0x1] =	stream.linear.gather [hbm4b:s9+s4], $0x28, $0x38;
	[tilespmem:$0x1BA00] =	vst v63  }
0x9e: {  	s28 =	rddreg [dreg:$0x8]  }
0x9f: {  	[tilespmem:s15], [sflag:$0x5] =	stream.linear.gather [hbm4b:s28+s4], $0x1400, $0x38;
	[tilespmem:$0x1BA00] =	vst v63  }
0xa0: {  	s13 =	rddreg [dreg:$0x9]  }
0xa1: {  	[tilespmem:s21], [sflag:$0x2] =	stream.linear.gather [hbm4b:s13+s4], $0x28, $0x38;
	[tilespmem:$0x1BA00] =	vst v63  }
0xa2: {  	s23 =	rddreg [dreg:$0xa];
	s28 =	simm.s32 $0x1600  }
0xa3: {  	[tilespmem:s28], [sflag:$0x6] =	stream.linear.gather [hbm4b:s23+s4], $0x1400, $0x38;
	[tilespmem:$0x1BA00] =	vst v63  }
0xa4: {  	_ =	swait.ge [sflag:s16], $0x28  }
0xa5: {  	[sflag:s16] =	ssyncset.done $0x0  }
0xa6: {  	[sflag:s16] =	ssyncadd.s32 $0xFFFFFFD8  }
0xa7: {  	[tilespmem:s22], [sflag:$0x7] =	stream.indirect.gather [hbm4b:s1+s24], $0x80, s4, s24, $0xb8;
	[tilespmem:$0x1BA00] =	vst v63  }
0xa8: {  	_ =	swait.ge [sflag:s26], $0x28  }
0xa9: {  	[sflag:s26] =	ssyncset.done $0x0  }
0xaa: {  	s13 =	simm.s32 $0x3E00;
	[sflag:s26] =	ssyncadd.s32 $0xFFFFFFD8  }
0xab: {  	[tilespmem:s13], [sflag:$0x8] =	stream.indirect.gather [hbm4b:s1+s24], $0x80, s21, s24, $0xb8;
	[tilespmem:$0x1BA00] =	vst v63  }
0xac: {  	_ =	swait.ge [sflag:s20], $0x1400  }
0xad: {  	[sflag:s20] =	ssyncset.done $0x0  }
0xae: {  	[sflag:s20] =	ssyncadd.s32 $0xFFFFEC00  }
0xaf: {  	_ =	swait.ge [sflag:s29], $0x1400  }
0xb0: {  	[sflag:s29] =	ssyncset.done $0x0  }
0xb1: {  	s23 =	rddreg [dreg:$0xb];
	[sflag:s29] =	ssyncadd.s32 $0xFFFFEC00  }
0xb2: {  	[tilespmem:s4], [sflag:$0x1] =	stream.linear.gather [hbm4b:s23+s4], $0x28, $0x38;
	[tilespmem:$0x1BA00] =	vst v63  }
0xb3: {  	s9 =	simm.s32 $0x0;
	s28 =	rddreg [dreg:$0xc]  }
0xb4: {  	[tilespmem:s30], [sflag:$0x3] =	stream.linear.gather [hbm4b:s28+s4], $0x28, $0x38;
	[tilespmem:$0x1BA00] =	vst v63  }
0xb5: {  	v1 =	vld [tilespmem:s9+$0x2A70]  }
0xb6: {  	v2 =	vld [tilespmem:s9+$0x270]  }
0xb7: {  	v3 =	vld [tilespmem:s9+$0x2A00]  }
0xb8: {  	v4 =	vld [tilespmem:s9+$0x200]  }
0xb9: {  	v5 =	vld [tilespmem:s9+$0x2A10]  }
0xba: {  	v6 =	vld [tilespmem:s9+$0x210]  }
0xbb: {  	v7 =	vld [tilespmem:s9+$0x2A20]  }
0xbc: {  	v1 =	vadd.f32 v2, v1;
	v2 =	vld [tilespmem:s9+$0x220]  }
0xbd: {  	v8 =	vld [tilespmem:s9+$0x2A30]  }
0xbe: {  	v9 =	vld [tilespmem:s9+$0x230];
	v3 =	vadd.f32 v4, v3  }
0xbf: {  	v10 =	vld [tilespmem:s9+$0x2A40];
	v1 =	vmax.f32 v1, $0.0e+00  }
0xc0: {  	[tilespmem:s9+$0x5270] =	vst v1;
	v1 =	vmax.f32 v3, $0.0e+00;
	v3 =	vadd.f32 v6, v5;
	v6 =	vld [tilespmem:s9+$0x240]  }
0xc1: {  	v4 =	vld [tilespmem:s9+$0x250];
	v2 =	vadd.f32 v2, v7  }
0xc2: {  	[tilespmem:s9+$0x5200] =	vst v1;
	v1 =	vld [tilespmem:s9+$0x2A50];
	v3 =	vmax.f32 v3, $0.0e+00  }
0xc3: {  	v5 =	vld [tilespmem:s9+$0x260];
	v7 =	vadd.f32 v9, v8;
	[tilespmem:s9+$0x5210] =	vst v3;
	v3 =	vmax.f32 v2, $0.0e+00  }
0xc4: {  	s4 =	simm.s32 $0x80;
	v2 =	vld [tilespmem:s9+$0x2A60];
	[tilespmem:s9+$0x5220] =	vst v3  }
0xc5: {  	s13 =	simm.s32 $0x400;
	v7 =	vmax.f32 v7, $0.0e+00;
	v6 =	vadd.f32 v6, v10;
	v3 =	vld [tilespmem:s4+$0x2A70]  }
.LBB2_4:
0xc6: {  	p0 =	sne.s32 s13, $0x4E00;
	v8 =	vld [tilespmem:s4+$0x270];
	[tilespmem:s9+$0x5230] =	vst v7  }
0xc7: {  	v7 =	vld [tilespmem:s4+$0x2A00];
	v6 =	vmax.f32 v6, $0.0e+00;
	v1 =	vadd.f32 v4, v1  }
0xc8: {  	v4 =	vld [tilespmem:s4+$0x200];
	[tilespmem:s9+$0x5240] =	vst v6  }
0xc9: {  	v6 =	vld [tilespmem:s4+$0x2A10];
	v1 =	vmax.f32 v1, $0.0e+00;
	v2 =	vadd.f32 v5, v2  }
0xca: {  	v5 =	vld [tilespmem:s4+$0x210];
	[tilespmem:s9+$0x5250] =	vst v1  }
0xcb: {  	v1 =	vld [tilespmem:s4+$0x2A20];
	v3 =	vadd.f32 v8, v3;
	v2 =	vmax.f32 v2, $0.0e+00  }
0xcc: {  	v8 =	vld [tilespmem:s4+$0x220];
	[tilespmem:s9+$0x5260] =	vst v2;
	s9 =	smov.u32 s4  }
0xcd: {  	v2 =	vadd.f32 v4, v7;
	v7 =	vld [tilespmem:s9+$0x2A30];
	v3 =	vmax.f32 v3, $0.0e+00  }
0xce: {  	v9 =	vld [tilespmem:s9+$0x230];
	[tilespmem:s9+$0x5270] =	vst v3  }
0xcf: {  	v2 =	vmax.f32 v2, $0.0e+00;
	v3 =	vadd.f32 v5, v6;
	v6 =	vld [tilespmem:s9+$0x2A40]  }
0xd0: {  	[tilespmem:s9+$0x5200] =	vst v2;
	v10 =	vld [tilespmem:s9+$0x240]  }
.Ltmp3:
0xd1: {  	v2 =	vmax.f32 v3, $0.0e+00;
	v3 =	vadd.f32 v8, v1;
	v1 =	vld [tilespmem:s9+$0x2A50];
	(pc) =	sbr.rel @p0 .LBB2_4-.Ltmp3, $4  }
0xd2: {  	[tilespmem:s9+$0x5210] =	vst v2;
	v4 =	vld [tilespmem:s9+$0x250]  }
0xd3: {  	v3 =	vmax.f32 v3, $0.0e+00;
	v7 =	vadd.f32 v9, v7;
	v2 =	vld [tilespmem:s9+$0x2A60]  }
0xd4: {  	s4 =	sshra.s32 s13, $0x2;
	[tilespmem:s9+$0x5220] =	vst v3;
	v5 =	vld [tilespmem:s9+$0x260]  }
0xd5: {  	s13 =	sadd.s32 $0x200, s13;
	v3 =	vld [tilespmem:s4+$0x2A70];
	v7 =	vmax.f32 v7, $0.0e+00;
	v6 =	vadd.f32 v10, v6  }
0xd6: {  	v8 =	vld [tilespmem:s4+$0x270];
	[tilespmem:s9+$0x5230] =	vst v7  }
0xd7: {  	v7 =	vld [tilespmem:s4+$0x2A00];
	v6 =	vmax.f32 v6, $0.0e+00;
	v1 =	vadd.f32 v4, v1  }
0xd8: {  	v9 =	vld [tilespmem:s4+$0x200];
	[tilespmem:s9+$0x5240] =	vst v6  }
0xd9: {  	v4 =	vld [tilespmem:s4+$0x2A10];
	v1 =	vmax.f32 v1, $0.0e+00;
	v2 =	vadd.f32 v5, v2  }
0xda: {  	v6 =	vld [tilespmem:s4+$0x210];
	[tilespmem:s9+$0x5250] =	vst v1  }
0xdb: {  	v1 =	vld [tilespmem:s4+$0x2A20];
	v2 =	vmax.f32 v2, $0.0e+00  }
0xdc: {  	v5 =	vld [tilespmem:s4+$0x220];
	v3 =	vadd.f32 v8, v3;
	[tilespmem:s9+$0x5260] =	vst v2  }
0xdd: {  	v7 =	vadd.f32 v9, v7;
	v2 =	vld [tilespmem:s4+$0x2A30]  }
0xde: {  	v3 =	vmax.f32 v3, $0.0e+00;
	v8 =	vld [tilespmem:s4+$0x230]  }
0xdf: {  	[tilespmem:s4+$0x5270] =	vst v3;
	v3 =	vmax.f32 v7, $0.0e+00;
	v7 =	vld [tilespmem:s4+$0x2A40]  }
0xe0: {  	v4 =	vadd.f32 v6, v4;
	v6 =	vld [tilespmem:s4+$0x2A50]  }
0xe1: {  	[tilespmem:s4+$0x5200] =	vst v3;
	v3 =	vld [tilespmem:s4+$0x240];
	v1 =	vadd.f32 v5, v1  }
0xe2: {  	v4 =	vmax.f32 v4, $0.0e+00;
	v5 =	vld [tilespmem:s4+$0x2A60]  }
0xe3: {  	[tilespmem:s4+$0x5210] =	vst v4;
	v4 =	vld [tilespmem:s4+$0x250];
	v1 =	vmax.f32 v1, $0.0e+00  }
0xe4: {  	[tilespmem:s4+$0x5220] =	vst v1;
	v1 =	vld [tilespmem:s4+$0x260];
	_ =	sdelay $0x1  }
0xe5: {  	v2 =	vadd.f32 v8, v2  }
0xe6: {  	v3 =	vadd.f32 v3, v7  }
0xe7: {  	v2 =	vmax.f32 v2, $0.0e+00;
	v4 =	vadd.f32 v4, v6  }
0xe8: {  	[tilespmem:s4+$0x5230] =	vst v2;
	v2 =	vmax.f32 v3, $0.0e+00;
	v1 =	vadd.f32 v1, v5  }
0xe9: {  	[tilespmem:s4+$0x5240] =	vst v2;
	v2 =	vmax.f32 v4, $0.0e+00  }
0xea: {  	[tilespmem:s4+$0x5250] =	vst v2;
	v1 =	vmax.f32 v1, $0.0e+00  }
0xeb: {  	[tilespmem:s4+$0x5260] =	vst v1  }
0xec: {  	_ =	swait.ge [sflag:s31], $0x28  }
0xed: {  	[sflag:s31] =	ssyncset.done $0x0  }
0xee: {  	[sflag:s31] =	ssyncadd.s32 $0xFFFFFFD8  }
0xef: {  	[spmem:s2] =	stream.indirect.scatter.add.f32 [tilespmem:s17], [sflag:$0x9], $0x80, s30, s24, $0xb8;
	[tilespmem:$0x1BA00] =	vst v63  }
0xf0: {  	s4 =	simm.s32 $0x0;
	s13 =	rddreg [dreg:$0xd]  }
0xf1: {  	[tilespmem:s15], [sflag:$0x5] =	stream.linear.gather [hbm4b:s13+s4], $0x1400, $0x38;
	[tilespmem:$0x1BA00] =	vst v63  }
0xf2: {  	_ =	swait.ge [sflag:s16], $0x28  }
0xf3: {  	[sflag:s16] =	ssyncset.done $0x0  }
0xf4: {  	[sflag:s16] =	ssyncadd.s32 $0xFFFFFFD8  }
0xf5: {  	[tilespmem:s22], [sflag:$0x7] =	stream.indirect.gather [hbm4b:s1+s24], $0x80, s4, s24, $0xb8;
	[tilespmem:$0x1BA00] =	vst v63  }
0xf6: {  	_ =	swait.ge [sflag:s0], $0x1400  }
0xf7: {  	[sflag:s0] =	ssyncset.done $0x0  }
0xf8: {  	[sflag:s0] =	ssyncadd.s32 $0xFFFFEC00  }
0xf9: {  	_ =	swait.ge [sflag:s3], $0x1400  }
0xfa: {  	[sflag:s3] =	ssyncset.done $0x0  }
0xfb: {  	s23 =	rddreg [dreg:$0xe];
	[sflag:s3] =	ssyncadd.s32 $0xFFFFEC00  }
0xfc: {  	[tilespmem:s21], [sflag:$0x2] =	stream.linear.gather [hbm4b:s23+s4], $0x28, $0x38;
	[tilespmem:$0x1BA00] =	vst v63  }
0xfd: {  	s9 =	simm.s32 $0x0;
	s28 =	rddreg [dreg:$0xf]  }
0xfe: {  	[tilespmem:s25], [sflag:$0x4] =	stream.linear.gather [hbm4b:s28+s4], $0x28, $0x38;
	[tilespmem:$0x1BA00] =	vst v63  }
0xff: {  	v1 =	vld [tilespmem:s9+$0x3E70]  }
0x100: {  	v2 =	vld [tilespmem:s9+$0x1670]  }
0x101: {  	v3 =	vld [tilespmem:s9+$0x3E00]  }
0x102: {  	v4 =	vld [tilespmem:s9+$0x1600]  }
0x103: {  	v5 =	vld [tilespmem:s9+$0x3E10]  }
0x104: {  	v6 =	vld [tilespmem:s9+$0x1610]  }
0x105: {  	v7 =	vld [tilespmem:s9+$0x3E20]  }
0x106: {  	v1 =	vadd.f32 v2, v1;
	v2 =	vld [tilespmem:s9+$0x1620]  }
0x107: {  	v8 =	vld [tilespmem:s9+$0x3E30]  }
0x108: {  	v63 =	vld [tilespmem:s9+$0x1630];
	v3 =	vadd.f32 v4, v3  }
0x109: {  	v10 =	vld [tilespmem:s9+$0x3E40];
	v1 =	vmax.f32 v1, $0.0e+00  }
0x10a: {  	[tilespmem:s9+$0x6670] =	vst v1;
	v1 =	vmax.f32 v3, $0.0e+00;
	v3 =	vadd.f32 v6, v5;
	v6 =	vld [tilespmem:s9+$0x1640]  }
0x10b: {  	v4 =	vld [tilespmem:s9+$0x1650];
	v2 =	vadd.f32 v2, v7  }
0x10c: {  	[tilespmem:s9+$0x6600] =	vst v1;
	v1 =	vld [tilespmem:s9+$0x3E50];
	v3 =	vmax.f32 v3, $0.0e+00  }
0x10d: {  	v5 =	vld [tilespmem:s9+$0x1660];
	v7 =	vadd.f32 v63, v8;
	[tilespmem:s9+$0x6610] =	vst v3;
	v3 =	vmax.f32 v2, $0.0e+00  }
0x10e: {  	s4 =	simm.s32 $0x80;
	v2 =	vld [tilespmem:s9+$0x3E60];
	[tilespmem:s9+$0x6620] =	vst v3  }
0x10f: {  	s13 =	simm.s32 $0x400;
	v7 =	vmax.f32 v7, $0.0e+00;
	v6 =	vadd.f32 v6, v10;
	v3 =	vld [tilespmem:s4+$0x3E70]  }
.LBB2_6:
0x110: {  	p0 =	sne.s32 s13, $0x4E00;
	v8 =	vld [tilespmem:s4+$0x1670];
	[tilespmem:s9+$0x6630] =	vst v7  }
0x111: {  	v7 =	vld [tilespmem:s4+$0x3E00];
	v6 =	vmax.f32 v6, $0.0e+00;
	v1 =	vadd.f32 v4, v1  }
0x112: {  	v4 =	vld [tilespmem:s4+$0x1600];
	[tilespmem:s9+$0x6640] =	vst v6  }
0x113: {  	v6 =	vld [tilespmem:s4+$0x3E10];
	v1 =	vmax.f32 v1, $0.0e+00;
	v2 =	vadd.f32 v5, v2  }
0x114: {  	v5 =	vld [tilespmem:s4+$0x1610];
	[tilespmem:s9+$0x6650] =	vst v1  }
0x115: {  	v1 =	vld [tilespmem:s4+$0x3E20];
	v3 =	vadd.f32 v8, v3;
	v2 =	vmax.f32 v2, $0.0e+00  }
0x116: {  	v8 =	vld [tilespmem:s4+$0x1620];
	[tilespmem:s9+$0x6660] =	vst v2;
	s9 =	smov.u32 s4  }
0x117: {  	v2 =	vadd.f32 v4, v7;
	v7 =	vld [tilespmem:s9+$0x3E30];
	v3 =	vmax.f32 v3, $0.0e+00  }
0x118: {  	v9 =	vld [tilespmem:s9+$0x1630];
	[tilespmem:s9+$0x6670] =	vst v3  }
0x119: {  	v2 =	vmax.f32 v2, $0.0e+00;
	v3 =	vadd.f32 v5, v6;
	v6 =	vld [tilespmem:s9+$0x3E40]  }
0x11a: {  	[tilespmem:s9+$0x6600] =	vst v2;
	v10 =	vld [tilespmem:s9+$0x1640]  }
.Ltmp4:
0x11b: {  	v2 =	vmax.f32 v3, $0.0e+00;
	v3 =	vadd.f32 v8, v1;
	v1 =	vld [tilespmem:s9+$0x3E50];
	(pc) =	sbr.rel @p0 .LBB2_6-.Ltmp4, $4  }
0x11c: {  	[tilespmem:s9+$0x6610] =	vst v2;
	v4 =	vld [tilespmem:s9+$0x1650]  }
0x11d: {  	v3 =	vmax.f32 v3, $0.0e+00;
	v7 =	vadd.f32 v9, v7;
	v2 =	vld [tilespmem:s9+$0x3E60]  }
0x11e: {  	s4 =	sshra.s32 s13, $0x2;
	[tilespmem:s9+$0x6620] =	vst v3;
	v5 =	vld [tilespmem:s9+$0x1660]  }
0x11f: {  	s13 =	sadd.s32 $0x200, s13;
	v3 =	vld [tilespmem:s4+$0x3E70];
	v7 =	vmax.f32 v7, $0.0e+00;
	v6 =	vadd.f32 v10, v6  }
0x120: {  	v8 =	vld [tilespmem:s4+$0x1670];
	[tilespmem:s9+$0x6630] =	vst v7  }
0x121: {  	v7 =	vld [tilespmem:s4+$0x3E00];
	v6 =	vmax.f32 v6, $0.0e+00;
	v1 =	vadd.f32 v4, v1  }
0x122: {  	v9 =	vld [tilespmem:s4+$0x1600];
	[tilespmem:s9+$0x6640] =	vst v6  }
0x123: {  	v57 =	vld [tilespmem:s4+$0x3E10];
	v1 =	vmax.f32 v1, $0.0e+00;
	v2 =	vadd.f32 v5, v2  }
0x124: {  	v6 =	vld [tilespmem:s4+$0x1610];
	[tilespmem:s9+$0x6650] =	vst v1  }
0x125: {  	v1 =	vld [tilespmem:s4+$0x3E20];
	v2 =	vmax.f32 v2, $0.0e+00  }
0x126: {  	v58 =	vld [tilespmem:s4+$0x1620];
	[tilespmem:s9+$0x6660] =	vst v2  }
0x127: {  	v2 =	vld [tilespmem:s4+$0x3E30]  }
0x128: {  	v3 =	vadd.f32 v8, v3;
	v59 =	vld [tilespmem:s4+$0x1630]  }
0x129: {  	v7 =	vadd.f32 v9, v7;
	v60 =	vld [tilespmem:s4+$0x3E40]  }
0x12a: {  	v3 =	vmax.f32 v3, $0.0e+00;
	v61 =	vld [tilespmem:s4+$0x3E50]  }
0x12b: {  	v62 =	vld [tilespmem:s4+$0x1650];
	[tilespmem:s4+$0x6670] =	vst v3;
	v3 =	vmax.f32 v7, $0.0e+00;
	v1 =	vadd.f32 v58, v1  }
0x12c: {  	[tilespmem:s4+$0x6600] =	vst v3;
	v3 =	vld [tilespmem:s4+$0x1640]  }
0x12d: {  	v63 =	vld [tilespmem:s4+$0x3E60];
	v1 =	vmax.f32 v1, $0.0e+00  }
0x12e: {  	[tilespmem:s4+$0x6620] =	vst v1;
	v1 =	vld [tilespmem:s4+$0x1660]  }
0x12f: {  	v4 =	vadd.f32 v6, v57  }
0x130: {  	v2 =	vadd.f32 v59, v2  }
0x131: {  	v4 =	vmax.f32 v4, $0.0e+00;
	v3 =	vadd.f32 v3, v60  }
0x132: {  	[tilespmem:s4+$0x6610] =	vst v4;
	v4 =	vadd.f32 v62, v61;
	v2 =	vmax.f32 v2, $0.0e+00  }
0x133: {  	[tilespmem:s4+$0x6630] =	vst v2;
	v2 =	vmax.f32 v3, $0.0e+00;
	v1 =	vadd.f32 v1, v63  }
0x134: {  	[tilespmem:s4+$0x6640] =	vst v2;
	v2 =	vmax.f32 v4, $0.0e+00  }
0x135: {  	[tilespmem:s4+$0x6650] =	vst v2;
	v1 =	vmax.f32 v1, $0.0e+00  }
0x136: {  	[tilespmem:s4+$0x6660] =	vst v1  }
0x137: {  	_ =	swait.ge [sflag:s10], $0x28  }
0x138: {  	[sflag:s10] =	ssyncset.done $0x0  }
0x139: {  	[sflag:s10] =	ssyncadd.s32 $0xFFFFFFD8  }
0x13a: {  	[spmem:s2] =	stream.indirect.scatter.add.f32 [tilespmem:s11], [sflag:$0xA], $0x80, s25, s24, $0xb8;
	[tilespmem:$0x1BA00] =	vst v63  }
0x13b: {  	s16 =	simm.s32 $0x0;
	s23 =	simm.s32 $0x1600;
	s22 =	rddreg [dreg:$0x10]  }
0x13c: {  	[tilespmem:s23], [sflag:$0x6] =	stream.linear.gather [hbm4b:s22+s16], $0x1400, $0x38;
	[tilespmem:$0x1BA00] =	vst v63  }
0x13d: {  	_ =	swait.ge [sflag:s26], $0x28  }
0x13e: {  	[sflag:s26] =	ssyncset.done $0x0  }
0x13f: {  	s28 =	simm.s32 $0x3E00;
	s13 =	simm.s32 $0x0;
	[sflag:s26] =	ssyncadd.s32 $0xFFFFFFD8  }
0x140: {  	[tilespmem:s28], [sflag:$0x8] =	stream.indirect.gather [hbm4b:s1+s24], $0x80, s21, s24, $0xb8;
	[tilespmem:$0x1BA00] =	vst v63  }
.LBB2_8:
0x141: {  	s9 =	sshll.u32 s13, $0x1  }
0x142: {  	_ =	swait.ge [sflag:s20], $0x1400;
	p0 =	seq.s32 s13, $0x7B;
	s4 =	sadd.s32 $0x4, s9  }
0x143: {  	[sflag:s20] =	ssyncset.done $0x0;
	s4 =	smul.u32 @!p0 $0x28, s4  }
0x144: {  	[sflag:s20] =	ssyncadd.s32 $0xFFFFEC00  }
0x145: {  	_ =	swait.ge [sflag:s29], $0x1400;
	s15 =	sadd.s32 @!p0 s8, s4  }
0x146: {  	s23 =	smul.u32 $0x50, s13;
	[sflag:s29] =	ssyncset.done $0x0;
	s4 =	sshrl.u32 @!p0 s15, $0x3  }
0x147: {  	s22 =	simm.s32 @!p0 $0x0;
	[sflag:s29] =	ssyncadd.s32 $0xFFFFEC00;
	s4 =	sadd.s32 @!p0 s6, s4  }
0x148: {  	[tilespmem:s22], [sflag:$0x1] =	stream.linear.gather @!p0 [hbm4b:s4+s22], $0x28, $0x38;
	[tilespmem:$0x1BA00] =	vst v63  }
0x149: {  	s22 =	sadd.s32 s23, s14;
	_ =	swait.ge [sflag:s19], $0x1400  }
0x14a: {  	s4 =	sshrl.u32 s22, $0x3;
	[sflag:s19] =	ssyncset.done $0x0  }
0x14b: {  	s4 =	sadd.s32 s7, s4;
	[sflag:s19] =	ssyncadd.s32 $0xFFFFEC00  }
0x14c: {  	[tilespmem:s30], [sflag:$0x3] =	stream.linear.gather [hbm4b:s4+s16], $0x28, $0x38;
	[tilespmem:$0x1BA00] =	vst v63  }
0x14d: {  	s4 =	simm.s32 $0x0  }
0x14e: {  	v1 =	vld [tilespmem:s4+$0x2A70]  }
0x14f: {  	v2 =	vld [tilespmem:s4+$0x270]  }
0x150: {  	v3 =	vld [tilespmem:s4+$0x2A00]  }
0x151: {  	v4 =	vld [tilespmem:s4+$0x200]  }
0x152: {  	v5 =	vld [tilespmem:s4+$0x2A10]  }
0x153: {  	v6 =	vld [tilespmem:s4+$0x210]  }
0x154: {  	v7 =	vld [tilespmem:s4+$0x2A20]  }
0x155: {  	v1 =	vadd.f32 v2, v1;
	v2 =	vld [tilespmem:s4+$0x220]  }
0x156: {  	v8 =	vld [tilespmem:s4+$0x2A30]  }
0x157: {  	v9 =	vld [tilespmem:s4+$0x230];
	v3 =	vadd.f32 v4, v3  }
0x158: {  	v10 =	vld [tilespmem:s4+$0x2A40];
	v1 =	vmax.f32 v1, $0.0e+00  }
0x159: {  	[tilespmem:s4+$0x5270] =	vst v1;
	v1 =	vmax.f32 v3, $0.0e+00;
	v3 =	vadd.f32 v6, v5;
	v6 =	vld [tilespmem:s4+$0x240]  }
0x15a: {  	v4 =	vld [tilespmem:s4+$0x250];
	v2 =	vadd.f32 v2, v7  }
0x15b: {  	[tilespmem:s4+$0x5200] =	vst v1;
	v1 =	vld [tilespmem:s4+$0x2A50];
	v3 =	vmax.f32 v3, $0.0e+00  }
0x15c: {  	v5 =	vld [tilespmem:s4+$0x260];
	v7 =	vadd.f32 v9, v8;
	[tilespmem:s4+$0x5210] =	vst v3;
	v3 =	vmax.f32 v2, $0.0e+00  }
0x15d: {  	s22 =	simm.s32 $0x80;
	v2 =	vld [tilespmem:s4+$0x2A60];
	[tilespmem:s4+$0x5220] =	vst v3  }
0x15e: {  	s28 =	simm.s32 $0x400;
	v7 =	vmax.f32 v7, $0.0e+00;
	v6 =	vadd.f32 v6, v10;
	v3 =	vld [tilespmem:s22+$0x2A70]  }
.LBB2_9:
0x15f: {  	p1 =	sne.s32 s28, $0x4E00;
	v8 =	vld [tilespmem:s22+$0x270];
	[tilespmem:s4+$0x5230] =	vst v7  }
0x160: {  	v7 =	vld [tilespmem:s22+$0x2A00];
	v6 =	vmax.f32 v6, $0.0e+00;
	v1 =	vadd.f32 v4, v1  }
0x161: {  	v4 =	vld [tilespmem:s22+$0x200];
	[tilespmem:s4+$0x5240] =	vst v6  }
0x162: {  	v6 =	vld [tilespmem:s22+$0x2A10];
	v1 =	vmax.f32 v1, $0.0e+00;
	v2 =	vadd.f32 v5, v2  }
0x163: {  	v5 =	vld [tilespmem:s22+$0x210];
	[tilespmem:s4+$0x5250] =	vst v1  }
0x164: {  	v1 =	vld [tilespmem:s22+$0x2A20];
	v3 =	vadd.f32 v8, v3;
	v2 =	vmax.f32 v2, $0.0e+00  }
0x165: {  	v8 =	vld [tilespmem:s22+$0x220];
	[tilespmem:s4+$0x5260] =	vst v2;
	s4 =	smov.u32 s22  }
0x166: {  	v2 =	vadd.f32 v4, v7;
	v7 =	vld [tilespmem:s4+$0x2A30];
	v3 =	vmax.f32 v3, $0.0e+00  }
0x167: {  	v9 =	vld [tilespmem:s4+$0x230];
	[tilespmem:s4+$0x5270] =	vst v3  }
0x168: {  	v2 =	vmax.f32 v2, $0.0e+00;
	v3 =	vadd.f32 v5, v6;
	v6 =	vld [tilespmem:s4+$0x2A40]  }
0x169: {  	[tilespmem:s4+$0x5200] =	vst v2;
	v10 =	vld [tilespmem:s4+$0x240]  }
.Ltmp5:
0x16a: {  	v2 =	vmax.f32 v3, $0.0e+00;
	v3 =	vadd.f32 v8, v1;
	v1 =	vld [tilespmem:s4+$0x2A50];
	(pc) =	sbr.rel @p1 .LBB2_9-.Ltmp5, $4  }
0x16b: {  	[tilespmem:s4+$0x5210] =	vst v2;
	v4 =	vld [tilespmem:s4+$0x250]  }
0x16c: {  	v3 =	vmax.f32 v3, $0.0e+00;
	v7 =	vadd.f32 v9, v7;
	v2 =	vld [tilespmem:s4+$0x2A60]  }
0x16d: {  	s22 =	sshra.s32 s28, $0x2;
	[tilespmem:s4+$0x5220] =	vst v3;
	v5 =	vld [tilespmem:s4+$0x260]  }
0x16e: {  	s28 =	sadd.s32 $0x200, s28;
	v3 =	vld [tilespmem:s22+$0x2A70];
	v7 =	vmax.f32 v7, $0.0e+00;
	v6 =	vadd.f32 v10, v6  }
0x16f: {  	v8 =	vld [tilespmem:s22+$0x270];
	[tilespmem:s4+$0x5230] =	vst v7  }
0x170: {  	v7 =	vld [tilespmem:s22+$0x2A00];
	v6 =	vmax.f32 v6, $0.0e+00;
	v1 =	vadd.f32 v4, v1  }
0x171: {  	v9 =	vld [tilespmem:s22+$0x200];
	[tilespmem:s4+$0x5240] =	vst v6  }
0x172: {  	v4 =	vld [tilespmem:s22+$0x2A10];
	v1 =	vmax.f32 v1, $0.0e+00;
	v2 =	vadd.f32 v5, v2  }
0x173: {  	v6 =	vld [tilespmem:s22+$0x210];
	[tilespmem:s4+$0x5250] =	vst v1  }
0x174: {  	v1 =	vld [tilespmem:s22+$0x2A20];
	v2 =	vmax.f32 v2, $0.0e+00  }
0x175: {  	v5 =	vld [tilespmem:s22+$0x220];
	v3 =	vadd.f32 v8, v3;
	[tilespmem:s4+$0x5260] =	vst v2  }
0x176: {  	v7 =	vadd.f32 v9, v7;
	v2 =	vld [tilespmem:s22+$0x2A30]  }
0x177: {  	v3 =	vmax.f32 v3, $0.0e+00;
	v8 =	vld [tilespmem:s22+$0x230]  }
0x178: {  	[tilespmem:s22+$0x5270] =	vst v3;
	v3 =	vmax.f32 v7, $0.0e+00;
	v7 =	vld [tilespmem:s22+$0x2A40]  }
0x179: {  	v4 =	vadd.f32 v6, v4;
	v6 =	vld [tilespmem:s22+$0x2A50]  }
0x17a: {  	[tilespmem:s22+$0x5200] =	vst v3;
	v3 =	vld [tilespmem:s22+$0x240];
	v1 =	vadd.f32 v5, v1  }
0x17b: {  	v4 =	vmax.f32 v4, $0.0e+00;
	v5 =	vld [tilespmem:s22+$0x2A60]  }
0x17c: {  	[tilespmem:s22+$0x5210] =	vst v4;
	v4 =	vld [tilespmem:s22+$0x250];
	v1 =	vmax.f32 v1, $0.0e+00  }
0x17d: {  	[tilespmem:s22+$0x5220] =	vst v1;
	v1 =	vld [tilespmem:s22+$0x260];
	_ =	sdelay $0x1  }
0x17e: {  	v2 =	vadd.f32 v8, v2  }
0x17f: {  	v3 =	vadd.f32 v3, v7  }
0x180: {  	v2 =	vmax.f32 v2, $0.0e+00;
	v4 =	vadd.f32 v4, v6  }
0x181: {  	[tilespmem:s22+$0x5230] =	vst v2;
	v2 =	vmax.f32 v3, $0.0e+00;
	v1 =	vadd.f32 v1, v5  }
0x182: {  	[tilespmem:s22+$0x5240] =	vst v2;
	v2 =	vmax.f32 v4, $0.0e+00  }
0x183: {  	[tilespmem:s22+$0x5250] =	vst v2;
	v1 =	vmax.f32 v1, $0.0e+00  }
0x184: {  	[tilespmem:s22+$0x5260] =	vst v1  }
0x185: {  	_ =	swait.ge [sflag:s31], $0x28  }
0x186: {  	[sflag:s31] =	ssyncset.done $0x0  }
0x187: {  	s4 =	sshll.u32 @!p0 s15, $0x4;
	[sflag:s31] =	ssyncadd.s32 $0xFFFFFFD8  }
0x188: {  	[spmem:s2] =	stream.indirect.scatter.add.f32 [tilespmem:s17], [sflag:$0x9], $0x80, s30, s24, $0xb8;
	[tilespmem:$0x1BA00] =	vst v63  }
0x189: {  	s15 =	simm.s32 @!p0 $0x0;
	s4 =	sadd.s32 @!p0 s5, s4;
	s22 =	simm.s32 @!p0 $0x200  }
0x18a: {  	[tilespmem:s22], [sflag:$0x5] =	stream.linear.gather @!p0 [hbm4b:s4+s15], $0x1400, $0x38;
	[tilespmem:$0x1BA00] =	vst v63  }
0x18b: {  	s4 =	simm.s32 @!p0 $0x1  }
0x18c: {  	_ =	swait.ge @!p0 [sflag:s4], $0x28  }
0x18d: {  	[sflag:s4] =	ssyncset.done @!p0 $0x0  }
0x18e: {  	s22 =	simm.s32 @!p0 $0x2A00;
	[sflag:s4] =	ssyncadd.s32 @!p0 $0xFFFFFFD8;
	s4 =	simm.s32 @!p0 $0x28  }
0x18f: {  	[tilespmem:s22], [sflag:$0x7] =	stream.indirect.gather @!p0 [hbm4b:s1+s4], $0x80, s15, s4, $0xb8;
	[tilespmem:$0x1BA00] =	vst v63  }
0x190: {  	s9 =	sadd.s32 $0x5, s9;
	_ =	swait.ge [sflag:s0], $0x1400  }
0x191: {  	s4 =	smul.u32 @!p0 $0x28, s9;
	[sflag:s0] =	ssyncset.done $0x0  }
0x192: {  	[sflag:s0] =	ssyncadd.s32 $0xFFFFEC00  }
0x193: {  	s4 =	sadd.s32 @!p0 s8, s4;
	_ =	swait.ge [sflag:s3], $0x1400  }
0x194: {  	s4 =	sshrl.u32 @!p0 s4, $0x3;
	[sflag:s3] =	ssyncset.done $0x0  }
0x195: {  	s22 =	simm.s32 @!p0 $0x80;
	s4 =	sadd.s32 @!p0 s6, s4;
	[sflag:s3] =	ssyncadd.s32 $0xFFFFEC00  }
0x196: {  	[tilespmem:s22], [sflag:$0x2] =	stream.linear.gather @!p0 [hbm4b:s4+s15], $0x28, $0x38;
	[tilespmem:$0x1BA00] =	vst v63  }
0x197: {  	s23 =	sadd.s32 s23, s18;
	_ =	swait.ge [sflag:s12], $0x1400  }
0x198: {  	s4 =	sshrl.u32 s23, $0x3;
	[sflag:s12] =	ssyncset.done $0x0  }
0x199: {  	s28 =	simm.s32 $0x0;
	s4 =	sadd.s32 s7, s4;
	[sflag:s12] =	ssyncadd.s32 $0xFFFFEC00  }
0x19a: {  	[tilespmem:s25], [sflag:$0x4] =	stream.linear.gather [hbm4b:s4+s28], $0x28, $0x38;
	[tilespmem:$0x1BA00] =	vst v63  }
0x19b: {  	s4 =	simm.s32 $0x0  }
0x19c: {  	v1 =	vld [tilespmem:s4+$0x3E70]  }
0x19d: {  	v2 =	vld [tilespmem:s4+$0x1670]  }
0x19e: {  	v3 =	vld [tilespmem:s4+$0x3E00]  }
0x19f: {  	v4 =	vld [tilespmem:s4+$0x1600]  }
0x1a0: {  	v5 =	vld [tilespmem:s4+$0x3E10]  }
0x1a1: {  	v6 =	vld [tilespmem:s4+$0x1610]  }
0x1a2: {  	v7 =	vld [tilespmem:s4+$0x3E20]  }
0x1a3: {  	v1 =	vadd.f32 v2, v1;
	v2 =	vld [tilespmem:s4+$0x1620]  }
0x1a4: {  	v8 =	vld [tilespmem:s4+$0x3E30]  }
0x1a5: {  	v63 =	vld [tilespmem:s4+$0x1630];
	v3 =	vadd.f32 v4, v3  }
0x1a6: {  	v10 =	vld [tilespmem:s4+$0x3E40];
	v1 =	vmax.f32 v1, $0.0e+00  }
0x1a7: {  	[tilespmem:s4+$0x6670] =	vst v1;
	v1 =	vmax.f32 v3, $0.0e+00;
	v3 =	vadd.f32 v6, v5;
	v6 =	vld [tilespmem:s4+$0x1640]  }
0x1a8: {  	v4 =	vld [tilespmem:s4+$0x1650];
	v2 =	vadd.f32 v2, v7  }
0x1a9: {  	[tilespmem:s4+$0x6600] =	vst v1;
	v1 =	vld [tilespmem:s4+$0x3E50];
	v3 =	vmax.f32 v3, $0.0e+00  }
0x1aa: {  	v5 =	vld [tilespmem:s4+$0x1660];
	v7 =	vadd.f32 v63, v8;
	[tilespmem:s4+$0x6610] =	vst v3;
	v3 =	vmax.f32 v2, $0.0e+00  }
0x1ab: {  	s15 =	simm.s32 $0x80;
	v2 =	vld [tilespmem:s4+$0x3E60];
	[tilespmem:s4+$0x6620] =	vst v3  }
0x1ac: {  	s22 =	simm.s32 $0x400;
	v7 =	vmax.f32 v7, $0.0e+00;
	v6 =	vadd.f32 v6, v10;
	v3 =	vld [tilespmem:s15+$0x3E70]  }
.LBB2_11:
0x1ad: {  	p1 =	sne.s32 s22, $0x4E00;
	v8 =	vld [tilespmem:s15+$0x1670];
	[tilespmem:s4+$0x6630] =	vst v7  }
0x1ae: {  	v7 =	vld [tilespmem:s15+$0x3E00];
	v6 =	vmax.f32 v6, $0.0e+00;
	v1 =	vadd.f32 v4, v1  }
0x1af: {  	v4 =	vld [tilespmem:s15+$0x1600];
	[tilespmem:s4+$0x6640] =	vst v6  }
0x1b0: {  	v6 =	vld [tilespmem:s15+$0x3E10];
	v1 =	vmax.f32 v1, $0.0e+00;
	v2 =	vadd.f32 v5, v2  }
0x1b1: {  	v5 =	vld [tilespmem:s15+$0x1610];
	[tilespmem:s4+$0x6650] =	vst v1  }
0x1b2: {  	v1 =	vld [tilespmem:s15+$0x3E20];
	v3 =	vadd.f32 v8, v3;
	v2 =	vmax.f32 v2, $0.0e+00  }
0x1b3: {  	v8 =	vld [tilespmem:s15+$0x1620];
	[tilespmem:s4+$0x6660] =	vst v2;
	s4 =	smov.u32 s15  }
0x1b4: {  	v2 =	vadd.f32 v4, v7;
	v7 =	vld [tilespmem:s4+$0x3E30];
	v3 =	vmax.f32 v3, $0.0e+00  }
0x1b5: {  	v9 =	vld [tilespmem:s4+$0x1630];
	[tilespmem:s4+$0x6670] =	vst v3  }
0x1b6: {  	v2 =	vmax.f32 v2, $0.0e+00;
	v3 =	vadd.f32 v5, v6;
	v6 =	vld [tilespmem:s4+$0x3E40]  }
0x1b7: {  	[tilespmem:s4+$0x6600] =	vst v2;
	v10 =	vld [tilespmem:s4+$0x1640]  }
.Ltmp6:
0x1b8: {  	v2 =	vmax.f32 v3, $0.0e+00;
	v3 =	vadd.f32 v8, v1;
	v1 =	vld [tilespmem:s4+$0x3E50];
	(pc) =	sbr.rel @p1 .LBB2_11-.Ltmp6, $4  }
0x1b9: {  	[tilespmem:s4+$0x6610] =	vst v2;
	v4 =	vld [tilespmem:s4+$0x1650]  }
0x1ba: {  	v3 =	vmax.f32 v3, $0.0e+00;
	v7 =	vadd.f32 v9, v7;
	v2 =	vld [tilespmem:s4+$0x3E60]  }
0x1bb: {  	s15 =	sshra.s32 s22, $0x2;
	[tilespmem:s4+$0x6620] =	vst v3;
	v5 =	vld [tilespmem:s4+$0x1660]  }
0x1bc: {  	s22 =	sadd.s32 $0x200, s22;
	v3 =	vld [tilespmem:s15+$0x3E70];
	v7 =	vmax.f32 v7, $0.0e+00;
	v6 =	vadd.f32 v10, v6  }
0x1bd: {  	v8 =	vld [tilespmem:s15+$0x1670];
	[tilespmem:s4+$0x6630] =	vst v7  }
0x1be: {  	v7 =	vld [tilespmem:s15+$0x3E00];
	v6 =	vmax.f32 v6, $0.0e+00;
	v1 =	vadd.f32 v4, v1  }
0x1bf: {  	v9 =	vld [tilespmem:s15+$0x1600];
	[tilespmem:s4+$0x6640] =	vst v6  }
0x1c0: {  	v57 =	vld [tilespmem:s15+$0x3E10];
	v1 =	vmax.f32 v1, $0.0e+00;
	v2 =	vadd.f32 v5, v2  }
0x1c1: {  	v6 =	vld [tilespmem:s15+$0x1610];
	[tilespmem:s4+$0x6650] =	vst v1  }
0x1c2: {  	v1 =	vld [tilespmem:s15+$0x3E20];
	v2 =	vmax.f32 v2, $0.0e+00  }
0x1c3: {  	v58 =	vld [tilespmem:s15+$0x1620];
	[tilespmem:s4+$0x6660] =	vst v2  }
0x1c4: {  	v2 =	vld [tilespmem:s15+$0x3E30]  }
0x1c5: {  	v3 =	vadd.f32 v8, v3;
	v59 =	vld [tilespmem:s15+$0x1630]  }
0x1c6: {  	v7 =	vadd.f32 v9, v7;
	v60 =	vld [tilespmem:s15+$0x3E40]  }
0x1c7: {  	v3 =	vmax.f32 v3, $0.0e+00;
	v61 =	vld [tilespmem:s15+$0x3E50]  }
0x1c8: {  	v62 =	vld [tilespmem:s15+$0x1650];
	[tilespmem:s15+$0x6670] =	vst v3;
	v3 =	vmax.f32 v7, $0.0e+00;
	v1 =	vadd.f32 v58, v1  }
0x1c9: {  	[tilespmem:s15+$0x6600] =	vst v3;
	v3 =	vld [tilespmem:s15+$0x1640]  }
0x1ca: {  	v63 =	vld [tilespmem:s15+$0x3E60];
	v1 =	vmax.f32 v1, $0.0e+00  }
0x1cb: {  	[tilespmem:s15+$0x6620] =	vst v1;
	v1 =	vld [tilespmem:s15+$0x1660]  }
0x1cc: {  	v4 =	vadd.f32 v6, v57  }
0x1cd: {  	v2 =	vadd.f32 v59, v2  }
0x1ce: {  	v4 =	vmax.f32 v4, $0.0e+00;
	v3 =	vadd.f32 v3, v60  }
0x1cf: {  	[tilespmem:s15+$0x6610] =	vst v4;
	v4 =	vadd.f32 v62, v61;
	v2 =	vmax.f32 v2, $0.0e+00  }
0x1d0: {  	[tilespmem:s15+$0x6630] =	vst v2;
	v2 =	vmax.f32 v3, $0.0e+00;
	v1 =	vadd.f32 v1, v63  }
0x1d1: {  	[tilespmem:s15+$0x6640] =	vst v2;
	v2 =	vmax.f32 v4, $0.0e+00  }
0x1d2: {  	[tilespmem:s15+$0x6650] =	vst v2;
	v1 =	vmax.f32 v1, $0.0e+00  }
.Ltmp7:
0x1d3: {  	[tilespmem:s15+$0x6660] =	vst v1;
	(pc) =	sbr.rel @p0 .LBB2_14-.Ltmp7, $4  }
0x1d4: {  	_ =	swait.ge [sflag:s10], $0x28  }
0x1d5: {  	[sflag:s10] =	ssyncset.done $0x0  }
0x1d6: {  	[sflag:s10] =	ssyncadd.s32 $0xFFFFFFD8  }
0x1d7: {  	[spmem:s2] =	stream.indirect.scatter.add.f32 [tilespmem:s11], [sflag:$0xA], $0x80, s25, s24, $0xb8;
	[tilespmem:$0x1BA00] =	vst v63  }
0x1d8: {  	s4 =	smul.u32 $0x28, s9;
	_ =	sdelay $0x1  }
0x1d9: {  	s4 =	sadd.s32 s8, s4  }
0x1da: {  	s4 =	sshll.u32 s4, $0x4  }
0x1db: {  	s23 =	simm.s32 $0x0;
	s15 =	simm.s32 $0x1600;
	s4 =	sadd.s32 s5, s4  }
0x1dc: {  	[tilespmem:s15], [sflag:$0x6] =	stream.linear.gather [hbm4b:s4+s23], $0x1400, $0x38;
	[tilespmem:$0x1BA00] =	vst v63  }
.Ltmp8:
0x1dd: {  	_ = 	snop;
	(pc) =	sbr.rel .LBB2_8-.Ltmp8, $4  }
0x1de: {  	_ =	swait.ge [sflag:s26], $0x28  }
0x1df: {  	[sflag:s26] =	ssyncset.done $0x0  }
0x1e0: {  	s28 =	simm.s32 $0x3E00;
	s13 =	sadd.s32 $0x1, s13;
	[sflag:s26] =	ssyncadd.s32 $0xFFFFFFD8  }
0x1e1: {  	[tilespmem:s28], [sflag:$0x8] =	stream.indirect.gather [hbm4b:s1+s24], $0x80, s21, s24, $0xb8;
	[tilespmem:$0x1BA00] =	vst v63  }
.LBB2_15:
0x1e2: {  	_ =	sfence.sel $0x180000  }
0x1e3: {  	[bflag:$0x0] =	sbarrier.arrive $0xFFFF  }
0x1e4: {  	_ =	strace $0x90000047  }
0x1e5: {  	s0 =	stileid.u32;
	[bflag:$0x2] =	sbarrier.arrive $0xFFFF  }
0x1e6: {  	p0 =	sne.s32 s0, $0x0;
	s0 =	rddreg [dreg:$0x3]  }
0x1e7: {  	s0 =	sadd.s32 @!p0 $0x100000, s0  }
0x1e8: {  	[sflag:s0] =	ssyncadd.tile.s32 @!p0 $0x1;
	_ =	shalt  }
.Lfunc_end2:
_tile_overlayer_lowered:
.L_overlay_start_2:
0x1e9: {  	(tag) =	ssettag $0x2  }
0x1ea: {  	s0 =	rddreg [dreg:$0x0];
	s2 =	stileid.u32  }
0x1eb: {  	s1 =	rddreg [dreg:$0x1];
	p0 =	sne.s32 s2, $0x0  }
0x1ec: {  	s3 =	rddreg [dreg:$0x2];
	[bflag:$0x3] =	sbarrier.arrive $0xFFFF;
	s2 =	simm.s32 @!p0 $0x1C0B  }
0x1ed: {  	[timem:s3], [sflag:s2] =	dma.local @!p0 [hbm:s0], s1  }
0x1ee: {  	s0 =	simm.s32 @!p0 $0xB  }
0x1ef: {  	_ =	swait.ge @!p0 [sflag:s0], s1  }
0x1f0: {  	s1 =	ssub.s32 @!p0 $0x0, s1;
	[sflag:s0] =	ssyncset.done @!p0 $0x0  }
0x1f1: {  	[sflag:s0] =	ssyncadd.s32 @!p0 s1  }
0x1f2: {  	[bflag:$0x3] =	sbarrier.arrive $0xFFFF  }
0x1f3: {  	_ =	shalt  }

</sc_bundles>
